<compile_context>
chip_gen: v7x
topology: tpu7x:2x2x1
jax: 0.10.2.dev20260603
libtpu: 0.0.44.dev20260713+nightly
codegen_flags: <defaults>
</compile_context>

<pallas_src>
import numpy as np
import jax
import jax.numpy as jnp
from jax import lax
from jax.experimental import pallas as pl
from jax.experimental.pallas import tpu as pltpu
from jax.experimental.pallas import tpu_sc as plsc

_V = 1000000
_D = 64
_B = 16
_L = 2048
_NC = 2
_NW = 32
_PW = _L // _NW
_RW = _B * _PW
_C = 32
_NCH = _RW // _C
_SCALE = 8.0


def _pos_encoding_np():
    pos = np.arange(_L)[:, None]
    i = np.arange(_D)[None, :]
    angle_rates = 1.0 / np.power(10000, 2 * (i // 2) / np.float32(_D))
    angle_rads = pos * angle_rates
    angle_rads[:, 0::2] = np.sin(angle_rads[:, 0::2])
    angle_rads[:, 1::2] = np.cos(angle_rads[:, 1::2])
    return angle_rads.astype(np.float32)


_POS = _pos_encoding_np()


def _sc_body(xt_hbm, table_hbm, pos_hbm, out_hbm,
             idx_v, rows_v, out_v, pos_v, sem_in, sem_g, sem_out):
    wid = lax.axis_index("s") * _NC + lax.axis_index("c")
    p0 = pl.multiple_of(wid * _PW, _PW)

    c_idx = pltpu.async_copy(xt_hbm.at[wid], idx_v, sem_in)
    c_pos = pltpu.async_copy(pos_hbm.at[wid], pos_v, sem_in)
    c_idx.wait()
    c_pos.wait()

    def chunk_body(c, carry):
        b = lax.div(c, 2)
        l0 = lax.rem(c, 2) * _C
        q = lax.rem(c, 4) * _C
        row = lax.div(c, 4)
        copies = []
        for h in range(2):
            iv = idx_v[row, pl.ds(q + 16 * h, 16)]
            for k in range(16):
                t = iv[k]
                copies.append(pltpu.async_copy(
                    table_hbm.at[t], rows_v.at[16 * h + k], sem_g))
        for cp in copies:
            cp.wait()
        for r in range(_C):
            for j in range(4):
                out_v[r, pl.ds(16 * j, 16)] = (
                    rows_v[r, pl.ds(16 * j, 16)] * _SCALE
                    + pos_v[l0 + r, pl.ds(16 * j, 16)])
        pltpu.async_copy(
            out_v, out_hbm.at[b, pl.ds(p0 + l0, _C), :], sem_out).wait()
        return carry
    lax.fori_loop(0, _NCH, chunk_body, 0)


@jax.jit
def kernel(x, table):
    x32 = x.astype(jnp.int32)
    xt = (x32.reshape(_B, _NW, _PW).transpose(1, 0, 2)
          .reshape(_NW, 8, 128))
    posw = jnp.asarray(_POS.reshape(_NW, _PW, _D))
    mesh = plsc.VectorSubcoreMesh(core_axis_name="c", subcore_axis_name="s")
    out = pl.kernel(
        _sc_body,
        out_type=jax.ShapeDtypeStruct((_B, _L, _D), jnp.float32),
        mesh=mesh,
        compiler_params=pltpu.CompilerParams(use_tc_tiling_on_sc=True),
        scratch_types=[
            pltpu.VMEM((8, 128), jnp.int32),
            pltpu.VMEM((_C, _D), jnp.float32),
            pltpu.VMEM((_C, _D), jnp.float32),
            pltpu.VMEM((_PW, _D), jnp.float32),
            pltpu.SemaphoreType.DMA,
            pltpu.SemaphoreType.DMA,
            pltpu.SemaphoreType.DMA,
        ],
    )(xt, table, posw)
    return out

# --- scband reference (transcript-rebuilt; emitter-appended) ---
"""Pipeline reference for scband-positional-embedding-57080115364148 (READ-ONLY COPY).

The authoritative reference and input builder live on the scoring server;
editing this copy changes nothing except your own understanding.
"""

import jax, jax.numpy as jnp
import numpy as np

VOCAB = 1000000
D_EMB = 64
B = 16
L = 2048


def get_positional_encoding(seq_len, d_emb):
    pos = np.arange(seq_len)[:, np.newaxis]
    i = np.arange(d_emb)[np.newaxis, :]
    angle_rates = 1.0 / np.power(10000, 2 * (i // 2) / np.float32(d_emb))
    angle_rads = pos * angle_rates
    angle_rads[:, 0::2] = np.sin(angle_rads[:, 0::2])
    angle_rads[:, 1::2] = np.cos(angle_rads[:, 1::2])
    return jnp.asarray(angle_rads, dtype=jnp.float32)


def setup_inputs(seed: int = 0) -> dict:
    key = jax.random.key(seed)
    k1, k2 = jax.random.split(key)
    x = jax.random.randint(k1, (B, L), 0, VOCAB)
    table = jax.random.normal(k2, (VOCAB, D_EMB), dtype=jnp.float32) * 0.02
    return {"x": x, "table": table}


def reference(x, table):
    # x = tf.reshape(x, [-1, tf.shape(x)[-1]])
    x2 = x.reshape(-1, x.shape[-1])
    seq_len = x2.shape[1]
    # embedding lookup
    emb = jnp.take(table, x2, axis=0)
    # scale by sqrt(d_emb)
    emb = emb * jnp.sqrt(jnp.asarray(D_EMB, dtype=jnp.float32))
    pos_encoding = get_positional_encoding(2048, D_EMB)
    return emb + pos_encoding[jnp.newaxis, :seq_len, :]

if __name__ == "__main__":
    import jax
    _d = setup_inputs()
    print(jax.jit(kernel)(*tuple(_d.values())))

</pallas_src>

<mosaic_0001>
#map = affine_map<(d0, d1) -> (0, 0, 0)>
#map1 = affine_map<(d0, d1) -> (0, 0)>
module attributes {stable_mosaic.version = 14 : i64} {
  func.func @_sc_body(%arg0: i32, %arg1: i32, %arg2: memref<32x8x128xi32, #tpu.memory_space<hbm>>, %arg3: memref<1000000x64xf32, #tpu.memory_space<hbm>>, %arg4: memref<32x64x64xf32, #tpu.memory_space<hbm>>, %arg5: memref<16x2048x64xf32, #tpu.memory_space<hbm>>, %arg6: memref<8x128xi32, #tpu.memory_space<vmem>>, %arg7: memref<32x64xf32, #tpu.memory_space<vmem>>, %arg8: memref<32x64xf32, #tpu.memory_space<vmem>>, %arg9: memref<64x64xf32, #tpu.memory_space<vmem>>, %arg10: memref<!tpu.dma_semaphore, #tpu.memory_space<semaphore_mem>>, %arg11: memref<!tpu.dma_semaphore, #tpu.memory_space<semaphore_mem>>, %arg12: memref<!tpu.dma_semaphore, #tpu.memory_space<semaphore_mem>>) attributes {dimension_semantics = [#tpu.dimension_semantics<core_parallel>, #tpu.dimension_semantics<subcore_parallel>], iteration_bounds = array<i64: 2, 16>, scalar_prefetch = 0 : i64, scratch_operands = 7 : i64, tpu.core_type = #tpu.core_type<sc_vector_subcore>, window_params = [{transform_indices = #map}, {transform_indices = #map1}, {transform_indices = #map}, {transform_indices = #map}]} {
    %mul3A = arith.constant 2 : i32
    %mul3A_0 = arith.muli %arg1, %mul3A : i32
    %add3A = arith.addi %mul3A_0, %arg0 : i32
    %mul3A_1 = arith.constant 64 : i32
    %mul3A_2 = arith.muli %add3A, %mul3A_1 : i32
    %multiple_of3A = tpu.assume_multiple %mul3A_2, 64 : i32
    %dma_start3A = arith.constant 0 : i32
    %dma_start3A_3 = arith.constant 0 : i32
    %dma_start3A_4 = tpu.memref_slice %arg2[%add3A, %dma_start3A, %dma_start3A_3] : memref<32x8x128xi32, #tpu.memory_space<hbm>> -> memref<1x8x128xi32, #tpu.memory_space<hbm>>
    %dma_start3A_5 = tpu.memref_squeeze %dma_start3A_4 : memref<1x8x128xi32, #tpu.memory_space<hbm>> -> memref<8x128xi32, #tpu.memory_space<hbm>>
    %dma_start3A_6 = arith.constant 0 : i32
    %dma_start3A_7 = arith.constant 0 : i32
    %dma_start3A_8 = tpu.memref_slice %arg2[%add3A, %dma_start3A_6, %dma_start3A_7] : memref<32x8x128xi32, #tpu.memory_space<hbm>> -> memref<1x8x128xi32, #tpu.memory_space<hbm>>
    %dma_start3A_9 = tpu.memref_squeeze %dma_start3A_8 : memref<1x8x128xi32, #tpu.memory_space<hbm>> -> memref<8x128xi32, #tpu.memory_space<hbm>>
    tpu.enqueue_dma source(%dma_start3A_9 : memref<8x128xi32, #tpu.memory_space<hbm>>) target(%arg6 : memref<8x128xi32, #tpu.memory_space<vmem>>) target_semaphore(%arg10 : memref<!tpu.dma_semaphore, #tpu.memory_space<semaphore_mem>>)
    %dma_start3A_10 = arith.constant 0 : i32
    %dma_start3A_11 = arith.constant 0 : i32
    %dma_start3A_12 = tpu.memref_slice %arg4[%add3A, %dma_start3A_10, %dma_start3A_11] : memref<32x64x64xf32, #tpu.memory_space<hbm>> -> memref<1x64x64xf32, #tpu.memory_space<hbm>>
    %dma_start3A_13 = tpu.memref_squeeze %dma_start3A_12 : memref<1x64x64xf32, #tpu.memory_space<hbm>> -> memref<64x64xf32, #tpu.memory_space<hbm>>
    %dma_start3A_14 = arith.constant 0 : i32
    %dma_start3A_15 = arith.constant 0 : i32
    %dma_start3A_16 = tpu.memref_slice %arg4[%add3A, %dma_start3A_14, %dma_start3A_15] : memref<32x64x64xf32, #tpu.memory_space<hbm>> -> memref<1x64x64xf32, #tpu.memory_space<hbm>>
    %dma_start3A_17 = tpu.memref_squeeze %dma_start3A_16 : memref<1x64x64xf32, #tpu.memory_space<hbm>> -> memref<64x64xf32, #tpu.memory_space<hbm>>
    tpu.enqueue_dma source(%dma_start3A_17 : memref<64x64xf32, #tpu.memory_space<hbm>>) target(%arg9 : memref<64x64xf32, #tpu.memory_space<vmem>>) target_semaphore(%arg10 : memref<!tpu.dma_semaphore, #tpu.memory_space<semaphore_mem>>)
    %dma_wait3A = arith.constant 0 : i32
    %dma_wait3A_18 = arith.constant 0 : i32
    %dma_wait3A_19 = tpu.memref_slice %arg2[%add3A, %dma_wait3A, %dma_wait3A_18] : memref<32x8x128xi32, #tpu.memory_space<hbm>> -> memref<1x8x128xi32, #tpu.memory_space<hbm>>
    %dma_wait3A_20 = tpu.memref_squeeze %dma_wait3A_19 : memref<1x8x128xi32, #tpu.memory_space<hbm>> -> memref<8x128xi32, #tpu.memory_space<hbm>>
    %dma_wait3A_21 = arith.constant 0 : i32
    %dma_wait3A_22 = arith.constant 0 : i32
    %dma_wait3A_23 = tpu.memref_slice %arg2[%add3A, %dma_wait3A_21, %dma_wait3A_22] : memref<32x8x128xi32, #tpu.memory_space<hbm>> -> memref<1x8x128xi32, #tpu.memory_space<hbm>>
    %dma_wait3A_24 = tpu.memref_squeeze %dma_wait3A_23 : memref<1x8x128xi32, #tpu.memory_space<hbm>> -> memref<8x128xi32, #tpu.memory_space<hbm>>
    tpu.wait_dma2 semaphore(%arg10 : memref<!tpu.dma_semaphore, #tpu.memory_space<semaphore_mem>>) src(%dma_wait3A_24 : memref<8x128xi32, #tpu.memory_space<hbm>>) dst(%arg6 : memref<8x128xi32, #tpu.memory_space<vmem>>)
    %dma_wait3A_25 = arith.constant 0 : i32
    %dma_wait3A_26 = arith.constant 0 : i32
    %dma_wait3A_27 = tpu.memref_slice %arg4[%add3A, %dma_wait3A_25, %dma_wait3A_26] : memref<32x64x64xf32, #tpu.memory_space<hbm>> -> memref<1x64x64xf32, #tpu.memory_space<hbm>>
    %dma_wait3A_28 = tpu.memref_squeeze %dma_wait3A_27 : memref<1x64x64xf32, #tpu.memory_space<hbm>> -> memref<64x64xf32, #tpu.memory_space<hbm>>
    %dma_wait3A_29 = arith.constant 0 : i32
    %dma_wait3A_30 = arith.constant 0 : i32
    %dma_wait3A_31 = tpu.memref_slice %arg4[%add3A, %dma_wait3A_29, %dma_wait3A_30] : memref<32x64x64xf32, #tpu.memory_space<hbm>> -> memref<1x64x64xf32, #tpu.memory_space<hbm>>
    %dma_wait3A_32 = tpu.memref_squeeze %dma_wait3A_31 : memref<1x64x64xf32, #tpu.memory_space<hbm>> -> memref<64x64xf32, #tpu.memory_space<hbm>>
    tpu.wait_dma2 semaphore(%arg10 : memref<!tpu.dma_semaphore, #tpu.memory_space<semaphore_mem>>) src(%dma_wait3A_32 : memref<64x64xf32, #tpu.memory_space<hbm>>) dst(%arg9 : memref<64x64xf32, #tpu.memory_space<vmem>>)
    %scan3A = arith.constant 0 : i32
    %scan3A_33 = arith.constant 0 : i32
    %scan3A_34 = arith.constant 32 : i32
    %scan3A_35 = arith.addi %scan3A_33, %scan3A_34 : i32
    %scan3A_36 = arith.constant 1 : i32
    scf.for %scan3A_38 = %scan3A_33 to %scan3A_35 step %scan3A_36  : i32 {
      %div3A = arith.constant 2 : i32
      %div3A_39 = arith.divsi %scan3A_38, %div3A : i32
      %rem3A = arith.constant 2 : i32
      %rem3A_40 = arith.remsi %scan3A_38, %rem3A : i32
      %mul3A_41 = arith.constant 32 : i32
      %mul3A_42 = arith.muli %rem3A_40, %mul3A_41 : i32
      %rem3A_43 = arith.constant 4 : i32
      %rem3A_44 = arith.remsi %scan3A_38, %rem3A_43 : i32
      %mul3A_45 = arith.constant 32 : i32
      %mul3A_46 = arith.muli %rem3A_44, %mul3A_45 : i32
      %div3A_47 = arith.constant 4 : i32
      %div3A_48 = arith.divsi %scan3A_38, %div3A_47 : i32
      %add3A_49 = arith.constant 0 : i32
      %add3A_50 = arith.addi %mul3A_46, %add3A_49 : i32
      %get3A = arith.index_cast %div3A_48 : i32 to index
      %get3A_51 = arith.index_cast %add3A_50 : i32 to index
      %get3A_52 = tpu.vector_load %arg6[%get3A, %get3A_51] {strides = array<i32>} : memref<8x128xi32, #tpu.memory_space<vmem>>, vector<1x16xi32>,
      %get3A_53 = vector.shape_cast %get3A_52 : vector<1x16xi32> to vector<16xi32>
      %slice3A = vector.extract_strided_slice %get3A_53 {offsets = [0], sizes = [1], strides = [1]} : vector<16xi32> to vector<1xi32>
      %squeeze3A = vector.extract %slice3A[0] : i32 from vector<1xi32>
      %dma_start3A_54 = arith.constant 0 : i32
      %dma_start3A_55 = arith.constant 0 : i32
      %dma_start3A_56 = tpu.memref_slice %arg7[%dma_start3A_54, %dma_start3A_55] : memref<32x64xf32, #tpu.memory_space<vmem>> -> memref<1x64xf32, #tpu.memory_space<vmem>>
      %dma_start3A_57 = tpu.memref_squeeze %dma_start3A_56 : memref<1x64xf32, #tpu.memory_space<vmem>> -> memref<64xf32, #tpu.memory_space<vmem>>
      %dma_start3A_58 = arith.constant 0 : i32
      %dma_start3A_59 = tpu.memref_slice %arg3[%squeeze3A, %dma_start3A_58] : memref<1000000x64xf32, #tpu.memory_space<hbm>> -> memref<1x64xf32, #tpu.memory_space<hbm>>
      %dma_start3A_60 = tpu.memref_squeeze %dma_start3A_59 : memref<1x64xf32, #tpu.memory_space<hbm>> -> memref<64xf32, #tpu.memory_space<hbm>>
      %dma_start3A_61 = arith.constant 0 : i32
      %dma_start3A_62 = tpu.memref_slice %arg7[%dma_start3A_54, %dma_start3A_61] : memref<32x64xf32, #tpu.memory_space<vmem>> -> memref<1x64xf32, #tpu.memory_space<vmem>>
      %dma_start3A_63 = tpu.memref_squeeze %dma_start3A_62 : memref<1x64xf32, #tpu.memory_space<vmem>> -> memref<64xf32, #tpu.memory_space<vmem>>
      %dma_start3A_64 = arith.constant 0 : i32
      %dma_start3A_65 = tpu.memref_slice %arg3[%squeeze3A, %dma_start3A_64] : memref<1000000x64xf32, #tpu.memory_space<hbm>> -> memref<1x64xf32, #tpu.memory_space<hbm>>
      %dma_start3A_66 = tpu.memref_squeeze %dma_start3A_65 : memref<1x64xf32, #tpu.memory_space<hbm>> -> memref<64xf32, #tpu.memory_space<hbm>>
      tpu.enqueue_dma source(%dma_start3A_66 : memref<64xf32, #tpu.memory_space<hbm>>) target(%dma_start3A_63 : memref<64xf32, #tpu.memory_space<vmem>>) target_semaphore(%arg11 : memref<!tpu.dma_semaphore, #tpu.memory_space<semaphore_mem>>)
      %slice3A_67 = vector.extract_strided_slice %get3A_53 {offsets = [1], sizes = [1], strides = [1]} : vector<16xi32> to vector<1xi32>
      %squeeze3A_68 = vector.extract %slice3A_67[0] : i32 from vector<1xi32>
      %dma_start3A_69 = arith.constant 1 : i32
      %dma_start3A_70 = arith.constant 0 : i32
      %dma_start3A_71 = tpu.memref_slice %arg7[%dma_start3A_69, %dma_start3A_70] : memref<32x64xf32, #tpu.memory_space<vmem>> -> memref<1x64xf32, #tpu.memory_space<vmem>>
      %dma_start3A_72 = tpu.memref_squeeze %dma_start3A_71 : memref<1x64xf32, #tpu.memory_space<vmem>> -> memref<64xf32, #tpu.memory_space<vmem>>
      %dma_start3A_73 = arith.constant 0 : i32
      %dma_start3A_74 = tpu.memref_slice %arg3[%squeeze3A_68, %dma_start3A_73] : memref<1000000x64xf32, #tpu.memory_space<hbm>> -> memref<1x64xf32, #tpu.memory_space<hbm>>
      %dma_start3A_75 = tpu.memref_squeeze %dma_start3A_74 : memref<1x64xf32, #tpu.memory_space<hbm>> -> memref<64xf32, #tpu.memory_space<hbm>>
      %dma_start3A_76 = arith.constant 0 : i32
      %dma_start3A_77 = tpu.memref_slice %arg7[%dma_start3A_69, %dma_start3A_76] : memref<32x64xf32, #tpu.memory_space<vmem>> -> memref<1x64xf32, #tpu.memory_space<vmem>>
      %dma_start3A_78 = tpu.memref_squeeze %dma_start3A_77 : memref<1x64xf32, #tpu.memory_space<vmem>> -> memref<64xf32, #tpu.memory_space<vmem>>
      %dma_start3A_79 = arith.constant 0 : i32
      %dma_start3A_80 = tpu.memref_slice %arg3[%squeeze3A_68, %dma_start3A_79] : memref<1000000x64xf32, #tpu.memory_space<hbm>> -> memref<1x64xf32, #tpu.memory_space<hbm>>
      %dma_start3A_81 = tpu.memref_squeeze %dma_start3A_80 : memref<1x64xf32, #tpu.memory_space<hbm>> -> memref<64xf32, #tpu.memory_space<hbm>>
      tpu.enqueue_dma source(%dma_start3A_81 : memref<64xf32, #tpu.memory_space<hbm>>) target(%dma_start3A_78 : memref<64xf32, #tpu.memory_space<vmem>>) target_semaphore(%arg11 : memref<!tpu.dma_semaphore, #tpu.memory_space<semaphore_mem>>)
      %slice3A_82 = vector.extract_strided_slice %get3A_53 {offsets = [2], sizes = [1], strides = [1]} : vector<16xi32> to vector<1xi32>
      %squeeze3A_83 = vector.extract %slice3A_82[0] : i32 from vector<1xi32>
      %dma_start3A_84 = arith.constant 2 : i32
      %dma_start3A_85 = arith.constant 0 : i32
      %dma_start3A_86 = tpu.memref_slice %arg7[%dma_start3A_84, %dma_start3A_85] : memref<32x64xf32, #tpu.memory_space<vmem>> -> memref<1x64xf32, #tpu.memory_space<vmem>>
      %dma_start3A_87 = tpu.memref_squeeze %dma_start3A_86 : memref<1x64xf32, #tpu.memory_space<vmem>> -> memref<64xf32, #tpu.memory_space<vmem>>
      %dma_start3A_88 = arith.constant 0 : i32
      %dma_start3A_89 = tpu.memref_slice %arg3[%squeeze3A_83, %dma_start3A_88] : memref<1000000x64xf32, #tpu.memory_space<hbm>> -> memref<1x64xf32, #tpu.memory_space<hbm>>
      %dma_start3A_90 = tpu.memref_squeeze %dma_start3A_89 : memref<1x64xf32, #tpu.memory_space<hbm>> -> memref<64xf32, #tpu.memory_space<hbm>>
      %dma_start3A_91 = arith.constant 0 : i32
      %dma_start3A_92 = tpu.memref_slice %arg7[%dma_start3A_84, %dma_start3A_91] : memref<32x64xf32, #tpu.memory_space<vmem>> -> memref<1x64xf32, #tpu.memory_space<vmem>>
      %dma_start3A_93 = tpu.memref_squeeze %dma_start3A_92 : memref<1x64xf32, #tpu.memory_space<vmem>> -> memref<64xf32, #tpu.memory_space<vmem>>
      %dma_start3A_94 = arith.constant 0 : i32
      %dma_start3A_95 = tpu.memref_slice %arg3[%squeeze3A_83, %dma_start3A_94] : memref<1000000x64xf32, #tpu.memory_space<hbm>> -> memref<1x64xf32, #tpu.memory_space<hbm>>
      %dma_start3A_96 = tpu.memref_squeeze %dma_start3A_95 : memref<1x64xf32, #tpu.memory_space<hbm>> -> memref<64xf32, #tpu.memory_space<hbm>>
      tpu.enqueue_dma source(%dma_start3A_96 : memref<64xf32, #tpu.memory_space<hbm>>) target(%dma_start3A_93 : memref<64xf32, #tpu.memory_space<vmem>>) target_semaphore(%arg11 : memref<!tpu.dma_semaphore, #tpu.memory_space<semaphore_mem>>)
      %slice3A_97 = vector.extract_strided_slice %get3A_53 {offsets = [3], sizes = [1], strides = [1]} : vector<16xi32> to vector<1xi32>
      %squeeze3A_98 = vector.extract %slice3A_97[0] : i32 from vector<1xi32>
      %dma_start3A_99 = arith.constant 3 : i32
      %dma_start3A_100 = arith.constant 0 : i32
      %dma_start3A_101 = tpu.memref_slice %arg7[%dma_start3A_99, %dma_start3A_100] : memref<32x64xf32, #tpu.memory_space<vmem>> -> memref<1x64xf32, #tpu.memory_space<vmem>>
      %dma_start3A_102 = tpu.memref_squeeze %dma_start3A_101 : memref<1x64xf32, #tpu.memory_space<vmem>> -> memref<64xf32, #tpu.memory_space<vmem>>
      %dma_start3A_103 = arith.constant 0 : i32
      %dma_start3A_104 = tpu.memref_slice %arg3[%squeeze3A_98, %dma_start3A_103] : memref<1000000x64xf32, #tpu.memory_space<hbm>> -> memref<1x64xf32, #tpu.memory_space<hbm>>
      %dma_start3A_105 = tpu.memref_squeeze %dma_start3A_104 : memref<1x64xf32, #tpu.memory_space<hbm>> -> memref<64xf32, #tpu.memory_space<hbm>>
      %dma_start3A_106 = arith.constant 0 : i32
      %dma_start3A_107 = tpu.memref_slice %arg7[%dma_start3A_99, %dma_start3A_106] : memref<32x64xf32, #tpu.memory_space<vmem>> -> memref<1x64xf32, #tpu.memory_space<vmem>>
      %dma_start3A_108 = tpu.memref_squeeze %dma_start3A_107 : memref<1x64xf32, #tpu.memory_space<vmem>> -> memref<64xf32, #tpu.memory_space<vmem>>
      %dma_start3A_109 = arith.constant 0 : i32
      %dma_start3A_110 = tpu.memref_slice %arg3[%squeeze3A_98, %dma_start3A_109] : memref<1000000x64xf32, #tpu.memory_space<hbm>> -> memref<1x64xf32, #tpu.memory_space<hbm>>
      %dma_start3A_111 = tpu.memref_squeeze %dma_start3A_110 : memref<1x64xf32, #tpu.memory_space<hbm>> -> memref<64xf32, #tpu.memory_space<hbm>>
      tpu.enqueue_dma source(%dma_start3A_111 : memref<64xf32, #tpu.memory_space<hbm>>) target(%dma_start3A_108 : memref<64xf32, #tpu.memory_space<vmem>>) target_semaphore(%arg11 : memref<!tpu.dma_semaphore, #tpu.memory_space<semaphore_mem>>)
      %slice3A_112 = vector.extract_strided_slice %get3A_53 {offsets = [4], sizes = [1], strides = [1]} : vector<16xi32> to vector<1xi32>
      %squeeze3A_113 = vector.extract %slice3A_112[0] : i32 from vector<1xi32>
      %dma_start3A_114 = arith.constant 4 : i32
      %dma_start3A_115 = arith.constant 0 : i32
      %dma_start3A_116 = tpu.memref_slice %arg7[%dma_start3A_114, %dma_start3A_115] : memref<32x64xf32, #tpu.memory_space<vmem>> -> memref<1x64xf32, #tpu.memory_space<vmem>>
      %dma_start3A_117 = tpu.memref_squeeze %dma_start3A_116 : memref<1x64xf32, #tpu.memory_space<vmem>> -> memref<64xf32, #tpu.memory_space<vmem>>
      %dma_start3A_118 = arith.constant 0 : i32
      %dma_start3A_119 = tpu.memref_slice %arg3[%squeeze3A_113, %dma_start3A_118] : memref<1000000x64xf32, #tpu.memory_space<hbm>> -> memref<1x64xf32, #tpu.memory_space<hbm>>
      %dma_start3A_120 = tpu.memref_squeeze %dma_start3A_119 : memref<1x64xf32, #tpu.memory_space<hbm>> -> memref<64xf32, #tpu.memory_space<hbm>>
      %dma_start3A_121 = arith.constant 0 : i32
      %dma_start3A_122 = tpu.memref_slice %arg7[%dma_start3A_114, %dma_start3A_121] : memref<32x64xf32, #tpu.memory_space<vmem>> -> memref<1x64xf32, #tpu.memory_space<vmem>>
      %dma_start3A_123 = tpu.memref_squeeze %dma_start3A_122 : memref<1x64xf32, #tpu.memory_space<vmem>> -> memref<64xf32, #tpu.memory_space<vmem>>
      %dma_start3A_124 = arith.constant 0 : i32
      %dma_start3A_125 = tpu.memref_slice %arg3[%squeeze3A_113, %dma_start3A_124] : memref<1000000x64xf32, #tpu.memory_space<hbm>> -> memref<1x64xf32, #tpu.memory_space<hbm>>
      %dma_start3A_126 = tpu.memref_squeeze %dma_start3A_125 : memref<1x64xf32, #tpu.memory_space<hbm>> -> memref<64xf32, #tpu.memory_space<hbm>>
      tpu.enqueue_dma source(%dma_start3A_126 : memref<64xf32, #tpu.memory_space<hbm>>) target(%dma_start3A_123 : memref<64xf32, #tpu.memory_space<vmem>>) target_semaphore(%arg11 : memref<!tpu.dma_semaphore, #tpu.memory_space<semaphore_mem>>)
      %slice3A_127 = vector.extract_strided_slice %get3A_53 {offsets = [5], sizes = [1], strides = [1]} : vector<16xi32> to vector<1xi32>
      %squeeze3A_128 = vector.extract %slice3A_127[0] : i32 from vector<1xi32>
      %dma_start3A_129 = arith.constant 5 : i32
      %dma_start3A_130 = arith.constant 0 : i32
      %dma_start3A_131 = tpu.memref_slice %arg7[%dma_start3A_129, %dma_start3A_130] : memref<32x64xf32, #tpu.memory_space<vmem>> -> memref<1x64xf32, #tpu.memory_space<vmem>>
      %dma_start3A_132 = tpu.memref_squeeze %dma_start3A_131 : memref<1x64xf32, #tpu.memory_space<vmem>> -> memref<64xf32, #tpu.memory_space<vmem>>
      %dma_start3A_133 = arith.constant 0 : i32
      %dma_start3A_134 = tpu.memref_slice %arg3[%squeeze3A_128, %dma_start3A_133] : memref<1000000x64xf32, #tpu.memory_space<hbm>> -> memref<1x64xf32, #tpu.memory_space<hbm>>
      %dma_start3A_135 = tpu.memref_squeeze %dma_start3A_134 : memref<1x64xf32, #tpu.memory_space<hbm>> -> memref<64xf32, #tpu.memory_space<hbm>>
      %dma_start3A_136 = arith.constant 0 : i32
      %dma_start3A_137 = tpu.memref_slice %arg7[%dma_start3A_129, %dma_start3A_136] : memref<32x64xf32, #tpu.memory_space<vmem>> -> memref<1x64xf32, #tpu.memory_space<vmem>>
      %dma_start3A_138 = tpu.memref_squeeze %dma_start3A_137 : memref<1x64xf32, #tpu.memory_space<vmem>> -> memref<64xf32, #tpu.memory_space<vmem>>
      %dma_start3A_139 = arith.constant 0 : i32
      %dma_start3A_140 = tpu.memref_slice %arg3[%squeeze3A_128, %dma_start3A_139] : memref<1000000x64xf32, #tpu.memory_space<hbm>> -> memref<1x64xf32, #tpu.memory_space<hbm>>
      %dma_start3A_141 = tpu.memref_squeeze %dma_start3A_140 : memref<1x64xf32, #tpu.memory_space<hbm>> -> memref<64xf32, #tpu.memory_space<hbm>>
      tpu.enqueue_dma source(%dma_start3A_141 : memref<64xf32, #tpu.memory_space<hbm>>) target(%dma_start3A_138 : memref<64xf32, #tpu.memory_space<vmem>>) target_semaphore(%arg11 : memref<!tpu.dma_semaphore, #tpu.memory_space<semaphore_mem>>)
      %slice3A_142 = vector.extract_strided_slice %get3A_53 {offsets = [6], sizes = [1], strides = [1]} : vector<16xi32> to vector<1xi32>
      %squeeze3A_143 = vector.extract %slice3A_142[0] : i32 from vector<1xi32>
      %dma_start3A_144 = arith.constant 6 : i32
      %dma_start3A_145 = arith.constant 0 : i32
      %dma_start3A_146 = tpu.memref_slice %arg7[%dma_start3A_144, %dma_start3A_145] : memref<32x64xf32, #tpu.memory_space<vmem>> -> memref<1x64xf32, #tpu.memory_space<vmem>>
      %dma_start3A_147 = tpu.memref_squeeze %dma_start3A_146 : memref<1x64xf32, #tpu.memory_space<vmem>> -> memref<64xf32, #tpu.memory_space<vmem>>
      %dma_start3A_148 = arith.constant 0 : i32
      %dma_start3A_149 = tpu.memref_slice %arg3[%squeeze3A_143, %dma_start3A_148] : memref<1000000x64xf32, #tpu.memory_space<hbm>> -> memref<1x64xf32, #tpu.memory_space<hbm>>
      %dma_start3A_150 = tpu.memref_squeeze %dma_start3A_149 : memref<1x64xf32, #tpu.memory_space<hbm>> -> memref<64xf32, #tpu.memory_space<hbm>>
      %dma_start3A_151 = arith.constant 0 : i32
      %dma_start3A_152 = tpu.memref_slice %arg7[%dma_start3A_144, %dma_start3A_151] : memref<32x64xf32, #tpu.memory_space<vmem>> -> memref<1x64xf32, #tpu.memory_space<vmem>>
      %dma_start3A_153 = tpu.memref_squeeze %dma_start3A_152 : memref<1x64xf32, #tpu.memory_space<vmem>> -> memref<64xf32, #tpu.memory_space<vmem>>
      %dma_start3A_154 = arith.constant 0 : i32
      %dma_start3A_155 = tpu.memref_slice %arg3[%squeeze3A_143, %dma_start3A_154] : memref<1000000x64xf32, #tpu.memory_space<hbm>> -> memref<1x64xf32, #tpu.memory_space<hbm>>
      %dma_start3A_156 = tpu.memref_squeeze %dma_start3A_155 : memref<1x64xf32, #tpu.memory_space<hbm>> -> memref<64xf32, #tpu.memory_space<hbm>>
      tpu.enqueue_dma source(%dma_start3A_156 : memref<64xf32, #tpu.memory_space<hbm>>) target(%dma_start3A_153 : memref<64xf32, #tpu.memory_space<vmem>>) target_semaphore(%arg11 : memref<!tpu.dma_semaphore, #tpu.memory_space<semaphore_mem>>)
      %slice3A_157 = vector.extract_strided_slice %get3A_53 {offsets = [7], sizes = [1], strides = [1]} : vector<16xi32> to vector<1xi32>
      %squeeze3A_158 = vector.extract %slice3A_157[0] : i32 from vector<1xi32>
      %dma_start3A_159 = arith.constant 7 : i32
      %dma_start3A_160 = arith.constant 0 : i32
      %dma_start3A_161 = tpu.memref_slice %arg7[%dma_start3A_159, %dma_start3A_160] : memref<32x64xf32, #tpu.memory_space<vmem>> -> memref<1x64xf32, #tpu.memory_space<vmem>>
      %dma_start3A_162 = tpu.memref_squeeze %dma_start3A_161 : memref<1x64xf32, #tpu.memory_space<vmem>> -> memref<64xf32, #tpu.memory_space<vmem>>
      %dma_start3A_163 = arith.constant 0 : i32
      %dma_start3A_164 = tpu.memref_slice %arg3[%squeeze3A_158, %dma_start3A_163] : memref<1000000x64xf32, #tpu.memory_space<hbm>> -> memref<1x64xf32, #tpu.memory_space<hbm>>
      %dma_start3A_165 = tpu.memref_squeeze %dma_start3A_164 : memref<1x64xf32, #tpu.memory_space<hbm>> -> memref<64xf32, #tpu.memory_space<hbm>>
      %dma_start3A_166 = arith.constant 0 : i32
      %dma_start3A_167 = tpu.memref_slice %arg7[%dma_start3A_159, %dma_start3A_166] : memref<32x64xf32, #tpu.memory_space<vmem>> -> memref<1x64xf32, #tpu.memory_space<vmem>>
      %dma_start3A_168 = tpu.memref_squeeze %dma_start3A_167 : memref<1x64xf32, #tpu.memory_space<vmem>> -> memref<64xf32, #tpu.memory_space<vmem>>
      %dma_start3A_169 = arith.constant 0 : i32
      %dma_start3A_170 = tpu.memref_slice %arg3[%squeeze3A_158, %dma_start3A_169] : memref<1000000x64xf32, #tpu.memory_space<hbm>> -> memref<1x64xf32, #tpu.memory_space<hbm>>
      %dma_start3A_171 = tpu.memref_squeeze %dma_start3A_170 : memref<1x64xf32, #tpu.memory_space<hbm>> -> memref<64xf32, #tpu.memory_space<hbm>>
      tpu.enqueue_dma source(%dma_start3A_171 : memref<64xf32, #tpu.memory_space<hbm>>) target(%dma_start3A_168 : memref<64xf32, #tpu.memory_space<vmem>>) target_semaphore(%arg11 : memref<!tpu.dma_semaphore, #tpu.memory_space<semaphore_mem>>)
      %slice3A_172 = vector.extract_strided_slice %get3A_53 {offsets = [8], sizes = [1], strides = [1]} : vector<16xi32> to vector<1xi32>
      %squeeze3A_173 = vector.extract %slice3A_172[0] : i32 from vector<1xi32>
      %dma_start3A_174 = arith.constant 8 : i32
      %dma_start3A_175 = arith.constant 0 : i32
      %dma_start3A_176 = tpu.memref_slice %arg7[%dma_start3A_174, %dma_start3A_175] : memref<32x64xf32, #tpu.memory_space<vmem>> -> memref<1x64xf32, #tpu.memory_space<vmem>>
      %dma_start3A_177 = tpu.memref_squeeze %dma_start3A_176 : memref<1x64xf32, #tpu.memory_space<vmem>> -> memref<64xf32, #tpu.memory_space<vmem>>
      %dma_start3A_178 = arith.constant 0 : i32
      %dma_start3A_179 = tpu.memref_slice %arg3[%squeeze3A_173, %dma_start3A_178] : memref<1000000x64xf32, #tpu.memory_space<hbm>> -> memref<1x64xf32, #tpu.memory_space<hbm>>
      %dma_start3A_180 = tpu.memref_squeeze %dma_start3A_179 : memref<1x64xf32, #tpu.memory_space<hbm>> -> memref<64xf32, #tpu.memory_space<hbm>>
      %dma_start3A_181 = arith.constant 0 : i32
      %dma_start3A_182 = tpu.memref_slice %arg7[%dma_start3A_174, %dma_start3A_181] : memref<32x64xf32, #tpu.memory_space<vmem>> -> memref<1x64xf32, #tpu.memory_space<vmem>>
      %dma_start3A_183 = tpu.memref_squeeze %dma_start3A_182 : memref<1x64xf32, #tpu.memory_space<vmem>> -> memref<64xf32, #tpu.memory_space<vmem>>
      %dma_start3A_184 = arith.constant 0 : i32
      %dma_start3A_185 = tpu.memref_slice %arg3[%squeeze3A_173, %dma_start3A_184] : memref<1000000x64xf32, #tpu.memory_space<hbm>> -> memref<1x64xf32, #tpu.memory_space<hbm>>
      %dma_start3A_186 = tpu.memref_squeeze %dma_start3A_185 : memref<1x64xf32, #tpu.memory_space<hbm>> -> memref<64xf32, #tpu.memory_space<hbm>>
      tpu.enqueue_dma source(%dma_start3A_186 : memref<64xf32, #tpu.memory_space<hbm>>) target(%dma_start3A_183 : memref<64xf32, #tpu.memory_space<vmem>>) target_semaphore(%arg11 : memref<!tpu.dma_semaphore, #tpu.memory_space<semaphore_mem>>)
      %slice3A_187 = vector.extract_strided_slice %get3A_53 {offsets = [9], sizes = [1], strides = [1]} : vector<16xi32> to vector<1xi32>
      %squeeze3A_188 = vector.extract %slice3A_187[0] : i32 from vector<1xi32>
      %dma_start3A_189 = arith.constant 9 : i32
      %dma_start3A_190 = arith.constant 0 : i32
      %dma_start3A_191 = tpu.memref_slice %arg7[%dma_start3A_189, %dma_start3A_190] : memref<32x64xf32, #tpu.memory_space<vmem>> -> memref<1x64xf32, #tpu.memory_space<vmem>>
      %dma_start3A_192 = tpu.memref_squeeze %dma_start3A_191 : memref<1x64xf32, #tpu.memory_space<vmem>> -> memref<64xf32, #tpu.memory_space<vmem>>
      %dma_start3A_193 = arith.constant 0 : i32
      %dma_start3A_194 = tpu.memref_slice %arg3[%squeeze3A_188, %dma_start3A_193] : memref<1000000x64xf32, #tpu.memory_space<hbm>> -> memref<1x64xf32, #tpu.memory_space<hbm>>
      %dma_start3A_195 = tpu.memref_squeeze %dma_start3A_194 : memref<1x64xf32, #tpu.memory_space<hbm>> -> memref<64xf32, #tpu.memory_space<hbm>>
      %dma_start3A_196 = arith.constant 0 : i32
      %dma_start3A_197 = tpu.memref_slice %arg7[%dma_start3A_189, %dma_start3A_196] : memref<32x64xf32, #tpu.memory_space<vmem>> -> memref<1x64xf32, #tpu.memory_space<vmem>>
      %dma_start3A_198 = tpu.memref_squeeze %dma_start3A_197 : memref<1x64xf32, #tpu.memory_space<vmem>> -> memref<64xf32, #tpu.memory_space<vmem>>
      %dma_start3A_199 = arith.constant 0 : i32
      %dma_start3A_200 = tpu.memref_slice %arg3[%squeeze3A_188, %dma_start3A_199] : memref<1000000x64xf32, #tpu.memory_space<hbm>> -> memref<1x64xf32, #tpu.memory_space<hbm>>
      %dma_start3A_201 = tpu.memref_squeeze %dma_start3A_200 : memref<1x64xf32, #tpu.memory_space<hbm>> -> memref<64xf32, #tpu.memory_space<hbm>>
      tpu.enqueue_dma source(%dma_start3A_201 : memref<64xf32, #tpu.memory_space<hbm>>) target(%dma_start3A_198 : memref<64xf32, #tpu.memory_space<vmem>>) target_semaphore(%arg11 : memref<!tpu.dma_semaphore, #tpu.memory_space<semaphore_mem>>)
      %slice3A_202 = vector.extract_strided_slice %get3A_53 {offsets = [10], sizes = [1], strides = [1]} : vector<16xi32> to vector<1xi32>
      %squeeze3A_203 = vector.extract %slice3A_202[0] : i32 from vector<1xi32>
      %dma_start3A_204 = arith.constant 10 : i32
      %dma_start3A_205 = arith.constant 0 : i32
      %dma_start3A_206 = tpu.memref_slice %arg7[%dma_start3A_204, %dma_start3A_205] : memref<32x64xf32, #tpu.memory_space<vmem>> -> memref<1x64xf32, #tpu.memory_space<vmem>>
      %dma_start3A_207 = tpu.memref_squeeze %dma_start3A_206 : memref<1x64xf32, #tpu.memory_space<vmem>> -> memref<64xf32, #tpu.memory_space<vmem>>
      %dma_start3A_208 = arith.constant 0 : i32
      %dma_start3A_209 = tpu.memref_slice %arg3[%squeeze3A_203, %dma_start3A_208] : memref<1000000x64xf32, #tpu.memory_space<hbm>> -> memref<1x64xf32, #tpu.memory_space<hbm>>
      %dma_start3A_210 = tpu.memref_squeeze %dma_start3A_209 : memref<1x64xf32, #tpu.memory_space<hbm>> -> memref<64xf32, #tpu.memory_space<hbm>>
      %dma_start3A_211 = arith.constant 0 : i32
      %dma_start3A_212 = tpu.memref_slice %arg7[%dma_start3A_204, %dma_start3A_211] : memref<32x64xf32, #tpu.memory_space<vmem>> -> memref<1x64xf32, #tpu.memory_space<vmem>>
      %dma_start3A_213 = tpu.memref_squeeze %dma_start3A_212 : memref<1x64xf32, #tpu.memory_space<vmem>> -> memref<64xf32, #tpu.memory_space<vmem>>
      %dma_start3A_214 = arith.constant 0 : i32
      %dma_start3A_215 = tpu.memref_slice %arg3[%squeeze3A_203, %dma_start3A_214] : memref<1000000x64xf32, #tpu.memory_space<hbm>> -> memref<1x64xf32, #tpu.memory_space<hbm>>
      %dma_start3A_216 = tpu.memref_squeeze %dma_start3A_215 : memref<1x64xf32, #tpu.memory_space<hbm>> -> memref<64xf32, #tpu.memory_space<hbm>>
      tpu.enqueue_dma source(%dma_start3A_216 : memref<64xf32, #tpu.memory_space<hbm>>) target(%dma_start3A_213 : memref<64xf32, #tpu.memory_space<vmem>>) target_semaphore(%arg11 : memref<!tpu.dma_semaphore, #tpu.memory_space<semaphore_mem>>)
      %slice3A_217 = vector.extract_strided_slice %get3A_53 {offsets = [11], sizes = [1], strides = [1]} : vector<16xi32> to vector<1xi32>
      %squeeze3A_218 = vector.extract %slice3A_217[0] : i32 from vector<1xi32>
      %dma_start3A_219 = arith.constant 11 : i32
      %dma_start3A_220 = arith.constant 0 : i32
      %dma_start3A_221 = tpu.memref_slice %arg7[%dma_start3A_219, %dma_start3A_220] : memref<32x64xf32, #tpu.memory_space<vmem>> -> memref<1x64xf32, #tpu.memory_space<vmem>>
      %dma_start3A_222 = tpu.memref_squeeze %dma_start3A_221 : memref<1x64xf32, #tpu.memory_space<vmem>> -> memref<64xf32, #tpu.memory_space<vmem>>
      %dma_start3A_223 = arith.constant 0 : i32
      %dma_start3A_224 = tpu.memref_slice %arg3[%squeeze3A_218, %dma_start3A_223] : memref<1000000x64xf32, #tpu.memory_space<hbm>> -> memref<1x64xf32, #tpu.memory_space<hbm>>
      %dma_start3A_225 = tpu.memref_squeeze %dma_start3A_224 : memref<1x64xf32, #tpu.memory_space<hbm>> -> memref<64xf32, #tpu.memory_space<hbm>>
      %dma_start3A_226 = arith.constant 0 : i32
      %dma_start3A_227 = tpu.memref_slice %arg7[%dma_start3A_219, %dma_start3A_226] : memref<32x64xf32, #tpu.memory_space<vmem>> -> memref<1x64xf32, #tpu.memory_space<vmem>>
      %dma_start3A_228 = tpu.memref_squeeze %dma_start3A_227 : memref<1x64xf32, #tpu.memory_space<vmem>> -> memref<64xf32, #tpu.memory_space<vmem>>
      %dma_start3A_229 = arith.constant 0 : i32
      %dma_start3A_230 = tpu.memref_slice %arg3[%squeeze3A_218, %dma_start3A_229] : memref<1000000x64xf32, #tpu.memory_space<hbm>> -> memref<1x64xf32, #tpu.memory_space<hbm>>
      %dma_start3A_231 = tpu.memref_squeeze %dma_start3A_230 : memref<1x64xf32, #tpu.memory_space<hbm>> -> memref<64xf32, #tpu.memory_space<hbm>>
      tpu.enqueue_dma source(%dma_start3A_231 : memref<64xf32, #tpu.memory_space<hbm>>) target(%dma_start3A_228 : memref<64xf32, #tpu.memory_space<vmem>>) target_semaphore(%arg11 : memref<!tpu.dma_semaphore, #tpu.memory_space<semaphore_mem>>)
      %slice3A_232 = vector.extract_strided_slice %get3A_53 {offsets = [12], sizes = [1], strides = [1]} : vector<16xi32> to vector<1xi32>
      %squeeze3A_233 = vector.extract %slice3A_232[0] : i32 from vector<1xi32>
      %dma_start3A_234 = arith.constant 12 : i32
      %dma_start3A_235 = arith.constant 0 : i32
      %dma_start3A_236 = tpu.memref_slice %arg7[%dma_start3A_234, %dma_start3A_235] : memref<32x64xf32, #tpu.memory_space<vmem>> -> memref<1x64xf32, #tpu.memory_space<vmem>>
      %dma_start3A_237 = tpu.memref_squeeze %dma_start3A_236 : memref<1x64xf32, #tpu.memory_space<vmem>> -> memref<64xf32, #tpu.memory_space<vmem>>
      %dma_start3A_238 = arith.constant 0 : i32
      %dma_start3A_239 = tpu.memref_slice %arg3[%squeeze3A_233, %dma_start3A_238] : memref<1000000x64xf32, #tpu.memory_space<hbm>> -> memref<1x64xf32, #tpu.memory_space<hbm>>
      %dma_start3A_240 = tpu.memref_squeeze %dma_start3A_239 : memref<1x64xf32, #tpu.memory_space<hbm>> -> memref<64xf32, #tpu.memory_space<hbm>>
      %dma_start3A_241 = arith.constant 0 : i32
      %dma_start3A_242 = tpu.memref_slice %arg7[%dma_start3A_234, %dma_start3A_241] : memref<32x64xf32, #tpu.memory_space<vmem>> -> memref<1x64xf32, #tpu.memory_space<vmem>>
      %dma_start3A_243 = tpu.memref_squeeze %dma_start3A_242 : memref<1x64xf32, #tpu.memory_space<vmem>> -> memref<64xf32, #tpu.memory_space<vmem>>
      %dma_start3A_244 = arith.constant 0 : i32
      %dma_start3A_245 = tpu.memref_slice %arg3[%squeeze3A_233, %dma_start3A_244] : memref<1000000x64xf32, #tpu.memory_space<hbm>> -> memref<1x64xf32, #tpu.memory_space<hbm>>
      %dma_start3A_246 = tpu.memref_squeeze %dma_start3A_245 : memref<1x64xf32, #tpu.memory_space<hbm>> -> memref<64xf32, #tpu.memory_space<hbm>>
      tpu.enqueue_dma source(%dma_start3A_246 : memref<64xf32, #tpu.memory_space<hbm>>) target(%dma_start3A_243 : memref<64xf32, #tpu.memory_space<vmem>>) target_semaphore(%arg11 : memref<!tpu.dma_semaphore, #tpu.memory_space<semaphore_mem>>)
      %slice3A_247 = vector.extract_strided_slice %get3A_53 {offsets = [13], sizes = [1], strides = [1]} : vector<16xi32> to vector<1xi32>
      %squeeze3A_248 = vector.extract %slice3A_247[0] : i32 from vector<1xi32>
      %dma_start3A_249 = arith.constant 13 : i32
      %dma_start3A_250 = arith.constant 0 : i32
      %dma_start3A_251 = tpu.memref_slice %arg7[%dma_start3A_249, %dma_start3A_250] : memref<32x64xf32, #tpu.memory_space<vmem>> -> memref<1x64xf32, #tpu.memory_space<vmem>>
      %dma_start3A_252 = tpu.memref_squeeze %dma_start3A_251 : memref<1x64xf32, #tpu.memory_space<vmem>> -> memref<64xf32, #tpu.memory_space<vmem>>
      %dma_start3A_253 = arith.constant 0 : i32
      %dma_start3A_254 = tpu.memref_slice %arg3[%squeeze3A_248, %dma_start3A_253] : memref<1000000x64xf32, #tpu.memory_space<hbm>> -> memref<1x64xf32, #tpu.memory_space<hbm>>
      %dma_start3A_255 = tpu.memref_squeeze %dma_start3A_254 : memref<1x64xf32, #tpu.memory_space<hbm>> -> memref<64xf32, #tpu.memory_space<hbm>>
      %dma_start3A_256 = arith.constant 0 : i32
      %dma_start3A_257 = tpu.memref_slice %arg7[%dma_start3A_249, %dma_start3A_256] : memref<32x64xf32, #tpu.memory_space<vmem>> -> memref<1x64xf32, #tpu.memory_space<vmem>>
      %dma_start3A_258 = tpu.memref_squeeze %dma_start3A_257 : memref<1x64xf32, #tpu.memory_space<vmem>> -> memref<64xf32, #tpu.memory_space<vmem>>
      %dma_start3A_259 = arith.constant 0 : i32
      %dma_start3A_260 = tpu.memref_slice %arg3[%squeeze3A_248, %dma_start3A_259] : memref<1000000x64xf32, #tpu.memory_space<hbm>> -> memref<1x64xf32, #tpu.memory_space<hbm>>
      %dma_start3A_261 = tpu.memref_squeeze %dma_start3A_260 : memref<1x64xf32, #tpu.memory_space<hbm>> -> memref<64xf32, #tpu.memory_space<hbm>>
      tpu.enqueue_dma source(%dma_start3A_261 : memref<64xf32, #tpu.memory_space<hbm>>) target(%dma_start3A_258 : memref<64xf32, #tpu.memory_space<vmem>>) target_semaphore(%arg11 : memref<!tpu.dma_semaphore, #tpu.memory_space<semaphore_mem>>)
      %slice3A_262 = vector.extract_strided_slice %get3A_53 {offsets = [14], sizes = [1], strides = [1]} : vector<16xi32> to vector<1xi32>
      %squeeze3A_263 = vector.extract %slice3A_262[0] : i32 from vector<1xi32>
      %dma_start3A_264 = arith.constant 14 : i32
      %dma_start3A_265 = arith.constant 0 : i32
      %dma_start3A_266 = tpu.memref_slice %arg7[%dma_start3A_264, %dma_start3A_265] : memref<32x64xf32, #tpu.memory_space<vmem>> -> memref<1x64xf32, #tpu.memory_space<vmem>>
      %dma_start3A_267 = tpu.memref_squeeze %dma_start3A_266 : memref<1x64xf32, #tpu.memory_space<vmem>> -> memref<64xf32, #tpu.memory_space<vmem>>
      %dma_start3A_268 = arith.constant 0 : i32
      %dma_start3A_269 = tpu.memref_slice %arg3[%squeeze3A_263, %dma_start3A_268] : memref<1000000x64xf32, #tpu.memory_space<hbm>> -> memref<1x64xf32, #tpu.memory_space<hbm>>
      %dma_start3A_270 = tpu.memref_squeeze %dma_start3A_269 : memref<1x64xf32, #tpu.memory_space<hbm>> -> memref<64xf32, #tpu.memory_space<hbm>>
      %dma_start3A_271 = arith.constant 0 : i32
      %dma_start3A_272 = tpu.memref_slice %arg7[%dma_start3A_264, %dma_start3A_271] : memref<32x64xf32, #tpu.memory_space<vmem>> -> memref<1x64xf32, #tpu.memory_space<vmem>>
      %dma_start3A_273 = tpu.memref_squeeze %dma_start3A_272 : memref<1x64xf32, #tpu.memory_space<vmem>> -> memref<64xf32, #tpu.memory_space<vmem>>
      %dma_start3A_274 = arith.constant 0 : i32
      %dma_start3A_275 = tpu.memref_slice %arg3[%squeeze3A_263, %dma_start3A_274] : memref<1000000x64xf32, #tpu.memory_space<hbm>> -> memref<1x64xf32, #tpu.memory_space<hbm>>
      %dma_start3A_276 = tpu.memref_squeeze %dma_start3A_275 : memref<1x64xf32, #tpu.memory_space<hbm>> -> memref<64xf32, #tpu.memory_space<hbm>>
      tpu.enqueue_dma source(%dma_start3A_276 : memref<64xf32, #tpu.memory_space<hbm>>) target(%dma_start3A_273 : memref<64xf32, #tpu.memory_space<vmem>>) target_semaphore(%arg11 : memref<!tpu.dma_semaphore, #tpu.memory_space<semaphore_mem>>)
      %slice3A_277 = vector.extract_strided_slice %get3A_53 {offsets = [15], sizes = [1], strides = [1]} : vector<16xi32> to vector<1xi32>
      %squeeze3A_278 = vector.extract %slice3A_277[0] : i32 from vector<1xi32>
      %dma_start3A_279 = arith.constant 15 : i32
      %dma_start3A_280 = arith.constant 0 : i32
      %dma_start3A_281 = tpu.memref_slice %arg7[%dma_start3A_279, %dma_start3A_280] : memref<32x64xf32, #tpu.memory_space<vmem>> -> memref<1x64xf32, #tpu.memory_space<vmem>>
      %dma_start3A_282 = tpu.memref_squeeze %dma_start3A_281 : memref<1x64xf32, #tpu.memory_space<vmem>> -> memref<64xf32, #tpu.memory_space<vmem>>
      %dma_start3A_283 = arith.constant 0 : i32
      %dma_start3A_284 = tpu.memref_slice %arg3[%squeeze3A_278, %dma_start3A_283] : memref<1000000x64xf32, #tpu.memory_space<hbm>> -> memref<1x64xf32, #tpu.memory_space<hbm>>
      %dma_start3A_285 = tpu.memref_squeeze %dma_start3A_284 : memref<1x64xf32, #tpu.memory_space<hbm>> -> memref<64xf32, #tpu.memory_space<hbm>>
      %dma_start3A_286 = arith.constant 0 : i32
      %dma_start3A_287 = tpu.memref_slice %arg7[%dma_start3A_279, %dma_start3A_286] : memref<32x64xf32, #tpu.memory_space<vmem>> -> memref<1x64xf32, #tpu.memory_space<vmem>>
      %dma_start3A_288 = tpu.memref_squeeze %dma_start3A_287 : memref<1x64xf32, #tpu.memory_space<vmem>> -> memref<64xf32, #tpu.memory_space<vmem>>
      %dma_start3A_289 = arith.constant 0 : i32
      %dma_start3A_290 = tpu.memref_slice %arg3[%squeeze3A_278, %dma_start3A_289] : memref<1000000x64xf32, #tpu.memory_space<hbm>> -> memref<1x64xf32, #tpu.memory_space<hbm>>
      %dma_start3A_291 = tpu.memref_squeeze %dma_start3A_290 : memref<1x64xf32, #tpu.memory_space<hbm>> -> memref<64xf32, #tpu.memory_space<hbm>>
      tpu.enqueue_dma source(%dma_start3A_291 : memref<64xf32, #tpu.memory_space<hbm>>) target(%dma_start3A_288 : memref<64xf32, #tpu.memory_space<vmem>>) target_semaphore(%arg11 : memref<!tpu.dma_semaphore, #tpu.memory_space<semaphore_mem>>)
      %add3A_292 = arith.constant 16 : i32
      %add3A_293 = arith.addi %mul3A_46, %add3A_292 : i32
      %get3A_294 = arith.index_cast %div3A_48 : i32 to index
      %get3A_295 = arith.index_cast %add3A_293 : i32 to index
      %get3A_296 = tpu.vector_load %arg6[%get3A_294, %get3A_295] {strides = array<i32>} : memref<8x128xi32, #tpu.memory_space<vmem>>, vector<1x16xi32>,
      %get3A_297 = vector.shape_cast %get3A_296 : vector<1x16xi32> to vector<16xi32>
      %slice3A_298 = vector.extract_strided_slice %get3A_297 {offsets = [0], sizes = [1], strides = [1]} : vector<16xi32> to vector<1xi32>
      %squeeze3A_299 = vector.extract %slice3A_298[0] : i32 from vector<1xi32>
      %dma_start3A_300 = arith.constant 16 : i32
      %dma_start3A_301 = arith.constant 0 : i32
      %dma_start3A_302 = tpu.memref_slice %arg7[%dma_start3A_300, %dma_start3A_301] : memref<32x64xf32, #tpu.memory_space<vmem>> -> memref<1x64xf32, #tpu.memory_space<vmem>>
      %dma_start3A_303 = tpu.memref_squeeze %dma_start3A_302 : memref<1x64xf32, #tpu.memory_space<vmem>> -> memref<64xf32, #tpu.memory_space<vmem>>
      %dma_start3A_304 = arith.constant 0 : i32
      %dma_start3A_305 = tpu.memref_slice %arg3[%squeeze3A_299, %dma_start3A_304] : memref<1000000x64xf32, #tpu.memory_space<hbm>> -> memref<1x64xf32, #tpu.memory_space<hbm>>
      %dma_start3A_306 = tpu.memref_squeeze %dma_start3A_305 : memref<1x64xf32, #tpu.memory_space<hbm>> -> memref<64xf32, #tpu.memory_space<hbm>>
      %dma_start3A_307 = arith.constant 0 : i32
      %dma_start3A_308 = tpu.memref_slice %arg7[%dma_start3A_300, %dma_start3A_307] : memref<32x64xf32, #tpu.memory_space<vmem>> -> memref<1x64xf32, #tpu.memory_space<vmem>>
      %dma_start3A_309 = tpu.memref_squeeze %dma_start3A_308 : memref<1x64xf32, #tpu.memory_space<vmem>> -> memref<64xf32, #tpu.memory_space<vmem>>
      %dma_start3A_310 = arith.constant 0 : i32
      %dma_start3A_311 = tpu.memref_slice %arg3[%squeeze3A_299, %dma_start3A_310] : memref<1000000x64xf32, #tpu.memory_space<hbm>> -> memref<1x64xf32, #tpu.memory_space<hbm>>
      %dma_start3A_312 = tpu.memref_squeeze %dma_start3A_311 : memref<1x64xf32, #tpu.memory_space<hbm>> -> memref<64xf32, #tpu.memory_space<hbm>>
      tpu.enqueue_dma source(%dma_start3A_312 : memref<64xf32, #tpu.memory_space<hbm>>) target(%dma_start3A_309 : memref<64xf32, #tpu.memory_space<vmem>>) target_semaphore(%arg11 : memref<!tpu.dma_semaphore, #tpu.memory_space<semaphore_mem>>)
      %slice3A_313 = vector.extract_strided_slice %get3A_297 {offsets = [1], sizes = [1], strides = [1]} : vector<16xi32> to vector<1xi32>
      %squeeze3A_314 = vector.extract %slice3A_313[0] : i32 from vector<1xi32>
      %dma_start3A_315 = arith.constant 17 : i32
      %dma_start3A_316 = arith.constant 0 : i32
      %dma_start3A_317 = tpu.memref_slice %arg7[%dma_start3A_315, %dma_start3A_316] : memref<32x64xf32, #tpu.memory_space<vmem>> -> memref<1x64xf32, #tpu.memory_space<vmem>>
      %dma_start3A_318 = tpu.memref_squeeze %dma_start3A_317 : memref<1x64xf32, #tpu.memory_space<vmem>> -> memref<64xf32, #tpu.memory_space<vmem>>
      %dma_start3A_319 = arith.constant 0 : i32
      %dma_start3A_320 = tpu.memref_slice %arg3[%squeeze3A_314, %dma_start3A_319] : memref<1000000x64xf32, #tpu.memory_space<hbm>> -> memref<1x64xf32, #tpu.memory_space<hbm>>
      %dma_start3A_321 = tpu.memref_squeeze %dma_start3A_320 : memref<1x64xf32, #tpu.memory_space<hbm>> -> memref<64xf32, #tpu.memory_space<hbm>>
      %dma_start3A_322 = arith.constant 0 : i32
      %dma_start3A_323 = tpu.memref_slice %arg7[%dma_start3A_315, %dma_start3A_322] : memref<32x64xf32, #tpu.memory_space<vmem>> -> memref<1x64xf32, #tpu.memory_space<vmem>>
      %dma_start3A_324 = tpu.memref_squeeze %dma_start3A_323 : memref<1x64xf32, #tpu.memory_space<vmem>> -> memref<64xf32, #tpu.memory_space<vmem>>
      %dma_start3A_325 = arith.constant 0 : i32
      %dma_start3A_326 = tpu.memref_slice %arg3[%squeeze3A_314, %dma_start3A_325] : memref<1000000x64xf32, #tpu.memory_space<hbm>> -> memref<1x64xf32, #tpu.memory_space<hbm>>
      %dma_start3A_327 = tpu.memref_squeeze %dma_start3A_326 : memref<1x64xf32, #tpu.memory_space<hbm>> -> memref<64xf32, #tpu.memory_space<hbm>>
      tpu.enqueue_dma source(%dma_start3A_327 : memref<64xf32, #tpu.memory_space<hbm>>) target(%dma_start3A_324 : memref<64xf32, #tpu.memory_space<vmem>>) target_semaphore(%arg11 : memref<!tpu.dma_semaphore, #tpu.memory_space<semaphore_mem>>)
      %slice3A_328 = vector.extract_strided_slice %get3A_297 {offsets = [2], sizes = [1], strides = [1]} : vector<16xi32> to vector<1xi32>
      %squeeze3A_329 = vector.extract %slice3A_328[0] : i32 from vector<1xi32>
      %dma_start3A_330 = arith.constant 18 : i32
      %dma_start3A_331 = arith.constant 0 : i32
      %dma_start3A_332 = tpu.memref_slice %arg7[%dma_start3A_330, %dma_start3A_331] : memref<32x64xf32, #tpu.memory_space<vmem>> -> memref<1x64xf32, #tpu.memory_space<vmem>>
      %dma_start3A_333 = tpu.memref_squeeze %dma_start3A_332 : memref<1x64xf32, #tpu.memory_space<vmem>> -> memref<64xf32, #tpu.memory_space<vmem>>
      %dma_start3A_334 = arith.constant 0 : i32
      %dma_start3A_335 = tpu.memref_slice %arg3[%squeeze3A_329, %dma_start3A_334] : memref<1000000x64xf32, #tpu.memory_space<hbm>> -> memref<1x64xf32, #tpu.memory_space<hbm>>
      %dma_start3A_336 = tpu.memref_squeeze %dma_start3A_335 : memref<1x64xf32, #tpu.memory_space<hbm>> -> memref<64xf32, #tpu.memory_space<hbm>>
      %dma_start3A_337 = arith.constant 0 : i32
      %dma_start3A_338 = tpu.memref_slice %arg7[%dma_start3A_330, %dma_start3A_337] : memref<32x64xf32, #tpu.memory_space<vmem>> -> memref<1x64xf32, #tpu.memory_space<vmem>>
      %dma_start3A_339 = tpu.memref_squeeze %dma_start3A_338 : memref<1x64xf32, #tpu.memory_space<vmem>> -> memref<64xf32, #tpu.memory_space<vmem>>
      %dma_start3A_340 = arith.constant 0 : i32
      %dma_start3A_341 = tpu.memref_slice %arg3[%squeeze3A_329, %dma_start3A_340] : memref<1000000x64xf32, #tpu.memory_space<hbm>> -> memref<1x64xf32, #tpu.memory_space<hbm>>
      %dma_start3A_342 = tpu.memref_squeeze %dma_start3A_341 : memref<1x64xf32, #tpu.memory_space<hbm>> -> memref<64xf32, #tpu.memory_space<hbm>>
      tpu.enqueue_dma source(%dma_start3A_342 : memref<64xf32, #tpu.memory_space<hbm>>) target(%dma_start3A_339 : memref<64xf32, #tpu.memory_space<vmem>>) target_semaphore(%arg11 : memref<!tpu.dma_semaphore, #tpu.memory_space<semaphore_mem>>)
      %slice3A_343 = vector.extract_strided_slice %get3A_297 {offsets = [3], sizes = [1], strides = [1]} : vector<16xi32> to vector<1xi32>
      %squeeze3A_344 = vector.extract %slice3A_343[0] : i32 from vector<1xi32>
      %dma_start3A_345 = arith.constant 19 : i32
      %dma_start3A_346 = arith.constant 0 : i32
      %dma_start3A_347 = tpu.memref_slice %arg7[%dma_start3A_345, %dma_start3A_346] : memref<32x64xf32, #tpu.memory_space<vmem>> -> memref<1x64xf32, #tpu.memory_space<vmem>>
      %dma_start3A_348 = tpu.memref_squeeze %dma_start3A_347 : memref<1x64xf32, #tpu.memory_space<vmem>> -> memref<64xf32, #tpu.memory_space<vmem>>
      %dma_start3A_349 = arith.constant 0 : i32
      %dma_start3A_350 = tpu.memref_slice %arg3[%squeeze3A_344, %dma_start3A_349] : memref<1000000x64xf32, #tpu.memory_space<hbm>> -> memref<1x64xf32, #tpu.memory_space<hbm>>
      %dma_start3A_351 = tpu.memref_squeeze %dma_start3A_350 : memref<1x64xf32, #tpu.memory_space<hbm>> -> memref<64xf32, #tpu.memory_space<hbm>>
      %dma_start3A_352 = arith.constant 0 : i32
      %dma_start3A_353 = tpu.memref_slice %arg7[%dma_start3A_345, %dma_start3A_352] : memref<32x64xf32, #tpu.memory_space<vmem>> -> memref<1x64xf32, #tpu.memory_space<vmem>>
      %dma_start3A_354 = tpu.memref_squeeze %dma_start3A_353 : memref<1x64xf32, #tpu.memory_space<vmem>> -> memref<64xf32, #tpu.memory_space<vmem>>
      %dma_start3A_355 = arith.constant 0 : i32
      %dma_start3A_356 = tpu.memref_slice %arg3[%squeeze3A_344, %dma_start3A_355] : memref<1000000x64xf32, #tpu.memory_space<hbm>> -> memref<1x64xf32, #tpu.memory_space<hbm>>
      %dma_start3A_357 = tpu.memref_squeeze %dma_start3A_356 : memref<1x64xf32, #tpu.memory_space<hbm>> -> memref<64xf32, #tpu.memory_space<hbm>>
      tpu.enqueue_dma source(%dma_start3A_357 : memref<64xf32, #tpu.memory_space<hbm>>) target(%dma_start3A_354 : memref<64xf32, #tpu.memory_space<vmem>>) target_semaphore(%arg11 : memref<!tpu.dma_semaphore, #tpu.memory_space<semaphore_mem>>)
      %slice3A_358 = vector.extract_strided_slice %get3A_297 {offsets = [4], sizes = [1], strides = [1]} : vector<16xi32> to vector<1xi32>
      %squeeze3A_359 = vector.extract %slice3A_358[0] : i32 from vector<1xi32>
      %dma_start3A_360 = arith.constant 20 : i32
      %dma_start3A_361 = arith.constant 0 : i32
      %dma_start3A_362 = tpu.memref_slice %arg7[%dma_start3A_360, %dma_start3A_361] : memref<32x64xf32, #tpu.memory_space<vmem>> -> memref<1x64xf32, #tpu.memory_space<vmem>>
      %dma_start3A_363 = tpu.memref_squeeze %dma_start3A_362 : memref<1x64xf32, #tpu.memory_space<vmem>> -> memref<64xf32, #tpu.memory_space<vmem>>
      %dma_start3A_364 = arith.constant 0 : i32
      %dma_start3A_365 = tpu.memref_slice %arg3[%squeeze3A_359, %dma_start3A_364] : memref<1000000x64xf32, #tpu.memory_space<hbm>> -> memref<1x64xf32, #tpu.memory_space<hbm>>
      %dma_start3A_366 = tpu.memref_squeeze %dma_start3A_365 : memref<1x64xf32, #tpu.memory_space<hbm>> -> memref<64xf32, #tpu.memory_space<hbm>>
      %dma_start3A_367 = arith.constant 0 : i32
      %dma_start3A_368 = tpu.memref_slice %arg7[%dma_start3A_360, %dma_start3A_367] : memref<32x64xf32, #tpu.memory_space<vmem>> -> memref<1x64xf32, #tpu.memory_space<vmem>>
      %dma_start3A_369 = tpu.memref_squeeze %dma_start3A_368 : memref<1x64xf32, #tpu.memory_space<vmem>> -> memref<64xf32, #tpu.memory_space<vmem>>
      %dma_start3A_370 = arith.constant 0 : i32
      %dma_start3A_371 = tpu.memref_slice %arg3[%squeeze3A_359, %dma_start3A_370] : memref<1000000x64xf32, #tpu.memory_space<hbm>> -> memref<1x64xf32, #tpu.memory_space<hbm>>
      %dma_start3A_372 = tpu.memref_squeeze %dma_start3A_371 : memref<1x64xf32, #tpu.memory_space<hbm>> -> memref<64xf32, #tpu.memory_space<hbm>>
      tpu.enqueue_dma source(%dma_start3A_372 : memref<64xf32, #tpu.memory_space<hbm>>) target(%dma_start3A_369 : memref<64xf32, #tpu.memory_space<vmem>>) target_semaphore(%arg11 : memref<!tpu.dma_semaphore, #tpu.memory_space<semaphore_mem>>)
      %slice3A_373 = vector.extract_strided_slice %get3A_297 {offsets = [5], sizes = [1], strides = [1]} : vector<16xi32> to vector<1xi32>
      %squeeze3A_374 = vector.extract %slice3A_373[0] : i32 from vector<1xi32>
      %dma_start3A_375 = arith.constant 21 : i32
      %dma_start3A_376 = arith.constant 0 : i32
      %dma_start3A_377 = tpu.memref_slice %arg7[%dma_start3A_375, %dma_start3A_376] : memref<32x64xf32, #tpu.memory_space<vmem>> -> memref<1x64xf32, #tpu.memory_space<vmem>>
      %dma_start3A_378 = tpu.memref_squeeze %dma_start3A_377 : memref<1x64xf32, #tpu.memory_space<vmem>> -> memref<64xf32, #tpu.memory_space<vmem>>
      %dma_start3A_379 = arith.constant 0 : i32
      %dma_start3A_380 = tpu.memref_slice %arg3[%squeeze3A_374, %dma_start3A_379] : memref<1000000x64xf32, #tpu.memory_space<hbm>> -> memref<1x64xf32, #tpu.memory_space<hbm>>
      %dma_start3A_381 = tpu.memref_squeeze %dma_start3A_380 : memref<1x64xf32, #tpu.memory_space<hbm>> -> memref<64xf32, #tpu.memory_space<hbm>>
      %dma_start3A_382 = arith.constant 0 : i32
      %dma_start3A_383 = tpu.memref_slice %arg7[%dma_start3A_375, %dma_start3A_382] : memref<32x64xf32, #tpu.memory_space<vmem>> -> memref<1x64xf32, #tpu.memory_space<vmem>>
      %dma_start3A_384 = tpu.memref_squeeze %dma_start3A_383 : memref<1x64xf32, #tpu.memory_space<vmem>> -> memref<64xf32, #tpu.memory_space<vmem>>
      %dma_start3A_385 = arith.constant 0 : i32
      %dma_start3A_386 = tpu.memref_slice %arg3[%squeeze3A_374, %dma_start3A_385] : memref<1000000x64xf32, #tpu.memory_space<hbm>> -> memref<1x64xf32, #tpu.memory_space<hbm>>
      %dma_start3A_387 = tpu.memref_squeeze %dma_start3A_386 : memref<1x64xf32, #tpu.memory_space<hbm>> -> memref<64xf32, #tpu.memory_space<hbm>>
      tpu.enqueue_dma source(%dma_start3A_387 : memref<64xf32, #tpu.memory_space<hbm>>) target(%dma_start3A_384 : memref<64xf32, #tpu.memory_space<vmem>>) target_semaphore(%arg11 : memref<!tpu.dma_semaphore, #tpu.memory_space<semaphore_mem>>)
      %slice3A_388 = vector.extract_strided_slice %get3A_297 {offsets = [6], sizes = [1], strides = [1]} : vector<16xi32> to vector<1xi32>
      %squeeze3A_389 = vector.extract %slice3A_388[0] : i32 from vector<1xi32>
      %dma_start3A_390 = arith.constant 22 : i32
      %dma_start3A_391 = arith.constant 0 : i32
      %dma_start3A_392 = tpu.memref_slice %arg7[%dma_start3A_390, %dma_start3A_391] : memref<32x64xf32, #tpu.memory_space<vmem>> -> memref<1x64xf32, #tpu.memory_space<vmem>>
      %dma_start3A_393 = tpu.memref_squeeze %dma_start3A_392 : memref<1x64xf32, #tpu.memory_space<vmem>> -> memref<64xf32, #tpu.memory_space<vmem>>
      %dma_start3A_394 = arith.constant 0 : i32
      %dma_start3A_395 = tpu.memref_slice %arg3[%squeeze3A_389, %dma_start3A_394] : memref<1000000x64xf32, #tpu.memory_space<hbm>> -> memref<1x64xf32, #tpu.memory_space<hbm>>
      %dma_start3A_396 = tpu.memref_squeeze %dma_start3A_395 : memref<1x64xf32, #tpu.memory_space<hbm>> -> memref<64xf32, #tpu.memory_space<hbm>>
      %dma_start3A_397 = arith.constant 0 : i32
      %dma_start3A_398 = tpu.memref_slice %arg7[%dma_start3A_390, %dma_start3A_397] : memref<32x64xf32, #tpu.memory_space<vmem>> -> memref<1x64xf32, #tpu.memory_space<vmem>>
      %dma_start3A_399 = tpu.memref_squeeze %dma_start3A_398 : memref<1x64xf32, #tpu.memory_space<vmem>> -> memref<64xf32, #tpu.memory_space<vmem>>
      %dma_start3A_400 = arith.constant 0 : i32
      %dma_start3A_401 = tpu.memref_slice %arg3[%squeeze3A_389, %dma_start3A_400] : memref<1000000x64xf32, #tpu.memory_space<hbm>> -> memref<1x64xf32, #tpu.memory_space<hbm>>
      %dma_start3A_402 = tpu.memref_squeeze %dma_start3A_401 : memref<1x64xf32, #tpu.memory_space<hbm>> -> memref<64xf32, #tpu.memory_space<hbm>>
      tpu.enqueue_dma source(%dma_start3A_402 : memref<64xf32, #tpu.memory_space<hbm>>) target(%dma_start3A_399 : memref<64xf32, #tpu.memory_space<vmem>>) target_semaphore(%arg11 : memref<!tpu.dma_semaphore, #tpu.memory_space<semaphore_mem>>)
      %slice3A_403 = vector.extract_strided_slice %get3A_297 {offsets = [7], sizes = [1], strides = [1]} : vector<16xi32> to vector<1xi32>
      %squeeze3A_404 = vector.extract %slice3A_403[0] : i32 from vector<1xi32>
      %dma_start3A_405 = arith.constant 23 : i32
      %dma_start3A_406 = arith.constant 0 : i32
      %dma_start3A_407 = tpu.memref_slice %arg7[%dma_start3A_405, %dma_start3A_406] : memref<32x64xf32, #tpu.memory_space<vmem>> -> memref<1x64xf32, #tpu.memory_space<vmem>>
      %dma_start3A_408 = tpu.memref_squeeze %dma_start3A_407 : memref<1x64xf32, #tpu.memory_space<vmem>> -> memref<64xf32, #tpu.memory_space<vmem>>
      %dma_start3A_409 = arith.constant 0 : i32
      %dma_start3A_410 = tpu.memref_slice %arg3[%squeeze3A_404, %dma_start3A_409] : memref<1000000x64xf32, #tpu.memory_space<hbm>> -> memref<1x64xf32, #tpu.memory_space<hbm>>
      %dma_start3A_411 = tpu.memref_squeeze %dma_start3A_410 : memref<1x64xf32, #tpu.memory_space<hbm>> -> memref<64xf32, #tpu.memory_space<hbm>>
      %dma_start3A_412 = arith.constant 0 : i32
      %dma_start3A_413 = tpu.memref_slice %arg7[%dma_start3A_405, %dma_start3A_412] : memref<32x64xf32, #tpu.memory_space<vmem>> -> memref<1x64xf32, #tpu.memory_space<vmem>>
      %dma_start3A_414 = tpu.memref_squeeze %dma_start3A_413 : memref<1x64xf32, #tpu.memory_space<vmem>> -> memref<64xf32, #tpu.memory_space<vmem>>
      %dma_start3A_415 = arith.constant 0 : i32
      %dma_start3A_416 = tpu.memref_slice %arg3[%squeeze3A_404, %dma_start3A_415] : memref<1000000x64xf32, #tpu.memory_space<hbm>> -> memref<1x64xf32, #tpu.memory_space<hbm>>
      %dma_start3A_417 = tpu.memref_squeeze %dma_start3A_416 : memref<1x64xf32, #tpu.memory_space<hbm>> -> memref<64xf32, #tpu.memory_space<hbm>>
      tpu.enqueue_dma source(%dma_start3A_417 : memref<64xf32, #tpu.memory_space<hbm>>) target(%dma_start3A_414 : memref<64xf32, #tpu.memory_space<vmem>>) target_semaphore(%arg11 : memref<!tpu.dma_semaphore, #tpu.memory_space<semaphore_mem>>)
      %slice3A_418 = vector.extract_strided_slice %get3A_297 {offsets = [8], sizes = [1], strides = [1]} : vector<16xi32> to vector<1xi32>
      %squeeze3A_419 = vector.extract %slice3A_418[0] : i32 from vector<1xi32>
      %dma_start3A_420 = arith.constant 24 : i32
      %dma_start3A_421 = arith.constant 0 : i32
      %dma_start3A_422 = tpu.memref_slice %arg7[%dma_start3A_420, %dma_start3A_421] : memref<32x64xf32, #tpu.memory_space<vmem>> -> memref<1x64xf32, #tpu.memory_space<vmem>>
      %dma_start3A_423 = tpu.memref_squeeze %dma_start3A_422 : memref<1x64xf32, #tpu.memory_space<vmem>> -> memref<64xf32, #tpu.memory_space<vmem>>
      %dma_start3A_424 = arith.constant 0 : i32
      %dma_start3A_425 = tpu.memref_slice %arg3[%squeeze3A_419, %dma_start3A_424] : memref<1000000x64xf32, #tpu.memory_space<hbm>> -> memref<1x64xf32, #tpu.memory_space<hbm>>
      %dma_start3A_426 = tpu.memref_squeeze %dma_start3A_425 : memref<1x64xf32, #tpu.memory_space<hbm>> -> memref<64xf32, #tpu.memory_space<hbm>>
      %dma_start3A_427 = arith.constant 0 : i32
      %dma_start3A_428 = tpu.memref_slice %arg7[%dma_start3A_420, %dma_start3A_427] : memref<32x64xf32, #tpu.memory_space<vmem>> -> memref<1x64xf32, #tpu.memory_space<vmem>>
      %dma_start3A_429 = tpu.memref_squeeze %dma_start3A_428 : memref<1x64xf32, #tpu.memory_space<vmem>> -> memref<64xf32, #tpu.memory_space<vmem>>
      %dma_start3A_430 = arith.constant 0 : i32
      %dma_start3A_431 = tpu.memref_slice %arg3[%squeeze3A_419, %dma_start3A_430] : memref<1000000x64xf32, #tpu.memory_space<hbm>> -> memref<1x64xf32, #tpu.memory_space<hbm>>
      %dma_start3A_432 = tpu.memref_squeeze %dma_start3A_431 : memref<1x64xf32, #tpu.memory_space<hbm>> -> memref<64xf32, #tpu.memory_space<hbm>>
      tpu.enqueue_dma source(%dma_start3A_432 : memref<64xf32, #tpu.memory_space<hbm>>) target(%dma_start3A_429 : memref<64xf32, #tpu.memory_space<vmem>>) target_semaphore(%arg11 : memref<!tpu.dma_semaphore, #tpu.memory_space<semaphore_mem>>)
      %slice3A_433 = vector.extract_strided_slice %get3A_297 {offsets = [9], sizes = [1], strides = [1]} : vector<16xi32> to vector<1xi32>
      %squeeze3A_434 = vector.extract %slice3A_433[0] : i32 from vector<1xi32>
      %dma_start3A_435 = arith.constant 25 : i32
      %dma_start3A_436 = arith.constant 0 : i32
      %dma_start3A_437 = tpu.memref_slice %arg7[%dma_start3A_435, %dma_start3A_436] : memref<32x64xf32, #tpu.memory_space<vmem>> -> memref<1x64xf32, #tpu.memory_space<vmem>>
      %dma_start3A_438 = tpu.memref_squeeze %dma_start3A_437 : memref<1x64xf32, #tpu.memory_space<vmem>> -> memref<64xf32, #tpu.memory_space<vmem>>
      %dma_start3A_439 = arith.constant 0 : i32
      %dma_start3A_440 = tpu.memref_slice %arg3[%squeeze3A_434, %dma_start3A_439] : memref<1000000x64xf32, #tpu.memory_space<hbm>> -> memref<1x64xf32, #tpu.memory_space<hbm>>
      %dma_start3A_441 = tpu.memref_squeeze %dma_start3A_440 : memref<1x64xf32, #tpu.memory_space<hbm>> -> memref<64xf32, #tpu.memory_space<hbm>>
      %dma_start3A_442 = arith.constant 0 : i32
      %dma_start3A_443 = tpu.memref_slice %arg7[%dma_start3A_435, %dma_start3A_442] : memref<32x64xf32, #tpu.memory_space<vmem>> -> memref<1x64xf32, #tpu.memory_space<vmem>>
      %dma_start3A_444 = tpu.memref_squeeze %dma_start3A_443 : memref<1x64xf32, #tpu.memory_space<vmem>> -> memref<64xf32, #tpu.memory_space<vmem>>
      %dma_start3A_445 = arith.constant 0 : i32
      %dma_start3A_446 = tpu.memref_slice %arg3[%squeeze3A_434, %dma_start3A_445] : memref<1000000x64xf32, #tpu.memory_space<hbm>> -> memref<1x64xf32, #tpu.memory_space<hbm>>
      %dma_start3A_447 = tpu.memref_squeeze %dma_start3A_446 : memref<1x64xf32, #tpu.memory_space<hbm>> -> memref<64xf32, #tpu.memory_space<hbm>>
      tpu.enqueue_dma source(%dma_start3A_447 : memref<64xf32, #tpu.memory_space<hbm>>) target(%dma_start3A_444 : memref<64xf32, #tpu.memory_space<vmem>>) target_semaphore(%arg11 : memref<!tpu.dma_semaphore, #tpu.memory_space<semaphore_mem>>)
      %slice3A_448 = vector.extract_strided_slice %get3A_297 {offsets = [10], sizes = [1], strides = [1]} : vector<16xi32> to vector<1xi32>
      %squeeze3A_449 = vector.extract %slice3A_448[0] : i32 from vector<1xi32>
      %dma_start3A_450 = arith.constant 26 : i32
      %dma_start3A_451 = arith.constant 0 : i32
      %dma_start3A_452 = tpu.memref_slice %arg7[%dma_start3A_450, %dma_start3A_451] : memref<32x64xf32, #tpu.memory_space<vmem>> -> memref<1x64xf32, #tpu.memory_space<vmem>>
      %dma_start3A_453 = tpu.memref_squeeze %dma_start3A_452 : memref<1x64xf32, #tpu.memory_space<vmem>> -> memref<64xf32, #tpu.memory_space<vmem>>
      %dma_start3A_454 = arith.constant 0 : i32
      %dma_start3A_455 = tpu.memref_slice %arg3[%squeeze3A_449, %dma_start3A_454] : memref<1000000x64xf32, #tpu.memory_space<hbm>> -> memref<1x64xf32, #tpu.memory_space<hbm>>
      %dma_start3A_456 = tpu.memref_squeeze %dma_start3A_455 : memref<1x64xf32, #tpu.memory_space<hbm>> -> memref<64xf32, #tpu.memory_space<hbm>>
      %dma_start3A_457 = arith.constant 0 : i32
      %dma_start3A_458 = tpu.memref_slice %arg7[%dma_start3A_450, %dma_start3A_457] : memref<32x64xf32, #tpu.memory_space<vmem>> -> memref<1x64xf32, #tpu.memory_space<vmem>>
      %dma_start3A_459 = tpu.memref_squeeze %dma_start3A_458 : memref<1x64xf32, #tpu.memory_space<vmem>> -> memref<64xf32, #tpu.memory_space<vmem>>
      %dma_start3A_460 = arith.constant 0 : i32
      %dma_start3A_461 = tpu.memref_slice %arg3[%squeeze3A_449, %dma_start3A_460] : memref<1000000x64xf32, #tpu.memory_space<hbm>> -> memref<1x64xf32, #tpu.memory_space<hbm>>
      %dma_start3A_462 = tpu.memref_squeeze %dma_start3A_461 : memref<1x64xf32, #tpu.memory_space<hbm>> -> memref<64xf32, #tpu.memory_space<hbm>>
      tpu.enqueue_dma source(%dma_start3A_462 : memref<64xf32, #tpu.memory_space<hbm>>) target(%dma_start3A_459 : memref<64xf32, #tpu.memory_space<vmem>>) target_semaphore(%arg11 : memref<!tpu.dma_semaphore, #tpu.memory_space<semaphore_mem>>)
      %slice3A_463 = vector.extract_strided_slice %get3A_297 {offsets = [11], sizes = [1], strides = [1]} : vector<16xi32> to vector<1xi32>
      %squeeze3A_464 = vector.extract %slice3A_463[0] : i32 from vector<1xi32>
      %dma_start3A_465 = arith.constant 27 : i32
      %dma_start3A_466 = arith.constant 0 : i32
      %dma_start3A_467 = tpu.memref_slice %arg7[%dma_start3A_465, %dma_start3A_466] : memref<32x64xf32, #tpu.memory_space<vmem>> -> memref<1x64xf32, #tpu.memory_space<vmem>>
      %dma_start3A_468 = tpu.memref_squeeze %dma_start3A_467 : memref<1x64xf32, #tpu.memory_space<vmem>> -> memref<64xf32, #tpu.memory_space<vmem>>
      %dma_start3A_469 = arith.constant 0 : i32
      %dma_start3A_470 = tpu.memref_slice %arg3[%squeeze3A_464, %dma_start3A_469] : memref<1000000x64xf32, #tpu.memory_space<hbm>> -> memref<1x64xf32, #tpu.memory_space<hbm>>
      %dma_start3A_471 = tpu.memref_squeeze %dma_start3A_470 : memref<1x64xf32, #tpu.memory_space<hbm>> -> memref<64xf32, #tpu.memory_space<hbm>>
      %dma_start3A_472 = arith.constant 0 : i32
      %dma_start3A_473 = tpu.memref_slice %arg7[%dma_start3A_465, %dma_start3A_472] : memref<32x64xf32, #tpu.memory_space<vmem>> -> memref<1x64xf32, #tpu.memory_space<vmem>>
      %dma_start3A_474 = tpu.memref_squeeze %dma_start3A_473 : memref<1x64xf32, #tpu.memory_space<vmem>> -> memref<64xf32, #tpu.memory_space<vmem>>
      %dma_start3A_475 = arith.constant 0 : i32
      %dma_start3A_476 = tpu.memref_slice %arg3[%squeeze3A_464, %dma_start3A_475] : memref<1000000x64xf32, #tpu.memory_space<hbm>> -> memref<1x64xf32, #tpu.memory_space<hbm>>
      %dma_start3A_477 = tpu.memref_squeeze %dma_start3A_476 : memref<1x64xf32, #tpu.memory_space<hbm>> -> memref<64xf32, #tpu.memory_space<hbm>>
      tpu.enqueue_dma source(%dma_start3A_477 : memref<64xf32, #tpu.memory_space<hbm>>) target(%dma_start3A_474 : memref<64xf32, #tpu.memory_space<vmem>>) target_semaphore(%arg11 : memref<!tpu.dma_semaphore, #tpu.memory_space<semaphore_mem>>)
      %slice3A_478 = vector.extract_strided_slice %get3A_297 {offsets = [12], sizes = [1], strides = [1]} : vector<16xi32> to vector<1xi32>
      %squeeze3A_479 = vector.extract %slice3A_478[0] : i32 from vector<1xi32>
      %dma_start3A_480 = arith.constant 28 : i32
      %dma_start3A_481 = arith.constant 0 : i32
      %dma_start3A_482 = tpu.memref_slice %arg7[%dma_start3A_480, %dma_start3A_481] : memref<32x64xf32, #tpu.memory_space<vmem>> -> memref<1x64xf32, #tpu.memory_space<vmem>>
      %dma_start3A_483 = tpu.memref_squeeze %dma_start3A_482 : memref<1x64xf32, #tpu.memory_space<vmem>> -> memref<64xf32, #tpu.memory_space<vmem>>
      %dma_start3A_484 = arith.constant 0 : i32
      %dma_start3A_485 = tpu.memref_slice %arg3[%squeeze3A_479, %dma_start3A_484] : memref<1000000x64xf32, #tpu.memory_space<hbm>> -> memref<1x64xf32, #tpu.memory_space<hbm>>
      %dma_start3A_486 = tpu.memref_squeeze %dma_start3A_485 : memref<1x64xf32, #tpu.memory_space<hbm>> -> memref<64xf32, #tpu.memory_space<hbm>>
      %dma_start3A_487 = arith.constant 0 : i32
      %dma_start3A_488 = tpu.memref_slice %arg7[%dma_start3A_480, %dma_start3A_487] : memref<32x64xf32, #tpu.memory_space<vmem>> -> memref<1x64xf32, #tpu.memory_space<vmem>>
      %dma_start3A_489 = tpu.memref_squeeze %dma_start3A_488 : memref<1x64xf32, #tpu.memory_space<vmem>> -> memref<64xf32, #tpu.memory_space<vmem>>
      %dma_start3A_490 = arith.constant 0 : i32
      %dma_start3A_491 = tpu.memref_slice %arg3[%squeeze3A_479, %dma_start3A_490] : memref<1000000x64xf32, #tpu.memory_space<hbm>> -> memref<1x64xf32, #tpu.memory_space<hbm>>
      %dma_start3A_492 = tpu.memref_squeeze %dma_start3A_491 : memref<1x64xf32, #tpu.memory_space<hbm>> -> memref<64xf32, #tpu.memory_space<hbm>>
      tpu.enqueue_dma source(%dma_start3A_492 : memref<64xf32, #tpu.memory_space<hbm>>) target(%dma_start3A_489 : memref<64xf32, #tpu.memory_space<vmem>>) target_semaphore(%arg11 : memref<!tpu.dma_semaphore, #tpu.memory_space<semaphore_mem>>)
      %slice3A_493 = vector.extract_strided_slice %get3A_297 {offsets = [13], sizes = [1], strides = [1]} : vector<16xi32> to vector<1xi32>
      %squeeze3A_494 = vector.extract %slice3A_493[0] : i32 from vector<1xi32>
      %dma_start3A_495 = arith.constant 29 : i32
      %dma_start3A_496 = arith.constant 0 : i32
      %dma_start3A_497 = tpu.memref_slice %arg7[%dma_start3A_495, %dma_start3A_496] : memref<32x64xf32, #tpu.memory_space<vmem>> -> memref<1x64xf32, #tpu.memory_space<vmem>>
      %dma_start3A_498 = tpu.memref_squeeze %dma_start3A_497 : memref<1x64xf32, #tpu.memory_space<vmem>> -> memref<64xf32, #tpu.memory_space<vmem>>
      %dma_start3A_499 = arith.constant 0 : i32
      %dma_start3A_500 = tpu.memref_slice %arg3[%squeeze3A_494, %dma_start3A_499] : memref<1000000x64xf32, #tpu.memory_space<hbm>> -> memref<1x64xf32, #tpu.memory_space<hbm>>
      %dma_start3A_501 = tpu.memref_squeeze %dma_start3A_500 : memref<1x64xf32, #tpu.memory_space<hbm>> -> memref<64xf32, #tpu.memory_space<hbm>>
      %dma_start3A_502 = arith.constant 0 : i32
      %dma_start3A_503 = tpu.memref_slice %arg7[%dma_start3A_495, %dma_start3A_502] : memref<32x64xf32, #tpu.memory_space<vmem>> -> memref<1x64xf32, #tpu.memory_space<vmem>>
      %dma_start3A_504 = tpu.memref_squeeze %dma_start3A_503 : memref<1x64xf32, #tpu.memory_space<vmem>> -> memref<64xf32, #tpu.memory_space<vmem>>
      %dma_start3A_505 = arith.constant 0 : i32
      %dma_start3A_506 = tpu.memref_slice %arg3[%squeeze3A_494, %dma_start3A_505] : memref<1000000x64xf32, #tpu.memory_space<hbm>> -> memref<1x64xf32, #tpu.memory_space<hbm>>
      %dma_start3A_507 = tpu.memref_squeeze %dma_start3A_506 : memref<1x64xf32, #tpu.memory_space<hbm>> -> memref<64xf32, #tpu.memory_space<hbm>>
      tpu.enqueue_dma source(%dma_start3A_507 : memref<64xf32, #tpu.memory_space<hbm>>) target(%dma_start3A_504 : memref<64xf32, #tpu.memory_space<vmem>>) target_semaphore(%arg11 : memref<!tpu.dma_semaphore, #tpu.memory_space<semaphore_mem>>)
      %slice3A_508 = vector.extract_strided_slice %get3A_297 {offsets = [14], sizes = [1], strides = [1]} : vector<16xi32> to vector<1xi32>
      %squeeze3A_509 = vector.extract %slice3A_508[0] : i32 from vector<1xi32>
      %dma_start3A_510 = arith.constant 30 : i32
      %dma_start3A_511 = arith.constant 0 : i32
      %dma_start3A_512 = tpu.memref_slice %arg7[%dma_start3A_510, %dma_start3A_511] : memref<32x64xf32, #tpu.memory_space<vmem>> -> memref<1x64xf32, #tpu.memory_space<vmem>>
      %dma_start3A_513 = tpu.memref_squeeze %dma_start3A_512 : memref<1x64xf32, #tpu.memory_space<vmem>> -> memref<64xf32, #tpu.memory_space<vmem>>
      %dma_start3A_514 = arith.constant 0 : i32
      %dma_start3A_515 = tpu.memref_slice %arg3[%squeeze3A_509, %dma_start3A_514] : memref<1000000x64xf32, #tpu.memory_space<hbm>> -> memref<1x64xf32, #tpu.memory_space<hbm>>
      %dma_start3A_516 = tpu.memref_squeeze %dma_start3A_515 : memref<1x64xf32, #tpu.memory_space<hbm>> -> memref<64xf32, #tpu.memory_space<hbm>>
      %dma_start3A_517 = arith.constant 0 : i32
      %dma_start3A_518 = tpu.memref_slice %arg7[%dma_start3A_510, %dma_start3A_517] : memref<32x64xf32, #tpu.memory_space<vmem>> -> memref<1x64xf32, #tpu.memory_space<vmem>>
      %dma_start3A_519 = tpu.memref_squeeze %dma_start3A_518 : memref<1x64xf32, #tpu.memory_space<vmem>> -> memref<64xf32, #tpu.memory_space<vmem>>
      %dma_start3A_520 = arith.constant 0 : i32
      %dma_start3A_521 = tpu.memref_slice %arg3[%squeeze3A_509, %dma_start3A_520] : memref<1000000x64xf32, #tpu.memory_space<hbm>> -> memref<1x64xf32, #tpu.memory_space<hbm>>
      %dma_start3A_522 = tpu.memref_squeeze %dma_start3A_521 : memref<1x64xf32, #tpu.memory_space<hbm>> -> memref<64xf32, #tpu.memory_space<hbm>>
      tpu.enqueue_dma source(%dma_start3A_522 : memref<64xf32, #tpu.memory_space<hbm>>) target(%dma_start3A_519 : memref<64xf32, #tpu.memory_space<vmem>>) target_semaphore(%arg11 : memref<!tpu.dma_semaphore, #tpu.memory_space<semaphore_mem>>)
      %slice3A_523 = vector.extract_strided_slice %get3A_297 {offsets = [15], sizes = [1], strides = [1]} : vector<16xi32> to vector<1xi32>
      %squeeze3A_524 = vector.extract %slice3A_523[0] : i32 from vector<1xi32>
      %dma_start3A_525 = arith.constant 31 : i32
      %dma_start3A_526 = arith.constant 0 : i32
      %dma_start3A_527 = tpu.memref_slice %arg7[%dma_start3A_525, %dma_start3A_526] : memref<32x64xf32, #tpu.memory_space<vmem>> -> memref<1x64xf32, #tpu.memory_space<vmem>>
      %dma_start3A_528 = tpu.memref_squeeze %dma_start3A_527 : memref<1x64xf32, #tpu.memory_space<vmem>> -> memref<64xf32, #tpu.memory_space<vmem>>
      %dma_start3A_529 = arith.constant 0 : i32
      %dma_start3A_530 = tpu.memref_slice %arg3[%squeeze3A_524, %dma_start3A_529] : memref<1000000x64xf32, #tpu.memory_space<hbm>> -> memref<1x64xf32, #tpu.memory_space<hbm>>
      %dma_start3A_531 = tpu.memref_squeeze %dma_start3A_530 : memref<1x64xf32, #tpu.memory_space<hbm>> -> memref<64xf32, #tpu.memory_space<hbm>>
      %dma_start3A_532 = arith.constant 0 : i32
      %dma_start3A_533 = tpu.memref_slice %arg7[%dma_start3A_525, %dma_start3A_532] : memref<32x64xf32, #tpu.memory_space<vmem>> -> memref<1x64xf32, #tpu.memory_space<vmem>>
      %dma_start3A_534 = tpu.memref_squeeze %dma_start3A_533 : memref<1x64xf32, #tpu.memory_space<vmem>> -> memref<64xf32, #tpu.memory_space<vmem>>
      %dma_start3A_535 = arith.constant 0 : i32
      %dma_start3A_536 = tpu.memref_slice %arg3[%squeeze3A_524, %dma_start3A_535] : memref<1000000x64xf32, #tpu.memory_space<hbm>> -> memref<1x64xf32, #tpu.memory_space<hbm>>
      %dma_start3A_537 = tpu.memref_squeeze %dma_start3A_536 : memref<1x64xf32, #tpu.memory_space<hbm>> -> memref<64xf32, #tpu.memory_space<hbm>>
      tpu.enqueue_dma source(%dma_start3A_537 : memref<64xf32, #tpu.memory_space<hbm>>) target(%dma_start3A_534 : memref<64xf32, #tpu.memory_space<vmem>>) target_semaphore(%arg11 : memref<!tpu.dma_semaphore, #tpu.memory_space<semaphore_mem>>)
      %dma_wait3A_538 = arith.constant 0 : i32
      %dma_wait3A_539 = arith.constant 0 : i32
      %dma_wait3A_540 = tpu.memref_slice %arg7[%dma_wait3A_538, %dma_wait3A_539] : memref<32x64xf32, #tpu.memory_space<vmem>> -> memref<1x64xf32, #tpu.memory_space<vmem>>
      %dma_wait3A_541 = tpu.memref_squeeze %dma_wait3A_540 : memref<1x64xf32, #tpu.memory_space<vmem>> -> memref<64xf32, #tpu.memory_space<vmem>>
      %dma_wait3A_542 = arith.constant 0 : i32
      %dma_wait3A_543 = tpu.memref_slice %arg3[%squeeze3A, %dma_wait3A_542] : memref<1000000x64xf32, #tpu.memory_space<hbm>> -> memref<1x64xf32, #tpu.memory_space<hbm>>
      %dma_wait3A_544 = tpu.memref_squeeze %dma_wait3A_543 : memref<1x64xf32, #tpu.memory_space<hbm>> -> memref<64xf32, #tpu.memory_space<hbm>>
      %dma_wait3A_545 = arith.constant 0 : i32
      %dma_wait3A_546 = tpu.memref_slice %arg7[%dma_wait3A_538, %dma_wait3A_545] : memref<32x64xf32, #tpu.memory_space<vmem>> -> memref<1x64xf32, #tpu.memory_space<vmem>>
      %dma_wait3A_547 = tpu.memref_squeeze %dma_wait3A_546 : memref<1x64xf32, #tpu.memory_space<vmem>> -> memref<64xf32, #tpu.memory_space<vmem>>
      %dma_wait3A_548 = arith.constant 0 : i32
      %dma_wait3A_549 = tpu.memref_slice %arg3[%squeeze3A, %dma_wait3A_548] : memref<1000000x64xf32, #tpu.memory_space<hbm>> -> memref<1x64xf32, #tpu.memory_space<hbm>>
      %dma_wait3A_550 = tpu.memref_squeeze %dma_wait3A_549 : memref<1x64xf32, #tpu.memory_space<hbm>> -> memref<64xf32, #tpu.memory_space<hbm>>
      tpu.wait_dma2 semaphore(%arg11 : memref<!tpu.dma_semaphore, #tpu.memory_space<semaphore_mem>>) src(%dma_wait3A_550 : memref<64xf32, #tpu.memory_space<hbm>>) dst(%dma_wait3A_547 : memref<64xf32, #tpu.memory_space<vmem>>)
      %dma_wait3A_551 = arith.constant 1 : i32
      %dma_wait3A_552 = arith.constant 0 : i32
      %dma_wait3A_553 = tpu.memref_slice %arg7[%dma_wait3A_551, %dma_wait3A_552] : memref<32x64xf32, #tpu.memory_space<vmem>> -> memref<1x64xf32, #tpu.memory_space<vmem>>
      %dma_wait3A_554 = tpu.memref_squeeze %dma_wait3A_553 : memref<1x64xf32, #tpu.memory_space<vmem>> -> memref<64xf32, #tpu.memory_space<vmem>>
      %dma_wait3A_555 = arith.constant 0 : i32
      %dma_wait3A_556 = tpu.memref_slice %arg3[%squeeze3A_68, %dma_wait3A_555] : memref<1000000x64xf32, #tpu.memory_space<hbm>> -> memref<1x64xf32, #tpu.memory_space<hbm>>
      %dma_wait3A_557 = tpu.memref_squeeze %dma_wait3A_556 : memref<1x64xf32, #tpu.memory_space<hbm>> -> memref<64xf32, #tpu.memory_space<hbm>>
      %dma_wait3A_558 = arith.constant 0 : i32
      %dma_wait3A_559 = tpu.memref_slice %arg7[%dma_wait3A_551, %dma_wait3A_558] : memref<32x64xf32, #tpu.memory_space<vmem>> -> memref<1x64xf32, #tpu.memory_space<vmem>>
      %dma_wait3A_560 = tpu.memref_squeeze %dma_wait3A_559 : memref<1x64xf32, #tpu.memory_space<vmem>> -> memref<64xf32, #tpu.memory_space<vmem>>
      %dma_wait3A_561 = arith.constant 0 : i32
      %dma_wait3A_562 = tpu.memref_slice %arg3[%squeeze3A_68, %dma_wait3A_561] : memref<1000000x64xf32, #tpu.memory_space<hbm>> -> memref<1x64xf32, #tpu.memory_space<hbm>>
      %dma_wait3A_563 = tpu.memref_squeeze %dma_wait3A_562 : memref<1x64xf32, #tpu.memory_space<hbm>> -> memref<64xf32, #tpu.memory_space<hbm>>
      tpu.wait_dma2 semaphore(%arg11 : memref<!tpu.dma_semaphore, #tpu.memory_space<semaphore_mem>>) src(%dma_wait3A_563 : memref<64xf32, #tpu.memory_space<hbm>>) dst(%dma_wait3A_560 : memref<64xf32, #tpu.memory_space<vmem>>)
      %dma_wait3A_564 = arith.constant 2 : i32
      %dma_wait3A_565 = arith.constant 0 : i32
      %dma_wait3A_566 = tpu.memref_slice %arg7[%dma_wait3A_564, %dma_wait3A_565] : memref<32x64xf32, #tpu.memory_space<vmem>> -> memref<1x64xf32, #tpu.memory_space<vmem>>
      %dma_wait3A_567 = tpu.memref_squeeze %dma_wait3A_566 : memref<1x64xf32, #tpu.memory_space<vmem>> -> memref<64xf32, #tpu.memory_space<vmem>>
      %dma_wait3A_568 = arith.constant 0 : i32
      %dma_wait3A_569 = tpu.memref_slice %arg3[%squeeze3A_83, %dma_wait3A_568] : memref<1000000x64xf32, #tpu.memory_space<hbm>> -> memref<1x64xf32, #tpu.memory_space<hbm>>
      %dma_wait3A_570 = tpu.memref_squeeze %dma_wait3A_569 : memref<1x64xf32, #tpu.memory_space<hbm>> -> memref<64xf32, #tpu.memory_space<hbm>>
      %dma_wait3A_571 = arith.constant 0 : i32
      %dma_wait3A_572 = tpu.memref_slice %arg7[%dma_wait3A_564, %dma_wait3A_571] : memref<32x64xf32, #tpu.memory_space<vmem>> -> memref<1x64xf32, #tpu.memory_space<vmem>>
      %dma_wait3A_573 = tpu.memref_squeeze %dma_wait3A_572 : memref<1x64xf32, #tpu.memory_space<vmem>> -> memref<64xf32, #tpu.memory_space<vmem>>
      %dma_wait3A_574 = arith.constant 0 : i32
      %dma_wait3A_575 = tpu.memref_slice %arg3[%squeeze3A_83, %dma_wait3A_574] : memref<1000000x64xf32, #tpu.memory_space<hbm>> -> memref<1x64xf32, #tpu.memory_space<hbm>>
      %dma_wait3A_576 = tpu.memref_squeeze %dma_wait3A_575 : memref<1x64xf32, #tpu.memory_space<hbm>> -> memref<64xf32, #tpu.memory_space<hbm>>
      tpu.wait_dma2 semaphore(%arg11 : memref<!tpu.dma_semaphore, #tpu.memory_space<semaphore_mem>>) src(%dma_wait3A_576 : memref<64xf32, #tpu.memory_space<hbm>>) dst(%dma_wait3A_573 : memref<64xf32, #tpu.memory_space<vmem>>)
      %dma_wait3A_577 = arith.constant 3 : i32
      %dma_wait3A_578 = arith.constant 0 : i32
      %dma_wait3A_579 = tpu.memref_slice %arg7[%dma_wait3A_577, %dma_wait3A_578] : memref<32x64xf32, #tpu.memory_space<vmem>> -> memref<1x64xf32, #tpu.memory_space<vmem>>
      %dma_wait3A_580 = tpu.memref_squeeze %dma_wait3A_579 : memref<1x64xf32, #tpu.memory_space<vmem>> -> memref<64xf32, #tpu.memory_space<vmem>>
      %dma_wait3A_581 = arith.constant 0 : i32
      %dma_wait3A_582 = tpu.memref_slice %arg3[%squeeze3A_98, %dma_wait3A_581] : memref<1000000x64xf32, #tpu.memory_space<hbm>> -> memref<1x64xf32, #tpu.memory_space<hbm>>
      %dma_wait3A_583 = tpu.memref_squeeze %dma_wait3A_582 : memref<1x64xf32, #tpu.memory_space<hbm>> -> memref<64xf32, #tpu.memory_space<hbm>>
      %dma_wait3A_584 = arith.constant 0 : i32
      %dma_wait3A_585 = tpu.memref_slice %arg7[%dma_wait3A_577, %dma_wait3A_584] : memref<32x64xf32, #tpu.memory_space<vmem>> -> memref<1x64xf32, #tpu.memory_space<vmem>>
      %dma_wait3A_586 = tpu.memref_squeeze %dma_wait3A_585 : memref<1x64xf32, #tpu.memory_space<vmem>> -> memref<64xf32, #tpu.memory_space<vmem>>
      %dma_wait3A_587 = arith.constant 0 : i32
      %dma_wait3A_588 = tpu.memref_slice %arg3[%squeeze3A_98, %dma_wait3A_587] : memref<1000000x64xf32, #tpu.memory_space<hbm>> -> memref<1x64xf32, #tpu.memory_space<hbm>>
      %dma_wait3A_589 = tpu.memref_squeeze %dma_wait3A_588 : memref<1x64xf32, #tpu.memory_space<hbm>> -> memref<64xf32, #tpu.memory_space<hbm>>
      tpu.wait_dma2 semaphore(%arg11 : memref<!tpu.dma_semaphore, #tpu.memory_space<semaphore_mem>>) src(%dma_wait3A_589 : memref<64xf32, #tpu.memory_space<hbm>>) dst(%dma_wait3A_586 : memref<64xf32, #tpu.memory_space<vmem>>)
      %dma_wait3A_590 = arith.constant 4 : i32
      %dma_wait3A_591 = arith.constant 0 : i32
      %dma_wait3A_592 = tpu.memref_slice %arg7[%dma_wait3A_590, %dma_wait3A_591] : memref<32x64xf32, #tpu.memory_space<vmem>> -> memref<1x64xf32, #tpu.memory_space<vmem>>
      %dma_wait3A_593 = tpu.memref_squeeze %dma_wait3A_592 : memref<1x64xf32, #tpu.memory_space<vmem>> -> memref<64xf32, #tpu.memory_space<vmem>>
      %dma_wait3A_594 = arith.constant 0 : i32
      %dma_wait3A_595 = tpu.memref_slice %arg3[%squeeze3A_113, %dma_wait3A_594] : memref<1000000x64xf32, #tpu.memory_space<hbm>> -> memref<1x64xf32, #tpu.memory_space<hbm>>
      %dma_wait3A_596 = tpu.memref_squeeze %dma_wait3A_595 : memref<1x64xf32, #tpu.memory_space<hbm>> -> memref<64xf32, #tpu.memory_space<hbm>>
      %dma_wait3A_597 = arith.constant 0 : i32
      %dma_wait3A_598 = tpu.memref_slice %arg7[%dma_wait3A_590, %dma_wait3A_597] : memref<32x64xf32, #tpu.memory_space<vmem>> -> memref<1x64xf32, #tpu.memory_space<vmem>>
      %dma_wait3A_599 = tpu.memref_squeeze %dma_wait3A_598 : memref<1x64xf32, #tpu.memory_space<vmem>> -> memref<64xf32, #tpu.memory_space<vmem>>
      %dma_wait3A_600 = arith.constant 0 : i32
      %dma_wait3A_601 = tpu.memref_slice %arg3[%squeeze3A_113, %dma_wait3A_600] : memref<1000000x64xf32, #tpu.memory_space<hbm>> -> memref<1x64xf32, #tpu.memory_space<hbm>>
      %dma_wait3A_602 = tpu.memref_squeeze %dma_wait3A_601 : memref<1x64xf32, #tpu.memory_space<hbm>> -> memref<64xf32, #tpu.memory_space<hbm>>
      tpu.wait_dma2 semaphore(%arg11 : memref<!tpu.dma_semaphore, #tpu.memory_space<semaphore_mem>>) src(%dma_wait3A_602 : memref<64xf32, #tpu.memory_space<hbm>>) dst(%dma_wait3A_599 : memref<64xf32, #tpu.memory_space<vmem>>)
      %dma_wait3A_603 = arith.constant 5 : i32
      %dma_wait3A_604 = arith.constant 0 : i32
      %dma_wait3A_605 = tpu.memref_slice %arg7[%dma_wait3A_603, %dma_wait3A_604] : memref<32x64xf32, #tpu.memory_space<vmem>> -> memref<1x64xf32, #tpu.memory_space<vmem>>
      %dma_wait3A_606 = tpu.memref_squeeze %dma_wait3A_605 : memref<1x64xf32, #tpu.memory_space<vmem>> -> memref<64xf32, #tpu.memory_space<vmem>>
      %dma_wait3A_607 = arith.constant 0 : i32
      %dma_wait3A_608 = tpu.memref_slice %arg3[%squeeze3A_128, %dma_wait3A_607] : memref<1000000x64xf32, #tpu.memory_space<hbm>> -> memref<1x64xf32, #tpu.memory_space<hbm>>
      %dma_wait3A_609 = tpu.memref_squeeze %dma_wait3A_608 : memref<1x64xf32, #tpu.memory_space<hbm>> -> memref<64xf32, #tpu.memory_space<hbm>>
      %dma_wait3A_610 = arith.constant 0 : i32
      %dma_wait3A_611 = tpu.memref_slice %arg7[%dma_wait3A_603, %dma_wait3A_610] : memref<32x64xf32, #tpu.memory_space<vmem>> -> memref<1x64xf32, #tpu.memory_space<vmem>>
      %dma_wait3A_612 = tpu.memref_squeeze %dma_wait3A_611 : memref<1x64xf32, #tpu.memory_space<vmem>> -> memref<64xf32, #tpu.memory_space<vmem>>
      %dma_wait3A_613 = arith.constant 0 : i32
      %dma_wait3A_614 = tpu.memref_slice %arg3[%squeeze3A_128, %dma_wait3A_613] : memref<1000000x64xf32, #tpu.memory_space<hbm>> -> memref<1x64xf32, #tpu.memory_space<hbm>>
      %dma_wait3A_615 = tpu.memref_squeeze %dma_wait3A_614 : memref<1x64xf32, #tpu.memory_space<hbm>> -> memref<64xf32, #tpu.memory_space<hbm>>
      tpu.wait_dma2 semaphore(%arg11 : memref<!tpu.dma_semaphore, #tpu.memory_space<semaphore_mem>>) src(%dma_wait3A_615 : memref<64xf32, #tpu.memory_space<hbm>>) dst(%dma_wait3A_612 : memref<64xf32, #tpu.memory_space<vmem>>)
      %dma_wait3A_616 = arith.constant 6 : i32
      %dma_wait3A_617 = arith.constant 0 : i32
      %dma_wait3A_618 = tpu.memref_slice %arg7[%dma_wait3A_616, %dma_wait3A_617] : memref<32x64xf32, #tpu.memory_space<vmem>> -> memref<1x64xf32, #tpu.memory_space<vmem>>
      %dma_wait3A_619 = tpu.memref_squeeze %dma_wait3A_618 : memref<1x64xf32, #tpu.memory_space<vmem>> -> memref<64xf32, #tpu.memory_space<vmem>>
      %dma_wait3A_620 = arith.constant 0 : i32
      %dma_wait3A_621 = tpu.memref_slice %arg3[%squeeze3A_143, %dma_wait3A_620] : memref<1000000x64xf32, #tpu.memory_space<hbm>> -> memref<1x64xf32, #tpu.memory_space<hbm>>
      %dma_wait3A_622 = tpu.memref_squeeze %dma_wait3A_621 : memref<1x64xf32, #tpu.memory_space<hbm>> -> memref<64xf32, #tpu.memory_space<hbm>>
      %dma_wait3A_623 = arith.constant 0 : i32
      %dma_wait3A_624 = tpu.memref_slice %arg7[%dma_wait3A_616, %dma_wait3A_623] : memref<32x64xf32, #tpu.memory_space<vmem>> -> memref<1x64xf32, #tpu.memory_space<vmem>>
      %dma_wait3A_625 = tpu.memref_squeeze %dma_wait3A_624 : memref<1x64xf32, #tpu.memory_space<vmem>> -> memref<64xf32, #tpu.memory_space<vmem>>
      %dma_wait3A_626 = arith.constant 0 : i32
      %dma_wait3A_627 = tpu.memref_slice %arg3[%squeeze3A_143, %dma_wait3A_626] : memref<1000000x64xf32, #tpu.memory_space<hbm>> -> memref<1x64xf32, #tpu.memory_space<hbm>>
      %dma_wait3A_628 = tpu.memref_squeeze %dma_wait3A_627 : memref<1x64xf32, #tpu.memory_space<hbm>> -> memref<64xf32, #tpu.memory_space<hbm>>
      tpu.wait_dma2 semaphore(%arg11 : memref<!tpu.dma_semaphore, #tpu.memory_space<semaphore_mem>>) src(%dma_wait3A_628 : memref<64xf32, #tpu.memory_space<hbm>>) dst(%dma_wait3A_625 : memref<64xf32, #tpu.memory_space<vmem>>)
      %dma_wait3A_629 = arith.constant 7 : i32
      %dma_wait3A_630 = arith.constant 0 : i32
      %dma_wait3A_631 = tpu.memref_slice %arg7[%dma_wait3A_629, %dma_wait3A_630] : memref<32x64xf32, #tpu.memory_space<vmem>> -> memref<1x64xf32, #tpu.memory_space<vmem>>
      %dma_wait3A_632 = tpu.memref_squeeze %dma_wait3A_631 : memref<1x64xf32, #tpu.memory_space<vmem>> -> memref<64xf32, #tpu.memory_space<vmem>>
      %dma_wait3A_633 = arith.constant 0 : i32
      %dma_wait3A_634 = tpu.memref_slice %arg3[%squeeze3A_158, %dma_wait3A_633] : memref<1000000x64xf32, #tpu.memory_space<hbm>> -> memref<1x64xf32, #tpu.memory_space<hbm>>
      %dma_wait3A_635 = tpu.memref_squeeze %dma_wait3A_634 : memref<1x64xf32, #tpu.memory_space<hbm>> -> memref<64xf32, #tpu.memory_space<hbm>>
      %dma_wait3A_636 = arith.constant 0 : i32
      %dma_wait3A_637 = tpu.memref_slice %arg7[%dma_wait3A_629, %dma_wait3A_636] : memref<32x64xf32, #tpu.memory_space<vmem>> -> memref<1x64xf32, #tpu.memory_space<vmem>>
      %dma_wait3A_638 = tpu.memref_squeeze %dma_wait3A_637 : memref<1x64xf32, #tpu.memory_space<vmem>> -> memref<64xf32, #tpu.memory_space<vmem>>
      %dma_wait3A_639 = arith.constant 0 : i32
      %dma_wait3A_640 = tpu.memref_slice %arg3[%squeeze3A_158, %dma_wait3A_639] : memref<1000000x64xf32, #tpu.memory_space<hbm>> -> memref<1x64xf32, #tpu.memory_space<hbm>>
      %dma_wait3A_641 = tpu.memref_squeeze %dma_wait3A_640 : memref<1x64xf32, #tpu.memory_space<hbm>> -> memref<64xf32, #tpu.memory_space<hbm>>
      tpu.wait_dma2 semaphore(%arg11 : memref<!tpu.dma_semaphore, #tpu.memory_space<semaphore_mem>>) src(%dma_wait3A_641 : memref<64xf32, #tpu.memory_space<hbm>>) dst(%dma_wait3A_638 : memref<64xf32, #tpu.memory_space<vmem>>)
      %dma_wait3A_642 = arith.constant 8 : i32
      %dma_wait3A_643 = arith.constant 0 : i32
      %dma_wait3A_644 = tpu.memref_slice %arg7[%dma_wait3A_642, %dma_wait3A_643] : memref<32x64xf32, #tpu.memory_space<vmem>> -> memref<1x64xf32, #tpu.memory_space<vmem>>
      %dma_wait3A_645 = tpu.memref_squeeze %dma_wait3A_644 : memref<1x64xf32, #tpu.memory_space<vmem>> -> memref<64xf32, #tpu.memory_space<vmem>>
      %dma_wait3A_646 = arith.constant 0 : i32
      %dma_wait3A_647 = tpu.memref_slice %arg3[%squeeze3A_173, %dma_wait3A_646] : memref<1000000x64xf32, #tpu.memory_space<hbm>> -> memref<1x64xf32, #tpu.memory_space<hbm>>
      %dma_wait3A_648 = tpu.memref_squeeze %dma_wait3A_647 : memref<1x64xf32, #tpu.memory_space<hbm>> -> memref<64xf32, #tpu.memory_space<hbm>>
      %dma_wait3A_649 = arith.constant 0 : i32
      %dma_wait3A_650 = tpu.memref_slice %arg7[%dma_wait3A_642, %dma_wait3A_649] : memref<32x64xf32, #tpu.memory_space<vmem>> -> memref<1x64xf32, #tpu.memory_space<vmem>>
      %dma_wait3A_651 = tpu.memref_squeeze %dma_wait3A_650 : memref<1x64xf32, #tpu.memory_space<vmem>> -> memref<64xf32, #tpu.memory_space<vmem>>
      %dma_wait3A_652 = arith.constant 0 : i32
      %dma_wait3A_653 = tpu.memref_slice %arg3[%squeeze3A_173, %dma_wait3A_652] : memref<1000000x64xf32, #tpu.memory_space<hbm>> -> memref<1x64xf32, #tpu.memory_space<hbm>>
      %dma_wait3A_654 = tpu.memref_squeeze %dma_wait3A_653 : memref<1x64xf32, #tpu.memory_space<hbm>> -> memref<64xf32, #tpu.memory_space<hbm>>
      tpu.wait_dma2 semaphore(%arg11 : memref<!tpu.dma_semaphore, #tpu.memory_space<semaphore_mem>>) src(%dma_wait3A_654 : memref<64xf32, #tpu.memory_space<hbm>>) dst(%dma_wait3A_651 : memref<64xf32, #tpu.memory_space<vmem>>)
      %dma_wait3A_655 = arith.constant 9 : i32
      %dma_wait3A_656 = arith.constant 0 : i32
      %dma_wait3A_657 = tpu.memref_slice %arg7[%dma_wait3A_655, %dma_wait3A_656] : memref<32x64xf32, #tpu.memory_space<vmem>> -> memref<1x64xf32, #tpu.memory_space<vmem>>
      %dma_wait3A_658 = tpu.memref_squeeze %dma_wait3A_657 : memref<1x64xf32, #tpu.memory_space<vmem>> -> memref<64xf32, #tpu.memory_space<vmem>>
      %dma_wait3A_659 = arith.constant 0 : i32
      %dma_wait3A_660 = tpu.memref_slice %arg3[%squeeze3A_188, %dma_wait3A_659] : memref<1000000x64xf32, #tpu.memory_space<hbm>> -> memref<1x64xf32, #tpu.memory_space<hbm>>
      %dma_wait3A_661 = tpu.memref_squeeze %dma_wait3A_660 : memref<1x64xf32, #tpu.memory_space<hbm>> -> memref<64xf32, #tpu.memory_space<hbm>>
      %dma_wait3A_662 = arith.constant 0 : i32
      %dma_wait3A_663 = tpu.memref_slice %arg7[%dma_wait3A_655, %dma_wait3A_662] : memref<32x64xf32, #tpu.memory_space<vmem>> -> memref<1x64xf32, #tpu.memory_space<vmem>>
      %dma_wait3A_664 = tpu.memref_squeeze %dma_wait3A_663 : memref<1x64xf32, #tpu.memory_space<vmem>> -> memref<64xf32, #tpu.memory_space<vmem>>
      %dma_wait3A_665 = arith.constant 0 : i32
      %dma_wait3A_666 = tpu.memref_slice %arg3[%squeeze3A_188, %dma_wait3A_665] : memref<1000000x64xf32, #tpu.memory_space<hbm>> -> memref<1x64xf32, #tpu.memory_space<hbm>>
      %dma_wait3A_667 = tpu.memref_squeeze %dma_wait3A_666 : memref<1x64xf32, #tpu.memory_space<hbm>> -> memref<64xf32, #tpu.memory_space<hbm>>
      tpu.wait_dma2 semaphore(%arg11 : memref<!tpu.dma_semaphore, #tpu.memory_space<semaphore_mem>>) src(%dma_wait3A_667 : memref<64xf32, #tpu.memory_space<hbm>>) dst(%dma_wait3A_664 : memref<64xf32, #tpu.memory_space<vmem>>)
      %dma_wait3A_668 = arith.constant 10 : i32
      %dma_wait3A_669 = arith.constant 0 : i32
      %dma_wait3A_670 = tpu.memref_slice %arg7[%dma_wait3A_668, %dma_wait3A_669] : memref<32x64xf32, #tpu.memory_space<vmem>> -> memref<1x64xf32, #tpu.memory_space<vmem>>
      %dma_wait3A_671 = tpu.memref_squeeze %dma_wait3A_670 : memref<1x64xf32, #tpu.memory_space<vmem>> -> memref<64xf32, #tpu.memory_space<vmem>>
      %dma_wait3A_672 = arith.constant 0 : i32
      %dma_wait3A_673 = tpu.memref_slice %arg3[%squeeze3A_203, %dma_wait3A_672] : memref<1000000x64xf32, #tpu.memory_space<hbm>> -> memref<1x64xf32, #tpu.memory_space<hbm>>
      %dma_wait3A_674 = tpu.memref_squeeze %dma_wait3A_673 : memref<1x64xf32, #tpu.memory_space<hbm>> -> memref<64xf32, #tpu.memory_space<hbm>>
      %dma_wait3A_675 = arith.constant 0 : i32
      %dma_wait3A_676 = tpu.memref_slice %arg7[%dma_wait3A_668, %dma_wait3A_675] : memref<32x64xf32, #tpu.memory_space<vmem>> -> memref<1x64xf32, #tpu.memory_space<vmem>>
      %dma_wait3A_677 = tpu.memref_squeeze %dma_wait3A_676 : memref<1x64xf32, #tpu.memory_space<vmem>> -> memref<64xf32, #tpu.memory_space<vmem>>
      %dma_wait3A_678 = arith.constant 0 : i32
      %dma_wait3A_679 = tpu.memref_slice %arg3[%squeeze3A_203, %dma_wait3A_678] : memref<1000000x64xf32, #tpu.memory_space<hbm>> -> memref<1x64xf32, #tpu.memory_space<hbm>>
      %dma_wait3A_680 = tpu.memref_squeeze %dma_wait3A_679 : memref<1x64xf32, #tpu.memory_space<hbm>> -> memref<64xf32, #tpu.memory_space<hbm>>
      tpu.wait_dma2 semaphore(%arg11 : memref<!tpu.dma_semaphore, #tpu.memory_space<semaphore_mem>>) src(%dma_wait3A_680 : memref<64xf32, #tpu.memory_space<hbm>>) dst(%dma_wait3A_677 : memref<64xf32, #tpu.memory_space<vmem>>)
      %dma_wait3A_681 = arith.constant 11 : i32
      %dma_wait3A_682 = arith.constant 0 : i32
      %dma_wait3A_683 = tpu.memref_slice %arg7[%dma_wait3A_681, %dma_wait3A_682] : memref<32x64xf32, #tpu.memory_space<vmem>> -> memref<1x64xf32, #tpu.memory_space<vmem>>
      %dma_wait3A_684 = tpu.memref_squeeze %dma_wait3A_683 : memref<1x64xf32, #tpu.memory_space<vmem>> -> memref<64xf32, #tpu.memory_space<vmem>>
      %dma_wait3A_685 = arith.constant 0 : i32
      %dma_wait3A_686 = tpu.memref_slice %arg3[%squeeze3A_218, %dma_wait3A_685] : memref<1000000x64xf32, #tpu.memory_space<hbm>> -> memref<1x64xf32, #tpu.memory_space<hbm>>
      %dma_wait3A_687 = tpu.memref_squeeze %dma_wait3A_686 : memref<1x64xf32, #tpu.memory_space<hbm>> -> memref<64xf32, #tpu.memory_space<hbm>>
      %dma_wait3A_688 = arith.constant 0 : i32
      %dma_wait3A_689 = tpu.memref_slice %arg7[%dma_wait3A_681, %dma_wait3A_688] : memref<32x64xf32, #tpu.memory_space<vmem>> -> memref<1x64xf32, #tpu.memory_space<vmem>>
      %dma_wait3A_690 = tpu.memref_squeeze %dma_wait3A_689 : memref<1x64xf32, #tpu.memory_space<vmem>> -> memref<64xf32, #tpu.memory_space<vmem>>
      %dma_wait3A_691 = arith.constant 0 : i32
      %dma_wait3A_692 = tpu.memref_slice %arg3[%squeeze3A_218, %dma_wait3A_691] : memref<1000000x64xf32, #tpu.memory_space<hbm>> -> memref<1x64xf32, #tpu.memory_space<hbm>>
      %dma_wait3A_693 = tpu.memref_squeeze %dma_wait3A_692 : memref<1x64xf32, #tpu.memory_space<hbm>> -> memref<64xf32, #tpu.memory_space<hbm>>
      tpu.wait_dma2 semaphore(%arg11 : memref<!tpu.dma_semaphore, #tpu.memory_space<semaphore_mem>>) src(%dma_wait3A_693 : memref<64xf32, #tpu.memory_space<hbm>>) dst(%dma_wait3A_690 : memref<64xf32, #tpu.memory_space<vmem>>)
      %dma_wait3A_694 = arith.constant 12 : i32
      %dma_wait3A_695 = arith.constant 0 : i32
      %dma_wait3A_696 = tpu.memref_slice %arg7[%dma_wait3A_694, %dma_wait3A_695] : memref<32x64xf32, #tpu.memory_space<vmem>> -> memref<1x64xf32, #tpu.memory_space<vmem>>
      %dma_wait3A_697 = tpu.memref_squeeze %dma_wait3A_696 : memref<1x64xf32, #tpu.memory_space<vmem>> -> memref<64xf32, #tpu.memory_space<vmem>>
      %dma_wait3A_698 = arith.constant 0 : i32
      %dma_wait3A_699 = tpu.memref_slice %arg3[%squeeze3A_233, %dma_wait3A_698] : memref<1000000x64xf32, #tpu.memory_space<hbm>> -> memref<1x64xf32, #tpu.memory_space<hbm>>
      %dma_wait3A_700 = tpu.memref_squeeze %dma_wait3A_699 : memref<1x64xf32, #tpu.memory_space<hbm>> -> memref<64xf32, #tpu.memory_space<hbm>>
      %dma_wait3A_701 = arith.constant 0 : i32
      %dma_wait3A_702 = tpu.memref_slice %arg7[%dma_wait3A_694, %dma_wait3A_701] : memref<32x64xf32, #tpu.memory_space<vmem>> -> memref<1x64xf32, #tpu.memory_space<vmem>>
      %dma_wait3A_703 = tpu.memref_squeeze %dma_wait3A_702 : memref<1x64xf32, #tpu.memory_space<vmem>> -> memref<64xf32, #tpu.memory_space<vmem>>
      %dma_wait3A_704 = arith.constant 0 : i32
      %dma_wait3A_705 = tpu.memref_slice %arg3[%squeeze3A_233, %dma_wait3A_704] : memref<1000000x64xf32, #tpu.memory_space<hbm>> -> memref<1x64xf32, #tpu.memory_space<hbm>>
      %dma_wait3A_706 = tpu.memref_squeeze %dma_wait3A_705 : memref<1x64xf32, #tpu.memory_space<hbm>> -> memref<64xf32, #tpu.memory_space<hbm>>
      tpu.wait_dma2 semaphore(%arg11 : memref<!tpu.dma_semaphore, #tpu.memory_space<semaphore_mem>>) src(%dma_wait3A_706 : memref<64xf32, #tpu.memory_space<hbm>>) dst(%dma_wait3A_703 : memref<64xf32, #tpu.memory_space<vmem>>)
      %dma_wait3A_707 = arith.constant 13 : i32
      %dma_wait3A_708 = arith.constant 0 : i32
      %dma_wait3A_709 = tpu.memref_slice %arg7[%dma_wait3A_707, %dma_wait3A_708] : memref<32x64xf32, #tpu.memory_space<vmem>> -> memref<1x64xf32, #tpu.memory_space<vmem>>
      %dma_wait3A_710 = tpu.memref_squeeze %dma_wait3A_709 : memref<1x64xf32, #tpu.memory_space<vmem>> -> memref<64xf32, #tpu.memory_space<vmem>>
      %dma_wait3A_711 = arith.constant 0 : i32
      %dma_wait3A_712 = tpu.memref_slice %arg3[%squeeze3A_248, %dma_wait3A_711] : memref<1000000x64xf32, #tpu.memory_space<hbm>> -> memref<1x64xf32, #tpu.memory_space<hbm>>
      %dma_wait3A_713 = tpu.memref_squeeze %dma_wait3A_712 : memref<1x64xf32, #tpu.memory_space<hbm>> -> memref<64xf32, #tpu.memory_space<hbm>>
      %dma_wait3A_714 = arith.constant 0 : i32
      %dma_wait3A_715 = tpu.memref_slice %arg7[%dma_wait3A_707, %dma_wait3A_714] : memref<32x64xf32, #tpu.memory_space<vmem>> -> memref<1x64xf32, #tpu.memory_space<vmem>>
      %dma_wait3A_716 = tpu.memref_squeeze %dma_wait3A_715 : memref<1x64xf32, #tpu.memory_space<vmem>> -> memref<64xf32, #tpu.memory_space<vmem>>
      %dma_wait3A_717 = arith.constant 0 : i32
      %dma_wait3A_718 = tpu.memref_slice %arg3[%squeeze3A_248, %dma_wait3A_717] : memref<1000000x64xf32, #tpu.memory_space<hbm>> -> memref<1x64xf32, #tpu.memory_space<hbm>>
      %dma_wait3A_719 = tpu.memref_squeeze %dma_wait3A_718 : memref<1x64xf32, #tpu.memory_space<hbm>> -> memref<64xf32, #tpu.memory_space<hbm>>
      tpu.wait_dma2 semaphore(%arg11 : memref<!tpu.dma_semaphore, #tpu.memory_space<semaphore_mem>>) src(%dma_wait3A_719 : memref<64xf32, #tpu.memory_space<hbm>>) dst(%dma_wait3A_716 : memref<64xf32, #tpu.memory_space<vmem>>)
      %dma_wait3A_720 = arith.constant 14 : i32
      %dma_wait3A_721 = arith.constant 0 : i32
      %dma_wait3A_722 = tpu.memref_slice %arg7[%dma_wait3A_720, %dma_wait3A_721] : memref<32x64xf32, #tpu.memory_space<vmem>> -> memref<1x64xf32, #tpu.memory_space<vmem>>
      %dma_wait3A_723 = tpu.memref_squeeze %dma_wait3A_722 : memref<1x64xf32, #tpu.memory_space<vmem>> -> memref<64xf32, #tpu.memory_space<vmem>>
      %dma_wait3A_724 = arith.constant 0 : i32
      %dma_wait3A_725 = tpu.memref_slice %arg3[%squeeze3A_263, %dma_wait3A_724] : memref<1000000x64xf32, #tpu.memory_space<hbm>> -> memref<1x64xf32, #tpu.memory_space<hbm>>
      %dma_wait3A_726 = tpu.memref_squeeze %dma_wait3A_725 : memref<1x64xf32, #tpu.memory_space<hbm>> -> memref<64xf32, #tpu.memory_space<hbm>>
      %dma_wait3A_727 = arith.constant 0 : i32
      %dma_wait3A_728 = tpu.memref_slice %arg7[%dma_wait3A_720, %dma_wait3A_727] : memref<32x64xf32, #tpu.memory_space<vmem>> -> memref<1x64xf32, #tpu.memory_space<vmem>>
      %dma_wait3A_729 = tpu.memref_squeeze %dma_wait3A_728 : memref<1x64xf32, #tpu.memory_space<vmem>> -> memref<64xf32, #tpu.memory_space<vmem>>
      %dma_wait3A_730 = arith.constant 0 : i32
      %dma_wait3A_731 = tpu.memref_slice %arg3[%squeeze3A_263, %dma_wait3A_730] : memref<1000000x64xf32, #tpu.memory_space<hbm>> -> memref<1x64xf32, #tpu.memory_space<hbm>>
      %dma_wait3A_732 = tpu.memref_squeeze %dma_wait3A_731 : memref<1x64xf32, #tpu.memory_space<hbm>> -> memref<64xf32, #tpu.memory_space<hbm>>
      tpu.wait_dma2 semaphore(%arg11 : memref<!tpu.dma_semaphore, #tpu.memory_space<semaphore_mem>>) src(%dma_wait3A_732 : memref<64xf32, #tpu.memory_space<hbm>>) dst(%dma_wait3A_729 : memref<64xf32, #tpu.memory_space<vmem>>)
      %dma_wait3A_733 = arith.constant 15 : i32
      %dma_wait3A_734 = arith.constant 0 : i32
      %dma_wait3A_735 = tpu.memref_slice %arg7[%dma_wait3A_733, %dma_wait3A_734] : memref<32x64xf32, #tpu.memory_space<vmem>> -> memref<1x64xf32, #tpu.memory_space<vmem>>
      %dma_wait3A_736 = tpu.memref_squeeze %dma_wait3A_735 : memref<1x64xf32, #tpu.memory_space<vmem>> -> memref<64xf32, #tpu.memory_space<vmem>>
      %dma_wait3A_737 = arith.constant 0 : i32
      %dma_wait3A_738 = tpu.memref_slice %arg3[%squeeze3A_278, %dma_wait3A_737] : memref<1000000x64xf32, #tpu.memory_space<hbm>> -> memref<1x64xf32, #tpu.memory_space<hbm>>
      %dma_wait3A_739 = tpu.memref_squeeze %dma_wait3A_738 : memref<1x64xf32, #tpu.memory_space<hbm>> -> memref<64xf32, #tpu.memory_space<hbm>>
      %dma_wait3A_740 = arith.constant 0 : i32
      %dma_wait3A_741 = tpu.memref_slice %arg7[%dma_wait3A_733, %dma_wait3A_740] : memref<32x64xf32, #tpu.memory_space<vmem>> -> memref<1x64xf32, #tpu.memory_space<vmem>>
      %dma_wait3A_742 = tpu.memref_squeeze %dma_wait3A_741 : memref<1x64xf32, #tpu.memory_space<vmem>> -> memref<64xf32, #tpu.memory_space<vmem>>
      %dma_wait3A_743 = arith.constant 0 : i32
      %dma_wait3A_744 = tpu.memref_slice %arg3[%squeeze3A_278, %dma_wait3A_743] : memref<1000000x64xf32, #tpu.memory_space<hbm>> -> memref<1x64xf32, #tpu.memory_space<hbm>>
      %dma_wait3A_745 = tpu.memref_squeeze %dma_wait3A_744 : memref<1x64xf32, #tpu.memory_space<hbm>> -> memref<64xf32, #tpu.memory_space<hbm>>
      tpu.wait_dma2 semaphore(%arg11 : memref<!tpu.dma_semaphore, #tpu.memory_space<semaphore_mem>>) src(%dma_wait3A_745 : memref<64xf32, #tpu.memory_space<hbm>>) dst(%dma_wait3A_742 : memref<64xf32, #tpu.memory_space<vmem>>)
      %dma_wait3A_746 = arith.constant 16 : i32
      %dma_wait3A_747 = arith.constant 0 : i32
      %dma_wait3A_748 = tpu.memref_slice %arg7[%dma_wait3A_746, %dma_wait3A_747] : memref<32x64xf32, #tpu.memory_space<vmem>> -> memref<1x64xf32, #tpu.memory_space<vmem>>
      %dma_wait3A_749 = tpu.memref_squeeze %dma_wait3A_748 : memref<1x64xf32, #tpu.memory_space<vmem>> -> memref<64xf32, #tpu.memory_space<vmem>>
      %dma_wait3A_750 = arith.constant 0 : i32
      %dma_wait3A_751 = tpu.memref_slice %arg3[%squeeze3A_299, %dma_wait3A_750] : memref<1000000x64xf32, #tpu.memory_space<hbm>> -> memref<1x64xf32, #tpu.memory_space<hbm>>
      %dma_wait3A_752 = tpu.memref_squeeze %dma_wait3A_751 : memref<1x64xf32, #tpu.memory_space<hbm>> -> memref<64xf32, #tpu.memory_space<hbm>>
      %dma_wait3A_753 = arith.constant 0 : i32
      %dma_wait3A_754 = tpu.memref_slice %arg7[%dma_wait3A_746, %dma_wait3A_753] : memref<32x64xf32, #tpu.memory_space<vmem>> -> memref<1x64xf32, #tpu.memory_space<vmem>>
      %dma_wait3A_755 = tpu.memref_squeeze %dma_wait3A_754 : memref<1x64xf32, #tpu.memory_space<vmem>> -> memref<64xf32, #tpu.memory_space<vmem>>
      %dma_wait3A_756 = arith.constant 0 : i32
      %dma_wait3A_757 = tpu.memref_slice %arg3[%squeeze3A_299, %dma_wait3A_756] : memref<1000000x64xf32, #tpu.memory_space<hbm>> -> memref<1x64xf32, #tpu.memory_space<hbm>>
      %dma_wait3A_758 = tpu.memref_squeeze %dma_wait3A_757 : memref<1x64xf32, #tpu.memory_space<hbm>> -> memref<64xf32, #tpu.memory_space<hbm>>
      tpu.wait_dma2 semaphore(%arg11 : memref<!tpu.dma_semaphore, #tpu.memory_space<semaphore_mem>>) src(%dma_wait3A_758 : memref<64xf32, #tpu.memory_space<hbm>>) dst(%dma_wait3A_755 : memref<64xf32, #tpu.memory_space<vmem>>)
      %dma_wait3A_759 = arith.constant 17 : i32
      %dma_wait3A_760 = arith.constant 0 : i32
      %dma_wait3A_761 = tpu.memref_slice %arg7[%dma_wait3A_759, %dma_wait3A_760] : memref<32x64xf32, #tpu.memory_space<vmem>> -> memref<1x64xf32, #tpu.memory_space<vmem>>
      %dma_wait3A_762 = tpu.memref_squeeze %dma_wait3A_761 : memref<1x64xf32, #tpu.memory_space<vmem>> -> memref<64xf32, #tpu.memory_space<vmem>>
      %dma_wait3A_763 = arith.constant 0 : i32
      %dma_wait3A_764 = tpu.memref_slice %arg3[%squeeze3A_314, %dma_wait3A_763] : memref<1000000x64xf32, #tpu.memory_space<hbm>> -> memref<1x64xf32, #tpu.memory_space<hbm>>
      %dma_wait3A_765 = tpu.memref_squeeze %dma_wait3A_764 : memref<1x64xf32, #tpu.memory_space<hbm>> -> memref<64xf32, #tpu.memory_space<hbm>>
      %dma_wait3A_766 = arith.constant 0 : i32
      %dma_wait3A_767 = tpu.memref_slice %arg7[%dma_wait3A_759, %dma_wait3A_766] : memref<32x64xf32, #tpu.memory_space<vmem>> -> memref<1x64xf32, #tpu.memory_space<vmem>>
      %dma_wait3A_768 = tpu.memref_squeeze %dma_wait3A_767 : memref<1x64xf32, #tpu.memory_space<vmem>> -> memref<64xf32, #tpu.memory_space<vmem>>
      %dma_wait3A_769 = arith.constant 0 : i32
      %dma_wait3A_770 = tpu.memref_slice %arg3[%squeeze3A_314, %dma_wait3A_769] : memref<1000000x64xf32, #tpu.memory_space<hbm>> -> memref<1x64xf32, #tpu.memory_space<hbm>>
      %dma_wait3A_771 = tpu.memref_squeeze %dma_wait3A_770 : memref<1x64xf32, #tpu.memory_space<hbm>> -> memref<64xf32, #tpu.memory_space<hbm>>
      tpu.wait_dma2 semaphore(%arg11 : memref<!tpu.dma_semaphore, #tpu.memory_space<semaphore_mem>>) src(%dma_wait3A_771 : memref<64xf32, #tpu.memory_space<hbm>>) dst(%dma_wait3A_768 : memref<64xf32, #tpu.memory_space<vmem>>)
      %dma_wait3A_772 = arith.constant 18 : i32
      %dma_wait3A_773 = arith.constant 0 : i32
      %dma_wait3A_774 = tpu.memref_slice %arg7[%dma_wait3A_772, %dma_wait3A_773] : memref<32x64xf32, #tpu.memory_space<vmem>> -> memref<1x64xf32, #tpu.memory_space<vmem>>
      %dma_wait3A_775 = tpu.memref_squeeze %dma_wait3A_774 : memref<1x64xf32, #tpu.memory_space<vmem>> -> memref<64xf32, #tpu.memory_space<vmem>>
      %dma_wait3A_776 = arith.constant 0 : i32
      %dma_wait3A_777 = tpu.memref_slice %arg3[%squeeze3A_329, %dma_wait3A_776] : memref<1000000x64xf32, #tpu.memory_space<hbm>> -> memref<1x64xf32, #tpu.memory_space<hbm>>
      %dma_wait3A_778 = tpu.memref_squeeze %dma_wait3A_777 : memref<1x64xf32, #tpu.memory_space<hbm>> -> memref<64xf32, #tpu.memory_space<hbm>>
      %dma_wait3A_779 = arith.constant 0 : i32
      %dma_wait3A_780 = tpu.memref_slice %arg7[%dma_wait3A_772, %dma_wait3A_779] : memref<32x64xf32, #tpu.memory_space<vmem>> -> memref<1x64xf32, #tpu.memory_space<vmem>>
      %dma_wait3A_781 = tpu.memref_squeeze %dma_wait3A_780 : memref<1x64xf32, #tpu.memory_space<vmem>> -> memref<64xf32, #tpu.memory_space<vmem>>
      %dma_wait3A_782 = arith.constant 0 : i32
      %dma_wait3A_783 = tpu.memref_slice %arg3[%squeeze3A_329, %dma_wait3A_782] : memref<1000000x64xf32, #tpu.memory_space<hbm>> -> memref<1x64xf32, #tpu.memory_space<hbm>>
      %dma_wait3A_784 = tpu.memref_squeeze %dma_wait3A_783 : memref<1x64xf32, #tpu.memory_space<hbm>> -> memref<64xf32, #tpu.memory_space<hbm>>
      tpu.wait_dma2 semaphore(%arg11 : memref<!tpu.dma_semaphore, #tpu.memory_space<semaphore_mem>>) src(%dma_wait3A_784 : memref<64xf32, #tpu.memory_space<hbm>>) dst(%dma_wait3A_781 : memref<64xf32, #tpu.memory_space<vmem>>)
      %dma_wait3A_785 = arith.constant 19 : i32
      %dma_wait3A_786 = arith.constant 0 : i32
      %dma_wait3A_787 = tpu.memref_slice %arg7[%dma_wait3A_785, %dma_wait3A_786] : memref<32x64xf32, #tpu.memory_space<vmem>> -> memref<1x64xf32, #tpu.memory_space<vmem>>
      %dma_wait3A_788 = tpu.memref_squeeze %dma_wait3A_787 : memref<1x64xf32, #tpu.memory_space<vmem>> -> memref<64xf32, #tpu.memory_space<vmem>>
      %dma_wait3A_789 = arith.constant 0 : i32
      %dma_wait3A_790 = tpu.memref_slice %arg3[%squeeze3A_344, %dma_wait3A_789] : memref<1000000x64xf32, #tpu.memory_space<hbm>> -> memref<1x64xf32, #tpu.memory_space<hbm>>
      %dma_wait3A_791 = tpu.memref_squeeze %dma_wait3A_790 : memref<1x64xf32, #tpu.memory_space<hbm>> -> memref<64xf32, #tpu.memory_space<hbm>>
      %dma_wait3A_792 = arith.constant 0 : i32
      %dma_wait3A_793 = tpu.memref_slice %arg7[%dma_wait3A_785, %dma_wait3A_792] : memref<32x64xf32, #tpu.memory_space<vmem>> -> memref<1x64xf32, #tpu.memory_space<vmem>>
      %dma_wait3A_794 = tpu.memref_squeeze %dma_wait3A_793 : memref<1x64xf32, #tpu.memory_space<vmem>> -> memref<64xf32, #tpu.memory_space<vmem>>
      %dma_wait3A_795 = arith.constant 0 : i32
      %dma_wait3A_796 = tpu.memref_slice %arg3[%squeeze3A_344, %dma_wait3A_795] : memref<1000000x64xf32, #tpu.memory_space<hbm>> -> memref<1x64xf32, #tpu.memory_space<hbm>>
      %dma_wait3A_797 = tpu.memref_squeeze %dma_wait3A_796 : memref<1x64xf32, #tpu.memory_space<hbm>> -> memref<64xf32, #tpu.memory_space<hbm>>
      tpu.wait_dma2 semaphore(%arg11 : memref<!tpu.dma_semaphore, #tpu.memory_space<semaphore_mem>>) src(%dma_wait3A_797 : memref<64xf32, #tpu.memory_space<hbm>>) dst(%dma_wait3A_794 : memref<64xf32, #tpu.memory_space<vmem>>)
      %dma_wait3A_798 = arith.constant 20 : i32
      %dma_wait3A_799 = arith.constant 0 : i32
      %dma_wait3A_800 = tpu.memref_slice %arg7[%dma_wait3A_798, %dma_wait3A_799] : memref<32x64xf32, #tpu.memory_space<vmem>> -> memref<1x64xf32, #tpu.memory_space<vmem>>
      %dma_wait3A_801 = tpu.memref_squeeze %dma_wait3A_800 : memref<1x64xf32, #tpu.memory_space<vmem>> -> memref<64xf32, #tpu.memory_space<vmem>>
      %dma_wait3A_802 = arith.constant 0 : i32
      %dma_wait3A_803 = tpu.memref_slice %arg3[%squeeze3A_359, %dma_wait3A_802] : memref<1000000x64xf32, #tpu.memory_space<hbm>> -> memref<1x64xf32, #tpu.memory_space<hbm>>
      %dma_wait3A_804 = tpu.memref_squeeze %dma_wait3A_803 : memref<1x64xf32, #tpu.memory_space<hbm>> -> memref<64xf32, #tpu.memory_space<hbm>>
      %dma_wait3A_805 = arith.constant 0 : i32
      %dma_wait3A_806 = tpu.memref_slice %arg7[%dma_wait3A_798, %dma_wait3A_805] : memref<32x64xf32, #tpu.memory_space<vmem>> -> memref<1x64xf32, #tpu.memory_space<vmem>>
      %dma_wait3A_807 = tpu.memref_squeeze %dma_wait3A_806 : memref<1x64xf32, #tpu.memory_space<vmem>> -> memref<64xf32, #tpu.memory_space<vmem>>
      %dma_wait3A_808 = arith.constant 0 : i32
      %dma_wait3A_809 = tpu.memref_slice %arg3[%squeeze3A_359, %dma_wait3A_808] : memref<1000000x64xf32, #tpu.memory_space<hbm>> -> memref<1x64xf32, #tpu.memory_space<hbm>>
      %dma_wait3A_810 = tpu.memref_squeeze %dma_wait3A_809 : memref<1x64xf32, #tpu.memory_space<hbm>> -> memref<64xf32, #tpu.memory_space<hbm>>
      tpu.wait_dma2 semaphore(%arg11 : memref<!tpu.dma_semaphore, #tpu.memory_space<semaphore_mem>>) src(%dma_wait3A_810 : memref<64xf32, #tpu.memory_space<hbm>>) dst(%dma_wait3A_807 : memref<64xf32, #tpu.memory_space<vmem>>)
      %dma_wait3A_811 = arith.constant 21 : i32
      %dma_wait3A_812 = arith.constant 0 : i32
      %dma_wait3A_813 = tpu.memref_slice %arg7[%dma_wait3A_811, %dma_wait3A_812] : memref<32x64xf32, #tpu.memory_space<vmem>> -> memref<1x64xf32, #tpu.memory_space<vmem>>
      %dma_wait3A_814 = tpu.memref_squeeze %dma_wait3A_813 : memref<1x64xf32, #tpu.memory_space<vmem>> -> memref<64xf32, #tpu.memory_space<vmem>>
      %dma_wait3A_815 = arith.constant 0 : i32
      %dma_wait3A_816 = tpu.memref_slice %arg3[%squeeze3A_374, %dma_wait3A_815] : memref<1000000x64xf32, #tpu.memory_space<hbm>> -> memref<1x64xf32, #tpu.memory_space<hbm>>
      %dma_wait3A_817 = tpu.memref_squeeze %dma_wait3A_816 : memref<1x64xf32, #tpu.memory_space<hbm>> -> memref<64xf32, #tpu.memory_space<hbm>>
      %dma_wait3A_818 = arith.constant 0 : i32
      %dma_wait3A_819 = tpu.memref_slice %arg7[%dma_wait3A_811, %dma_wait3A_818] : memref<32x64xf32, #tpu.memory_space<vmem>> -> memref<1x64xf32, #tpu.memory_space<vmem>>
      %dma_wait3A_820 = tpu.memref_squeeze %dma_wait3A_819 : memref<1x64xf32, #tpu.memory_space<vmem>> -> memref<64xf32, #tpu.memory_space<vmem>>
      %dma_wait3A_821 = arith.constant 0 : i32
      %dma_wait3A_822 = tpu.memref_slice %arg3[%squeeze3A_374, %dma_wait3A_821] : memref<1000000x64xf32, #tpu.memory_space<hbm>> -> memref<1x64xf32, #tpu.memory_space<hbm>>
      %dma_wait3A_823 = tpu.memref_squeeze %dma_wait3A_822 : memref<1x64xf32, #tpu.memory_space<hbm>> -> memref<64xf32, #tpu.memory_space<hbm>>
      tpu.wait_dma2 semaphore(%arg11 : memref<!tpu.dma_semaphore, #tpu.memory_space<semaphore_mem>>) src(%dma_wait3A_823 : memref<64xf32, #tpu.memory_space<hbm>>) dst(%dma_wait3A_820 : memref<64xf32, #tpu.memory_space<vmem>>)
      %dma_wait3A_824 = arith.constant 22 : i32
      %dma_wait3A_825 = arith.constant 0 : i32
      %dma_wait3A_826 = tpu.memref_slice %arg7[%dma_wait3A_824, %dma_wait3A_825] : memref<32x64xf32, #tpu.memory_space<vmem>> -> memref<1x64xf32, #tpu.memory_space<vmem>>
      %dma_wait3A_827 = tpu.memref_squeeze %dma_wait3A_826 : memref<1x64xf32, #tpu.memory_space<vmem>> -> memref<64xf32, #tpu.memory_space<vmem>>
      %dma_wait3A_828 = arith.constant 0 : i32
      %dma_wait3A_829 = tpu.memref_slice %arg3[%squeeze3A_389, %dma_wait3A_828] : memref<1000000x64xf32, #tpu.memory_space<hbm>> -> memref<1x64xf32, #tpu.memory_space<hbm>>
      %dma_wait3A_830 = tpu.memref_squeeze %dma_wait3A_829 : memref<1x64xf32, #tpu.memory_space<hbm>> -> memref<64xf32, #tpu.memory_space<hbm>>
      %dma_wait3A_831 = arith.constant 0 : i32
      %dma_wait3A_832 = tpu.memref_slice %arg7[%dma_wait3A_824, %dma_wait3A_831] : memref<32x64xf32, #tpu.memory_space<vmem>> -> memref<1x64xf32, #tpu.memory_space<vmem>>
      %dma_wait3A_833 = tpu.memref_squeeze %dma_wait3A_832 : memref<1x64xf32, #tpu.memory_space<vmem>> -> memref<64xf32, #tpu.memory_space<vmem>>
      %dma_wait3A_834 = arith.constant 0 : i32
      %dma_wait3A_835 = tpu.memref_slice %arg3[%squeeze3A_389, %dma_wait3A_834] : memref<1000000x64xf32, #tpu.memory_space<hbm>> -> memref<1x64xf32, #tpu.memory_space<hbm>>
      %dma_wait3A_836 = tpu.memref_squeeze %dma_wait3A_835 : memref<1x64xf32, #tpu.memory_space<hbm>> -> memref<64xf32, #tpu.memory_space<hbm>>
      tpu.wait_dma2 semaphore(%arg11 : memref<!tpu.dma_semaphore, #tpu.memory_space<semaphore_mem>>) src(%dma_wait3A_836 : memref<64xf32, #tpu.memory_space<hbm>>) dst(%dma_wait3A_833 : memref<64xf32, #tpu.memory_space<vmem>>)
      %dma_wait3A_837 = arith.constant 23 : i32
      %dma_wait3A_838 = arith.constant 0 : i32
      %dma_wait3A_839 = tpu.memref_slice %arg7[%dma_wait3A_837, %dma_wait3A_838] : memref<32x64xf32, #tpu.memory_space<vmem>> -> memref<1x64xf32, #tpu.memory_space<vmem>>
      %dma_wait3A_840 = tpu.memref_squeeze %dma_wait3A_839 : memref<1x64xf32, #tpu.memory_space<vmem>> -> memref<64xf32, #tpu.memory_space<vmem>>
      %dma_wait3A_841 = arith.constant 0 : i32
      %dma_wait3A_842 = tpu.memref_slice %arg3[%squeeze3A_404, %dma_wait3A_841] : memref<1000000x64xf32, #tpu.memory_space<hbm>> -> memref<1x64xf32, #tpu.memory_space<hbm>>
      %dma_wait3A_843 = tpu.memref_squeeze %dma_wait3A_842 : memref<1x64xf32, #tpu.memory_space<hbm>> -> memref<64xf32, #tpu.memory_space<hbm>>
      %dma_wait3A_844 = arith.constant 0 : i32
      %dma_wait3A_845 = tpu.memref_slice %arg7[%dma_wait3A_837, %dma_wait3A_844] : memref<32x64xf32, #tpu.memory_space<vmem>> -> memref<1x64xf32, #tpu.memory_space<vmem>>
      %dma_wait3A_846 = tpu.memref_squeeze %dma_wait3A_845 : memref<1x64xf32, #tpu.memory_space<vmem>> -> memref<64xf32, #tpu.memory_space<vmem>>
      %dma_wait3A_847 = arith.constant 0 : i32
      %dma_wait3A_848 = tpu.memref_slice %arg3[%squeeze3A_404, %dma_wait3A_847] : memref<1000000x64xf32, #tpu.memory_space<hbm>> -> memref<1x64xf32, #tpu.memory_space<hbm>>
      %dma_wait3A_849 = tpu.memref_squeeze %dma_wait3A_848 : memref<1x64xf32, #tpu.memory_space<hbm>> -> memref<64xf32, #tpu.memory_space<hbm>>
      tpu.wait_dma2 semaphore(%arg11 : memref<!tpu.dma_semaphore, #tpu.memory_space<semaphore_mem>>) src(%dma_wait3A_849 : memref<64xf32, #tpu.memory_space<hbm>>) dst(%dma_wait3A_846 : memref<64xf32, #tpu.memory_space<vmem>>)
      %dma_wait3A_850 = arith.constant 24 : i32
      %dma_wait3A_851 = arith.constant 0 : i32
      %dma_wait3A_852 = tpu.memref_slice %arg7[%dma_wait3A_850, %dma_wait3A_851] : memref<32x64xf32, #tpu.memory_space<vmem>> -> memref<1x64xf32, #tpu.memory_space<vmem>>
      %dma_wait3A_853 = tpu.memref_squeeze %dma_wait3A_852 : memref<1x64xf32, #tpu.memory_space<vmem>> -> memref<64xf32, #tpu.memory_space<vmem>>
      %dma_wait3A_854 = arith.constant 0 : i32
      %dma_wait3A_855 = tpu.memref_slice %arg3[%squeeze3A_419, %dma_wait3A_854] : memref<1000000x64xf32, #tpu.memory_space<hbm>> -> memref<1x64xf32, #tpu.memory_space<hbm>>
      %dma_wait3A_856 = tpu.memref_squeeze %dma_wait3A_855 : memref<1x64xf32, #tpu.memory_space<hbm>> -> memref<64xf32, #tpu.memory_space<hbm>>
      %dma_wait3A_857 = arith.constant 0 : i32
      %dma_wait3A_858 = tpu.memref_slice %arg7[%dma_wait3A_850, %dma_wait3A_857] : memref<32x64xf32, #tpu.memory_space<vmem>> -> memref<1x64xf32, #tpu.memory_space<vmem>>
      %dma_wait3A_859 = tpu.memref_squeeze %dma_wait3A_858 : memref<1x64xf32, #tpu.memory_space<vmem>> -> memref<64xf32, #tpu.memory_space<vmem>>
      %dma_wait3A_860 = arith.constant 0 : i32
      %dma_wait3A_861 = tpu.memref_slice %arg3[%squeeze3A_419, %dma_wait3A_860] : memref<1000000x64xf32, #tpu.memory_space<hbm>> -> memref<1x64xf32, #tpu.memory_space<hbm>>
      %dma_wait3A_862 = tpu.memref_squeeze %dma_wait3A_861 : memref<1x64xf32, #tpu.memory_space<hbm>> -> memref<64xf32, #tpu.memory_space<hbm>>
      tpu.wait_dma2 semaphore(%arg11 : memref<!tpu.dma_semaphore, #tpu.memory_space<semaphore_mem>>) src(%dma_wait3A_862 : memref<64xf32, #tpu.memory_space<hbm>>) dst(%dma_wait3A_859 : memref<64xf32, #tpu.memory_space<vmem>>)
      %dma_wait3A_863 = arith.constant 25 : i32
      %dma_wait3A_864 = arith.constant 0 : i32
      %dma_wait3A_865 = tpu.memref_slice %arg7[%dma_wait3A_863, %dma_wait3A_864] : memref<32x64xf32, #tpu.memory_space<vmem>> -> memref<1x64xf32, #tpu.memory_space<vmem>>
      %dma_wait3A_866 = tpu.memref_squeeze %dma_wait3A_865 : memref<1x64xf32, #tpu.memory_space<vmem>> -> memref<64xf32, #tpu.memory_space<vmem>>
      %dma_wait3A_867 = arith.constant 0 : i32
      %dma_wait3A_868 = tpu.memref_slice %arg3[%squeeze3A_434, %dma_wait3A_867] : memref<1000000x64xf32, #tpu.memory_space<hbm>> -> memref<1x64xf32, #tpu.memory_space<hbm>>
      %dma_wait3A_869 = tpu.memref_squeeze %dma_wait3A_868 : memref<1x64xf32, #tpu.memory_space<hbm>> -> memref<64xf32, #tpu.memory_space<hbm>>
      %dma_wait3A_870 = arith.constant 0 : i32
      %dma_wait3A_871 = tpu.memref_slice %arg7[%dma_wait3A_863, %dma_wait3A_870] : memref<32x64xf32, #tpu.memory_space<vmem>> -> memref<1x64xf32, #tpu.memory_space<vmem>>
      %dma_wait3A_872 = tpu.memref_squeeze %dma_wait3A_871 : memref<1x64xf32, #tpu.memory_space<vmem>> -> memref<64xf32, #tpu.memory_space<vmem>>
      %dma_wait3A_873 = arith.constant 0 : i32
      %dma_wait3A_874 = tpu.memref_slice %arg3[%squeeze3A_434, %dma_wait3A_873] : memref<1000000x64xf32, #tpu.memory_space<hbm>> -> memref<1x64xf32, #tpu.memory_space<hbm>>
      %dma_wait3A_875 = tpu.memref_squeeze %dma_wait3A_874 : memref<1x64xf32, #tpu.memory_space<hbm>> -> memref<64xf32, #tpu.memory_space<hbm>>
      tpu.wait_dma2 semaphore(%arg11 : memref<!tpu.dma_semaphore, #tpu.memory_space<semaphore_mem>>) src(%dma_wait3A_875 : memref<64xf32, #tpu.memory_space<hbm>>) dst(%dma_wait3A_872 : memref<64xf32, #tpu.memory_space<vmem>>)
      %dma_wait3A_876 = arith.constant 26 : i32
      %dma_wait3A_877 = arith.constant 0 : i32
      %dma_wait3A_878 = tpu.memref_slice %arg7[%dma_wait3A_876, %dma_wait3A_877] : memref<32x64xf32, #tpu.memory_space<vmem>> -> memref<1x64xf32, #tpu.memory_space<vmem>>
      %dma_wait3A_879 = tpu.memref_squeeze %dma_wait3A_878 : memref<1x64xf32, #tpu.memory_space<vmem>> -> memref<64xf32, #tpu.memory_space<vmem>>
      %dma_wait3A_880 = arith.constant 0 : i32
      %dma_wait3A_881 = tpu.memref_slice %arg3[%squeeze3A_449, %dma_wait3A_880] : memref<1000000x64xf32, #tpu.memory_space<hbm>> -> memref<1x64xf32, #tpu.memory_space<hbm>>
      %dma_wait3A_882 = tpu.memref_squeeze %dma_wait3A_881 : memref<1x64xf32, #tpu.memory_space<hbm>> -> memref<64xf32, #tpu.memory_space<hbm>>
      %dma_wait3A_883 = arith.constant 0 : i32
      %dma_wait3A_884 = tpu.memref_slice %arg7[%dma_wait3A_876, %dma_wait3A_883] : memref<32x64xf32, #tpu.memory_space<vmem>> -> memref<1x64xf32, #tpu.memory_space<vmem>>
      %dma_wait3A_885 = tpu.memref_squeeze %dma_wait3A_884 : memref<1x64xf32, #tpu.memory_space<vmem>> -> memref<64xf32, #tpu.memory_space<vmem>>
      %dma_wait3A_886 = arith.constant 0 : i32
      %dma_wait3A_887 = tpu.memref_slice %arg3[%squeeze3A_449, %dma_wait3A_886] : memref<1000000x64xf32, #tpu.memory_space<hbm>> -> memref<1x64xf32, #tpu.memory_space<hbm>>
      %dma_wait3A_888 = tpu.memref_squeeze %dma_wait3A_887 : memref<1x64xf32, #tpu.memory_space<hbm>> -> memref<64xf32, #tpu.memory_space<hbm>>
      tpu.wait_dma2 semaphore(%arg11 : memref<!tpu.dma_semaphore, #tpu.memory_space<semaphore_mem>>) src(%dma_wait3A_888 : memref<64xf32, #tpu.memory_space<hbm>>) dst(%dma_wait3A_885 : memref<64xf32, #tpu.memory_space<vmem>>)
      %dma_wait3A_889 = arith.constant 27 : i32
      %dma_wait3A_890 = arith.constant 0 : i32
      %dma_wait3A_891 = tpu.memref_slice %arg7[%dma_wait3A_889, %dma_wait3A_890] : memref<32x64xf32, #tpu.memory_space<vmem>> -> memref<1x64xf32, #tpu.memory_space<vmem>>
      %dma_wait3A_892 = tpu.memref_squeeze %dma_wait3A_891 : memref<1x64xf32, #tpu.memory_space<vmem>> -> memref<64xf32, #tpu.memory_space<vmem>>
      %dma_wait3A_893 = arith.constant 0 : i32
      %dma_wait3A_894 = tpu.memref_slice %arg3[%squeeze3A_464, %dma_wait3A_893] : memref<1000000x64xf32, #tpu.memory_space<hbm>> -> memref<1x64xf32, #tpu.memory_space<hbm>>
      %dma_wait3A_895 = tpu.memref_squeeze %dma_wait3A_894 : memref<1x64xf32, #tpu.memory_space<hbm>> -> memref<64xf32, #tpu.memory_space<hbm>>
      %dma_wait3A_896 = arith.constant 0 : i32
      %dma_wait3A_897 = tpu.memref_slice %arg7[%dma_wait3A_889, %dma_wait3A_896] : memref<32x64xf32, #tpu.memory_space<vmem>> -> memref<1x64xf32, #tpu.memory_space<vmem>>
      %dma_wait3A_898 = tpu.memref_squeeze %dma_wait3A_897 : memref<1x64xf32, #tpu.memory_space<vmem>> -> memref<64xf32, #tpu.memory_space<vmem>>
      %dma_wait3A_899 = arith.constant 0 : i32
      %dma_wait3A_900 = tpu.memref_slice %arg3[%squeeze3A_464, %dma_wait3A_899] : memref<1000000x64xf32, #tpu.memory_space<hbm>> -> memref<1x64xf32, #tpu.memory_space<hbm>>
      %dma_wait3A_901 = tpu.memref_squeeze %dma_wait3A_900 : memref<1x64xf32, #tpu.memory_space<hbm>> -> memref<64xf32, #tpu.memory_space<hbm>>
      tpu.wait_dma2 semaphore(%arg11 : memref<!tpu.dma_semaphore, #tpu.memory_space<semaphore_mem>>) src(%dma_wait3A_901 : memref<64xf32, #tpu.memory_space<hbm>>) dst(%dma_wait3A_898 : memref<64xf32, #tpu.memory_space<vmem>>)
      %dma_wait3A_902 = arith.constant 28 : i32
      %dma_wait3A_903 = arith.constant 0 : i32
      %dma_wait3A_904 = tpu.memref_slice %arg7[%dma_wait3A_902, %dma_wait3A_903] : memref<32x64xf32, #tpu.memory_space<vmem>> -> memref<1x64xf32, #tpu.memory_space<vmem>>
      %dma_wait3A_905 = tpu.memref_squeeze %dma_wait3A_904 : memref<1x64xf32, #tpu.memory_space<vmem>> -> memref<64xf32, #tpu.memory_space<vmem>>
      %dma_wait3A_906 = arith.constant 0 : i32
      %dma_wait3A_907 = tpu.memref_slice %arg3[%squeeze3A_479, %dma_wait3A_906] : memref<1000000x64xf32, #tpu.memory_space<hbm>> -> memref<1x64xf32, #tpu.memory_space<hbm>>
      %dma_wait3A_908 = tpu.memref_squeeze %dma_wait3A_907 : memref<1x64xf32, #tpu.memory_space<hbm>> -> memref<64xf32, #tpu.memory_space<hbm>>
      %dma_wait3A_909 = arith.constant 0 : i32
      %dma_wait3A_910 = tpu.memref_slice %arg7[%dma_wait3A_902, %dma_wait3A_909] : memref<32x64xf32, #tpu.memory_space<vmem>> -> memref<1x64xf32, #tpu.memory_space<vmem>>
      %dma_wait3A_911 = tpu.memref_squeeze %dma_wait3A_910 : memref<1x64xf32, #tpu.memory_space<vmem>> -> memref<64xf32, #tpu.memory_space<vmem>>
      %dma_wait3A_912 = arith.constant 0 : i32
      %dma_wait3A_913 = tpu.memref_slice %arg3[%squeeze3A_479, %dma_wait3A_912] : memref<1000000x64xf32, #tpu.memory_space<hbm>> -> memref<1x64xf32, #tpu.memory_space<hbm>>
      %dma_wait3A_914 = tpu.memref_squeeze %dma_wait3A_913 : memref<1x64xf32, #tpu.memory_space<hbm>> -> memref<64xf32, #tpu.memory_space<hbm>>
      tpu.wait_dma2 semaphore(%arg11 : memref<!tpu.dma_semaphore, #tpu.memory_space<semaphore_mem>>) src(%dma_wait3A_914 : memref<64xf32, #tpu.memory_space<hbm>>) dst(%dma_wait3A_911 : memref<64xf32, #tpu.memory_space<vmem>>)
      %dma_wait3A_915 = arith.constant 29 : i32
      %dma_wait3A_916 = arith.constant 0 : i32
      %dma_wait3A_917 = tpu.memref_slice %arg7[%dma_wait3A_915, %dma_wait3A_916] : memref<32x64xf32, #tpu.memory_space<vmem>> -> memref<1x64xf32, #tpu.memory_space<vmem>>
      %dma_wait3A_918 = tpu.memref_squeeze %dma_wait3A_917 : memref<1x64xf32, #tpu.memory_space<vmem>> -> memref<64xf32, #tpu.memory_space<vmem>>
      %dma_wait3A_919 = arith.constant 0 : i32
      %dma_wait3A_920 = tpu.memref_slice %arg3[%squeeze3A_494, %dma_wait3A_919] : memref<1000000x64xf32, #tpu.memory_space<hbm>> -> memref<1x64xf32, #tpu.memory_space<hbm>>
      %dma_wait3A_921 = tpu.memref_squeeze %dma_wait3A_920 : memref<1x64xf32, #tpu.memory_space<hbm>> -> memref<64xf32, #tpu.memory_space<hbm>>
      %dma_wait3A_922 = arith.constant 0 : i32
      %dma_wait3A_923 = tpu.memref_slice %arg7[%dma_wait3A_915, %dma_wait3A_922] : memref<32x64xf32, #tpu.memory_space<vmem>> -> memref<1x64xf32, #tpu.memory_space<vmem>>
      %dma_wait3A_924 = tpu.memref_squeeze %dma_wait3A_923 : memref<1x64xf32, #tpu.memory_space<vmem>> -> memref<64xf32, #tpu.memory_space<vmem>>
      %dma_wait3A_925 = arith.constant 0 : i32
      %dma_wait3A_926 = tpu.memref_slice %arg3[%squeeze3A_494, %dma_wait3A_925] : memref<1000000x64xf32, #tpu.memory_space<hbm>> -> memref<1x64xf32, #tpu.memory_space<hbm>>
      %dma_wait3A_927 = tpu.memref_squeeze %dma_wait3A_926 : memref<1x64xf32, #tpu.memory_space<hbm>> -> memref<64xf32, #tpu.memory_space<hbm>>
      tpu.wait_dma2 semaphore(%arg11 : memref<!tpu.dma_semaphore, #tpu.memory_space<semaphore_mem>>) src(%dma_wait3A_927 : memref<64xf32, #tpu.memory_space<hbm>>) dst(%dma_wait3A_924 : memref<64xf32, #tpu.memory_space<vmem>>)
      %dma_wait3A_928 = arith.constant 30 : i32
      %dma_wait3A_929 = arith.constant 0 : i32
      %dma_wait3A_930 = tpu.memref_slice %arg7[%dma_wait3A_928, %dma_wait3A_929] : memref<32x64xf32, #tpu.memory_space<vmem>> -> memref<1x64xf32, #tpu.memory_space<vmem>>
      %dma_wait3A_931 = tpu.memref_squeeze %dma_wait3A_930 : memref<1x64xf32, #tpu.memory_space<vmem>> -> memref<64xf32, #tpu.memory_space<vmem>>
      %dma_wait3A_932 = arith.constant 0 : i32
      %dma_wait3A_933 = tpu.memref_slice %arg3[%squeeze3A_509, %dma_wait3A_932] : memref<1000000x64xf32, #tpu.memory_space<hbm>> -> memref<1x64xf32, #tpu.memory_space<hbm>>
      %dma_wait3A_934 = tpu.memref_squeeze %dma_wait3A_933 : memref<1x64xf32, #tpu.memory_space<hbm>> -> memref<64xf32, #tpu.memory_space<hbm>>
      %dma_wait3A_935 = arith.constant 0 : i32
      %dma_wait3A_936 = tpu.memref_slice %arg7[%dma_wait3A_928, %dma_wait3A_935] : memref<32x64xf32, #tpu.memory_space<vmem>> -> memref<1x64xf32, #tpu.memory_space<vmem>>
      %dma_wait3A_937 = tpu.memref_squeeze %dma_wait3A_936 : memref<1x64xf32, #tpu.memory_space<vmem>> -> memref<64xf32, #tpu.memory_space<vmem>>
      %dma_wait3A_938 = arith.constant 0 : i32
      %dma_wait3A_939 = tpu.memref_slice %arg3[%squeeze3A_509, %dma_wait3A_938] : memref<1000000x64xf32, #tpu.memory_space<hbm>> -> memref<1x64xf32, #tpu.memory_space<hbm>>
      %dma_wait3A_940 = tpu.memref_squeeze %dma_wait3A_939 : memref<1x64xf32, #tpu.memory_space<hbm>> -> memref<64xf32, #tpu.memory_space<hbm>>
      tpu.wait_dma2 semaphore(%arg11 : memref<!tpu.dma_semaphore, #tpu.memory_space<semaphore_mem>>) src(%dma_wait3A_940 : memref<64xf32, #tpu.memory_space<hbm>>) dst(%dma_wait3A_937 : memref<64xf32, #tpu.memory_space<vmem>>)
      %dma_wait3A_941 = arith.constant 31 : i32
      %dma_wait3A_942 = arith.constant 0 : i32
      %dma_wait3A_943 = tpu.memref_slice %arg7[%dma_wait3A_941, %dma_wait3A_942] : memref<32x64xf32, #tpu.memory_space<vmem>> -> memref<1x64xf32, #tpu.memory_space<vmem>>
      %dma_wait3A_944 = tpu.memref_squeeze %dma_wait3A_943 : memref<1x64xf32, #tpu.memory_space<vmem>> -> memref<64xf32, #tpu.memory_space<vmem>>
      %dma_wait3A_945 = arith.constant 0 : i32
      %dma_wait3A_946 = tpu.memref_slice %arg3[%squeeze3A_524, %dma_wait3A_945] : memref<1000000x64xf32, #tpu.memory_space<hbm>> -> memref<1x64xf32, #tpu.memory_space<hbm>>
      %dma_wait3A_947 = tpu.memref_squeeze %dma_wait3A_946 : memref<1x64xf32, #tpu.memory_space<hbm>> -> memref<64xf32, #tpu.memory_space<hbm>>
      %dma_wait3A_948 = arith.constant 0 : i32
      %dma_wait3A_949 = tpu.memref_slice %arg7[%dma_wait3A_941, %dma_wait3A_948] : memref<32x64xf32, #tpu.memory_space<vmem>> -> memref<1x64xf32, #tpu.memory_space<vmem>>
      %dma_wait3A_950 = tpu.memref_squeeze %dma_wait3A_949 : memref<1x64xf32, #tpu.memory_space<vmem>> -> memref<64xf32, #tpu.memory_space<vmem>>
      %dma_wait3A_951 = arith.constant 0 : i32
      %dma_wait3A_952 = tpu.memref_slice %arg3[%squeeze3A_524, %dma_wait3A_951] : memref<1000000x64xf32, #tpu.memory_space<hbm>> -> memref<1x64xf32, #tpu.memory_space<hbm>>
      %dma_wait3A_953 = tpu.memref_squeeze %dma_wait3A_952 : memref<1x64xf32, #tpu.memory_space<hbm>> -> memref<64xf32, #tpu.memory_space<hbm>>
      tpu.wait_dma2 semaphore(%arg11 : memref<!tpu.dma_semaphore, #tpu.memory_space<semaphore_mem>>) src(%dma_wait3A_953 : memref<64xf32, #tpu.memory_space<hbm>>) dst(%dma_wait3A_950 : memref<64xf32, #tpu.memory_space<vmem>>)
      %get3A_954 = arith.constant 0 : i32
      %get3A_955 = arith.index_cast %get3A_954 : i32 to index
      %get3A_956 = arith.constant 0 : index
      %get3A_957 = tpu.vector_load %arg7[%get3A_955, %get3A_956] {strides = array<i32>} : memref<32x64xf32, #tpu.memory_space<vmem>>, vector<1x16xf32>,
      %get3A_958 = vector.shape_cast %get3A_957 : vector<1x16xf32> to vector<16xf32>
      %mul3A_959 = arith.constant 8.000000e+00 : f32
      %mul3A_960 = vector.broadcast %mul3A_959 : f32 to vector<16xf32>
      %mul3A_961 = arith.mulf %get3A_958, %mul3A_960 : vector<16xf32>
      %add3A_962 = arith.constant 0 : i32
      %add3A_963 = arith.addi %mul3A_42, %add3A_962 : i32
      %get3A_964 = arith.index_cast %add3A_963 : i32 to index
      %get3A_965 = arith.constant 0 : index
      %get3A_966 = tpu.vector_load %arg9[%get3A_964, %get3A_965] {strides = array<i32>} : memref<64x64xf32, #tpu.memory_space<vmem>>, vector<1x16xf32>,
      %get3A_967 = vector.shape_cast %get3A_966 : vector<1x16xf32> to vector<16xf32>
      %add3A_968 = arith.addf %mul3A_961, %get3A_967 : vector<16xf32>
      %swap3A = arith.constant 0 : i32
      %swap3A_969 = arith.index_cast %swap3A : i32 to index
      %swap3A_970 = arith.constant 0 : index
      %swap3A_971 = tpu.vector_load %arg8[%swap3A_969, %swap3A_970] {strides = array<i32>} : memref<32x64xf32, #tpu.memory_space<vmem>>, vector<1x16xf32>,
      %swap3A_972 = vector.shape_cast %swap3A_971 : vector<1x16xf32> to vector<16xf32>
      %swap3A_973 = vector.shape_cast %add3A_968 : vector<16xf32> to vector<1x16xf32>
      tpu.vector_store %arg8[%swap3A_969, %swap3A_970], %swap3A_973 {strides = array<i32>} : memref<32x64xf32, #tpu.memory_space<vmem>>, vector<1x16xf32>,
      %get3A_974 = arith.constant 0 : i32
      %get3A_975 = arith.index_cast %get3A_974 : i32 to index
      %get3A_976 = arith.constant 16 : index
      %get3A_977 = tpu.vector_load %arg7[%get3A_975, %get3A_976] {strides = array<i32>} : memref<32x64xf32, #tpu.memory_space<vmem>>, vector<1x16xf32>,
      %get3A_978 = vector.shape_cast %get3A_977 : vector<1x16xf32> to vector<16xf32>
      %mul3A_979 = arith.constant 8.000000e+00 : f32
      %mul3A_980 = vector.broadcast %mul3A_979 : f32 to vector<16xf32>
      %mul3A_981 = arith.mulf %get3A_978, %mul3A_980 : vector<16xf32>
      %add3A_982 = arith.constant 0 : i32
      %add3A_983 = arith.addi %mul3A_42, %add3A_982 : i32
      %get3A_984 = arith.index_cast %add3A_983 : i32 to index
      %get3A_985 = arith.constant 16 : index
      %get3A_986 = tpu.vector_load %arg9[%get3A_984, %get3A_985] {strides = array<i32>} : memref<64x64xf32, #tpu.memory_space<vmem>>, vector<1x16xf32>,
      %get3A_987 = vector.shape_cast %get3A_986 : vector<1x16xf32> to vector<16xf32>
      %add3A_988 = arith.addf %mul3A_981, %get3A_987 : vector<16xf32>
      %swap3A_989 = arith.constant 0 : i32
      %swap3A_990 = arith.index_cast %swap3A_989 : i32 to index
      %swap3A_991 = arith.constant 16 : index
      %swap3A_992 = tpu.vector_load %arg8[%swap3A_990, %swap3A_991] {strides = array<i32>} : memref<32x64xf32, #tpu.memory_space<vmem>>, vector<1x16xf32>,
      %swap3A_993 = vector.shape_cast %swap3A_992 : vector<1x16xf32> to vector<16xf32>
      %swap3A_994 = vector.shape_cast %add3A_988 : vector<16xf32> to vector<1x16xf32>
      tpu.vector_store %arg8[%swap3A_990, %swap3A_991], %swap3A_994 {strides = array<i32>} : memref<32x64xf32, #tpu.memory_space<vmem>>, vector<1x16xf32>,
      %get3A_995 = arith.constant 0 : i32
      %get3A_996 = arith.index_cast %get3A_995 : i32 to index
      %get3A_997 = arith.constant 32 : index
      %get3A_998 = tpu.vector_load %arg7[%get3A_996, %get3A_997] {strides = array<i32>} : memref<32x64xf32, #tpu.memory_space<vmem>>, vector<1x16xf32>,
      %get3A_999 = vector.shape_cast %get3A_998 : vector<1x16xf32> to vector<16xf32>
      %mul3A_1000 = arith.constant 8.000000e+00 : f32
      %mul3A_1001 = vector.broadcast %mul3A_1000 : f32 to vector<16xf32>
      %mul3A_1002 = arith.mulf %get3A_999, %mul3A_1001 : vector<16xf32>
      %add3A_1003 = arith.constant 0 : i32
      %add3A_1004 = arith.addi %mul3A_42, %add3A_1003 : i32
      %get3A_1005 = arith.index_cast %add3A_1004 : i32 to index
      %get3A_1006 = arith.constant 32 : index
      %get3A_1007 = tpu.vector_load %arg9[%get3A_1005, %get3A_1006] {strides = array<i32>} : memref<64x64xf32, #tpu.memory_space<vmem>>, vector<1x16xf32>,
      %get3A_1008 = vector.shape_cast %get3A_1007 : vector<1x16xf32> to vector<16xf32>
      %add3A_1009 = arith.addf %mul3A_1002, %get3A_1008 : vector<16xf32>
      %swap3A_1010 = arith.constant 0 : i32
      %swap3A_1011 = arith.index_cast %swap3A_1010 : i32 to index
      %swap3A_1012 = arith.constant 32 : index
      %swap3A_1013 = tpu.vector_load %arg8[%swap3A_1011, %swap3A_1012] {strides = array<i32>} : memref<32x64xf32, #tpu.memory_space<vmem>>, vector<1x16xf32>,
      %swap3A_1014 = vector.shape_cast %swap3A_1013 : vector<1x16xf32> to vector<16xf32>
      %swap3A_1015 = vector.shape_cast %add3A_1009 : vector<16xf32> to vector<1x16xf32>
      tpu.vector_store %arg8[%swap3A_1011, %swap3A_1012], %swap3A_1015 {strides = array<i32>} : memref<32x64xf32, #tpu.memory_space<vmem>>, vector<1x16xf32>,
      %get3A_1016 = arith.constant 0 : i32
      %get3A_1017 = arith.index_cast %get3A_1016 : i32 to index
      %get3A_1018 = arith.constant 48 : index
      %get3A_1019 = tpu.vector_load %arg7[%get3A_1017, %get3A_1018] {strides = array<i32>} : memref<32x64xf32, #tpu.memory_space<vmem>>, vector<1x16xf32>,
      %get3A_1020 = vector.shape_cast %get3A_1019 : vector<1x16xf32> to vector<16xf32>
      %mul3A_1021 = arith.constant 8.000000e+00 : f32
      %mul3A_1022 = vector.broadcast %mul3A_1021 : f32 to vector<16xf32>
      %mul3A_1023 = arith.mulf %get3A_1020, %mul3A_1022 : vector<16xf32>
      %add3A_1024 = arith.constant 0 : i32
      %add3A_1025 = arith.addi %mul3A_42, %add3A_1024 : i32
      %get3A_1026 = arith.index_cast %add3A_1025 : i32 to index
      %get3A_1027 = arith.constant 48 : index
      %get3A_1028 = tpu.vector_load %arg9[%get3A_1026, %get3A_1027] {strides = array<i32>} : memref<64x64xf32, #tpu.memory_space<vmem>>, vector<1x16xf32>,
      %get3A_1029 = vector.shape_cast %get3A_1028 : vector<1x16xf32> to vector<16xf32>
      %add3A_1030 = arith.addf %mul3A_1023, %get3A_1029 : vector<16xf32>
      %swap3A_1031 = arith.constant 0 : i32
      %swap3A_1032 = arith.index_cast %swap3A_1031 : i32 to index
      %swap3A_1033 = arith.constant 48 : index
      %swap3A_1034 = tpu.vector_load %arg8[%swap3A_1032, %swap3A_1033] {strides = array<i32>} : memref<32x64xf32, #tpu.memory_space<vmem>>, vector<1x16xf32>,
      %swap3A_1035 = vector.shape_cast %swap3A_1034 : vector<1x16xf32> to vector<16xf32>
      %swap3A_1036 = vector.shape_cast %add3A_1030 : vector<16xf32> to vector<1x16xf32>
      tpu.vector_store %arg8[%swap3A_1032, %swap3A_1033], %swap3A_1036 {strides = array<i32>} : memref<32x64xf32, #tpu.memory_space<vmem>>, vector<1x16xf32>,
      %get3A_1037 = arith.constant 1 : i32
      %get3A_1038 = arith.index_cast %get3A_1037 : i32 to index
      %get3A_1039 = arith.constant 0 : index
      %get3A_1040 = tpu.vector_load %arg7[%get3A_1038, %get3A_1039] {strides = array<i32>} : memref<32x64xf32, #tpu.memory_space<vmem>>, vector<1x16xf32>,
      %get3A_1041 = vector.shape_cast %get3A_1040 : vector<1x16xf32> to vector<16xf32>
      %mul3A_1042 = arith.constant 8.000000e+00 : f32
      %mul3A_1043 = vector.broadcast %mul3A_1042 : f32 to vector<16xf32>
      %mul3A_1044 = arith.mulf %get3A_1041, %mul3A_1043 : vector<16xf32>
      %add3A_1045 = arith.constant 1 : i32
      %add3A_1046 = arith.addi %mul3A_42, %add3A_1045 : i32
      %get3A_1047 = arith.index_cast %add3A_1046 : i32 to index
      %get3A_1048 = arith.constant 0 : index
      %get3A_1049 = tpu.vector_load %arg9[%get3A_1047, %get3A_1048] {strides = array<i32>} : memref<64x64xf32, #tpu.memory_space<vmem>>, vector<1x16xf32>,
      %get3A_1050 = vector.shape_cast %get3A_1049 : vector<1x16xf32> to vector<16xf32>
      %add3A_1051 = arith.addf %mul3A_1044, %get3A_1050 : vector<16xf32>
      %swap3A_1052 = arith.constant 1 : i32
      %swap3A_1053 = arith.index_cast %swap3A_1052 : i32 to index
      %swap3A_1054 = arith.constant 0 : index
      %swap3A_1055 = tpu.vector_load %arg8[%swap3A_1053, %swap3A_1054] {strides = array<i32>} : memref<32x64xf32, #tpu.memory_space<vmem>>, vector<1x16xf32>,
      %swap3A_1056 = vector.shape_cast %swap3A_1055 : vector<1x16xf32> to vector<16xf32>
      %swap3A_1057 = vector.shape_cast %add3A_1051 : vector<16xf32> to vector<1x16xf32>
      tpu.vector_store %arg8[%swap3A_1053, %swap3A_1054], %swap3A_1057 {strides = array<i32>} : memref<32x64xf32, #tpu.memory_space<vmem>>, vector<1x16xf32>,
      %get3A_1058 = arith.constant 1 : i32
      %get3A_1059 = arith.index_cast %get3A_1058 : i32 to index
      %get3A_1060 = arith.constant 16 : index
      %get3A_1061 = tpu.vector_load %arg7[%get3A_1059, %get3A_1060] {strides = array<i32>} : memref<32x64xf32, #tpu.memory_space<vmem>>, vector<1x16xf32>,
      %get3A_1062 = vector.shape_cast %get3A_1061 : vector<1x16xf32> to vector<16xf32>
      %mul3A_1063 = arith.constant 8.000000e+00 : f32
      %mul3A_1064 = vector.broadcast %mul3A_1063 : f32 to vector<16xf32>
      %mul3A_1065 = arith.mulf %get3A_1062, %mul3A_1064 : vector<16xf32>
      %add3A_1066 = arith.constant 1 : i32
      %add3A_1067 = arith.addi %mul3A_42, %add3A_1066 : i32
      %get3A_1068 = arith.index_cast %add3A_1067 : i32 to index
      %get3A_1069 = arith.constant 16 : index
      %get3A_1070 = tpu.vector_load %arg9[%get3A_1068, %get3A_1069] {strides = array<i32>} : memref<64x64xf32, #tpu.memory_space<vmem>>, vector<1x16xf32>,
      %get3A_1071 = vector.shape_cast %get3A_1070 : vector<1x16xf32> to vector<16xf32>
      %add3A_1072 = arith.addf %mul3A_1065, %get3A_1071 : vector<16xf32>
      %swap3A_1073 = arith.constant 1 : i32
      %swap3A_1074 = arith.index_cast %swap3A_1073 : i32 to index
      %swap3A_1075 = arith.constant 16 : index
      %swap3A_1076 = tpu.vector_load %arg8[%swap3A_1074, %swap3A_1075] {strides = array<i32>} : memref<32x64xf32, #tpu.memory_space<vmem>>, vector<1x16xf32>,
      %swap3A_1077 = vector.shape_cast %swap3A_1076 : vector<1x16xf32> to vector<16xf32>
      %swap3A_1078 = vector.shape_cast %add3A_1072 : vector<16xf32> to vector<1x16xf32>
      tpu.vector_store %arg8[%swap3A_1074, %swap3A_1075], %swap3A_1078 {strides = array<i32>} : memref<32x64xf32, #tpu.memory_space<vmem>>, vector<1x16xf32>,
      %get3A_1079 = arith.constant 1 : i32
      %get3A_1080 = arith.index_cast %get3A_1079 : i32 to index
      %get3A_1081 = arith.constant 32 : index
      %get3A_1082 = tpu.vector_load %arg7[%get3A_1080, %get3A_1081] {strides = array<i32>} : memref<32x64xf32, #tpu.memory_space<vmem>>, vector<1x16xf32>,
      %get3A_1083 = vector.shape_cast %get3A_1082 : vector<1x16xf32> to vector<16xf32>
      %mul3A_1084 = arith.constant 8.000000e+00 : f32
      %mul3A_1085 = vector.broadcast %mul3A_1084 : f32 to vector<16xf32>
      %mul3A_1086 = arith.mulf %get3A_1083, %mul3A_1085 : vector<16xf32>
      %add3A_1087 = arith.constant 1 : i32
      %add3A_1088 = arith.addi %mul3A_42, %add3A_1087 : i32
      %get3A_1089 = arith.index_cast %add3A_1088 : i32 to index
      %get3A_1090 = arith.constant 32 : index
      %get3A_1091 = tpu.vector_load %arg9[%get3A_1089, %get3A_1090] {strides = array<i32>} : memref<64x64xf32, #tpu.memory_space<vmem>>, vector<1x16xf32>,
      %get3A_1092 = vector.shape_cast %get3A_1091 : vector<1x16xf32> to vector<16xf32>
      %add3A_1093 = arith.addf %mul3A_1086, %get3A_1092 : vector<16xf32>
      %swap3A_1094 = arith.constant 1 : i32
      %swap3A_1095 = arith.index_cast %swap3A_1094 : i32 to index
      %swap3A_1096 = arith.constant 32 : index
      %swap3A_1097 = tpu.vector_load %arg8[%swap3A_1095, %swap3A_1096] {strides = array<i32>} : memref<32x64xf32, #tpu.memory_space<vmem>>, vector<1x16xf32>,
      %swap3A_1098 = vector.shape_cast %swap3A_1097 : vector<1x16xf32> to vector<16xf32>
      %swap3A_1099 = vector.shape_cast %add3A_1093 : vector<16xf32> to vector<1x16xf32>
      tpu.vector_store %arg8[%swap3A_1095, %swap3A_1096], %swap3A_1099 {strides = array<i32>} : memref<32x64xf32, #tpu.memory_space<vmem>>, vector<1x16xf32>,
      %get3A_1100 = arith.constant 1 : i32
      %get3A_1101 = arith.index_cast %get3A_1100 : i32 to index
      %get3A_1102 = arith.constant 48 : index
      %get3A_1103 = tpu.vector_load %arg7[%get3A_1101, %get3A_1102] {strides = array<i32>} : memref<32x64xf32, #tpu.memory_space<vmem>>, vector<1x16xf32>,
      %get3A_1104 = vector.shape_cast %get3A_1103 : vector<1x16xf32> to vector<16xf32>
      %mul3A_1105 = arith.constant 8.000000e+00 : f32
      %mul3A_1106 = vector.broadcast %mul3A_1105 : f32 to vector<16xf32>
      %mul3A_1107 = arith.mulf %get3A_1104, %mul3A_1106 : vector<16xf32>
      %add3A_1108 = arith.constant 1 : i32
      %add3A_1109 = arith.addi %mul3A_42, %add3A_1108 : i32
      %get3A_1110 = arith.index_cast %add3A_1109 : i32 to index
      %get3A_1111 = arith.constant 48 : index
      %get3A_1112 = tpu.vector_load %arg9[%get3A_1110, %get3A_1111] {strides = array<i32>} : memref<64x64xf32, #tpu.memory_space<vmem>>, vector<1x16xf32>,
      %get3A_1113 = vector.shape_cast %get3A_1112 : vector<1x16xf32> to vector<16xf32>
      %add3A_1114 = arith.addf %mul3A_1107, %get3A_1113 : vector<16xf32>
      %swap3A_1115 = arith.constant 1 : i32
      %swap3A_1116 = arith.index_cast %swap3A_1115 : i32 to index
      %swap3A_1117 = arith.constant 48 : index
      %swap3A_1118 = tpu.vector_load %arg8[%swap3A_1116, %swap3A_1117] {strides = array<i32>} : memref<32x64xf32, #tpu.memory_space<vmem>>, vector<1x16xf32>,
      %swap3A_1119 = vector.shape_cast %swap3A_1118 : vector<1x16xf32> to vector<16xf32>
      %swap3A_1120 = vector.shape_cast %add3A_1114 : vector<16xf32> to vector<1x16xf32>
      tpu.vector_store %arg8[%swap3A_1116, %swap3A_1117], %swap3A_1120 {strides = array<i32>} : memref<32x64xf32, #tpu.memory_space<vmem>>, vector<1x16xf32>,
      %get3A_1121 = arith.constant 2 : i32
      %get3A_1122 = arith.index_cast %get3A_1121 : i32 to index
      %get3A_1123 = arith.constant 0 : index
      %get3A_1124 = tpu.vector_load %arg7[%get3A_1122, %get3A_1123] {strides = array<i32>} : memref<32x64xf32, #tpu.memory_space<vmem>>, vector<1x16xf32>,
      %get3A_1125 = vector.shape_cast %get3A_1124 : vector<1x16xf32> to vector<16xf32>
      %mul3A_1126 = arith.constant 8.000000e+00 : f32
      %mul3A_1127 = vector.broadcast %mul3A_1126 : f32 to vector<16xf32>
      %mul3A_1128 = arith.mulf %get3A_1125, %mul3A_1127 : vector<16xf32>
      %add3A_1129 = arith.constant 2 : i32
      %add3A_1130 = arith.addi %mul3A_42, %add3A_1129 : i32
      %get3A_1131 = arith.index_cast %add3A_1130 : i32 to index
      %get3A_1132 = arith.constant 0 : index
      %get3A_1133 = tpu.vector_load %arg9[%get3A_1131, %get3A_1132] {strides = array<i32>} : memref<64x64xf32, #tpu.memory_space<vmem>>, vector<1x16xf32>,
      %get3A_1134 = vector.shape_cast %get3A_1133 : vector<1x16xf32> to vector<16xf32>
      %add3A_1135 = arith.addf %mul3A_1128, %get3A_1134 : vector<16xf32>
      %swap3A_1136 = arith.constant 2 : i32
      %swap3A_1137 = arith.index_cast %swap3A_1136 : i32 to index
      %swap3A_1138 = arith.constant 0 : index
      %swap3A_1139 = tpu.vector_load %arg8[%swap3A_1137, %swap3A_1138] {strides = array<i32>} : memref<32x64xf32, #tpu.memory_space<vmem>>, vector<1x16xf32>,
      %swap3A_1140 = vector.shape_cast %swap3A_1139 : vector<1x16xf32> to vector<16xf32>
      %swap3A_1141 = vector.shape_cast %add3A_1135 : vector<16xf32> to vector<1x16xf32>
      tpu.vector_store %arg8[%swap3A_1137, %swap3A_1138], %swap3A_1141 {strides = array<i32>} : memref<32x64xf32, #tpu.memory_space<vmem>>, vector<1x16xf32>,
      %get3A_1142 = arith.constant 2 : i32
      %get3A_1143 = arith.index_cast %get3A_1142 : i32 to index
      %get3A_1144 = arith.constant 16 : index
      %get3A_1145 = tpu.vector_load %arg7[%get3A_1143, %get3A_1144] {strides = array<i32>} : memref<32x64xf32, #tpu.memory_space<vmem>>, vector<1x16xf32>,
      %get3A_1146 = vector.shape_cast %get3A_1145 : vector<1x16xf32> to vector<16xf32>
      %mul3A_1147 = arith.constant 8.000000e+00 : f32
      %mul3A_1148 = vector.broadcast %mul3A_1147 : f32 to vector<16xf32>
      %mul3A_1149 = arith.mulf %get3A_1146, %mul3A_1148 : vector<16xf32>
      %add3A_1150 = arith.constant 2 : i32
      %add3A_1151 = arith.addi %mul3A_42, %add3A_1150 : i32
      %get3A_1152 = arith.index_cast %add3A_1151 : i32 to index
      %get3A_1153 = arith.constant 16 : index
      %get3A_1154 = tpu.vector_load %arg9[%get3A_1152, %get3A_1153] {strides = array<i32>} : memref<64x64xf32, #tpu.memory_space<vmem>>, vector<1x16xf32>,
      %get3A_1155 = vector.shape_cast %get3A_1154 : vector<1x16xf32> to vector<16xf32>
      %add3A_1156 = arith.addf %mul3A_1149, %get3A_1155 : vector<16xf32>
      %swap3A_1157 = arith.constant 2 : i32
      %swap3A_1158 = arith.index_cast %swap3A_1157 : i32 to index
      %swap3A_1159 = arith.constant 16 : index
      %swap3A_1160 = tpu.vector_load %arg8[%swap3A_1158, %swap3A_1159] {strides = array<i32>} : memref<32x64xf32, #tpu.memory_space<vmem>>, vector<1x16xf32>,
      %swap3A_1161 = vector.shape_cast %swap3A_1160 : vector<1x16xf32> to vector<16xf32>
      %swap3A_1162 = vector.shape_cast %add3A_1156 : vector<16xf32> to vector<1x16xf32>
      tpu.vector_store %arg8[%swap3A_1158, %swap3A_1159], %swap3A_1162 {strides = array<i32>} : memref<32x64xf32, #tpu.memory_space<vmem>>, vector<1x16xf32>,
      %get3A_1163 = arith.constant 2 : i32
      %get3A_1164 = arith.index_cast %get3A_1163 : i32 to index
      %get3A_1165 = arith.constant 32 : index
      %get3A_1166 = tpu.vector_load %arg7[%get3A_1164, %get3A_1165] {strides = array<i32>} : memref<32x64xf32, #tpu.memory_space<vmem>>, vector<1x16xf32>,
      %get3A_1167 = vector.shape_cast %get3A_1166 : vector<1x16xf32> to vector<16xf32>
      %mul3A_1168 = arith.constant 8.000000e+00 : f32
      %mul3A_1169 = vector.broadcast %mul3A_1168 : f32 to vector<16xf32>
      %mul3A_1170 = arith.mulf %get3A_1167, %mul3A_1169 : vector<16xf32>
      %add3A_1171 = arith.constant 2 : i32
      %add3A_1172 = arith.addi %mul3A_42, %add3A_1171 : i32
      %get3A_1173 = arith.index_cast %add3A_1172 : i32 to index
      %get3A_1174 = arith.constant 32 : index
      %get3A_1175 = tpu.vector_load %arg9[%get3A_1173, %get3A_1174] {strides = array<i32>} : memref<64x64xf32, #tpu.memory_space<vmem>>, vector<1x16xf32>,
      %get3A_1176 = vector.shape_cast %get3A_1175 : vector<1x16xf32> to vector<16xf32>
      %add3A_1177 = arith.addf %mul3A_1170, %get3A_1176 : vector<16xf32>
      %swap3A_1178 = arith.constant 2 : i32
      %swap3A_1179 = arith.index_cast %swap3A_1178 : i32 to index
      %swap3A_1180 = arith.constant 32 : index
      %swap3A_1181 = tpu.vector_load %arg8[%swap3A_1179, %swap3A_1180] {strides = array<i32>} : memref<32x64xf32, #tpu.memory_space<vmem>>, vector<1x16xf32>,
      %swap3A_1182 = vector.shape_cast %swap3A_1181 : vector<1x16xf32> to vector<16xf32>
      %swap3A_1183 = vector.shape_cast %add3A_1177 : vector<16xf32> to vector<1x16xf32>
      tpu.vector_store %arg8[%swap3A_1179, %swap3A_1180], %swap3A_1183 {strides = array<i32>} : memref<32x64xf32, #tpu.memory_space<vmem>>, vector<1x16xf32>,
      %get3A_1184 = arith.constant 2 : i32
      %get3A_1185 = arith.index_cast %get3A_1184 : i32 to index
      %get3A_1186 = arith.constant 48 : index
      %get3A_1187 = tpu.vector_load %arg7[%get3A_1185, %get3A_1186] {strides = array<i32>} : memref<32x64xf32, #tpu.memory_space<vmem>>, vector<1x16xf32>,
      %get3A_1188 = vector.shape_cast %get3A_1187 : vector<1x16xf32> to vector<16xf32>
      %mul3A_1189 = arith.constant 8.000000e+00 : f32
      %mul3A_1190 = vector.broadcast %mul3A_1189 : f32 to vector<16xf32>
      %mul3A_1191 = arith.mulf %get3A_1188, %mul3A_1190 : vector<16xf32>
      %add3A_1192 = arith.constant 2 : i32
      %add3A_1193 = arith.addi %mul3A_42, %add3A_1192 : i32
      %get3A_1194 = arith.index_cast %add3A_1193 : i32 to index
      %get3A_1195 = arith.constant 48 : index
      %get3A_1196 = tpu.vector_load %arg9[%get3A_1194, %get3A_1195] {strides = array<i32>} : memref<64x64xf32, #tpu.memory_space<vmem>>, vector<1x16xf32>,
      %get3A_1197 = vector.shape_cast %get3A_1196 : vector<1x16xf32> to vector<16xf32>
      %add3A_1198 = arith.addf %mul3A_1191, %get3A_1197 : vector<16xf32>
      %swap3A_1199 = arith.constant 2 : i32
      %swap3A_1200 = arith.index_cast %swap3A_1199 : i32 to index
      %swap3A_1201 = arith.constant 48 : index
      %swap3A_1202 = tpu.vector_load %arg8[%swap3A_1200, %swap3A_1201] {strides = array<i32>} : memref<32x64xf32, #tpu.memory_space<vmem>>, vector<1x16xf32>,
      %swap3A_1203 = vector.shape_cast %swap3A_1202 : vector<1x16xf32> to vector<16xf32>
      %swap3A_1204 = vector.shape_cast %add3A_1198 : vector<16xf32> to vector<1x16xf32>
      tpu.vector_store %arg8[%swap3A_1200, %swap3A_1201], %swap3A_1204 {strides = array<i32>} : memref<32x64xf32, #tpu.memory_space<vmem>>, vector<1x16xf32>,
      %get3A_1205 = arith.constant 3 : i32
      %get3A_1206 = arith.index_cast %get3A_1205 : i32 to index
      %get3A_1207 = arith.constant 0 : index
      %get3A_1208 = tpu.vector_load %arg7[%get3A_1206, %get3A_1207] {strides = array<i32>} : memref<32x64xf32, #tpu.memory_space<vmem>>, vector<1x16xf32>,
      %get3A_1209 = vector.shape_cast %get3A_1208 : vector<1x16xf32> to vector<16xf32>
      %mul3A_1210 = arith.constant 8.000000e+00 : f32
      %mul3A_1211 = vector.broadcast %mul3A_1210 : f32 to vector<16xf32>
      %mul3A_1212 = arith.mulf %get3A_1209, %mul3A_1211 : vector<16xf32>
      %add3A_1213 = arith.constant 3 : i32
      %add3A_1214 = arith.addi %mul3A_42, %add3A_1213 : i32
      %get3A_1215 = arith.index_cast %add3A_1214 : i32 to index
      %get3A_1216 = arith.constant 0 : index
      %get3A_1217 = tpu.vector_load %arg9[%get3A_1215, %get3A_1216] {strides = array<i32>} : memref<64x64xf32, #tpu.memory_space<vmem>>, vector<1x16xf32>,
      %get3A_1218 = vector.shape_cast %get3A_1217 : vector<1x16xf32> to vector<16xf32>
      %add3A_1219 = arith.addf %mul3A_1212, %get3A_1218 : vector<16xf32>
      %swap3A_1220 = arith.constant 3 : i32
      %swap3A_1221 = arith.index_cast %swap3A_1220 : i32 to index
      %swap3A_1222 = arith.constant 0 : index
      %swap3A_1223 = tpu.vector_load %arg8[%swap3A_1221, %swap3A_1222] {strides = array<i32>} : memref<32x64xf32, #tpu.memory_space<vmem>>, vector<1x16xf32>,
      %swap3A_1224 = vector.shape_cast %swap3A_1223 : vector<1x16xf32> to vector<16xf32>
      %swap3A_1225 = vector.shape_cast %add3A_1219 : vector<16xf32> to vector<1x16xf32>
      tpu.vector_store %arg8[%swap3A_1221, %swap3A_1222], %swap3A_1225 {strides = array<i32>} : memref<32x64xf32, #tpu.memory_space<vmem>>, vector<1x16xf32>,
      %get3A_1226 = arith.constant 3 : i32
      %get3A_1227 = arith.index_cast %get3A_1226 : i32 to index
      %get3A_1228 = arith.constant 16 : index
      %get3A_1229 = tpu.vector_load %arg7[%get3A_1227, %get3A_1228] {strides = array<i32>} : memref<32x64xf32, #tpu.memory_space<vmem>>, vector<1x16xf32>,
      %get3A_1230 = vector.shape_cast %get3A_1229 : vector<1x16xf32> to vector<16xf32>
      %mul3A_1231 = arith.constant 8.000000e+00 : f32
      %mul3A_1232 = vector.broadcast %mul3A_1231 : f32 to vector<16xf32>
      %mul3A_1233 = arith.mulf %get3A_1230, %mul3A_1232 : vector<16xf32>
      %add3A_1234 = arith.constant 3 : i32
      %add3A_1235 = arith.addi %mul3A_42, %add3A_1234 : i32
      %get3A_1236 = arith.index_cast %add3A_1235 : i32 to index
      %get3A_1237 = arith.constant 16 : index
      %get3A_1238 = tpu.vector_load %arg9[%get3A_1236, %get3A_1237] {strides = array<i32>} : memref<64x64xf32, #tpu.memory_space<vmem>>, vector<1x16xf32>,
      %get3A_1239 = vector.shape_cast %get3A_1238 : vector<1x16xf32> to vector<16xf32>
      %add3A_1240 = arith.addf %mul3A_1233, %get3A_1239 : vector<16xf32>
      %swap3A_1241 = arith.constant 3 : i32
      %swap3A_1242 = arith.index_cast %swap3A_1241 : i32 to index
      %swap3A_1243 = arith.constant 16 : index
      %swap3A_1244 = tpu.vector_load %arg8[%swap3A_1242, %swap3A_1243] {strides = array<i32>} : memref<32x64xf32, #tpu.memory_space<vmem>>, vector<1x16xf32>,
      %swap3A_1245 = vector.shape_cast %swap3A_1244 : vector<1x16xf32> to vector<16xf32>
      %swap3A_1246 = vector.shape_cast %add3A_1240 : vector<16xf32> to vector<1x16xf32>
      tpu.vector_store %arg8[%swap3A_1242, %swap3A_1243], %swap3A_1246 {strides = array<i32>} : memref<32x64xf32, #tpu.memory_space<vmem>>, vector<1x16xf32>,
      %get3A_1247 = arith.constant 3 : i32
      %get3A_1248 = arith.index_cast %get3A_1247 : i32 to index
      %get3A_1249 = arith.constant 32 : index
      %get3A_1250 = tpu.vector_load %arg7[%get3A_1248, %get3A_1249] {strides = array<i32>} : memref<32x64xf32, #tpu.memory_space<vmem>>, vector<1x16xf32>,
      %get3A_1251 = vector.shape_cast %get3A_1250 : vector<1x16xf32> to vector<16xf32>
      %mul3A_1252 = arith.constant 8.000000e+00 : f32
      %mul3A_1253 = vector.broadcast %mul3A_1252 : f32 to vector<16xf32>
      %mul3A_1254 = arith.mulf %get3A_1251, %mul3A_1253 : vector<16xf32>
      %add3A_1255 = arith.constant 3 : i32
      %add3A_1256 = arith.addi %mul3A_42, %add3A_1255 : i32
      %get3A_1257 = arith.index_cast %add3A_1256 : i32 to index
      %get3A_1258 = arith.constant 32 : index
      %get3A_1259 = tpu.vector_load %arg9[%get3A_1257, %get3A_1258] {strides = array<i32>} : memref<64x64xf32, #tpu.memory_space<vmem>>, vector<1x16xf32>,
      %get3A_1260 = vector.shape_cast %get3A_1259 : vector<1x16xf32> to vector<16xf32>
      %add3A_1261 = arith.addf %mul3A_1254, %get3A_1260 : vector<16xf32>
      %swap3A_1262 = arith.constant 3 : i32
      %swap3A_1263 = arith.index_cast %swap3A_1262 : i32 to index
      %swap3A_1264 = arith.constant 32 : index
      %swap3A_1265 = tpu.vector_load %arg8[%swap3A_1263, %swap3A_1264] {strides = array<i32>} : memref<32x64xf32, #tpu.memory_space<vmem>>, vector<1x16xf32>,
      %swap3A_1266 = vector.shape_cast %swap3A_1265 : vector<1x16xf32> to vector<16xf32>
      %swap3A_1267 = vector.shape_cast %add3A_1261 : vector<16xf32> to vector<1x16xf32>
      tpu.vector_store %arg8[%swap3A_1263, %swap3A_1264], %swap3A_1267 {strides = array<i32>} : memref<32x64xf32, #tpu.memory_space<vmem>>, vector<1x16xf32>,
      %get3A_1268 = arith.constant 3 : i32
      %get3A_1269 = arith.index_cast %get3A_1268 : i32 to index
      %get3A_1270 = arith.constant 48 : index
      %get3A_1271 = tpu.vector_load %arg7[%get3A_1269, %get3A_1270] {strides = array<i32>} : memref<32x64xf32, #tpu.memory_space<vmem>>, vector<1x16xf32>,
      %get3A_1272 = vector.shape_cast %get3A_1271 : vector<1x16xf32> to vector<16xf32>
      %mul3A_1273 = arith.constant 8.000000e+00 : f32
      %mul3A_1274 = vector.broadcast %mul3A_1273 : f32 to vector<16xf32>
      %mul3A_1275 = arith.mulf %get3A_1272, %mul3A_1274 : vector<16xf32>
      %add3A_1276 = arith.constant 3 : i32
      %add3A_1277 = arith.addi %mul3A_42, %add3A_1276 : i32
      %get3A_1278 = arith.index_cast %add3A_1277 : i32 to index
      %get3A_1279 = arith.constant 48 : index
      %get3A_1280 = tpu.vector_load %arg9[%get3A_1278, %get3A_1279] {strides = array<i32>} : memref<64x64xf32, #tpu.memory_space<vmem>>, vector<1x16xf32>,
      %get3A_1281 = vector.shape_cast %get3A_1280 : vector<1x16xf32> to vector<16xf32>
      %add3A_1282 = arith.addf %mul3A_1275, %get3A_1281 : vector<16xf32>
      %swap3A_1283 = arith.constant 3 : i32
      %swap3A_1284 = arith.index_cast %swap3A_1283 : i32 to index
      %swap3A_1285 = arith.constant 48 : index
      %swap3A_1286 = tpu.vector_load %arg8[%swap3A_1284, %swap3A_1285] {strides = array<i32>} : memref<32x64xf32, #tpu.memory_space<vmem>>, vector<1x16xf32>,
      %swap3A_1287 = vector.shape_cast %swap3A_1286 : vector<1x16xf32> to vector<16xf32>
      %swap3A_1288 = vector.shape_cast %add3A_1282 : vector<16xf32> to vector<1x16xf32>
      tpu.vector_store %arg8[%swap3A_1284, %swap3A_1285], %swap3A_1288 {strides = array<i32>} : memref<32x64xf32, #tpu.memory_space<vmem>>, vector<1x16xf32>,
      %get3A_1289 = arith.constant 4 : i32
      %get3A_1290 = arith.index_cast %get3A_1289 : i32 to index
      %get3A_1291 = arith.constant 0 : index
      %get3A_1292 = tpu.vector_load %arg7[%get3A_1290, %get3A_1291] {strides = array<i32>} : memref<32x64xf32, #tpu.memory_space<vmem>>, vector<1x16xf32>,
      %get3A_1293 = vector.shape_cast %get3A_1292 : vector<1x16xf32> to vector<16xf32>
      %mul3A_1294 = arith.constant 8.000000e+00 : f32
      %mul3A_1295 = vector.broadcast %mul3A_1294 : f32 to vector<16xf32>
      %mul3A_1296 = arith.mulf %get3A_1293, %mul3A_1295 : vector<16xf32>
      %add3A_1297 = arith.constant 4 : i32
      %add3A_1298 = arith.addi %mul3A_42, %add3A_1297 : i32
      %get3A_1299 = arith.index_cast %add3A_1298 : i32 to index
      %get3A_1300 = arith.constant 0 : index
      %get3A_1301 = tpu.vector_load %arg9[%get3A_1299, %get3A_1300] {strides = array<i32>} : memref<64x64xf32, #tpu.memory_space<vmem>>, vector<1x16xf32>,
      %get3A_1302 = vector.shape_cast %get3A_1301 : vector<1x16xf32> to vector<16xf32>
      %add3A_1303 = arith.addf %mul3A_1296, %get3A_1302 : vector<16xf32>
      %swap3A_1304 = arith.constant 4 : i32
      %swap3A_1305 = arith.index_cast %swap3A_1304 : i32 to index
      %swap3A_1306 = arith.constant 0 : index
      %swap3A_1307 = tpu.vector_load %arg8[%swap3A_1305, %swap3A_1306] {strides = array<i32>} : memref<32x64xf32, #tpu.memory_space<vmem>>, vector<1x16xf32>,
      %swap3A_1308 = vector.shape_cast %swap3A_1307 : vector<1x16xf32> to vector<16xf32>
      %swap3A_1309 = vector.shape_cast %add3A_1303 : vector<16xf32> to vector<1x16xf32>
      tpu.vector_store %arg8[%swap3A_1305, %swap3A_1306], %swap3A_1309 {strides = array<i32>} : memref<32x64xf32, #tpu.memory_space<vmem>>, vector<1x16xf32>,
      %get3A_1310 = arith.constant 4 : i32
      %get3A_1311 = arith.index_cast %get3A_1310 : i32 to index
      %get3A_1312 = arith.constant 16 : index
      %get3A_1313 = tpu.vector_load %arg7[%get3A_1311, %get3A_1312] {strides = array<i32>} : memref<32x64xf32, #tpu.memory_space<vmem>>, vector<1x16xf32>,
      %get3A_1314 = vector.shape_cast %get3A_1313 : vector<1x16xf32> to vector<16xf32>
      %mul3A_1315 = arith.constant 8.000000e+00 : f32
      %mul3A_1316 = vector.broadcast %mul3A_1315 : f32 to vector<16xf32>
      %mul3A_1317 = arith.mulf %get3A_1314, %mul3A_1316 : vector<16xf32>
      %add3A_1318 = arith.constant 4 : i32
      %add3A_1319 = arith.addi %mul3A_42, %add3A_1318 : i32
      %get3A_1320 = arith.index_cast %add3A_1319 : i32 to index
      %get3A_1321 = arith.constant 16 : index
      %get3A_1322 = tpu.vector_load %arg9[%get3A_1320, %get3A_1321] {strides = array<i32>} : memref<64x64xf32, #tpu.memory_space<vmem>>, vector<1x16xf32>,
      %get3A_1323 = vector.shape_cast %get3A_1322 : vector<1x16xf32> to vector<16xf32>
      %add3A_1324 = arith.addf %mul3A_1317, %get3A_1323 : vector<16xf32>
      %swap3A_1325 = arith.constant 4 : i32
      %swap3A_1326 = arith.index_cast %swap3A_1325 : i32 to index
      %swap3A_1327 = arith.constant 16 : index
      %swap3A_1328 = tpu.vector_load %arg8[%swap3A_1326, %swap3A_1327] {strides = array<i32>} : memref<32x64xf32, #tpu.memory_space<vmem>>, vector<1x16xf32>,
      %swap3A_1329 = vector.shape_cast %swap3A_1328 : vector<1x16xf32> to vector<16xf32>
      %swap3A_1330 = vector.shape_cast %add3A_1324 : vector<16xf32> to vector<1x16xf32>
      tpu.vector_store %arg8[%swap3A_1326, %swap3A_1327], %swap3A_1330 {strides = array<i32>} : memref<32x64xf32, #tpu.memory_space<vmem>>, vector<1x16xf32>,
      %get3A_1331 = arith.constant 4 : i32
      %get3A_1332 = arith.index_cast %get3A_1331 : i32 to index
      %get3A_1333 = arith.constant 32 : index
      %get3A_1334 = tpu.vector_load %arg7[%get3A_1332, %get3A_1333] {strides = array<i32>} : memref<32x64xf32, #tpu.memory_space<vmem>>, vector<1x16xf32>,
      %get3A_1335 = vector.shape_cast %get3A_1334 : vector<1x16xf32> to vector<16xf32>
      %mul3A_1336 = arith.constant 8.000000e+00 : f32
      %mul3A_1337 = vector.broadcast %mul3A_1336 : f32 to vector<16xf32>
      %mul3A_1338 = arith.mulf %get3A_1335, %mul3A_1337 : vector<16xf32>
      %add3A_1339 = arith.constant 4 : i32
      %add3A_1340 = arith.addi %mul3A_42, %add3A_1339 : i32
      %get3A_1341 = arith.index_cast %add3A_1340 : i32 to index
      %get3A_1342 = arith.constant 32 : index
      %get3A_1343 = tpu.vector_load %arg9[%get3A_1341, %get3A_1342] {strides = array<i32>} : memref<64x64xf32, #tpu.memory_space<vmem>>, vector<1x16xf32>,
      %get3A_1344 = vector.shape_cast %get3A_1343 : vector<1x16xf32> to vector<16xf32>
      %add3A_1345 = arith.addf %mul3A_1338, %get3A_1344 : vector<16xf32>
      %swap3A_1346 = arith.constant 4 : i32
      %swap3A_1347 = arith.index_cast %swap3A_1346 : i32 to index
      %swap3A_1348 = arith.constant 32 : index
      %swap3A_1349 = tpu.vector_load %arg8[%swap3A_1347, %swap3A_1348] {strides = array<i32>} : memref<32x64xf32, #tpu.memory_space<vmem>>, vector<1x16xf32>,
      %swap3A_1350 = vector.shape_cast %swap3A_1349 : vector<1x16xf32> to vector<16xf32>
      %swap3A_1351 = vector.shape_cast %add3A_1345 : vector<16xf32> to vector<1x16xf32>
      tpu.vector_store %arg8[%swap3A_1347, %swap3A_1348], %swap3A_1351 {strides = array<i32>} : memref<32x64xf32, #tpu.memory_space<vmem>>, vector<1x16xf32>,
      %get3A_1352 = arith.constant 4 : i32
      %get3A_1353 = arith.index_cast %get3A_1352 : i32 to index
      %get3A_1354 = arith.constant 48 : index
      %get3A_1355 = tpu.vector_load %arg7[%get3A_1353, %get3A_1354] {strides = array<i32>} : memref<32x64xf32, #tpu.memory_space<vmem>>, vector<1x16xf32>,
      %get3A_1356 = vector.shape_cast %get3A_1355 : vector<1x16xf32> to vector<16xf32>
      %mul3A_1357 = arith.constant 8.000000e+00 : f32
      %mul3A_1358 = vector.broadcast %mul3A_1357 : f32 to vector<16xf32>
      %mul3A_1359 = arith.mulf %get3A_1356, %mul3A_1358 : vector<16xf32>
      %add3A_1360 = arith.constant 4 : i32
      %add3A_1361 = arith.addi %mul3A_42, %add3A_1360 : i32
      %get3A_1362 = arith.index_cast %add3A_1361 : i32 to index
      %get3A_1363 = arith.constant 48 : index
      %get3A_1364 = tpu.vector_load %arg9[%get3A_1362, %get3A_1363] {strides = array<i32>} : memref<64x64xf32, #tpu.memory_space<vmem>>, vector<1x16xf32>,
      %get3A_1365 = vector.shape_cast %get3A_1364 : vector<1x16xf32> to vector<16xf32>
      %add3A_1366 = arith.addf %mul3A_1359, %get3A_1365 : vector<16xf32>
      %swap3A_1367 = arith.constant 4 : i32
      %swap3A_1368 = arith.index_cast %swap3A_1367 : i32 to index
      %swap3A_1369 = arith.constant 48 : index
      %swap3A_1370 = tpu.vector_load %arg8[%swap3A_1368, %swap3A_1369] {strides = array<i32>} : memref<32x64xf32, #tpu.memory_space<vmem>>, vector<1x16xf32>,
      %swap3A_1371 = vector.shape_cast %swap3A_1370 : vector<1x16xf32> to vector<16xf32>
      %swap3A_1372 = vector.shape_cast %add3A_1366 : vector<16xf32> to vector<1x16xf32>
      tpu.vector_store %arg8[%swap3A_1368, %swap3A_1369], %swap3A_1372 {strides = array<i32>} : memref<32x64xf32, #tpu.memory_space<vmem>>, vector<1x16xf32>,
      %get3A_1373 = arith.constant 5 : i32
      %get3A_1374 = arith.index_cast %get3A_1373 : i32 to index
      %get3A_1375 = arith.constant 0 : index
      %get3A_1376 = tpu.vector_load %arg7[%get3A_1374, %get3A_1375] {strides = array<i32>} : memref<32x64xf32, #tpu.memory_space<vmem>>, vector<1x16xf32>,
      %get3A_1377 = vector.shape_cast %get3A_1376 : vector<1x16xf32> to vector<16xf32>
      %mul3A_1378 = arith.constant 8.000000e+00 : f32
      %mul3A_1379 = vector.broadcast %mul3A_1378 : f32 to vector<16xf32>
      %mul3A_1380 = arith.mulf %get3A_1377, %mul3A_1379 : vector<16xf32>
      %add3A_1381 = arith.constant 5 : i32
      %add3A_1382 = arith.addi %mul3A_42, %add3A_1381 : i32
      %get3A_1383 = arith.index_cast %add3A_1382 : i32 to index
      %get3A_1384 = arith.constant 0 : index
      %get3A_1385 = tpu.vector_load %arg9[%get3A_1383, %get3A_1384] {strides = array<i32>} : memref<64x64xf32, #tpu.memory_space<vmem>>, vector<1x16xf32>,
      %get3A_1386 = vector.shape_cast %get3A_1385 : vector<1x16xf32> to vector<16xf32>
      %add3A_1387 = arith.addf %mul3A_1380, %get3A_1386 : vector<16xf32>
      %swap3A_1388 = arith.constant 5 : i32
      %swap3A_1389 = arith.index_cast %swap3A_1388 : i32 to index
      %swap3A_1390 = arith.constant 0 : index
      %swap3A_1391 = tpu.vector_load %arg8[%swap3A_1389, %swap3A_1390] {strides = array<i32>} : memref<32x64xf32, #tpu.memory_space<vmem>>, vector<1x16xf32>,
      %swap3A_1392 = vector.shape_cast %swap3A_1391 : vector<1x16xf32> to vector<16xf32>
      %swap3A_1393 = vector.shape_cast %add3A_1387 : vector<16xf32> to vector<1x16xf32>
      tpu.vector_store %arg8[%swap3A_1389, %swap3A_1390], %swap3A_1393 {strides = array<i32>} : memref<32x64xf32, #tpu.memory_space<vmem>>, vector<1x16xf32>,
      %get3A_1394 = arith.constant 5 : i32
      %get3A_1395 = arith.index_cast %get3A_1394 : i32 to index
      %get3A_1396 = arith.constant 16 : index
      %get3A_1397 = tpu.vector_load %arg7[%get3A_1395, %get3A_1396] {strides = array<i32>} : memref<32x64xf32, #tpu.memory_space<vmem>>, vector<1x16xf32>,
      %get3A_1398 = vector.shape_cast %get3A_1397 : vector<1x16xf32> to vector<16xf32>
      %mul3A_1399 = arith.constant 8.000000e+00 : f32
      %mul3A_1400 = vector.broadcast %mul3A_1399 : f32 to vector<16xf32>
      %mul3A_1401 = arith.mulf %get3A_1398, %mul3A_1400 : vector<16xf32>
      %add3A_1402 = arith.constant 5 : i32
      %add3A_1403 = arith.addi %mul3A_42, %add3A_1402 : i32
      %get3A_1404 = arith.index_cast %add3A_1403 : i32 to index
      %get3A_1405 = arith.constant 16 : index
      %get3A_1406 = tpu.vector_load %arg9[%get3A_1404, %get3A_1405] {strides = array<i32>} : memref<64x64xf32, #tpu.memory_space<vmem>>, vector<1x16xf32>,
      %get3A_1407 = vector.shape_cast %get3A_1406 : vector<1x16xf32> to vector<16xf32>
      %add3A_1408 = arith.addf %mul3A_1401, %get3A_1407 : vector<16xf32>
      %swap3A_1409 = arith.constant 5 : i32
      %swap3A_1410 = arith.index_cast %swap3A_1409 : i32 to index
      %swap3A_1411 = arith.constant 16 : index
      %swap3A_1412 = tpu.vector_load %arg8[%swap3A_1410, %swap3A_1411] {strides = array<i32>} : memref<32x64xf32, #tpu.memory_space<vmem>>, vector<1x16xf32>,
      %swap3A_1413 = vector.shape_cast %swap3A_1412 : vector<1x16xf32> to vector<16xf32>
      %swap3A_1414 = vector.shape_cast %add3A_1408 : vector<16xf32> to vector<1x16xf32>
      tpu.vector_store %arg8[%swap3A_1410, %swap3A_1411], %swap3A_1414 {strides = array<i32>} : memref<32x64xf32, #tpu.memory_space<vmem>>, vector<1x16xf32>,
      %get3A_1415 = arith.constant 5 : i32
      %get3A_1416 = arith.index_cast %get3A_1415 : i32 to index
      %get3A_1417 = arith.constant 32 : index
      %get3A_1418 = tpu.vector_load %arg7[%get3A_1416, %get3A_1417] {strides = array<i32>} : memref<32x64xf32, #tpu.memory_space<vmem>>, vector<1x16xf32>,
      %get3A_1419 = vector.shape_cast %get3A_1418 : vector<1x16xf32> to vector<16xf32>
      %mul3A_1420 = arith.constant 8.000000e+00 : f32
      %mul3A_1421 = vector.broadcast %mul3A_1420 : f32 to vector<16xf32>
      %mul3A_1422 = arith.mulf %get3A_1419, %mul3A_1421 : vector<16xf32>
      %add3A_1423 = arith.constant 5 : i32
      %add3A_1424 = arith.addi %mul3A_42, %add3A_1423 : i32
      %get3A_1425 = arith.index_cast %add3A_1424 : i32 to index
      %get3A_1426 = arith.constant 32 : index
      %get3A_1427 = tpu.vector_load %arg9[%get3A_1425, %get3A_1426] {strides = array<i32>} : memref<64x64xf32, #tpu.memory_space<vmem>>, vector<1x16xf32>,
      %get3A_1428 = vector.shape_cast %get3A_1427 : vector<1x16xf32> to vector<16xf32>
      %add3A_1429 = arith.addf %mul3A_1422, %get3A_1428 : vector<16xf32>
      %swap3A_1430 = arith.constant 5 : i32
      %swap3A_1431 = arith.index_cast %swap3A_1430 : i32 to index
      %swap3A_1432 = arith.constant 32 : index
      %swap3A_1433 = tpu.vector_load %arg8[%swap3A_1431, %swap3A_1432] {strides = array<i32>} : memref<32x64xf32, #tpu.memory_space<vmem>>, vector<1x16xf32>,
      %swap3A_1434 = vector.shape_cast %swap3A_1433 : vector<1x16xf32> to vector<16xf32>
      %swap3A_1435 = vector.shape_cast %add3A_1429 : vector<16xf32> to vector<1x16xf32>
      tpu.vector_store %arg8[%swap3A_1431, %swap3A_1432], %swap3A_1435 {strides = array<i32>} : memref<32x64xf32, #tpu.memory_space<vmem>>, vector<1x16xf32>,
      %get3A_1436 = arith.constant 5 : i32
      %get3A_1437 = arith.index_cast %get3A_1436 : i32 to index
      %get3A_1438 = arith.constant 48 : index
      %get3A_1439 = tpu.vector_load %arg7[%get3A_1437, %get3A_1438] {strides = array<i32>} : memref<32x64xf32, #tpu.memory_space<vmem>>, vector<1x16xf32>,
      %get3A_1440 = vector.shape_cast %get3A_1439 : vector<1x16xf32> to vector<16xf32>
      %mul3A_1441 = arith.constant 8.000000e+00 : f32
      %mul3A_1442 = vector.broadcast %mul3A_1441 : f32 to vector<16xf32>
      %mul3A_1443 = arith.mulf %get3A_1440, %mul3A_1442 : vector<16xf32>
      %add3A_1444 = arith.constant 5 : i32
      %add3A_1445 = arith.addi %mul3A_42, %add3A_1444 : i32
      %get3A_1446 = arith.index_cast %add3A_1445 : i32 to index
      %get3A_1447 = arith.constant 48 : index
      %get3A_1448 = tpu.vector_load %arg9[%get3A_1446, %get3A_1447] {strides = array<i32>} : memref<64x64xf32, #tpu.memory_space<vmem>>, vector<1x16xf32>,
      %get3A_1449 = vector.shape_cast %get3A_1448 : vector<1x16xf32> to vector<16xf32>
      %add3A_1450 = arith.addf %mul3A_1443, %get3A_1449 : vector<16xf32>
      %swap3A_1451 = arith.constant 5 : i32
      %swap3A_1452 = arith.index_cast %swap3A_1451 : i32 to index
      %swap3A_1453 = arith.constant 48 : index
      %swap3A_1454 = tpu.vector_load %arg8[%swap3A_1452, %swap3A_1453] {strides = array<i32>} : memref<32x64xf32, #tpu.memory_space<vmem>>, vector<1x16xf32>,
      %swap3A_1455 = vector.shape_cast %swap3A_1454 : vector<1x16xf32> to vector<16xf32>
      %swap3A_1456 = vector.shape_cast %add3A_1450 : vector<16xf32> to vector<1x16xf32>
      tpu.vector_store %arg8[%swap3A_1452, %swap3A_1453], %swap3A_1456 {strides = array<i32>} : memref<32x64xf32, #tpu.memory_space<vmem>>, vector<1x16xf32>,
      %get3A_1457 = arith.constant 6 : i32
      %get3A_1458 = arith.index_cast %get3A_1457 : i32 to index
      %get3A_1459 = arith.constant 0 : index
      %get3A_1460 = tpu.vector_load %arg7[%get3A_1458, %get3A_1459] {strides = array<i32>} : memref<32x64xf32, #tpu.memory_space<vmem>>, vector<1x16xf32>,
      %get3A_1461 = vector.shape_cast %get3A_1460 : vector<1x16xf32> to vector<16xf32>
      %mul3A_1462 = arith.constant 8.000000e+00 : f32
      %mul3A_1463 = vector.broadcast %mul3A_1462 : f32 to vector<16xf32>
      %mul3A_1464 = arith.mulf %get3A_1461, %mul3A_1463 : vector<16xf32>
      %add3A_1465 = arith.constant 6 : i32
      %add3A_1466 = arith.addi %mul3A_42, %add3A_1465 : i32
      %get3A_1467 = arith.index_cast %add3A_1466 : i32 to index
      %get3A_1468 = arith.constant 0 : index
      %get3A_1469 = tpu.vector_load %arg9[%get3A_1467, %get3A_1468] {strides = array<i32>} : memref<64x64xf32, #tpu.memory_space<vmem>>, vector<1x16xf32>,
      %get3A_1470 = vector.shape_cast %get3A_1469 : vector<1x16xf32> to vector<16xf32>
      %add3A_1471 = arith.addf %mul3A_1464, %get3A_1470 : vector<16xf32>
      %swap3A_1472 = arith.constant 6 : i32
      %swap3A_1473 = arith.index_cast %swap3A_1472 : i32 to index
      %swap3A_1474 = arith.constant 0 : index
      %swap3A_1475 = tpu.vector_load %arg8[%swap3A_1473, %swap3A_1474] {strides = array<i32>} : memref<32x64xf32, #tpu.memory_space<vmem>>, vector<1x16xf32>,
      %swap3A_1476 = vector.shape_cast %swap3A_1475 : vector<1x16xf32> to vector<16xf32>
      %swap3A_1477 = vector.shape_cast %add3A_1471 : vector<16xf32> to vector<1x16xf32>
      tpu.vector_store %arg8[%swap3A_1473, %swap3A_1474], %swap3A_1477 {strides = array<i32>} : memref<32x64xf32, #tpu.memory_space<vmem>>, vector<1x16xf32>,
      %get3A_1478 = arith.constant 6 : i32
      %get3A_1479 = arith.index_cast %get3A_1478 : i32 to index
      %get3A_1480 = arith.constant 16 : index
      %get3A_1481 = tpu.vector_load %arg7[%get3A_1479, %get3A_1480] {strides = array<i32>} : memref<32x64xf32, #tpu.memory_space<vmem>>, vector<1x16xf32>,
      %get3A_1482 = vector.shape_cast %get3A_1481 : vector<1x16xf32> to vector<16xf32>
      %mul3A_1483 = arith.constant 8.000000e+00 : f32
      %mul3A_1484 = vector.broadcast %mul3A_1483 : f32 to vector<16xf32>
      %mul3A_1485 = arith.mulf %get3A_1482, %mul3A_1484 : vector<16xf32>
      %add3A_1486 = arith.constant 6 : i32
      %add3A_1487 = arith.addi %mul3A_42, %add3A_1486 : i32
      %get3A_1488 = arith.index_cast %add3A_1487 : i32 to index
      %get3A_1489 = arith.constant 16 : index
      %get3A_1490 = tpu.vector_load %arg9[%get3A_1488, %get3A_1489] {strides = array<i32>} : memref<64x64xf32, #tpu.memory_space<vmem>>, vector<1x16xf32>,
      %get3A_1491 = vector.shape_cast %get3A_1490 : vector<1x16xf32> to vector<16xf32>
      %add3A_1492 = arith.addf %mul3A_1485, %get3A_1491 : vector<16xf32>
      %swap3A_1493 = arith.constant 6 : i32
      %swap3A_1494 = arith.index_cast %swap3A_1493 : i32 to index
      %swap3A_1495 = arith.constant 16 : index
      %swap3A_1496 = tpu.vector_load %arg8[%swap3A_1494, %swap3A_1495] {strides = array<i32>} : memref<32x64xf32, #tpu.memory_space<vmem>>, vector<1x16xf32>,
      %swap3A_1497 = vector.shape_cast %swap3A_1496 : vector<1x16xf32> to vector<16xf32>
      %swap3A_1498 = vector.shape_cast %add3A_1492 : vector<16xf32> to vector<1x16xf32>
      tpu.vector_store %arg8[%swap3A_1494, %swap3A_1495], %swap3A_1498 {strides = array<i32>} : memref<32x64xf32, #tpu.memory_space<vmem>>, vector<1x16xf32>,
      %get3A_1499 = arith.constant 6 : i32
      %get3A_1500 = arith.index_cast %get3A_1499 : i32 to index
      %get3A_1501 = arith.constant 32 : index
      %get3A_1502 = tpu.vector_load %arg7[%get3A_1500, %get3A_1501] {strides = array<i32>} : memref<32x64xf32, #tpu.memory_space<vmem>>, vector<1x16xf32>,
      %get3A_1503 = vector.shape_cast %get3A_1502 : vector<1x16xf32> to vector<16xf32>
      %mul3A_1504 = arith.constant 8.000000e+00 : f32
      %mul3A_1505 = vector.broadcast %mul3A_1504 : f32 to vector<16xf32>
      %mul3A_1506 = arith.mulf %get3A_1503, %mul3A_1505 : vector<16xf32>
      %add3A_1507 = arith.constant 6 : i32
      %add3A_1508 = arith.addi %mul3A_42, %add3A_1507 : i32
      %get3A_1509 = arith.index_cast %add3A_1508 : i32 to index
      %get3A_1510 = arith.constant 32 : index
      %get3A_1511 = tpu.vector_load %arg9[%get3A_1509, %get3A_1510] {strides = array<i32>} : memref<64x64xf32, #tpu.memory_space<vmem>>, vector<1x16xf32>,
      %get3A_1512 = vector.shape_cast %get3A_1511 : vector<1x16xf32> to vector<16xf32>
      %add3A_1513 = arith.addf %mul3A_1506, %get3A_1512 : vector<16xf32>
      %swap3A_1514 = arith.constant 6 : i32
      %swap3A_1515 = arith.index_cast %swap3A_1514 : i32 to index
      %swap3A_1516 = arith.constant 32 : index
      %swap3A_1517 = tpu.vector_load %arg8[%swap3A_1515, %swap3A_1516] {strides = array<i32>} : memref<32x64xf32, #tpu.memory_space<vmem>>, vector<1x16xf32>,
      %swap3A_1518 = vector.shape_cast %swap3A_1517 : vector<1x16xf32> to vector<16xf32>
      %swap3A_1519 = vector.shape_cast %add3A_1513 : vector<16xf32> to vector<1x16xf32>
      tpu.vector_store %arg8[%swap3A_1515, %swap3A_1516], %swap3A_1519 {strides = array<i32>} : memref<32x64xf32, #tpu.memory_space<vmem>>, vector<1x16xf32>,
      %get3A_1520 = arith.constant 6 : i32
      %get3A_1521 = arith.index_cast %get3A_1520 : i32 to index
      %get3A_1522 = arith.constant 48 : index
      %get3A_1523 = tpu.vector_load %arg7[%get3A_1521, %get3A_1522] {strides = array<i32>} : memref<32x64xf32, #tpu.memory_space<vmem>>, vector<1x16xf32>,
      %get3A_1524 = vector.shape_cast %get3A_1523 : vector<1x16xf32> to vector<16xf32>
      %mul3A_1525 = arith.constant 8.000000e+00 : f32
      %mul3A_1526 = vector.broadcast %mul3A_1525 : f32 to vector<16xf32>
      %mul3A_1527 = arith.mulf %get3A_1524, %mul3A_1526 : vector<16xf32>
      %add3A_1528 = arith.constant 6 : i32
      %add3A_1529 = arith.addi %mul3A_42, %add3A_1528 : i32
      %get3A_1530 = arith.index_cast %add3A_1529 : i32 to index
      %get3A_1531 = arith.constant 48 : index
      %get3A_1532 = tpu.vector_load %arg9[%get3A_1530, %get3A_1531] {strides = array<i32>} : memref<64x64xf32, #tpu.memory_space<vmem>>, vector<1x16xf32>,
      %get3A_1533 = vector.shape_cast %get3A_1532 : vector<1x16xf32> to vector<16xf32>
      %add3A_1534 = arith.addf %mul3A_1527, %get3A_1533 : vector<16xf32>
      %swap3A_1535 = arith.constant 6 : i32
      %swap3A_1536 = arith.index_cast %swap3A_1535 : i32 to index
      %swap3A_1537 = arith.constant 48 : index
      %swap3A_1538 = tpu.vector_load %arg8[%swap3A_1536, %swap3A_1537] {strides = array<i32>} : memref<32x64xf32, #tpu.memory_space<vmem>>, vector<1x16xf32>,
      %swap3A_1539 = vector.shape_cast %swap3A_1538 : vector<1x16xf32> to vector<16xf32>
      %swap3A_1540 = vector.shape_cast %add3A_1534 : vector<16xf32> to vector<1x16xf32>
      tpu.vector_store %arg8[%swap3A_1536, %swap3A_1537], %swap3A_1540 {strides = array<i32>} : memref<32x64xf32, #tpu.memory_space<vmem>>, vector<1x16xf32>,
      %get3A_1541 = arith.constant 7 : i32
      %get3A_1542 = arith.index_cast %get3A_1541 : i32 to index
      %get3A_1543 = arith.constant 0 : index
      %get3A_1544 = tpu.vector_load %arg7[%get3A_1542, %get3A_1543] {strides = array<i32>} : memref<32x64xf32, #tpu.memory_space<vmem>>, vector<1x16xf32>,
      %get3A_1545 = vector.shape_cast %get3A_1544 : vector<1x16xf32> to vector<16xf32>
      %mul3A_1546 = arith.constant 8.000000e+00 : f32
      %mul3A_1547 = vector.broadcast %mul3A_1546 : f32 to vector<16xf32>
      %mul3A_1548 = arith.mulf %get3A_1545, %mul3A_1547 : vector<16xf32>
      %add3A_1549 = arith.constant 7 : i32
      %add3A_1550 = arith.addi %mul3A_42, %add3A_1549 : i32
      %get3A_1551 = arith.index_cast %add3A_1550 : i32 to index
      %get3A_1552 = arith.constant 0 : index
      %get3A_1553 = tpu.vector_load %arg9[%get3A_1551, %get3A_1552] {strides = array<i32>} : memref<64x64xf32, #tpu.memory_space<vmem>>, vector<1x16xf32>,
      %get3A_1554 = vector.shape_cast %get3A_1553 : vector<1x16xf32> to vector<16xf32>
      %add3A_1555 = arith.addf %mul3A_1548, %get3A_1554 : vector<16xf32>
      %swap3A_1556 = arith.constant 7 : i32
      %swap3A_1557 = arith.index_cast %swap3A_1556 : i32 to index
      %swap3A_1558 = arith.constant 0 : index
      %swap3A_1559 = tpu.vector_load %arg8[%swap3A_1557, %swap3A_1558] {strides = array<i32>} : memref<32x64xf32, #tpu.memory_space<vmem>>, vector<1x16xf32>,
      %swap3A_1560 = vector.shape_cast %swap3A_1559 : vector<1x16xf32> to vector<16xf32>
      %swap3A_1561 = vector.shape_cast %add3A_1555 : vector<16xf32> to vector<1x16xf32>
      tpu.vector_store %arg8[%swap3A_1557, %swap3A_1558], %swap3A_1561 {strides = array<i32>} : memref<32x64xf32, #tpu.memory_space<vmem>>, vector<1x16xf32>,
      %get3A_1562 = arith.constant 7 : i32
      %get3A_1563 = arith.index_cast %get3A_1562 : i32 to index
      %get3A_1564 = arith.constant 16 : index
      %get3A_1565 = tpu.vector_load %arg7[%get3A_1563, %get3A_1564] {strides = array<i32>} : memref<32x64xf32, #tpu.memory_space<vmem>>, vector<1x16xf32>,
      %get3A_1566 = vector.shape_cast %get3A_1565 : vector<1x16xf32> to vector<16xf32>
      %mul3A_1567 = arith.constant 8.000000e+00 : f32
      %mul3A_1568 = vector.broadcast %mul3A_1567 : f32 to vector<16xf32>
      %mul3A_1569 = arith.mulf %get3A_1566, %mul3A_1568 : vector<16xf32>
      %add3A_1570 = arith.constant 7 : i32
      %add3A_1571 = arith.addi %mul3A_42, %add3A_1570 : i32
      %get3A_1572 = arith.index_cast %add3A_1571 : i32 to index
      %get3A_1573 = arith.constant 16 : index
      %get3A_1574 = tpu.vector_load %arg9[%get3A_1572, %get3A_1573] {strides = array<i32>} : memref<64x64xf32, #tpu.memory_space<vmem>>, vector<1x16xf32>,
      %get3A_1575 = vector.shape_cast %get3A_1574 : vector<1x16xf32> to vector<16xf32>
      %add3A_1576 = arith.addf %mul3A_1569, %get3A_1575 : vector<16xf32>
      %swap3A_1577 = arith.constant 7 : i32
      %swap3A_1578 = arith.index_cast %swap3A_1577 : i32 to index
      %swap3A_1579 = arith.constant 16 : index
      %swap3A_1580 = tpu.vector_load %arg8[%swap3A_1578, %swap3A_1579] {strides = array<i32>} : memref<32x64xf32, #tpu.memory_space<vmem>>, vector<1x16xf32>,
      %swap3A_1581 = vector.shape_cast %swap3A_1580 : vector<1x16xf32> to vector<16xf32>
      %swap3A_1582 = vector.shape_cast %add3A_1576 : vector<16xf32> to vector<1x16xf32>
      tpu.vector_store %arg8[%swap3A_1578, %swap3A_1579], %swap3A_1582 {strides = array<i32>} : memref<32x64xf32, #tpu.memory_space<vmem>>, vector<1x16xf32>,
      %get3A_1583 = arith.constant 7 : i32
      %get3A_1584 = arith.index_cast %get3A_1583 : i32 to index
      %get3A_1585 = arith.constant 32 : index
      %get3A_1586 = tpu.vector_load %arg7[%get3A_1584, %get3A_1585] {strides = array<i32>} : memref<32x64xf32, #tpu.memory_space<vmem>>, vector<1x16xf32>,
      %get3A_1587 = vector.shape_cast %get3A_1586 : vector<1x16xf32> to vector<16xf32>
      %mul3A_1588 = arith.constant 8.000000e+00 : f32
      %mul3A_1589 = vector.broadcast %mul3A_1588 : f32 to vector<16xf32>
      %mul3A_1590 = arith.mulf %get3A_1587, %mul3A_1589 : vector<16xf32>
      %add3A_1591 = arith.constant 7 : i32
      %add3A_1592 = arith.addi %mul3A_42, %add3A_1591 : i32
      %get3A_1593 = arith.index_cast %add3A_1592 : i32 to index
      %get3A_1594 = arith.constant 32 : index
      %get3A_1595 = tpu.vector_load %arg9[%get3A_1593, %get3A_1594] {strides = array<i32>} : memref<64x64xf32, #tpu.memory_space<vmem>>, vector<1x16xf32>,
      %get3A_1596 = vector.shape_cast %get3A_1595 : vector<1x16xf32> to vector<16xf32>
      %add3A_1597 = arith.addf %mul3A_1590, %get3A_1596 : vector<16xf32>
      %swap3A_1598 = arith.constant 7 : i32
      %swap3A_1599 = arith.index_cast %swap3A_1598 : i32 to index
      %swap3A_1600 = arith.constant 32 : index
      %swap3A_1601 = tpu.vector_load %arg8[%swap3A_1599, %swap3A_1600] {strides = array<i32>} : memref<32x64xf32, #tpu.memory_space<vmem>>, vector<1x16xf32>,
      %swap3A_1602 = vector.shape_cast %swap3A_1601 : vector<1x16xf32> to vector<16xf32>
      %swap3A_1603 = vector.shape_cast %add3A_1597 : vector<16xf32> to vector<1x16xf32>
      tpu.vector_store %arg8[%swap3A_1599, %swap3A_1600], %swap3A_1603 {strides = array<i32>} : memref<32x64xf32, #tpu.memory_space<vmem>>, vector<1x16xf32>,
      %get3A_1604 = arith.constant 7 : i32
      %get3A_1605 = arith.index_cast %get3A_1604 : i32 to index
      %get3A_1606 = arith.constant 48 : index
      %get3A_1607 = tpu.vector_load %arg7[%get3A_1605, %get3A_1606] {strides = array<i32>} : memref<32x64xf32, #tpu.memory_space<vmem>>, vector<1x16xf32>,
      %get3A_1608 = vector.shape_cast %get3A_1607 : vector<1x16xf32> to vector<16xf32>
      %mul3A_1609 = arith.constant 8.000000e+00 : f32
      %mul3A_1610 = vector.broadcast %mul3A_1609 : f32 to vector<16xf32>
      %mul3A_1611 = arith.mulf %get3A_1608, %mul3A_1610 : vector<16xf32>
      %add3A_1612 = arith.constant 7 : i32
      %add3A_1613 = arith.addi %mul3A_42, %add3A_1612 : i32
      %get3A_1614 = arith.index_cast %add3A_1613 : i32 to index
      %get3A_1615 = arith.constant 48 : index
      %get3A_1616 = tpu.vector_load %arg9[%get3A_1614, %get3A_1615] {strides = array<i32>} : memref<64x64xf32, #tpu.memory_space<vmem>>, vector<1x16xf32>,
      %get3A_1617 = vector.shape_cast %get3A_1616 : vector<1x16xf32> to vector<16xf32>
      %add3A_1618 = arith.addf %mul3A_1611, %get3A_1617 : vector<16xf32>
      %swap3A_1619 = arith.constant 7 : i32
      %swap3A_1620 = arith.index_cast %swap3A_1619 : i32 to index
      %swap3A_1621 = arith.constant 48 : index
      %swap3A_1622 = tpu.vector_load %arg8[%swap3A_1620, %swap3A_1621] {strides = array<i32>} : memref<32x64xf32, #tpu.memory_space<vmem>>, vector<1x16xf32>,
      %swap3A_1623 = vector.shape_cast %swap3A_1622 : vector<1x16xf32> to vector<16xf32>
      %swap3A_1624 = vector.shape_cast %add3A_1618 : vector<16xf32> to vector<1x16xf32>
      tpu.vector_store %arg8[%swap3A_1620, %swap3A_1621], %swap3A_1624 {strides = array<i32>} : memref<32x64xf32, #tpu.memory_space<vmem>>, vector<1x16xf32>,
      %get3A_1625 = arith.constant 8 : i32
      %get3A_1626 = arith.index_cast %get3A_1625 : i32 to index
      %get3A_1627 = arith.constant 0 : index
      %get3A_1628 = tpu.vector_load %arg7[%get3A_1626, %get3A_1627] {strides = array<i32>} : memref<32x64xf32, #tpu.memory_space<vmem>>, vector<1x16xf32>,
      %get3A_1629 = vector.shape_cast %get3A_1628 : vector<1x16xf32> to vector<16xf32>
      %mul3A_1630 = arith.constant 8.000000e+00 : f32
      %mul3A_1631 = vector.broadcast %mul3A_1630 : f32 to vector<16xf32>
      %mul3A_1632 = arith.mulf %get3A_1629, %mul3A_1631 : vector<16xf32>
      %add3A_1633 = arith.constant 8 : i32
      %add3A_1634 = arith.addi %mul3A_42, %add3A_1633 : i32
      %get3A_1635 = arith.index_cast %add3A_1634 : i32 to index
      %get3A_1636 = arith.constant 0 : index
      %get3A_1637 = tpu.vector_load %arg9[%get3A_1635, %get3A_1636] {strides = array<i32>} : memref<64x64xf32, #tpu.memory_space<vmem>>, vector<1x16xf32>,
      %get3A_1638 = vector.shape_cast %get3A_1637 : vector<1x16xf32> to vector<16xf32>
      %add3A_1639 = arith.addf %mul3A_1632, %get3A_1638 : vector<16xf32>
      %swap3A_1640 = arith.constant 8 : i32
      %swap3A_1641 = arith.index_cast %swap3A_1640 : i32 to index
      %swap3A_1642 = arith.constant 0 : index
      %swap3A_1643 = tpu.vector_load %arg8[%swap3A_1641, %swap3A_1642] {strides = array<i32>} : memref<32x64xf32, #tpu.memory_space<vmem>>, vector<1x16xf32>,
      %swap3A_1644 = vector.shape_cast %swap3A_1643 : vector<1x16xf32> to vector<16xf32>
      %swap3A_1645 = vector.shape_cast %add3A_1639 : vector<16xf32> to vector<1x16xf32>
      tpu.vector_store %arg8[%swap3A_1641, %swap3A_1642], %swap3A_1645 {strides = array<i32>} : memref<32x64xf32, #tpu.memory_space<vmem>>, vector<1x16xf32>,
      %get3A_1646 = arith.constant 8 : i32
      %get3A_1647 = arith.index_cast %get3A_1646 : i32 to index
      %get3A_1648 = arith.constant 16 : index
      %get3A_1649 = tpu.vector_load %arg7[%get3A_1647, %get3A_1648] {strides = array<i32>} : memref<32x64xf32, #tpu.memory_space<vmem>>, vector<1x16xf32>,
      %get3A_1650 = vector.shape_cast %get3A_1649 : vector<1x16xf32> to vector<16xf32>
      %mul3A_1651 = arith.constant 8.000000e+00 : f32
      %mul3A_1652 = vector.broadcast %mul3A_1651 : f32 to vector<16xf32>
      %mul3A_1653 = arith.mulf %get3A_1650, %mul3A_1652 : vector<16xf32>
      %add3A_1654 = arith.constant 8 : i32
      %add3A_1655 = arith.addi %mul3A_42, %add3A_1654 : i32
      %get3A_1656 = arith.index_cast %add3A_1655 : i32 to index
      %get3A_1657 = arith.constant 16 : index
      %get3A_1658 = tpu.vector_load %arg9[%get3A_1656, %get3A_1657] {strides = array<i32>} : memref<64x64xf32, #tpu.memory_space<vmem>>, vector<1x16xf32>,
      %get3A_1659 = vector.shape_cast %get3A_1658 : vector<1x16xf32> to vector<16xf32>
      %add3A_1660 = arith.addf %mul3A_1653, %get3A_1659 : vector<16xf32>
      %swap3A_1661 = arith.constant 8 : i32
      %swap3A_1662 = arith.index_cast %swap3A_1661 : i32 to index
      %swap3A_1663 = arith.constant 16 : index
      %swap3A_1664 = tpu.vector_load %arg8[%swap3A_1662, %swap3A_1663] {strides = array<i32>} : memref<32x64xf32, #tpu.memory_space<vmem>>, vector<1x16xf32>,
      %swap3A_1665 = vector.shape_cast %swap3A_1664 : vector<1x16xf32> to vector<16xf32>
      %swap3A_1666 = vector.shape_cast %add3A_1660 : vector<16xf32> to vector<1x16xf32>
      tpu.vector_store %arg8[%swap3A_1662, %swap3A_1663], %swap3A_1666 {strides = array<i32>} : memref<32x64xf32, #tpu.memory_space<vmem>>, vector<1x16xf32>,
      %get3A_1667 = arith.constant 8 : i32
      %get3A_1668 = arith.index_cast %get3A_1667 : i32 to index
      %get3A_1669 = arith.constant 32 : index
      %get3A_1670 = tpu.vector_load %arg7[%get3A_1668, %get3A_1669] {strides = array<i32>} : memref<32x64xf32, #tpu.memory_space<vmem>>, vector<1x16xf32>,
      %get3A_1671 = vector.shape_cast %get3A_1670 : vector<1x16xf32> to vector<16xf32>
      %mul3A_1672 = arith.constant 8.000000e+00 : f32
      %mul3A_1673 = vector.broadcast %mul3A_1672 : f32 to vector<16xf32>
      %mul3A_1674 = arith.mulf %get3A_1671, %mul3A_1673 : vector<16xf32>
      %add3A_1675 = arith.constant 8 : i32
      %add3A_1676 = arith.addi %mul3A_42, %add3A_1675 : i32
      %get3A_1677 = arith.index_cast %add3A_1676 : i32 to index
      %get3A_1678 = arith.constant 32 : index
      %get3A_1679 = tpu.vector_load %arg9[%get3A_1677, %get3A_1678] {strides = array<i32>} : memref<64x64xf32, #tpu.memory_space<vmem>>, vector<1x16xf32>,
      %get3A_1680 = vector.shape_cast %get3A_1679 : vector<1x16xf32> to vector<16xf32>
      %add3A_1681 = arith.addf %mul3A_1674, %get3A_1680 : vector<16xf32>
      %swap3A_1682 = arith.constant 8 : i32
      %swap3A_1683 = arith.index_cast %swap3A_1682 : i32 to index
      %swap3A_1684 = arith.constant 32 : index
      %swap3A_1685 = tpu.vector_load %arg8[%swap3A_1683, %swap3A_1684] {strides = array<i32>} : memref<32x64xf32, #tpu.memory_space<vmem>>, vector<1x16xf32>,
      %swap3A_1686 = vector.shape_cast %swap3A_1685 : vector<1x16xf32> to vector<16xf32>
      %swap3A_1687 = vector.shape_cast %add3A_1681 : vector<16xf32> to vector<1x16xf32>
      tpu.vector_store %arg8[%swap3A_1683, %swap3A_1684], %swap3A_1687 {strides = array<i32>} : memref<32x64xf32, #tpu.memory_space<vmem>>, vector<1x16xf32>,
      %get3A_1688 = arith.constant 8 : i32
      %get3A_1689 = arith.index_cast %get3A_1688 : i32 to index
      %get3A_1690 = arith.constant 48 : index
      %get3A_1691 = tpu.vector_load %arg7[%get3A_1689, %get3A_1690] {strides = array<i32>} : memref<32x64xf32, #tpu.memory_space<vmem>>, vector<1x16xf32>,
      %get3A_1692 = vector.shape_cast %get3A_1691 : vector<1x16xf32> to vector<16xf32>
      %mul3A_1693 = arith.constant 8.000000e+00 : f32
      %mul3A_1694 = vector.broadcast %mul3A_1693 : f32 to vector<16xf32>
      %mul3A_1695 = arith.mulf %get3A_1692, %mul3A_1694 : vector<16xf32>
      %add3A_1696 = arith.constant 8 : i32
      %add3A_1697 = arith.addi %mul3A_42, %add3A_1696 : i32
      %get3A_1698 = arith.index_cast %add3A_1697 : i32 to index
      %get3A_1699 = arith.constant 48 : index
      %get3A_1700 = tpu.vector_load %arg9[%get3A_1698, %get3A_1699] {strides = array<i32>} : memref<64x64xf32, #tpu.memory_space<vmem>>, vector<1x16xf32>,
      %get3A_1701 = vector.shape_cast %get3A_1700 : vector<1x16xf32> to vector<16xf32>
      %add3A_1702 = arith.addf %mul3A_1695, %get3A_1701 : vector<16xf32>
      %swap3A_1703 = arith.constant 8 : i32
      %swap3A_1704 = arith.index_cast %swap3A_1703 : i32 to index
      %swap3A_1705 = arith.constant 48 : index
      %swap3A_1706 = tpu.vector_load %arg8[%swap3A_1704, %swap3A_1705] {strides = array<i32>} : memref<32x64xf32, #tpu.memory_space<vmem>>, vector<1x16xf32>,
      %swap3A_1707 = vector.shape_cast %swap3A_1706 : vector<1x16xf32> to vector<16xf32>
      %swap3A_1708 = vector.shape_cast %add3A_1702 : vector<16xf32> to vector<1x16xf32>
      tpu.vector_store %arg8[%swap3A_1704, %swap3A_1705], %swap3A_1708 {strides = array<i32>} : memref<32x64xf32, #tpu.memory_space<vmem>>, vector<1x16xf32>,
      %get3A_1709 = arith.constant 9 : i32
      %get3A_1710 = arith.index_cast %get3A_1709 : i32 to index
      %get3A_1711 = arith.constant 0 : index
      %get3A_1712 = tpu.vector_load %arg7[%get3A_1710, %get3A_1711] {strides = array<i32>} : memref<32x64xf32, #tpu.memory_space<vmem>>, vector<1x16xf32>,
      %get3A_1713 = vector.shape_cast %get3A_1712 : vector<1x16xf32> to vector<16xf32>
      %mul3A_1714 = arith.constant 8.000000e+00 : f32
      %mul3A_1715 = vector.broadcast %mul3A_1714 : f32 to vector<16xf32>
      %mul3A_1716 = arith.mulf %get3A_1713, %mul3A_1715 : vector<16xf32>
      %add3A_1717 = arith.constant 9 : i32
      %add3A_1718 = arith.addi %mul3A_42, %add3A_1717 : i32
      %get3A_1719 = arith.index_cast %add3A_1718 : i32 to index
      %get3A_1720 = arith.constant 0 : index
      %get3A_1721 = tpu.vector_load %arg9[%get3A_1719, %get3A_1720] {strides = array<i32>} : memref<64x64xf32, #tpu.memory_space<vmem>>, vector<1x16xf32>,
      %get3A_1722 = vector.shape_cast %get3A_1721 : vector<1x16xf32> to vector<16xf32>
      %add3A_1723 = arith.addf %mul3A_1716, %get3A_1722 : vector<16xf32>
      %swap3A_1724 = arith.constant 9 : i32
      %swap3A_1725 = arith.index_cast %swap3A_1724 : i32 to index
      %swap3A_1726 = arith.constant 0 : index
      %swap3A_1727 = tpu.vector_load %arg8[%swap3A_1725, %swap3A_1726] {strides = array<i32>} : memref<32x64xf32, #tpu.memory_space<vmem>>, vector<1x16xf32>,
      %swap3A_1728 = vector.shape_cast %swap3A_1727 : vector<1x16xf32> to vector<16xf32>
      %swap3A_1729 = vector.shape_cast %add3A_1723 : vector<16xf32> to vector<1x16xf32>
      tpu.vector_store %arg8[%swap3A_1725, %swap3A_1726], %swap3A_1729 {strides = array<i32>} : memref<32x64xf32, #tpu.memory_space<vmem>>, vector<1x16xf32>,
      %get3A_1730 = arith.constant 9 : i32
      %get3A_1731 = arith.index_cast %get3A_1730 : i32 to index
      %get3A_1732 = arith.constant 16 : index
      %get3A_1733 = tpu.vector_load %arg7[%get3A_1731, %get3A_1732] {strides = array<i32>} : memref<32x64xf32, #tpu.memory_space<vmem>>, vector<1x16xf32>,
      %get3A_1734 = vector.shape_cast %get3A_1733 : vector<1x16xf32> to vector<16xf32>
      %mul3A_1735 = arith.constant 8.000000e+00 : f32
      %mul3A_1736 = vector.broadcast %mul3A_1735 : f32 to vector<16xf32>
      %mul3A_1737 = arith.mulf %get3A_1734, %mul3A_1736 : vector<16xf32>
      %add3A_1738 = arith.constant 9 : i32
      %add3A_1739 = arith.addi %mul3A_42, %add3A_1738 : i32
      %get3A_1740 = arith.index_cast %add3A_1739 : i32 to index
      %get3A_1741 = arith.constant 16 : index
      %get3A_1742 = tpu.vector_load %arg9[%get3A_1740, %get3A_1741] {strides = array<i32>} : memref<64x64xf32, #tpu.memory_space<vmem>>, vector<1x16xf32>,
      %get3A_1743 = vector.shape_cast %get3A_1742 : vector<1x16xf32> to vector<16xf32>
      %add3A_1744 = arith.addf %mul3A_1737, %get3A_1743 : vector<16xf32>
      %swap3A_1745 = arith.constant 9 : i32
      %swap3A_1746 = arith.index_cast %swap3A_1745 : i32 to index
      %swap3A_1747 = arith.constant 16 : index
      %swap3A_1748 = tpu.vector_load %arg8[%swap3A_1746, %swap3A_1747] {strides = array<i32>} : memref<32x64xf32, #tpu.memory_space<vmem>>, vector<1x16xf32>,
      %swap3A_1749 = vector.shape_cast %swap3A_1748 : vector<1x16xf32> to vector<16xf32>
      %swap3A_1750 = vector.shape_cast %add3A_1744 : vector<16xf32> to vector<1x16xf32>
      tpu.vector_store %arg8[%swap3A_1746, %swap3A_1747], %swap3A_1750 {strides = array<i32>} : memref<32x64xf32, #tpu.memory_space<vmem>>, vector<1x16xf32>,
      %get3A_1751 = arith.constant 9 : i32
      %get3A_1752 = arith.index_cast %get3A_1751 : i32 to index
      %get3A_1753 = arith.constant 32 : index
      %get3A_1754 = tpu.vector_load %arg7[%get3A_1752, %get3A_1753] {strides = array<i32>} : memref<32x64xf32, #tpu.memory_space<vmem>>, vector<1x16xf32>,
      %get3A_1755 = vector.shape_cast %get3A_1754 : vector<1x16xf32> to vector<16xf32>
      %mul3A_1756 = arith.constant 8.000000e+00 : f32
      %mul3A_1757 = vector.broadcast %mul3A_1756 : f32 to vector<16xf32>
      %mul3A_1758 = arith.mulf %get3A_1755, %mul3A_1757 : vector<16xf32>
      %add3A_1759 = arith.constant 9 : i32
      %add3A_1760 = arith.addi %mul3A_42, %add3A_1759 : i32
      %get3A_1761 = arith.index_cast %add3A_1760 : i32 to index
      %get3A_1762 = arith.constant 32 : index
      %get3A_1763 = tpu.vector_load %arg9[%get3A_1761, %get3A_1762] {strides = array<i32>} : memref<64x64xf32, #tpu.memory_space<vmem>>, vector<1x16xf32>,
      %get3A_1764 = vector.shape_cast %get3A_1763 : vector<1x16xf32> to vector<16xf32>
      %add3A_1765 = arith.addf %mul3A_1758, %get3A_1764 : vector<16xf32>
      %swap3A_1766 = arith.constant 9 : i32
      %swap3A_1767 = arith.index_cast %swap3A_1766 : i32 to index
      %swap3A_1768 = arith.constant 32 : index
      %swap3A_1769 = tpu.vector_load %arg8[%swap3A_1767, %swap3A_1768] {strides = array<i32>} : memref<32x64xf32, #tpu.memory_space<vmem>>, vector<1x16xf32>,
      %swap3A_1770 = vector.shape_cast %swap3A_1769 : vector<1x16xf32> to vector<16xf32>
      %swap3A_1771 = vector.shape_cast %add3A_1765 : vector<16xf32> to vector<1x16xf32>
      tpu.vector_store %arg8[%swap3A_1767, %swap3A_1768], %swap3A_1771 {strides = array<i32>} : memref<32x64xf32, #tpu.memory_space<vmem>>, vector<1x16xf32>,
      %get3A_1772 = arith.constant 9 : i32
      %get3A_1773 = arith.index_cast %get3A_1772 : i32 to index
      %get3A_1774 = arith.constant 48 : index
      %get3A_1775 = tpu.vector_load %arg7[%get3A_1773, %get3A_1774] {strides = array<i32>} : memref<32x64xf32, #tpu.memory_space<vmem>>, vector<1x16xf32>,
      %get3A_1776 = vector.shape_cast %get3A_1775 : vector<1x16xf32> to vector<16xf32>
      %mul3A_1777 = arith.constant 8.000000e+00 : f32
      %mul3A_1778 = vector.broadcast %mul3A_1777 : f32 to vector<16xf32>
      %mul3A_1779 = arith.mulf %get3A_1776, %mul3A_1778 : vector<16xf32>
      %add3A_1780 = arith.constant 9 : i32
      %add3A_1781 = arith.addi %mul3A_42, %add3A_1780 : i32
      %get3A_1782 = arith.index_cast %add3A_1781 : i32 to index
      %get3A_1783 = arith.constant 48 : index
      %get3A_1784 = tpu.vector_load %arg9[%get3A_1782, %get3A_1783] {strides = array<i32>} : memref<64x64xf32, #tpu.memory_space<vmem>>, vector<1x16xf32>,
      %get3A_1785 = vector.shape_cast %get3A_1784 : vector<1x16xf32> to vector<16xf32>
      %add3A_1786 = arith.addf %mul3A_1779, %get3A_1785 : vector<16xf32>
      %swap3A_1787 = arith.constant 9 : i32
      %swap3A_1788 = arith.index_cast %swap3A_1787 : i32 to index
      %swap3A_1789 = arith.constant 48 : index
      %swap3A_1790 = tpu.vector_load %arg8[%swap3A_1788, %swap3A_1789] {strides = array<i32>} : memref<32x64xf32, #tpu.memory_space<vmem>>, vector<1x16xf32>,
      %swap3A_1791 = vector.shape_cast %swap3A_1790 : vector<1x16xf32> to vector<16xf32>
      %swap3A_1792 = vector.shape_cast %add3A_1786 : vector<16xf32> to vector<1x16xf32>
      tpu.vector_store %arg8[%swap3A_1788, %swap3A_1789], %swap3A_1792 {strides = array<i32>} : memref<32x64xf32, #tpu.memory_space<vmem>>, vector<1x16xf32>,
      %get3A_1793 = arith.constant 10 : i32
      %get3A_1794 = arith.index_cast %get3A_1793 : i32 to index
      %get3A_1795 = arith.constant 0 : index
      %get3A_1796 = tpu.vector_load %arg7[%get3A_1794, %get3A_1795] {strides = array<i32>} : memref<32x64xf32, #tpu.memory_space<vmem>>, vector<1x16xf32>,
      %get3A_1797 = vector.shape_cast %get3A_1796 : vector<1x16xf32> to vector<16xf32>
      %mul3A_1798 = arith.constant 8.000000e+00 : f32
      %mul3A_1799 = vector.broadcast %mul3A_1798 : f32 to vector<16xf32>
      %mul3A_1800 = arith.mulf %get3A_1797, %mul3A_1799 : vector<16xf32>
      %add3A_1801 = arith.constant 10 : i32
      %add3A_1802 = arith.addi %mul3A_42, %add3A_1801 : i32
      %get3A_1803 = arith.index_cast %add3A_1802 : i32 to index
      %get3A_1804 = arith.constant 0 : index
      %get3A_1805 = tpu.vector_load %arg9[%get3A_1803, %get3A_1804] {strides = array<i32>} : memref<64x64xf32, #tpu.memory_space<vmem>>, vector<1x16xf32>,
      %get3A_1806 = vector.shape_cast %get3A_1805 : vector<1x16xf32> to vector<16xf32>
      %add3A_1807 = arith.addf %mul3A_1800, %get3A_1806 : vector<16xf32>
      %swap3A_1808 = arith.constant 10 : i32
      %swap3A_1809 = arith.index_cast %swap3A_1808 : i32 to index
      %swap3A_1810 = arith.constant 0 : index
      %swap3A_1811 = tpu.vector_load %arg8[%swap3A_1809, %swap3A_1810] {strides = array<i32>} : memref<32x64xf32, #tpu.memory_space<vmem>>, vector<1x16xf32>,
      %swap3A_1812 = vector.shape_cast %swap3A_1811 : vector<1x16xf32> to vector<16xf32>
      %swap3A_1813 = vector.shape_cast %add3A_1807 : vector<16xf32> to vector<1x16xf32>
      tpu.vector_store %arg8[%swap3A_1809, %swap3A_1810], %swap3A_1813 {strides = array<i32>} : memref<32x64xf32, #tpu.memory_space<vmem>>, vector<1x16xf32>,
      %get3A_1814 = arith.constant 10 : i32
      %get3A_1815 = arith.index_cast %get3A_1814 : i32 to index
      %get3A_1816 = arith.constant 16 : index
      %get3A_1817 = tpu.vector_load %arg7[%get3A_1815, %get3A_1816] {strides = array<i32>} : memref<32x64xf32, #tpu.memory_space<vmem>>, vector<1x16xf32>,
      %get3A_1818 = vector.shape_cast %get3A_1817 : vector<1x16xf32> to vector<16xf32>
      %mul3A_1819 = arith.constant 8.000000e+00 : f32
      %mul3A_1820 = vector.broadcast %mul3A_1819 : f32 to vector<16xf32>
      %mul3A_1821 = arith.mulf %get3A_1818, %mul3A_1820 : vector<16xf32>
      %add3A_1822 = arith.constant 10 : i32
      %add3A_1823 = arith.addi %mul3A_42, %add3A_1822 : i32
      %get3A_1824 = arith.index_cast %add3A_1823 : i32 to index
      %get3A_1825 = arith.constant 16 : index
      %get3A_1826 = tpu.vector_load %arg9[%get3A_1824, %get3A_1825] {strides = array<i32>} : memref<64x64xf32, #tpu.memory_space<vmem>>, vector<1x16xf32>,
      %get3A_1827 = vector.shape_cast %get3A_1826 : vector<1x16xf32> to vector<16xf32>
      %add3A_1828 = arith.addf %mul3A_1821, %get3A_1827 : vector<16xf32>
      %swap3A_1829 = arith.constant 10 : i32
      %swap3A_1830 = arith.index_cast %swap3A_1829 : i32 to index
      %swap3A_1831 = arith.constant 16 : index
      %swap3A_1832 = tpu.vector_load %arg8[%swap3A_1830, %swap3A_1831] {strides = array<i32>} : memref<32x64xf32, #tpu.memory_space<vmem>>, vector<1x16xf32>,
      %swap3A_1833 = vector.shape_cast %swap3A_1832 : vector<1x16xf32> to vector<16xf32>
      %swap3A_1834 = vector.shape_cast %add3A_1828 : vector<16xf32> to vector<1x16xf32>
      tpu.vector_store %arg8[%swap3A_1830, %swap3A_1831], %swap3A_1834 {strides = array<i32>} : memref<32x64xf32, #tpu.memory_space<vmem>>, vector<1x16xf32>,
      %get3A_1835 = arith.constant 10 : i32
      %get3A_1836 = arith.index_cast %get3A_1835 : i32 to index
      %get3A_1837 = arith.constant 32 : index
      %get3A_1838 = tpu.vector_load %arg7[%get3A_1836, %get3A_1837] {strides = array<i32>} : memref<32x64xf32, #tpu.memory_space<vmem>>, vector<1x16xf32>,
      %get3A_1839 = vector.shape_cast %get3A_1838 : vector<1x16xf32> to vector<16xf32>
      %mul3A_1840 = arith.constant 8.000000e+00 : f32
      %mul3A_1841 = vector.broadcast %mul3A_1840 : f32 to vector<16xf32>
      %mul3A_1842 = arith.mulf %get3A_1839, %mul3A_1841 : vector<16xf32>
      %add3A_1843 = arith.constant 10 : i32
      %add3A_1844 = arith.addi %mul3A_42, %add3A_1843 : i32
      %get3A_1845 = arith.index_cast %add3A_1844 : i32 to index
      %get3A_1846 = arith.constant 32 : index
      %get3A_1847 = tpu.vector_load %arg9[%get3A_1845, %get3A_1846] {strides = array<i32>} : memref<64x64xf32, #tpu.memory_space<vmem>>, vector<1x16xf32>,
      %get3A_1848 = vector.shape_cast %get3A_1847 : vector<1x16xf32> to vector<16xf32>
      %add3A_1849 = arith.addf %mul3A_1842, %get3A_1848 : vector<16xf32>
      %swap3A_1850 = arith.constant 10 : i32
      %swap3A_1851 = arith.index_cast %swap3A_1850 : i32 to index
      %swap3A_1852 = arith.constant 32 : index
      %swap3A_1853 = tpu.vector_load %arg8[%swap3A_1851, %swap3A_1852] {strides = array<i32>} : memref<32x64xf32, #tpu.memory_space<vmem>>, vector<1x16xf32>,
      %swap3A_1854 = vector.shape_cast %swap3A_1853 : vector<1x16xf32> to vector<16xf32>
      %swap3A_1855 = vector.shape_cast %add3A_1849 : vector<16xf32> to vector<1x16xf32>
      tpu.vector_store %arg8[%swap3A_1851, %swap3A_1852], %swap3A_1855 {strides = array<i32>} : memref<32x64xf32, #tpu.memory_space<vmem>>, vector<1x16xf32>,
      %get3A_1856 = arith.constant 10 : i32
      %get3A_1857 = arith.index_cast %get3A_1856 : i32 to index
      %get3A_1858 = arith.constant 48 : index
      %get3A_1859 = tpu.vector_load %arg7[%get3A_1857, %get3A_1858] {strides = array<i32>} : memref<32x64xf32, #tpu.memory_space<vmem>>, vector<1x16xf32>,
      %get3A_1860 = vector.shape_cast %get3A_1859 : vector<1x16xf32> to vector<16xf32>
      %mul3A_1861 = arith.constant 8.000000e+00 : f32
      %mul3A_1862 = vector.broadcast %mul3A_1861 : f32 to vector<16xf32>
      %mul3A_1863 = arith.mulf %get3A_1860, %mul3A_1862 : vector<16xf32>
      %add3A_1864 = arith.constant 10 : i32
      %add3A_1865 = arith.addi %mul3A_42, %add3A_1864 : i32
      %get3A_1866 = arith.index_cast %add3A_1865 : i32 to index
      %get3A_1867 = arith.constant 48 : index
      %get3A_1868 = tpu.vector_load %arg9[%get3A_1866, %get3A_1867] {strides = array<i32>} : memref<64x64xf32, #tpu.memory_space<vmem>>, vector<1x16xf32>,
      %get3A_1869 = vector.shape_cast %get3A_1868 : vector<1x16xf32> to vector<16xf32>
      %add3A_1870 = arith.addf %mul3A_1863, %get3A_1869 : vector<16xf32>
      %swap3A_1871 = arith.constant 10 : i32
      %swap3A_1872 = arith.index_cast %swap3A_1871 : i32 to index
      %swap3A_1873 = arith.constant 48 : index
      %swap3A_1874 = tpu.vector_load %arg8[%swap3A_1872, %swap3A_1873] {strides = array<i32>} : memref<32x64xf32, #tpu.memory_space<vmem>>, vector<1x16xf32>,
      %swap3A_1875 = vector.shape_cast %swap3A_1874 : vector<1x16xf32> to vector<16xf32>
      %swap3A_1876 = vector.shape_cast %add3A_1870 : vector<16xf32> to vector<1x16xf32>
      tpu.vector_store %arg8[%swap3A_1872, %swap3A_1873], %swap3A_1876 {strides = array<i32>} : memref<32x64xf32, #tpu.memory_space<vmem>>, vector<1x16xf32>,
      %get3A_1877 = arith.constant 11 : i32
      %get3A_1878 = arith.index_cast %get3A_1877 : i32 to index
      %get3A_1879 = arith.constant 0 : index
      %get3A_1880 = tpu.vector_load %arg7[%get3A_1878, %get3A_1879] {strides = array<i32>} : memref<32x64xf32, #tpu.memory_space<vmem>>, vector<1x16xf32>,
      %get3A_1881 = vector.shape_cast %get3A_1880 : vector<1x16xf32> to vector<16xf32>
      %mul3A_1882 = arith.constant 8.000000e+00 : f32
      %mul3A_1883 = vector.broadcast %mul3A_1882 : f32 to vector<16xf32>
      %mul3A_1884 = arith.mulf %get3A_1881, %mul3A_1883 : vector<16xf32>
      %add3A_1885 = arith.constant 11 : i32
      %add3A_1886 = arith.addi %mul3A_42, %add3A_1885 : i32
      %get3A_1887 = arith.index_cast %add3A_1886 : i32 to index
      %get3A_1888 = arith.constant 0 : index
      %get3A_1889 = tpu.vector_load %arg9[%get3A_1887, %get3A_1888] {strides = array<i32>} : memref<64x64xf32, #tpu.memory_space<vmem>>, vector<1x16xf32>,
      %get3A_1890 = vector.shape_cast %get3A_1889 : vector<1x16xf32> to vector<16xf32>
      %add3A_1891 = arith.addf %mul3A_1884, %get3A_1890 : vector<16xf32>
      %swap3A_1892 = arith.constant 11 : i32
      %swap3A_1893 = arith.index_cast %swap3A_1892 : i32 to index
      %swap3A_1894 = arith.constant 0 : index
      %swap3A_1895 = tpu.vector_load %arg8[%swap3A_1893, %swap3A_1894] {strides = array<i32>} : memref<32x64xf32, #tpu.memory_space<vmem>>, vector<1x16xf32>,
      %swap3A_1896 = vector.shape_cast %swap3A_1895 : vector<1x16xf32> to vector<16xf32>
      %swap3A_1897 = vector.shape_cast %add3A_1891 : vector<16xf32> to vector<1x16xf32>
      tpu.vector_store %arg8[%swap3A_1893, %swap3A_1894], %swap3A_1897 {strides = array<i32>} : memref<32x64xf32, #tpu.memory_space<vmem>>, vector<1x16xf32>,
      %get3A_1898 = arith.constant 11 : i32
      %get3A_1899 = arith.index_cast %get3A_1898 : i32 to index
      %get3A_1900 = arith.constant 16 : index
      %get3A_1901 = tpu.vector_load %arg7[%get3A_1899, %get3A_1900] {strides = array<i32>} : memref<32x64xf32, #tpu.memory_space<vmem>>, vector<1x16xf32>,
      %get3A_1902 = vector.shape_cast %get3A_1901 : vector<1x16xf32> to vector<16xf32>
      %mul3A_1903 = arith.constant 8.000000e+00 : f32
      %mul3A_1904 = vector.broadcast %mul3A_1903 : f32 to vector<16xf32>
      %mul3A_1905 = arith.mulf %get3A_1902, %mul3A_1904 : vector<16xf32>
      %add3A_1906 = arith.constant 11 : i32
      %add3A_1907 = arith.addi %mul3A_42, %add3A_1906 : i32
      %get3A_1908 = arith.index_cast %add3A_1907 : i32 to index
      %get3A_1909 = arith.constant 16 : index
      %get3A_1910 = tpu.vector_load %arg9[%get3A_1908, %get3A_1909] {strides = array<i32>} : memref<64x64xf32, #tpu.memory_space<vmem>>, vector<1x16xf32>,
      %get3A_1911 = vector.shape_cast %get3A_1910 : vector<1x16xf32> to vector<16xf32>
      %add3A_1912 = arith.addf %mul3A_1905, %get3A_1911 : vector<16xf32>
      %swap3A_1913 = arith.constant 11 : i32
      %swap3A_1914 = arith.index_cast %swap3A_1913 : i32 to index
      %swap3A_1915 = arith.constant 16 : index
      %swap3A_1916 = tpu.vector_load %arg8[%swap3A_1914, %swap3A_1915] {strides = array<i32>} : memref<32x64xf32, #tpu.memory_space<vmem>>, vector<1x16xf32>,
      %swap3A_1917 = vector.shape_cast %swap3A_1916 : vector<1x16xf32> to vector<16xf32>
      %swap3A_1918 = vector.shape_cast %add3A_1912 : vector<16xf32> to vector<1x16xf32>
      tpu.vector_store %arg8[%swap3A_1914, %swap3A_1915], %swap3A_1918 {strides = array<i32>} : memref<32x64xf32, #tpu.memory_space<vmem>>, vector<1x16xf32>,
      %get3A_1919 = arith.constant 11 : i32
      %get3A_1920 = arith.index_cast %get3A_1919 : i32 to index
      %get3A_1921 = arith.constant 32 : index
      %get3A_1922 = tpu.vector_load %arg7[%get3A_1920, %get3A_1921] {strides = array<i32>} : memref<32x64xf32, #tpu.memory_space<vmem>>, vector<1x16xf32>,
      %get3A_1923 = vector.shape_cast %get3A_1922 : vector<1x16xf32> to vector<16xf32>
      %mul3A_1924 = arith.constant 8.000000e+00 : f32
      %mul3A_1925 = vector.broadcast %mul3A_1924 : f32 to vector<16xf32>
      %mul3A_1926 = arith.mulf %get3A_1923, %mul3A_1925 : vector<16xf32>
      %add3A_1927 = arith.constant 11 : i32
      %add3A_1928 = arith.addi %mul3A_42, %add3A_1927 : i32
      %get3A_1929 = arith.index_cast %add3A_1928 : i32 to index
      %get3A_1930 = arith.constant 32 : index
      %get3A_1931 = tpu.vector_load %arg9[%get3A_1929, %get3A_1930] {strides = array<i32>} : memref<64x64xf32, #tpu.memory_space<vmem>>, vector<1x16xf32>,
      %get3A_1932 = vector.shape_cast %get3A_1931 : vector<1x16xf32> to vector<16xf32>
      %add3A_1933 = arith.addf %mul3A_1926, %get3A_1932 : vector<16xf32>
      %swap3A_1934 = arith.constant 11 : i32
      %swap3A_1935 = arith.index_cast %swap3A_1934 : i32 to index
      %swap3A_1936 = arith.constant 32 : index
      %swap3A_1937 = tpu.vector_load %arg8[%swap3A_1935, %swap3A_1936] {strides = array<i32>} : memref<32x64xf32, #tpu.memory_space<vmem>>, vector<1x16xf32>,
      %swap3A_1938 = vector.shape_cast %swap3A_1937 : vector<1x16xf32> to vector<16xf32>
      %swap3A_1939 = vector.shape_cast %add3A_1933 : vector<16xf32> to vector<1x16xf32>
      tpu.vector_store %arg8[%swap3A_1935, %swap3A_1936], %swap3A_1939 {strides = array<i32>} : memref<32x64xf32, #tpu.memory_space<vmem>>, vector<1x16xf32>,
      %get3A_1940 = arith.constant 11 : i32
      %get3A_1941 = arith.index_cast %get3A_1940 : i32 to index
      %get3A_1942 = arith.constant 48 : index
      %get3A_1943 = tpu.vector_load %arg7[%get3A_1941, %get3A_1942] {strides = array<i32>} : memref<32x64xf32, #tpu.memory_space<vmem>>, vector<1x16xf32>,
      %get3A_1944 = vector.shape_cast %get3A_1943 : vector<1x16xf32> to vector<16xf32>
      %mul3A_1945 = arith.constant 8.000000e+00 : f32
      %mul3A_1946 = vector.broadcast %mul3A_1945 : f32 to vector<16xf32>
      %mul3A_1947 = arith.mulf %get3A_1944, %mul3A_1946 : vector<16xf32>
      %add3A_1948 = arith.constant 11 : i32
      %add3A_1949 = arith.addi %mul3A_42, %add3A_1948 : i32
      %get3A_1950 = arith.index_cast %add3A_1949 : i32 to index
      %get3A_1951 = arith.constant 48 : index
      %get3A_1952 = tpu.vector_load %arg9[%get3A_1950, %get3A_1951] {strides = array<i32>} : memref<64x64xf32, #tpu.memory_space<vmem>>, vector<1x16xf32>,
      %get3A_1953 = vector.shape_cast %get3A_1952 : vector<1x16xf32> to vector<16xf32>
      %add3A_1954 = arith.addf %mul3A_1947, %get3A_1953 : vector<16xf32>
      %swap3A_1955 = arith.constant 11 : i32
      %swap3A_1956 = arith.index_cast %swap3A_1955 : i32 to index
      %swap3A_1957 = arith.constant 48 : index
      %swap3A_1958 = tpu.vector_load %arg8[%swap3A_1956, %swap3A_1957] {strides = array<i32>} : memref<32x64xf32, #tpu.memory_space<vmem>>, vector<1x16xf32>,
      %swap3A_1959 = vector.shape_cast %swap3A_1958 : vector<1x16xf32> to vector<16xf32>
      %swap3A_1960 = vector.shape_cast %add3A_1954 : vector<16xf32> to vector<1x16xf32>
      tpu.vector_store %arg8[%swap3A_1956, %swap3A_1957], %swap3A_1960 {strides = array<i32>} : memref<32x64xf32, #tpu.memory_space<vmem>>, vector<1x16xf32>,
      %get3A_1961 = arith.constant 12 : i32
      %get3A_1962 = arith.index_cast %get3A_1961 : i32 to index
      %get3A_1963 = arith.constant 0 : index
      %get3A_1964 = tpu.vector_load %arg7[%get3A_1962, %get3A_1963] {strides = array<i32>} : memref<32x64xf32, #tpu.memory_space<vmem>>, vector<1x16xf32>,
      %get3A_1965 = vector.shape_cast %get3A_1964 : vector<1x16xf32> to vector<16xf32>
      %mul3A_1966 = arith.constant 8.000000e+00 : f32
      %mul3A_1967 = vector.broadcast %mul3A_1966 : f32 to vector<16xf32>
      %mul3A_1968 = arith.mulf %get3A_1965, %mul3A_1967 : vector<16xf32>
      %add3A_1969 = arith.constant 12 : i32
      %add3A_1970 = arith.addi %mul3A_42, %add3A_1969 : i32
      %get3A_1971 = arith.index_cast %add3A_1970 : i32 to index
      %get3A_1972 = arith.constant 0 : index
      %get3A_1973 = tpu.vector_load %arg9[%get3A_1971, %get3A_1972] {strides = array<i32>} : memref<64x64xf32, #tpu.memory_space<vmem>>, vector<1x16xf32>,
      %get3A_1974 = vector.shape_cast %get3A_1973 : vector<1x16xf32> to vector<16xf32>
      %add3A_1975 = arith.addf %mul3A_1968, %get3A_1974 : vector<16xf32>
      %swap3A_1976 = arith.constant 12 : i32
      %swap3A_1977 = arith.index_cast %swap3A_1976 : i32 to index
      %swap3A_1978 = arith.constant 0 : index
      %swap3A_1979 = tpu.vector_load %arg8[%swap3A_1977, %swap3A_1978] {strides = array<i32>} : memref<32x64xf32, #tpu.memory_space<vmem>>, vector<1x16xf32>,
      %swap3A_1980 = vector.shape_cast %swap3A_1979 : vector<1x16xf32> to vector<16xf32>
      %swap3A_1981 = vector.shape_cast %add3A_1975 : vector<16xf32> to vector<1x16xf32>
      tpu.vector_store %arg8[%swap3A_1977, %swap3A_1978], %swap3A_1981 {strides = array<i32>} : memref<32x64xf32, #tpu.memory_space<vmem>>, vector<1x16xf32>,
      %get3A_1982 = arith.constant 12 : i32
      %get3A_1983 = arith.index_cast %get3A_1982 : i32 to index
      %get3A_1984 = arith.constant 16 : index
      %get3A_1985 = tpu.vector_load %arg7[%get3A_1983, %get3A_1984] {strides = array<i32>} : memref<32x64xf32, #tpu.memory_space<vmem>>, vector<1x16xf32>,
      %get3A_1986 = vector.shape_cast %get3A_1985 : vector<1x16xf32> to vector<16xf32>
      %mul3A_1987 = arith.constant 8.000000e+00 : f32
      %mul3A_1988 = vector.broadcast %mul3A_1987 : f32 to vector<16xf32>
      %mul3A_1989 = arith.mulf %get3A_1986, %mul3A_1988 : vector<16xf32>
      %add3A_1990 = arith.constant 12 : i32
      %add3A_1991 = arith.addi %mul3A_42, %add3A_1990 : i32
      %get3A_1992 = arith.index_cast %add3A_1991 : i32 to index
      %get3A_1993 = arith.constant 16 : index
      %get3A_1994 = tpu.vector_load %arg9[%get3A_1992, %get3A_1993] {strides = array<i32>} : memref<64x64xf32, #tpu.memory_space<vmem>>, vector<1x16xf32>,
      %get3A_1995 = vector.shape_cast %get3A_1994 : vector<1x16xf32> to vector<16xf32>
      %add3A_1996 = arith.addf %mul3A_1989, %get3A_1995 : vector<16xf32>
      %swap3A_1997 = arith.constant 12 : i32
      %swap3A_1998 = arith.index_cast %swap3A_1997 : i32 to index
      %swap3A_1999 = arith.constant 16 : index
      %swap3A_2000 = tpu.vector_load %arg8[%swap3A_1998, %swap3A_1999] {strides = array<i32>} : memref<32x64xf32, #tpu.memory_space<vmem>>, vector<1x16xf32>,
      %swap3A_2001 = vector.shape_cast %swap3A_2000 : vector<1x16xf32> to vector<16xf32>
      %swap3A_2002 = vector.shape_cast %add3A_1996 : vector<16xf32> to vector<1x16xf32>
      tpu.vector_store %arg8[%swap3A_1998, %swap3A_1999], %swap3A_2002 {strides = array<i32>} : memref<32x64xf32, #tpu.memory_space<vmem>>, vector<1x16xf32>,
      %get3A_2003 = arith.constant 12 : i32
      %get3A_2004 = arith.index_cast %get3A_2003 : i32 to index
      %get3A_2005 = arith.constant 32 : index
      %get3A_2006 = tpu.vector_load %arg7[%get3A_2004, %get3A_2005] {strides = array<i32>} : memref<32x64xf32, #tpu.memory_space<vmem>>, vector<1x16xf32>,
      %get3A_2007 = vector.shape_cast %get3A_2006 : vector<1x16xf32> to vector<16xf32>
      %mul3A_2008 = arith.constant 8.000000e+00 : f32
      %mul3A_2009 = vector.broadcast %mul3A_2008 : f32 to vector<16xf32>
      %mul3A_2010 = arith.mulf %get3A_2007, %mul3A_2009 : vector<16xf32>
      %add3A_2011 = arith.constant 12 : i32
      %add3A_2012 = arith.addi %mul3A_42, %add3A_2011 : i32
      %get3A_2013 = arith.index_cast %add3A_2012 : i32 to index
      %get3A_2014 = arith.constant 32 : index
      %get3A_2015 = tpu.vector_load %arg9[%get3A_2013, %get3A_2014] {strides = array<i32>} : memref<64x64xf32, #tpu.memory_space<vmem>>, vector<1x16xf32>,
      %get3A_2016 = vector.shape_cast %get3A_2015 : vector<1x16xf32> to vector<16xf32>
      %add3A_2017 = arith.addf %mul3A_2010, %get3A_2016 : vector<16xf32>
      %swap3A_2018 = arith.constant 12 : i32
      %swap3A_2019 = arith.index_cast %swap3A_2018 : i32 to index
      %swap3A_2020 = arith.constant 32 : index
      %swap3A_2021 = tpu.vector_load %arg8[%swap3A_2019, %swap3A_2020] {strides = array<i32>} : memref<32x64xf32, #tpu.memory_space<vmem>>, vector<1x16xf32>,
      %swap3A_2022 = vector.shape_cast %swap3A_2021 : vector<1x16xf32> to vector<16xf32>
      %swap3A_2023 = vector.shape_cast %add3A_2017 : vector<16xf32> to vector<1x16xf32>
      tpu.vector_store %arg8[%swap3A_2019, %swap3A_2020], %swap3A_2023 {strides = array<i32>} : memref<32x64xf32, #tpu.memory_space<vmem>>, vector<1x16xf32>,
      %get3A_2024 = arith.constant 12 : i32
      %get3A_2025 = arith.index_cast %get3A_2024 : i32 to index
      %get3A_2026 = arith.constant 48 : index
      %get3A_2027 = tpu.vector_load %arg7[%get3A_2025, %get3A_2026] {strides = array<i32>} : memref<32x64xf32, #tpu.memory_space<vmem>>, vector<1x16xf32>,
      %get3A_2028 = vector.shape_cast %get3A_2027 : vector<1x16xf32> to vector<16xf32>
      %mul3A_2029 = arith.constant 8.000000e+00 : f32
      %mul3A_2030 = vector.broadcast %mul3A_2029 : f32 to vector<16xf32>
      %mul3A_2031 = arith.mulf %get3A_2028, %mul3A_2030 : vector<16xf32>
      %add3A_2032 = arith.constant 12 : i32
      %add3A_2033 = arith.addi %mul3A_42, %add3A_2032 : i32
      %get3A_2034 = arith.index_cast %add3A_2033 : i32 to index
      %get3A_2035 = arith.constant 48 : index
      %get3A_2036 = tpu.vector_load %arg9[%get3A_2034, %get3A_2035] {strides = array<i32>} : memref<64x64xf32, #tpu.memory_space<vmem>>, vector<1x16xf32>,
      %get3A_2037 = vector.shape_cast %get3A_2036 : vector<1x16xf32> to vector<16xf32>
      %add3A_2038 = arith.addf %mul3A_2031, %get3A_2037 : vector<16xf32>
      %swap3A_2039 = arith.constant 12 : i32
      %swap3A_2040 = arith.index_cast %swap3A_2039 : i32 to index
      %swap3A_2041 = arith.constant 48 : index
      %swap3A_2042 = tpu.vector_load %arg8[%swap3A_2040, %swap3A_2041] {strides = array<i32>} : memref<32x64xf32, #tpu.memory_space<vmem>>, vector<1x16xf32>,
      %swap3A_2043 = vector.shape_cast %swap3A_2042 : vector<1x16xf32> to vector<16xf32>
      %swap3A_2044 = vector.shape_cast %add3A_2038 : vector<16xf32> to vector<1x16xf32>
      tpu.vector_store %arg8[%swap3A_2040, %swap3A_2041], %swap3A_2044 {strides = array<i32>} : memref<32x64xf32, #tpu.memory_space<vmem>>, vector<1x16xf32>,
      %get3A_2045 = arith.constant 13 : i32
      %get3A_2046 = arith.index_cast %get3A_2045 : i32 to index
      %get3A_2047 = arith.constant 0 : index
      %get3A_2048 = tpu.vector_load %arg7[%get3A_2046, %get3A_2047] {strides = array<i32>} : memref<32x64xf32, #tpu.memory_space<vmem>>, vector<1x16xf32>,
      %get3A_2049 = vector.shape_cast %get3A_2048 : vector<1x16xf32> to vector<16xf32>
      %mul3A_2050 = arith.constant 8.000000e+00 : f32
      %mul3A_2051 = vector.broadcast %mul3A_2050 : f32 to vector<16xf32>
      %mul3A_2052 = arith.mulf %get3A_2049, %mul3A_2051 : vector<16xf32>
      %add3A_2053 = arith.constant 13 : i32
      %add3A_2054 = arith.addi %mul3A_42, %add3A_2053 : i32
      %get3A_2055 = arith.index_cast %add3A_2054 : i32 to index
      %get3A_2056 = arith.constant 0 : index
      %get3A_2057 = tpu.vector_load %arg9[%get3A_2055, %get3A_2056] {strides = array<i32>} : memref<64x64xf32, #tpu.memory_space<vmem>>, vector<1x16xf32>,
      %get3A_2058 = vector.shape_cast %get3A_2057 : vector<1x16xf32> to vector<16xf32>
      %add3A_2059 = arith.addf %mul3A_2052, %get3A_2058 : vector<16xf32>
      %swap3A_2060 = arith.constant 13 : i32
      %swap3A_2061 = arith.index_cast %swap3A_2060 : i32 to index
      %swap3A_2062 = arith.constant 0 : index
      %swap3A_2063 = tpu.vector_load %arg8[%swap3A_2061, %swap3A_2062] {strides = array<i32>} : memref<32x64xf32, #tpu.memory_space<vmem>>, vector<1x16xf32>,
      %swap3A_2064 = vector.shape_cast %swap3A_2063 : vector<1x16xf32> to vector<16xf32>
      %swap3A_2065 = vector.shape_cast %add3A_2059 : vector<16xf32> to vector<1x16xf32>
      tpu.vector_store %arg8[%swap3A_2061, %swap3A_2062], %swap3A_2065 {strides = array<i32>} : memref<32x64xf32, #tpu.memory_space<vmem>>, vector<1x16xf32>,
      %get3A_2066 = arith.constant 13 : i32
      %get3A_2067 = arith.index_cast %get3A_2066 : i32 to index
      %get3A_2068 = arith.constant 16 : index
      %get3A_2069 = tpu.vector_load %arg7[%get3A_2067, %get3A_2068] {strides = array<i32>} : memref<32x64xf32, #tpu.memory_space<vmem>>, vector<1x16xf32>,
      %get3A_2070 = vector.shape_cast %get3A_2069 : vector<1x16xf32> to vector<16xf32>
      %mul3A_2071 = arith.constant 8.000000e+00 : f32
      %mul3A_2072 = vector.broadcast %mul3A_2071 : f32 to vector<16xf32>
      %mul3A_2073 = arith.mulf %get3A_2070, %mul3A_2072 : vector<16xf32>
      %add3A_2074 = arith.constant 13 : i32
      %add3A_2075 = arith.addi %mul3A_42, %add3A_2074 : i32
      %get3A_2076 = arith.index_cast %add3A_2075 : i32 to index
      %get3A_2077 = arith.constant 16 : index
      %get3A_2078 = tpu.vector_load %arg9[%get3A_2076, %get3A_2077] {strides = array<i32>} : memref<64x64xf32, #tpu.memory_space<vmem>>, vector<1x16xf32>,
      %get3A_2079 = vector.shape_cast %get3A_2078 : vector<1x16xf32> to vector<16xf32>
      %add3A_2080 = arith.addf %mul3A_2073, %get3A_2079 : vector<16xf32>
      %swap3A_2081 = arith.constant 13 : i32
      %swap3A_2082 = arith.index_cast %swap3A_2081 : i32 to index
      %swap3A_2083 = arith.constant 16 : index
      %swap3A_2084 = tpu.vector_load %arg8[%swap3A_2082, %swap3A_2083] {strides = array<i32>} : memref<32x64xf32, #tpu.memory_space<vmem>>, vector<1x16xf32>,
      %swap3A_2085 = vector.shape_cast %swap3A_2084 : vector<1x16xf32> to vector<16xf32>
      %swap3A_2086 = vector.shape_cast %add3A_2080 : vector<16xf32> to vector<1x16xf32>
      tpu.vector_store %arg8[%swap3A_2082, %swap3A_2083], %swap3A_2086 {strides = array<i32>} : memref<32x64xf32, #tpu.memory_space<vmem>>, vector<1x16xf32>,
      %get3A_2087 = arith.constant 13 : i32
      %get3A_2088 = arith.index_cast %get3A_2087 : i32 to index
      %get3A_2089 = arith.constant 32 : index
      %get3A_2090 = tpu.vector_load %arg7[%get3A_2088, %get3A_2089] {strides = array<i32>} : memref<32x64xf32, #tpu.memory_space<vmem>>, vector<1x16xf32>,
      %get3A_2091 = vector.shape_cast %get3A_2090 : vector<1x16xf32> to vector<16xf32>
      %mul3A_2092 = arith.constant 8.000000e+00 : f32
      %mul3A_2093 = vector.broadcast %mul3A_2092 : f32 to vector<16xf32>
      %mul3A_2094 = arith.mulf %get3A_2091, %mul3A_2093 : vector<16xf32>
      %add3A_2095 = arith.constant 13 : i32
      %add3A_2096 = arith.addi %mul3A_42, %add3A_2095 : i32
      %get3A_2097 = arith.index_cast %add3A_2096 : i32 to index
      %get3A_2098 = arith.constant 32 : index
      %get3A_2099 = tpu.vector_load %arg9[%get3A_2097, %get3A_2098] {strides = array<i32>} : memref<64x64xf32, #tpu.memory_space<vmem>>, vector<1x16xf32>,
      %get3A_2100 = vector.shape_cast %get3A_2099 : vector<1x16xf32> to vector<16xf32>
      %add3A_2101 = arith.addf %mul3A_2094, %get3A_2100 : vector<16xf32>
      %swap3A_2102 = arith.constant 13 : i32
      %swap3A_2103 = arith.index_cast %swap3A_2102 : i32 to index
      %swap3A_2104 = arith.constant 32 : index
      %swap3A_2105 = tpu.vector_load %arg8[%swap3A_2103, %swap3A_2104] {strides = array<i32>} : memref<32x64xf32, #tpu.memory_space<vmem>>, vector<1x16xf32>,
      %swap3A_2106 = vector.shape_cast %swap3A_2105 : vector<1x16xf32> to vector<16xf32>
      %swap3A_2107 = vector.shape_cast %add3A_2101 : vector<16xf32> to vector<1x16xf32>
      tpu.vector_store %arg8[%swap3A_2103, %swap3A_2104], %swap3A_2107 {strides = array<i32>} : memref<32x64xf32, #tpu.memory_space<vmem>>, vector<1x16xf32>,
      %get3A_2108 = arith.constant 13 : i32
      %get3A_2109 = arith.index_cast %get3A_2108 : i32 to index
      %get3A_2110 = arith.constant 48 : index
      %get3A_2111 = tpu.vector_load %arg7[%get3A_2109, %get3A_2110] {strides = array<i32>} : memref<32x64xf32, #tpu.memory_space<vmem>>, vector<1x16xf32>,
      %get3A_2112 = vector.shape_cast %get3A_2111 : vector<1x16xf32> to vector<16xf32>
      %mul3A_2113 = arith.constant 8.000000e+00 : f32
      %mul3A_2114 = vector.broadcast %mul3A_2113 : f32 to vector<16xf32>
      %mul3A_2115 = arith.mulf %get3A_2112, %mul3A_2114 : vector<16xf32>
      %add3A_2116 = arith.constant 13 : i32
      %add3A_2117 = arith.addi %mul3A_42, %add3A_2116 : i32
      %get3A_2118 = arith.index_cast %add3A_2117 : i32 to index
      %get3A_2119 = arith.constant 48 : index
      %get3A_2120 = tpu.vector_load %arg9[%get3A_2118, %get3A_2119] {strides = array<i32>} : memref<64x64xf32, #tpu.memory_space<vmem>>, vector<1x16xf32>,
      %get3A_2121 = vector.shape_cast %get3A_2120 : vector<1x16xf32> to vector<16xf32>
      %add3A_2122 = arith.addf %mul3A_2115, %get3A_2121 : vector<16xf32>
      %swap3A_2123 = arith.constant 13 : i32
      %swap3A_2124 = arith.index_cast %swap3A_2123 : i32 to index
      %swap3A_2125 = arith.constant 48 : index
      %swap3A_2126 = tpu.vector_load %arg8[%swap3A_2124, %swap3A_2125] {strides = array<i32>} : memref<32x64xf32, #tpu.memory_space<vmem>>, vector<1x16xf32>,
      %swap3A_2127 = vector.shape_cast %swap3A_2126 : vector<1x16xf32> to vector<16xf32>
      %swap3A_2128 = vector.shape_cast %add3A_2122 : vector<16xf32> to vector<1x16xf32>
      tpu.vector_store %arg8[%swap3A_2124, %swap3A_2125], %swap3A_2128 {strides = array<i32>} : memref<32x64xf32, #tpu.memory_space<vmem>>, vector<1x16xf32>,
      %get3A_2129 = arith.constant 14 : i32
      %get3A_2130 = arith.index_cast %get3A_2129 : i32 to index
      %get3A_2131 = arith.constant 0 : index
      %get3A_2132 = tpu.vector_load %arg7[%get3A_2130, %get3A_2131] {strides = array<i32>} : memref<32x64xf32, #tpu.memory_space<vmem>>, vector<1x16xf32>,
      %get3A_2133 = vector.shape_cast %get3A_2132 : vector<1x16xf32> to vector<16xf32>
      %mul3A_2134 = arith.constant 8.000000e+00 : f32
      %mul3A_2135 = vector.broadcast %mul3A_2134 : f32 to vector<16xf32>
      %mul3A_2136 = arith.mulf %get3A_2133, %mul3A_2135 : vector<16xf32>
      %add3A_2137 = arith.constant 14 : i32
      %add3A_2138 = arith.addi %mul3A_42, %add3A_2137 : i32
      %get3A_2139 = arith.index_cast %add3A_2138 : i32 to index
      %get3A_2140 = arith.constant 0 : index
      %get3A_2141 = tpu.vector_load %arg9[%get3A_2139, %get3A_2140] {strides = array<i32>} : memref<64x64xf32, #tpu.memory_space<vmem>>, vector<1x16xf32>,
      %get3A_2142 = vector.shape_cast %get3A_2141 : vector<1x16xf32> to vector<16xf32>
      %add3A_2143 = arith.addf %mul3A_2136, %get3A_2142 : vector<16xf32>
      %swap3A_2144 = arith.constant 14 : i32
      %swap3A_2145 = arith.index_cast %swap3A_2144 : i32 to index
      %swap3A_2146 = arith.constant 0 : index
      %swap3A_2147 = tpu.vector_load %arg8[%swap3A_2145, %swap3A_2146] {strides = array<i32>} : memref<32x64xf32, #tpu.memory_space<vmem>>, vector<1x16xf32>,
      %swap3A_2148 = vector.shape_cast %swap3A_2147 : vector<1x16xf32> to vector<16xf32>
      %swap3A_2149 = vector.shape_cast %add3A_2143 : vector<16xf32> to vector<1x16xf32>
      tpu.vector_store %arg8[%swap3A_2145, %swap3A_2146], %swap3A_2149 {strides = array<i32>} : memref<32x64xf32, #tpu.memory_space<vmem>>, vector<1x16xf32>,
      %get3A_2150 = arith.constant 14 : i32
      %get3A_2151 = arith.index_cast %get3A_2150 : i32 to index
      %get3A_2152 = arith.constant 16 : index
      %get3A_2153 = tpu.vector_load %arg7[%get3A_2151, %get3A_2152] {strides = array<i32>} : memref<32x64xf32, #tpu.memory_space<vmem>>, vector<1x16xf32>,
      %get3A_2154 = vector.shape_cast %get3A_2153 : vector<1x16xf32> to vector<16xf32>
      %mul3A_2155 = arith.constant 8.000000e+00 : f32
      %mul3A_2156 = vector.broadcast %mul3A_2155 : f32 to vector<16xf32>
      %mul3A_2157 = arith.mulf %get3A_2154, %mul3A_2156 : vector<16xf32>
      %add3A_2158 = arith.constant 14 : i32
      %add3A_2159 = arith.addi %mul3A_42, %add3A_2158 : i32
      %get3A_2160 = arith.index_cast %add3A_2159 : i32 to index
      %get3A_2161 = arith.constant 16 : index
      %get3A_2162 = tpu.vector_load %arg9[%get3A_2160, %get3A_2161] {strides = array<i32>} : memref<64x64xf32, #tpu.memory_space<vmem>>, vector<1x16xf32>,
      %get3A_2163 = vector.shape_cast %get3A_2162 : vector<1x16xf32> to vector<16xf32>
      %add3A_2164 = arith.addf %mul3A_2157, %get3A_2163 : vector<16xf32>
      %swap3A_2165 = arith.constant 14 : i32
      %swap3A_2166 = arith.index_cast %swap3A_2165 : i32 to index
      %swap3A_2167 = arith.constant 16 : index
      %swap3A_2168 = tpu.vector_load %arg8[%swap3A_2166, %swap3A_2167] {strides = array<i32>} : memref<32x64xf32, #tpu.memory_space<vmem>>, vector<1x16xf32>,
      %swap3A_2169 = vector.shape_cast %swap3A_2168 : vector<1x16xf32> to vector<16xf32>
      %swap3A_2170 = vector.shape_cast %add3A_2164 : vector<16xf32> to vector<1x16xf32>
      tpu.vector_store %arg8[%swap3A_2166, %swap3A_2167], %swap3A_2170 {strides = array<i32>} : memref<32x64xf32, #tpu.memory_space<vmem>>, vector<1x16xf32>,
      %get3A_2171 = arith.constant 14 : i32
      %get3A_2172 = arith.index_cast %get3A_2171 : i32 to index
      %get3A_2173 = arith.constant 32 : index
      %get3A_2174 = tpu.vector_load %arg7[%get3A_2172, %get3A_2173] {strides = array<i32>} : memref<32x64xf32, #tpu.memory_space<vmem>>, vector<1x16xf32>,
      %get3A_2175 = vector.shape_cast %get3A_2174 : vector<1x16xf32> to vector<16xf32>
      %mul3A_2176 = arith.constant 8.000000e+00 : f32
      %mul3A_2177 = vector.broadcast %mul3A_2176 : f32 to vector<16xf32>
      %mul3A_2178 = arith.mulf %get3A_2175, %mul3A_2177 : vector<16xf32>
      %add3A_2179 = arith.constant 14 : i32
      %add3A_2180 = arith.addi %mul3A_42, %add3A_2179 : i32
      %get3A_2181 = arith.index_cast %add3A_2180 : i32 to index
      %get3A_2182 = arith.constant 32 : index
      %get3A_2183 = tpu.vector_load %arg9[%get3A_2181, %get3A_2182] {strides = array<i32>} : memref<64x64xf32, #tpu.memory_space<vmem>>, vector<1x16xf32>,
      %get3A_2184 = vector.shape_cast %get3A_2183 : vector<1x16xf32> to vector<16xf32>
      %add3A_2185 = arith.addf %mul3A_2178, %get3A_2184 : vector<16xf32>
      %swap3A_2186 = arith.constant 14 : i32
      %swap3A_2187 = arith.index_cast %swap3A_2186 : i32 to index
      %swap3A_2188 = arith.constant 32 : index
      %swap3A_2189 = tpu.vector_load %arg8[%swap3A_2187, %swap3A_2188] {strides = array<i32>} : memref<32x64xf32, #tpu.memory_space<vmem>>, vector<1x16xf32>,
      %swap3A_2190 = vector.shape_cast %swap3A_2189 : vector<1x16xf32> to vector<16xf32>
      %swap3A_2191 = vector.shape_cast %add3A_2185 : vector<16xf32> to vector<1x16xf32>
      tpu.vector_store %arg8[%swap3A_2187, %swap3A_2188], %swap3A_2191 {strides = array<i32>} : memref<32x64xf32, #tpu.memory_space<vmem>>, vector<1x16xf32>,
      %get3A_2192 = arith.constant 14 : i32
      %get3A_2193 = arith.index_cast %get3A_2192 : i32 to index
      %get3A_2194 = arith.constant 48 : index
      %get3A_2195 = tpu.vector_load %arg7[%get3A_2193, %get3A_2194] {strides = array<i32>} : memref<32x64xf32, #tpu.memory_space<vmem>>, vector<1x16xf32>,
      %get3A_2196 = vector.shape_cast %get3A_2195 : vector<1x16xf32> to vector<16xf32>
      %mul3A_2197 = arith.constant 8.000000e+00 : f32
      %mul3A_2198 = vector.broadcast %mul3A_2197 : f32 to vector<16xf32>
      %mul3A_2199 = arith.mulf %get3A_2196, %mul3A_2198 : vector<16xf32>
      %add3A_2200 = arith.constant 14 : i32
      %add3A_2201 = arith.addi %mul3A_42, %add3A_2200 : i32
      %get3A_2202 = arith.index_cast %add3A_2201 : i32 to index
      %get3A_2203 = arith.constant 48 : index
      %get3A_2204 = tpu.vector_load %arg9[%get3A_2202, %get3A_2203] {strides = array<i32>} : memref<64x64xf32, #tpu.memory_space<vmem>>, vector<1x16xf32>,
      %get3A_2205 = vector.shape_cast %get3A_2204 : vector<1x16xf32> to vector<16xf32>
      %add3A_2206 = arith.addf %mul3A_2199, %get3A_2205 : vector<16xf32>
      %swap3A_2207 = arith.constant 14 : i32
      %swap3A_2208 = arith.index_cast %swap3A_2207 : i32 to index
      %swap3A_2209 = arith.constant 48 : index
      %swap3A_2210 = tpu.vector_load %arg8[%swap3A_2208, %swap3A_2209] {strides = array<i32>} : memref<32x64xf32, #tpu.memory_space<vmem>>, vector<1x16xf32>,
      %swap3A_2211 = vector.shape_cast %swap3A_2210 : vector<1x16xf32> to vector<16xf32>
      %swap3A_2212 = vector.shape_cast %add3A_2206 : vector<16xf32> to vector<1x16xf32>
      tpu.vector_store %arg8[%swap3A_2208, %swap3A_2209], %swap3A_2212 {strides = array<i32>} : memref<32x64xf32, #tpu.memory_space<vmem>>, vector<1x16xf32>,
      %get3A_2213 = arith.constant 15 : i32
      %get3A_2214 = arith.index_cast %get3A_2213 : i32 to index
      %get3A_2215 = arith.constant 0 : index
      %get3A_2216 = tpu.vector_load %arg7[%get3A_2214, %get3A_2215] {strides = array<i32>} : memref<32x64xf32, #tpu.memory_space<vmem>>, vector<1x16xf32>,
      %get3A_2217 = vector.shape_cast %get3A_2216 : vector<1x16xf32> to vector<16xf32>
      %mul3A_2218 = arith.constant 8.000000e+00 : f32
      %mul3A_2219 = vector.broadcast %mul3A_2218 : f32 to vector<16xf32>
      %mul3A_2220 = arith.mulf %get3A_2217, %mul3A_2219 : vector<16xf32>
      %add3A_2221 = arith.constant 15 : i32
      %add3A_2222 = arith.addi %mul3A_42, %add3A_2221 : i32
      %get3A_2223 = arith.index_cast %add3A_2222 : i32 to index
      %get3A_2224 = arith.constant 0 : index
      %get3A_2225 = tpu.vector_load %arg9[%get3A_2223, %get3A_2224] {strides = array<i32>} : memref<64x64xf32, #tpu.memory_space<vmem>>, vector<1x16xf32>,
      %get3A_2226 = vector.shape_cast %get3A_2225 : vector<1x16xf32> to vector<16xf32>
      %add3A_2227 = arith.addf %mul3A_2220, %get3A_2226 : vector<16xf32>
      %swap3A_2228 = arith.constant 15 : i32
      %swap3A_2229 = arith.index_cast %swap3A_2228 : i32 to index
      %swap3A_2230 = arith.constant 0 : index
      %swap3A_2231 = tpu.vector_load %arg8[%swap3A_2229, %swap3A_2230] {strides = array<i32>} : memref<32x64xf32, #tpu.memory_space<vmem>>, vector<1x16xf32>,
      %swap3A_2232 = vector.shape_cast %swap3A_2231 : vector<1x16xf32> to vector<16xf32>
      %swap3A_2233 = vector.shape_cast %add3A_2227 : vector<16xf32> to vector<1x16xf32>
      tpu.vector_store %arg8[%swap3A_2229, %swap3A_2230], %swap3A_2233 {strides = array<i32>} : memref<32x64xf32, #tpu.memory_space<vmem>>, vector<1x16xf32>,
      %get3A_2234 = arith.constant 15 : i32
      %get3A_2235 = arith.index_cast %get3A_2234 : i32 to index
      %get3A_2236 = arith.constant 16 : index
      %get3A_2237 = tpu.vector_load %arg7[%get3A_2235, %get3A_2236] {strides = array<i32>} : memref<32x64xf32, #tpu.memory_space<vmem>>, vector<1x16xf32>,
      %get3A_2238 = vector.shape_cast %get3A_2237 : vector<1x16xf32> to vector<16xf32>
      %mul3A_2239 = arith.constant 8.000000e+00 : f32
      %mul3A_2240 = vector.broadcast %mul3A_2239 : f32 to vector<16xf32>
      %mul3A_2241 = arith.mulf %get3A_2238, %mul3A_2240 : vector<16xf32>
      %add3A_2242 = arith.constant 15 : i32
      %add3A_2243 = arith.addi %mul3A_42, %add3A_2242 : i32
      %get3A_2244 = arith.index_cast %add3A_2243 : i32 to index
      %get3A_2245 = arith.constant 16 : index
      %get3A_2246 = tpu.vector_load %arg9[%get3A_2244, %get3A_2245] {strides = array<i32>} : memref<64x64xf32, #tpu.memory_space<vmem>>, vector<1x16xf32>,
      %get3A_2247 = vector.shape_cast %get3A_2246 : vector<1x16xf32> to vector<16xf32>
      %add3A_2248 = arith.addf %mul3A_2241, %get3A_2247 : vector<16xf32>
      %swap3A_2249 = arith.constant 15 : i32
      %swap3A_2250 = arith.index_cast %swap3A_2249 : i32 to index
      %swap3A_2251 = arith.constant 16 : index
      %swap3A_2252 = tpu.vector_load %arg8[%swap3A_2250, %swap3A_2251] {strides = array<i32>} : memref<32x64xf32, #tpu.memory_space<vmem>>, vector<1x16xf32>,
      %swap3A_2253 = vector.shape_cast %swap3A_2252 : vector<1x16xf32> to vector<16xf32>
      %swap3A_2254 = vector.shape_cast %add3A_2248 : vector<16xf32> to vector<1x16xf32>
      tpu.vector_store %arg8[%swap3A_2250, %swap3A_2251], %swap3A_2254 {strides = array<i32>} : memref<32x64xf32, #tpu.memory_space<vmem>>, vector<1x16xf32>,
      %get3A_2255 = arith.constant 15 : i32
      %get3A_2256 = arith.index_cast %get3A_2255 : i32 to index
      %get3A_2257 = arith.constant 32 : index
      %get3A_2258 = tpu.vector_load %arg7[%get3A_2256, %get3A_2257] {strides = array<i32>} : memref<32x64xf32, #tpu.memory_space<vmem>>, vector<1x16xf32>,
      %get3A_2259 = vector.shape_cast %get3A_2258 : vector<1x16xf32> to vector<16xf32>
      %mul3A_2260 = arith.constant 8.000000e+00 : f32
      %mul3A_2261 = vector.broadcast %mul3A_2260 : f32 to vector<16xf32>
      %mul3A_2262 = arith.mulf %get3A_2259, %mul3A_2261 : vector<16xf32>
      %add3A_2263 = arith.constant 15 : i32
      %add3A_2264 = arith.addi %mul3A_42, %add3A_2263 : i32
      %get3A_2265 = arith.index_cast %add3A_2264 : i32 to index
      %get3A_2266 = arith.constant 32 : index
      %get3A_2267 = tpu.vector_load %arg9[%get3A_2265, %get3A_2266] {strides = array<i32>} : memref<64x64xf32, #tpu.memory_space<vmem>>, vector<1x16xf32>,
      %get3A_2268 = vector.shape_cast %get3A_2267 : vector<1x16xf32> to vector<16xf32>
      %add3A_2269 = arith.addf %mul3A_2262, %get3A_2268 : vector<16xf32>
      %swap3A_2270 = arith.constant 15 : i32
      %swap3A_2271 = arith.index_cast %swap3A_2270 : i32 to index
      %swap3A_2272 = arith.constant 32 : index
      %swap3A_2273 = tpu.vector_load %arg8[%swap3A_2271, %swap3A_2272] {strides = array<i32>} : memref<32x64xf32, #tpu.memory_space<vmem>>, vector<1x16xf32>,
      %swap3A_2274 = vector.shape_cast %swap3A_2273 : vector<1x16xf32> to vector<16xf32>
      %swap3A_2275 = vector.shape_cast %add3A_2269 : vector<16xf32> to vector<1x16xf32>
      tpu.vector_store %arg8[%swap3A_2271, %swap3A_2272], %swap3A_2275 {strides = array<i32>} : memref<32x64xf32, #tpu.memory_space<vmem>>, vector<1x16xf32>,
      %get3A_2276 = arith.constant 15 : i32
      %get3A_2277 = arith.index_cast %get3A_2276 : i32 to index
      %get3A_2278 = arith.constant 48 : index
      %get3A_2279 = tpu.vector_load %arg7[%get3A_2277, %get3A_2278] {strides = array<i32>} : memref<32x64xf32, #tpu.memory_space<vmem>>, vector<1x16xf32>,
      %get3A_2280 = vector.shape_cast %get3A_2279 : vector<1x16xf32> to vector<16xf32>
      %mul3A_2281 = arith.constant 8.000000e+00 : f32
      %mul3A_2282 = vector.broadcast %mul3A_2281 : f32 to vector<16xf32>
      %mul3A_2283 = arith.mulf %get3A_2280, %mul3A_2282 : vector<16xf32>
      %add3A_2284 = arith.constant 15 : i32
      %add3A_2285 = arith.addi %mul3A_42, %add3A_2284 : i32
      %get3A_2286 = arith.index_cast %add3A_2285 : i32 to index
      %get3A_2287 = arith.constant 48 : index
      %get3A_2288 = tpu.vector_load %arg9[%get3A_2286, %get3A_2287] {strides = array<i32>} : memref<64x64xf32, #tpu.memory_space<vmem>>, vector<1x16xf32>,
      %get3A_2289 = vector.shape_cast %get3A_2288 : vector<1x16xf32> to vector<16xf32>
      %add3A_2290 = arith.addf %mul3A_2283, %get3A_2289 : vector<16xf32>
      %swap3A_2291 = arith.constant 15 : i32
      %swap3A_2292 = arith.index_cast %swap3A_2291 : i32 to index
      %swap3A_2293 = arith.constant 48 : index
      %swap3A_2294 = tpu.vector_load %arg8[%swap3A_2292, %swap3A_2293] {strides = array<i32>} : memref<32x64xf32, #tpu.memory_space<vmem>>, vector<1x16xf32>,
      %swap3A_2295 = vector.shape_cast %swap3A_2294 : vector<1x16xf32> to vector<16xf32>
      %swap3A_2296 = vector.shape_cast %add3A_2290 : vector<16xf32> to vector<1x16xf32>
      tpu.vector_store %arg8[%swap3A_2292, %swap3A_2293], %swap3A_2296 {strides = array<i32>} : memref<32x64xf32, #tpu.memory_space<vmem>>, vector<1x16xf32>,
      %get3A_2297 = arith.constant 16 : i32
      %get3A_2298 = arith.index_cast %get3A_2297 : i32 to index
      %get3A_2299 = arith.constant 0 : index
      %get3A_2300 = tpu.vector_load %arg7[%get3A_2298, %get3A_2299] {strides = array<i32>} : memref<32x64xf32, #tpu.memory_space<vmem>>, vector<1x16xf32>,
      %get3A_2301 = vector.shape_cast %get3A_2300 : vector<1x16xf32> to vector<16xf32>
      %mul3A_2302 = arith.constant 8.000000e+00 : f32
      %mul3A_2303 = vector.broadcast %mul3A_2302 : f32 to vector<16xf32>
      %mul3A_2304 = arith.mulf %get3A_2301, %mul3A_2303 : vector<16xf32>
      %add3A_2305 = arith.constant 16 : i32
      %add3A_2306 = arith.addi %mul3A_42, %add3A_2305 : i32
      %get3A_2307 = arith.index_cast %add3A_2306 : i32 to index
      %get3A_2308 = arith.constant 0 : index
      %get3A_2309 = tpu.vector_load %arg9[%get3A_2307, %get3A_2308] {strides = array<i32>} : memref<64x64xf32, #tpu.memory_space<vmem>>, vector<1x16xf32>,
      %get3A_2310 = vector.shape_cast %get3A_2309 : vector<1x16xf32> to vector<16xf32>
      %add3A_2311 = arith.addf %mul3A_2304, %get3A_2310 : vector<16xf32>
      %swap3A_2312 = arith.constant 16 : i32
      %swap3A_2313 = arith.index_cast %swap3A_2312 : i32 to index
      %swap3A_2314 = arith.constant 0 : index
      %swap3A_2315 = tpu.vector_load %arg8[%swap3A_2313, %swap3A_2314] {strides = array<i32>} : memref<32x64xf32, #tpu.memory_space<vmem>>, vector<1x16xf32>,
      %swap3A_2316 = vector.shape_cast %swap3A_2315 : vector<1x16xf32> to vector<16xf32>
      %swap3A_2317 = vector.shape_cast %add3A_2311 : vector<16xf32> to vector<1x16xf32>
      tpu.vector_store %arg8[%swap3A_2313, %swap3A_2314], %swap3A_2317 {strides = array<i32>} : memref<32x64xf32, #tpu.memory_space<vmem>>, vector<1x16xf32>,
      %get3A_2318 = arith.constant 16 : i32
      %get3A_2319 = arith.index_cast %get3A_2318 : i32 to index
      %get3A_2320 = arith.constant 16 : index
      %get3A_2321 = tpu.vector_load %arg7[%get3A_2319, %get3A_2320] {strides = array<i32>} : memref<32x64xf32, #tpu.memory_space<vmem>>, vector<1x16xf32>,
      %get3A_2322 = vector.shape_cast %get3A_2321 : vector<1x16xf32> to vector<16xf32>
      %mul3A_2323 = arith.constant 8.000000e+00 : f32
      %mul3A_2324 = vector.broadcast %mul3A_2323 : f32 to vector<16xf32>
      %mul3A_2325 = arith.mulf %get3A_2322, %mul3A_2324 : vector<16xf32>
      %add3A_2326 = arith.constant 16 : i32
      %add3A_2327 = arith.addi %mul3A_42, %add3A_2326 : i32
      %get3A_2328 = arith.index_cast %add3A_2327 : i32 to index
      %get3A_2329 = arith.constant 16 : index
      %get3A_2330 = tpu.vector_load %arg9[%get3A_2328, %get3A_2329] {strides = array<i32>} : memref<64x64xf32, #tpu.memory_space<vmem>>, vector<1x16xf32>,
      %get3A_2331 = vector.shape_cast %get3A_2330 : vector<1x16xf32> to vector<16xf32>
      %add3A_2332 = arith.addf %mul3A_2325, %get3A_2331 : vector<16xf32>
      %swap3A_2333 = arith.constant 16 : i32
      %swap3A_2334 = arith.index_cast %swap3A_2333 : i32 to index
      %swap3A_2335 = arith.constant 16 : index
      %swap3A_2336 = tpu.vector_load %arg8[%swap3A_2334, %swap3A_2335] {strides = array<i32>} : memref<32x64xf32, #tpu.memory_space<vmem>>, vector<1x16xf32>,
      %swap3A_2337 = vector.shape_cast %swap3A_2336 : vector<1x16xf32> to vector<16xf32>
      %swap3A_2338 = vector.shape_cast %add3A_2332 : vector<16xf32> to vector<1x16xf32>
      tpu.vector_store %arg8[%swap3A_2334, %swap3A_2335], %swap3A_2338 {strides = array<i32>} : memref<32x64xf32, #tpu.memory_space<vmem>>, vector<1x16xf32>,
      %get3A_2339 = arith.constant 16 : i32
      %get3A_2340 = arith.index_cast %get3A_2339 : i32 to index
      %get3A_2341 = arith.constant 32 : index
      %get3A_2342 = tpu.vector_load %arg7[%get3A_2340, %get3A_2341] {strides = array<i32>} : memref<32x64xf32, #tpu.memory_space<vmem>>, vector<1x16xf32>,
      %get3A_2343 = vector.shape_cast %get3A_2342 : vector<1x16xf32> to vector<16xf32>
      %mul3A_2344 = arith.constant 8.000000e+00 : f32
      %mul3A_2345 = vector.broadcast %mul3A_2344 : f32 to vector<16xf32>
      %mul3A_2346 = arith.mulf %get3A_2343, %mul3A_2345 : vector<16xf32>
      %add3A_2347 = arith.constant 16 : i32
      %add3A_2348 = arith.addi %mul3A_42, %add3A_2347 : i32
      %get3A_2349 = arith.index_cast %add3A_2348 : i32 to index
      %get3A_2350 = arith.constant 32 : index
      %get3A_2351 = tpu.vector_load %arg9[%get3A_2349, %get3A_2350] {strides = array<i32>} : memref<64x64xf32, #tpu.memory_space<vmem>>, vector<1x16xf32>,
      %get3A_2352 = vector.shape_cast %get3A_2351 : vector<1x16xf32> to vector<16xf32>
      %add3A_2353 = arith.addf %mul3A_2346, %get3A_2352 : vector<16xf32>
      %swap3A_2354 = arith.constant 16 : i32
      %swap3A_2355 = arith.index_cast %swap3A_2354 : i32 to index
      %swap3A_2356 = arith.constant 32 : index
      %swap3A_2357 = tpu.vector_load %arg8[%swap3A_2355, %swap3A_2356] {strides = array<i32>} : memref<32x64xf32, #tpu.memory_space<vmem>>, vector<1x16xf32>,
      %swap3A_2358 = vector.shape_cast %swap3A_2357 : vector<1x16xf32> to vector<16xf32>
      %swap3A_2359 = vector.shape_cast %add3A_2353 : vector<16xf32> to vector<1x16xf32>
      tpu.vector_store %arg8[%swap3A_2355, %swap3A_2356], %swap3A_2359 {strides = array<i32>} : memref<32x64xf32, #tpu.memory_space<vmem>>, vector<1x16xf32>,
      %get3A_2360 = arith.constant 16 : i32
      %get3A_2361 = arith.index_cast %get3A_2360 : i32 to index
      %get3A_2362 = arith.constant 48 : index
      %get3A_2363 = tpu.vector_load %arg7[%get3A_2361, %get3A_2362] {strides = array<i32>} : memref<32x64xf32, #tpu.memory_space<vmem>>, vector<1x16xf32>,
      %get3A_2364 = vector.shape_cast %get3A_2363 : vector<1x16xf32> to vector<16xf32>
      %mul3A_2365 = arith.constant 8.000000e+00 : f32
      %mul3A_2366 = vector.broadcast %mul3A_2365 : f32 to vector<16xf32>
      %mul3A_2367 = arith.mulf %get3A_2364, %mul3A_2366 : vector<16xf32>
      %add3A_2368 = arith.constant 16 : i32
      %add3A_2369 = arith.addi %mul3A_42, %add3A_2368 : i32
      %get3A_2370 = arith.index_cast %add3A_2369 : i32 to index
      %get3A_2371 = arith.constant 48 : index
      %get3A_2372 = tpu.vector_load %arg9[%get3A_2370, %get3A_2371] {strides = array<i32>} : memref<64x64xf32, #tpu.memory_space<vmem>>, vector<1x16xf32>,
      %get3A_2373 = vector.shape_cast %get3A_2372 : vector<1x16xf32> to vector<16xf32>
      %add3A_2374 = arith.addf %mul3A_2367, %get3A_2373 : vector<16xf32>
      %swap3A_2375 = arith.constant 16 : i32
      %swap3A_2376 = arith.index_cast %swap3A_2375 : i32 to index
      %swap3A_2377 = arith.constant 48 : index
      %swap3A_2378 = tpu.vector_load %arg8[%swap3A_2376, %swap3A_2377] {strides = array<i32>} : memref<32x64xf32, #tpu.memory_space<vmem>>, vector<1x16xf32>,
      %swap3A_2379 = vector.shape_cast %swap3A_2378 : vector<1x16xf32> to vector<16xf32>
      %swap3A_2380 = vector.shape_cast %add3A_2374 : vector<16xf32> to vector<1x16xf32>
      tpu.vector_store %arg8[%swap3A_2376, %swap3A_2377], %swap3A_2380 {strides = array<i32>} : memref<32x64xf32, #tpu.memory_space<vmem>>, vector<1x16xf32>,
      %get3A_2381 = arith.constant 17 : i32
      %get3A_2382 = arith.index_cast %get3A_2381 : i32 to index
      %get3A_2383 = arith.constant 0 : index
      %get3A_2384 = tpu.vector_load %arg7[%get3A_2382, %get3A_2383] {strides = array<i32>} : memref<32x64xf32, #tpu.memory_space<vmem>>, vector<1x16xf32>,
      %get3A_2385 = vector.shape_cast %get3A_2384 : vector<1x16xf32> to vector<16xf32>
      %mul3A_2386 = arith.constant 8.000000e+00 : f32
      %mul3A_2387 = vector.broadcast %mul3A_2386 : f32 to vector<16xf32>
      %mul3A_2388 = arith.mulf %get3A_2385, %mul3A_2387 : vector<16xf32>
      %add3A_2389 = arith.constant 17 : i32
      %add3A_2390 = arith.addi %mul3A_42, %add3A_2389 : i32
      %get3A_2391 = arith.index_cast %add3A_2390 : i32 to index
      %get3A_2392 = arith.constant 0 : index
      %get3A_2393 = tpu.vector_load %arg9[%get3A_2391, %get3A_2392] {strides = array<i32>} : memref<64x64xf32, #tpu.memory_space<vmem>>, vector<1x16xf32>,
      %get3A_2394 = vector.shape_cast %get3A_2393 : vector<1x16xf32> to vector<16xf32>
      %add3A_2395 = arith.addf %mul3A_2388, %get3A_2394 : vector<16xf32>
      %swap3A_2396 = arith.constant 17 : i32
      %swap3A_2397 = arith.index_cast %swap3A_2396 : i32 to index
      %swap3A_2398 = arith.constant 0 : index
      %swap3A_2399 = tpu.vector_load %arg8[%swap3A_2397, %swap3A_2398] {strides = array<i32>} : memref<32x64xf32, #tpu.memory_space<vmem>>, vector<1x16xf32>,
      %swap3A_2400 = vector.shape_cast %swap3A_2399 : vector<1x16xf32> to vector<16xf32>
      %swap3A_2401 = vector.shape_cast %add3A_2395 : vector<16xf32> to vector<1x16xf32>
      tpu.vector_store %arg8[%swap3A_2397, %swap3A_2398], %swap3A_2401 {strides = array<i32>} : memref<32x64xf32, #tpu.memory_space<vmem>>, vector<1x16xf32>,
      %get3A_2402 = arith.constant 17 : i32
      %get3A_2403 = arith.index_cast %get3A_2402 : i32 to index
      %get3A_2404 = arith.constant 16 : index
      %get3A_2405 = tpu.vector_load %arg7[%get3A_2403, %get3A_2404] {strides = array<i32>} : memref<32x64xf32, #tpu.memory_space<vmem>>, vector<1x16xf32>,
      %get3A_2406 = vector.shape_cast %get3A_2405 : vector<1x16xf32> to vector<16xf32>
      %mul3A_2407 = arith.constant 8.000000e+00 : f32
      %mul3A_2408 = vector.broadcast %mul3A_2407 : f32 to vector<16xf32>
      %mul3A_2409 = arith.mulf %get3A_2406, %mul3A_2408 : vector<16xf32>
      %add3A_2410 = arith.constant 17 : i32
      %add3A_2411 = arith.addi %mul3A_42, %add3A_2410 : i32
      %get3A_2412 = arith.index_cast %add3A_2411 : i32 to index
      %get3A_2413 = arith.constant 16 : index
      %get3A_2414 = tpu.vector_load %arg9[%get3A_2412, %get3A_2413] {strides = array<i32>} : memref<64x64xf32, #tpu.memory_space<vmem>>, vector<1x16xf32>,
      %get3A_2415 = vector.shape_cast %get3A_2414 : vector<1x16xf32> to vector<16xf32>
      %add3A_2416 = arith.addf %mul3A_2409, %get3A_2415 : vector<16xf32>
      %swap3A_2417 = arith.constant 17 : i32
      %swap3A_2418 = arith.index_cast %swap3A_2417 : i32 to index
      %swap3A_2419 = arith.constant 16 : index
      %swap3A_2420 = tpu.vector_load %arg8[%swap3A_2418, %swap3A_2419] {strides = array<i32>} : memref<32x64xf32, #tpu.memory_space<vmem>>, vector<1x16xf32>,
      %swap3A_2421 = vector.shape_cast %swap3A_2420 : vector<1x16xf32> to vector<16xf32>
      %swap3A_2422 = vector.shape_cast %add3A_2416 : vector<16xf32> to vector<1x16xf32>
      tpu.vector_store %arg8[%swap3A_2418, %swap3A_2419], %swap3A_2422 {strides = array<i32>} : memref<32x64xf32, #tpu.memory_space<vmem>>, vector<1x16xf32>,
      %get3A_2423 = arith.constant 17 : i32
      %get3A_2424 = arith.index_cast %get3A_2423 : i32 to index
      %get3A_2425 = arith.constant 32 : index
      %get3A_2426 = tpu.vector_load %arg7[%get3A_2424, %get3A_2425] {strides = array<i32>} : memref<32x64xf32, #tpu.memory_space<vmem>>, vector<1x16xf32>,
      %get3A_2427 = vector.shape_cast %get3A_2426 : vector<1x16xf32> to vector<16xf32>
      %mul3A_2428 = arith.constant 8.000000e+00 : f32
      %mul3A_2429 = vector.broadcast %mul3A_2428 : f32 to vector<16xf32>
      %mul3A_2430 = arith.mulf %get3A_2427, %mul3A_2429 : vector<16xf32>
      %add3A_2431 = arith.constant 17 : i32
      %add3A_2432 = arith.addi %mul3A_42, %add3A_2431 : i32
      %get3A_2433 = arith.index_cast %add3A_2432 : i32 to index
      %get3A_2434 = arith.constant 32 : index
      %get3A_2435 = tpu.vector_load %arg9[%get3A_2433, %get3A_2434] {strides = array<i32>} : memref<64x64xf32, #tpu.memory_space<vmem>>, vector<1x16xf32>,
      %get3A_2436 = vector.shape_cast %get3A_2435 : vector<1x16xf32> to vector<16xf32>
      %add3A_2437 = arith.addf %mul3A_2430, %get3A_2436 : vector<16xf32>
      %swap3A_2438 = arith.constant 17 : i32
      %swap3A_2439 = arith.index_cast %swap3A_2438 : i32 to index
      %swap3A_2440 = arith.constant 32 : index
      %swap3A_2441 = tpu.vector_load %arg8[%swap3A_2439, %swap3A_2440] {strides = array<i32>} : memref<32x64xf32, #tpu.memory_space<vmem>>, vector<1x16xf32>,
      %swap3A_2442 = vector.shape_cast %swap3A_2441 : vector<1x16xf32> to vector<16xf32>
      %swap3A_2443 = vector.shape_cast %add3A_2437 : vector<16xf32> to vector<1x16xf32>
      tpu.vector_store %arg8[%swap3A_2439, %swap3A_2440], %swap3A_2443 {strides = array<i32>} : memref<32x64xf32, #tpu.memory_space<vmem>>, vector<1x16xf32>,
      %get3A_2444 = arith.constant 17 : i32
      %get3A_2445 = arith.index_cast %get3A_2444 : i32 to index
      %get3A_2446 = arith.constant 48 : index
      %get3A_2447 = tpu.vector_load %arg7[%get3A_2445, %get3A_2446] {strides = array<i32>} : memref<32x64xf32, #tpu.memory_space<vmem>>, vector<1x16xf32>,
      %get3A_2448 = vector.shape_cast %get3A_2447 : vector<1x16xf32> to vector<16xf32>
      %mul3A_2449 = arith.constant 8.000000e+00 : f32
      %mul3A_2450 = vector.broadcast %mul3A_2449 : f32 to vector<16xf32>
      %mul3A_2451 = arith.mulf %get3A_2448, %mul3A_2450 : vector<16xf32>
      %add3A_2452 = arith.constant 17 : i32
      %add3A_2453 = arith.addi %mul3A_42, %add3A_2452 : i32
      %get3A_2454 = arith.index_cast %add3A_2453 : i32 to index
      %get3A_2455 = arith.constant 48 : index
      %get3A_2456 = tpu.vector_load %arg9[%get3A_2454, %get3A_2455] {strides = array<i32>} : memref<64x64xf32, #tpu.memory_space<vmem>>, vector<1x16xf32>,
      %get3A_2457 = vector.shape_cast %get3A_2456 : vector<1x16xf32> to vector<16xf32>
      %add3A_2458 = arith.addf %mul3A_2451, %get3A_2457 : vector<16xf32>
      %swap3A_2459 = arith.constant 17 : i32
      %swap3A_2460 = arith.index_cast %swap3A_2459 : i32 to index
      %swap3A_2461 = arith.constant 48 : index
      %swap3A_2462 = tpu.vector_load %arg8[%swap3A_2460, %swap3A_2461] {strides = array<i32>} : memref<32x64xf32, #tpu.memory_space<vmem>>, vector<1x16xf32>,
      %swap3A_2463 = vector.shape_cast %swap3A_2462 : vector<1x16xf32> to vector<16xf32>
      %swap3A_2464 = vector.shape_cast %add3A_2458 : vector<16xf32> to vector<1x16xf32>
      tpu.vector_store %arg8[%swap3A_2460, %swap3A_2461], %swap3A_2464 {strides = array<i32>} : memref<32x64xf32, #tpu.memory_space<vmem>>, vector<1x16xf32>,
      %get3A_2465 = arith.constant 18 : i32
      %get3A_2466 = arith.index_cast %get3A_2465 : i32 to index
      %get3A_2467 = arith.constant 0 : index
      %get3A_2468 = tpu.vector_load %arg7[%get3A_2466, %get3A_2467] {strides = array<i32>} : memref<32x64xf32, #tpu.memory_space<vmem>>, vector<1x16xf32>,
      %get3A_2469 = vector.shape_cast %get3A_2468 : vector<1x16xf32> to vector<16xf32>
      %mul3A_2470 = arith.constant 8.000000e+00 : f32
      %mul3A_2471 = vector.broadcast %mul3A_2470 : f32 to vector<16xf32>
      %mul3A_2472 = arith.mulf %get3A_2469, %mul3A_2471 : vector<16xf32>
      %add3A_2473 = arith.constant 18 : i32
      %add3A_2474 = arith.addi %mul3A_42, %add3A_2473 : i32
      %get3A_2475 = arith.index_cast %add3A_2474 : i32 to index
      %get3A_2476 = arith.constant 0 : index
      %get3A_2477 = tpu.vector_load %arg9[%get3A_2475, %get3A_2476] {strides = array<i32>} : memref<64x64xf32, #tpu.memory_space<vmem>>, vector<1x16xf32>,
      %get3A_2478 = vector.shape_cast %get3A_2477 : vector<1x16xf32> to vector<16xf32>
      %add3A_2479 = arith.addf %mul3A_2472, %get3A_2478 : vector<16xf32>
      %swap3A_2480 = arith.constant 18 : i32
      %swap3A_2481 = arith.index_cast %swap3A_2480 : i32 to index
      %swap3A_2482 = arith.constant 0 : index
      %swap3A_2483 = tpu.vector_load %arg8[%swap3A_2481, %swap3A_2482] {strides = array<i32>} : memref<32x64xf32, #tpu.memory_space<vmem>>, vector<1x16xf32>,
      %swap3A_2484 = vector.shape_cast %swap3A_2483 : vector<1x16xf32> to vector<16xf32>
      %swap3A_2485 = vector.shape_cast %add3A_2479 : vector<16xf32> to vector<1x16xf32>
      tpu.vector_store %arg8[%swap3A_2481, %swap3A_2482], %swap3A_2485 {strides = array<i32>} : memref<32x64xf32, #tpu.memory_space<vmem>>, vector<1x16xf32>,
      %get3A_2486 = arith.constant 18 : i32
      %get3A_2487 = arith.index_cast %get3A_2486 : i32 to index
      %get3A_2488 = arith.constant 16 : index
      %get3A_2489 = tpu.vector_load %arg7[%get3A_2487, %get3A_2488] {strides = array<i32>} : memref<32x64xf32, #tpu.memory_space<vmem>>, vector<1x16xf32>,
      %get3A_2490 = vector.shape_cast %get3A_2489 : vector<1x16xf32> to vector<16xf32>
      %mul3A_2491 = arith.constant 8.000000e+00 : f32
      %mul3A_2492 = vector.broadcast %mul3A_2491 : f32 to vector<16xf32>
      %mul3A_2493 = arith.mulf %get3A_2490, %mul3A_2492 : vector<16xf32>
      %add3A_2494 = arith.constant 18 : i32
      %add3A_2495 = arith.addi %mul3A_42, %add3A_2494 : i32
      %get3A_2496 = arith.index_cast %add3A_2495 : i32 to index
      %get3A_2497 = arith.constant 16 : index
      %get3A_2498 = tpu.vector_load %arg9[%get3A_2496, %get3A_2497] {strides = array<i32>} : memref<64x64xf32, #tpu.memory_space<vmem>>, vector<1x16xf32>,
      %get3A_2499 = vector.shape_cast %get3A_2498 : vector<1x16xf32> to vector<16xf32>
      %add3A_2500 = arith.addf %mul3A_2493, %get3A_2499 : vector<16xf32>
      %swap3A_2501 = arith.constant 18 : i32
      %swap3A_2502 = arith.index_cast %swap3A_2501 : i32 to index
      %swap3A_2503 = arith.constant 16 : index
      %swap3A_2504 = tpu.vector_load %arg8[%swap3A_2502, %swap3A_2503] {strides = array<i32>} : memref<32x64xf32, #tpu.memory_space<vmem>>, vector<1x16xf32>,
      %swap3A_2505 = vector.shape_cast %swap3A_2504 : vector<1x16xf32> to vector<16xf32>
      %swap3A_2506 = vector.shape_cast %add3A_2500 : vector<16xf32> to vector<1x16xf32>
      tpu.vector_store %arg8[%swap3A_2502, %swap3A_2503], %swap3A_2506 {strides = array<i32>} : memref<32x64xf32, #tpu.memory_space<vmem>>, vector<1x16xf32>,
      %get3A_2507 = arith.constant 18 : i32
      %get3A_2508 = arith.index_cast %get3A_2507 : i32 to index
      %get3A_2509 = arith.constant 32 : index
      %get3A_2510 = tpu.vector_load %arg7[%get3A_2508, %get3A_2509] {strides = array<i32>} : memref<32x64xf32, #tpu.memory_space<vmem>>, vector<1x16xf32>,
      %get3A_2511 = vector.shape_cast %get3A_2510 : vector<1x16xf32> to vector<16xf32>
      %mul3A_2512 = arith.constant 8.000000e+00 : f32
      %mul3A_2513 = vector.broadcast %mul3A_2512 : f32 to vector<16xf32>
      %mul3A_2514 = arith.mulf %get3A_2511, %mul3A_2513 : vector<16xf32>
      %add3A_2515 = arith.constant 18 : i32
      %add3A_2516 = arith.addi %mul3A_42, %add3A_2515 : i32
      %get3A_2517 = arith.index_cast %add3A_2516 : i32 to index
      %get3A_2518 = arith.constant 32 : index
      %get3A_2519 = tpu.vector_load %arg9[%get3A_2517, %get3A_2518] {strides = array<i32>} : memref<64x64xf32, #tpu.memory_space<vmem>>, vector<1x16xf32>,
      %get3A_2520 = vector.shape_cast %get3A_2519 : vector<1x16xf32> to vector<16xf32>
      %add3A_2521 = arith.addf %mul3A_2514, %get3A_2520 : vector<16xf32>
      %swap3A_2522 = arith.constant 18 : i32
      %swap3A_2523 = arith.index_cast %swap3A_2522 : i32 to index
      %swap3A_2524 = arith.constant 32 : index
      %swap3A_2525 = tpu.vector_load %arg8[%swap3A_2523, %swap3A_2524] {strides = array<i32>} : memref<32x64xf32, #tpu.memory_space<vmem>>, vector<1x16xf32>,
      %swap3A_2526 = vector.shape_cast %swap3A_2525 : vector<1x16xf32> to vector<16xf32>
      %swap3A_2527 = vector.shape_cast %add3A_2521 : vector<16xf32> to vector<1x16xf32>
      tpu.vector_store %arg8[%swap3A_2523, %swap3A_2524], %swap3A_2527 {strides = array<i32>} : memref<32x64xf32, #tpu.memory_space<vmem>>, vector<1x16xf32>,
      %get3A_2528 = arith.constant 18 : i32
      %get3A_2529 = arith.index_cast %get3A_2528 : i32 to index
      %get3A_2530 = arith.constant 48 : index
      %get3A_2531 = tpu.vector_load %arg7[%get3A_2529, %get3A_2530] {strides = array<i32>} : memref<32x64xf32, #tpu.memory_space<vmem>>, vector<1x16xf32>,
      %get3A_2532 = vector.shape_cast %get3A_2531 : vector<1x16xf32> to vector<16xf32>
      %mul3A_2533 = arith.constant 8.000000e+00 : f32
      %mul3A_2534 = vector.broadcast %mul3A_2533 : f32 to vector<16xf32>
      %mul3A_2535 = arith.mulf %get3A_2532, %mul3A_2534 : vector<16xf32>
      %add3A_2536 = arith.constant 18 : i32
      %add3A_2537 = arith.addi %mul3A_42, %add3A_2536 : i32
      %get3A_2538 = arith.index_cast %add3A_2537 : i32 to index
      %get3A_2539 = arith.constant 48 : index
      %get3A_2540 = tpu.vector_load %arg9[%get3A_2538, %get3A_2539] {strides = array<i32>} : memref<64x64xf32, #tpu.memory_space<vmem>>, vector<1x16xf32>,
      %get3A_2541 = vector.shape_cast %get3A_2540 : vector<1x16xf32> to vector<16xf32>
      %add3A_2542 = arith.addf %mul3A_2535, %get3A_2541 : vector<16xf32>
      %swap3A_2543 = arith.constant 18 : i32
      %swap3A_2544 = arith.index_cast %swap3A_2543 : i32 to index
      %swap3A_2545 = arith.constant 48 : index
      %swap3A_2546 = tpu.vector_load %arg8[%swap3A_2544, %swap3A_2545] {strides = array<i32>} : memref<32x64xf32, #tpu.memory_space<vmem>>, vector<1x16xf32>,
      %swap3A_2547 = vector.shape_cast %swap3A_2546 : vector<1x16xf32> to vector<16xf32>
      %swap3A_2548 = vector.shape_cast %add3A_2542 : vector<16xf32> to vector<1x16xf32>
      tpu.vector_store %arg8[%swap3A_2544, %swap3A_2545], %swap3A_2548 {strides = array<i32>} : memref<32x64xf32, #tpu.memory_space<vmem>>, vector<1x16xf32>,
      %get3A_2549 = arith.constant 19 : i32
      %get3A_2550 = arith.index_cast %get3A_2549 : i32 to index
      %get3A_2551 = arith.constant 0 : index
      %get3A_2552 = tpu.vector_load %arg7[%get3A_2550, %get3A_2551] {strides = array<i32>} : memref<32x64xf32, #tpu.memory_space<vmem>>, vector<1x16xf32>,
      %get3A_2553 = vector.shape_cast %get3A_2552 : vector<1x16xf32> to vector<16xf32>
      %mul3A_2554 = arith.constant 8.000000e+00 : f32
      %mul3A_2555 = vector.broadcast %mul3A_2554 : f32 to vector<16xf32>
      %mul3A_2556 = arith.mulf %get3A_2553, %mul3A_2555 : vector<16xf32>
      %add3A_2557 = arith.constant 19 : i32
      %add3A_2558 = arith.addi %mul3A_42, %add3A_2557 : i32
      %get3A_2559 = arith.index_cast %add3A_2558 : i32 to index
      %get3A_2560 = arith.constant 0 : index
      %get3A_2561 = tpu.vector_load %arg9[%get3A_2559, %get3A_2560] {strides = array<i32>} : memref<64x64xf32, #tpu.memory_space<vmem>>, vector<1x16xf32>,
      %get3A_2562 = vector.shape_cast %get3A_2561 : vector<1x16xf32> to vector<16xf32>
      %add3A_2563 = arith.addf %mul3A_2556, %get3A_2562 : vector<16xf32>
      %swap3A_2564 = arith.constant 19 : i32
      %swap3A_2565 = arith.index_cast %swap3A_2564 : i32 to index
      %swap3A_2566 = arith.constant 0 : index
      %swap3A_2567 = tpu.vector_load %arg8[%swap3A_2565, %swap3A_2566] {strides = array<i32>} : memref<32x64xf32, #tpu.memory_space<vmem>>, vector<1x16xf32>,
      %swap3A_2568 = vector.shape_cast %swap3A_2567 : vector<1x16xf32> to vector<16xf32>
      %swap3A_2569 = vector.shape_cast %add3A_2563 : vector<16xf32> to vector<1x16xf32>
      tpu.vector_store %arg8[%swap3A_2565, %swap3A_2566], %swap3A_2569 {strides = array<i32>} : memref<32x64xf32, #tpu.memory_space<vmem>>, vector<1x16xf32>,
      %get3A_2570 = arith.constant 19 : i32
      %get3A_2571 = arith.index_cast %get3A_2570 : i32 to index
      %get3A_2572 = arith.constant 16 : index
      %get3A_2573 = tpu.vector_load %arg7[%get3A_2571, %get3A_2572] {strides = array<i32>} : memref<32x64xf32, #tpu.memory_space<vmem>>, vector<1x16xf32>,
      %get3A_2574 = vector.shape_cast %get3A_2573 : vector<1x16xf32> to vector<16xf32>
      %mul3A_2575 = arith.constant 8.000000e+00 : f32
      %mul3A_2576 = vector.broadcast %mul3A_2575 : f32 to vector<16xf32>
      %mul3A_2577 = arith.mulf %get3A_2574, %mul3A_2576 : vector<16xf32>
      %add3A_2578 = arith.constant 19 : i32
      %add3A_2579 = arith.addi %mul3A_42, %add3A_2578 : i32
      %get3A_2580 = arith.index_cast %add3A_2579 : i32 to index
      %get3A_2581 = arith.constant 16 : index
      %get3A_2582 = tpu.vector_load %arg9[%get3A_2580, %get3A_2581] {strides = array<i32>} : memref<64x64xf32, #tpu.memory_space<vmem>>, vector<1x16xf32>,
      %get3A_2583 = vector.shape_cast %get3A_2582 : vector<1x16xf32> to vector<16xf32>
      %add3A_2584 = arith.addf %mul3A_2577, %get3A_2583 : vector<16xf32>
      %swap3A_2585 = arith.constant 19 : i32
      %swap3A_2586 = arith.index_cast %swap3A_2585 : i32 to index
      %swap3A_2587 = arith.constant 16 : index
      %swap3A_2588 = tpu.vector_load %arg8[%swap3A_2586, %swap3A_2587] {strides = array<i32>} : memref<32x64xf32, #tpu.memory_space<vmem>>, vector<1x16xf32>,
      %swap3A_2589 = vector.shape_cast %swap3A_2588 : vector<1x16xf32> to vector<16xf32>
      %swap3A_2590 = vector.shape_cast %add3A_2584 : vector<16xf32> to vector<1x16xf32>
      tpu.vector_store %arg8[%swap3A_2586, %swap3A_2587], %swap3A_2590 {strides = array<i32>} : memref<32x64xf32, #tpu.memory_space<vmem>>, vector<1x16xf32>,
      %get3A_2591 = arith.constant 19 : i32
      %get3A_2592 = arith.index_cast %get3A_2591 : i32 to index
      %get3A_2593 = arith.constant 32 : index
      %get3A_2594 = tpu.vector_load %arg7[%get3A_2592, %get3A_2593] {strides = array<i32>} : memref<32x64xf32, #tpu.memory_space<vmem>>, vector<1x16xf32>,
      %get3A_2595 = vector.shape_cast %get3A_2594 : vector<1x16xf32> to vector<16xf32>
      %mul3A_2596 = arith.constant 8.000000e+00 : f32
      %mul3A_2597 = vector.broadcast %mul3A_2596 : f32 to vector<16xf32>
      %mul3A_2598 = arith.mulf %get3A_2595, %mul3A_2597 : vector<16xf32>
      %add3A_2599 = arith.constant 19 : i32
      %add3A_2600 = arith.addi %mul3A_42, %add3A_2599 : i32
      %get3A_2601 = arith.index_cast %add3A_2600 : i32 to index
      %get3A_2602 = arith.constant 32 : index
      %get3A_2603 = tpu.vector_load %arg9[%get3A_2601, %get3A_2602] {strides = array<i32>} : memref<64x64xf32, #tpu.memory_space<vmem>>, vector<1x16xf32>,
      %get3A_2604 = vector.shape_cast %get3A_2603 : vector<1x16xf32> to vector<16xf32>
      %add3A_2605 = arith.addf %mul3A_2598, %get3A_2604 : vector<16xf32>
      %swap3A_2606 = arith.constant 19 : i32
      %swap3A_2607 = arith.index_cast %swap3A_2606 : i32 to index
      %swap3A_2608 = arith.constant 32 : index
      %swap3A_2609 = tpu.vector_load %arg8[%swap3A_2607, %swap3A_2608] {strides = array<i32>} : memref<32x64xf32, #tpu.memory_space<vmem>>, vector<1x16xf32>,
      %swap3A_2610 = vector.shape_cast %swap3A_2609 : vector<1x16xf32> to vector<16xf32>
      %swap3A_2611 = vector.shape_cast %add3A_2605 : vector<16xf32> to vector<1x16xf32>
      tpu.vector_store %arg8[%swap3A_2607, %swap3A_2608], %swap3A_2611 {strides = array<i32>} : memref<32x64xf32, #tpu.memory_space<vmem>>, vector<1x16xf32>,
      %get3A_2612 = arith.constant 19 : i32
      %get3A_2613 = arith.index_cast %get3A_2612 : i32 to index
      %get3A_2614 = arith.constant 48 : index
      %get3A_2615 = tpu.vector_load %arg7[%get3A_2613, %get3A_2614] {strides = array<i32>} : memref<32x64xf32, #tpu.memory_space<vmem>>, vector<1x16xf32>,
      %get3A_2616 = vector.shape_cast %get3A_2615 : vector<1x16xf32> to vector<16xf32>
      %mul3A_2617 = arith.constant 8.000000e+00 : f32
      %mul3A_2618 = vector.broadcast %mul3A_2617 : f32 to vector<16xf32>
      %mul3A_2619 = arith.mulf %get3A_2616, %mul3A_2618 : vector<16xf32>
      %add3A_2620 = arith.constant 19 : i32
      %add3A_2621 = arith.addi %mul3A_42, %add3A_2620 : i32
      %get3A_2622 = arith.index_cast %add3A_2621 : i32 to index
      %get3A_2623 = arith.constant 48 : index
      %get3A_2624 = tpu.vector_load %arg9[%get3A_2622, %get3A_2623] {strides = array<i32>} : memref<64x64xf32, #tpu.memory_space<vmem>>, vector<1x16xf32>,
      %get3A_2625 = vector.shape_cast %get3A_2624 : vector<1x16xf32> to vector<16xf32>
      %add3A_2626 = arith.addf %mul3A_2619, %get3A_2625 : vector<16xf32>
      %swap3A_2627 = arith.constant 19 : i32
      %swap3A_2628 = arith.index_cast %swap3A_2627 : i32 to index
      %swap3A_2629 = arith.constant 48 : index
      %swap3A_2630 = tpu.vector_load %arg8[%swap3A_2628, %swap3A_2629] {strides = array<i32>} : memref<32x64xf32, #tpu.memory_space<vmem>>, vector<1x16xf32>,
      %swap3A_2631 = vector.shape_cast %swap3A_2630 : vector<1x16xf32> to vector<16xf32>
      %swap3A_2632 = vector.shape_cast %add3A_2626 : vector<16xf32> to vector<1x16xf32>
      tpu.vector_store %arg8[%swap3A_2628, %swap3A_2629], %swap3A_2632 {strides = array<i32>} : memref<32x64xf32, #tpu.memory_space<vmem>>, vector<1x16xf32>,
      %get3A_2633 = arith.constant 20 : i32
      %get3A_2634 = arith.index_cast %get3A_2633 : i32 to index
      %get3A_2635 = arith.constant 0 : index
      %get3A_2636 = tpu.vector_load %arg7[%get3A_2634, %get3A_2635] {strides = array<i32>} : memref<32x64xf32, #tpu.memory_space<vmem>>, vector<1x16xf32>,
      %get3A_2637 = vector.shape_cast %get3A_2636 : vector<1x16xf32> to vector<16xf32>
      %mul3A_2638 = arith.constant 8.000000e+00 : f32
      %mul3A_2639 = vector.broadcast %mul3A_2638 : f32 to vector<16xf32>
      %mul3A_2640 = arith.mulf %get3A_2637, %mul3A_2639 : vector<16xf32>
      %add3A_2641 = arith.constant 20 : i32
      %add3A_2642 = arith.addi %mul3A_42, %add3A_2641 : i32
      %get3A_2643 = arith.index_cast %add3A_2642 : i32 to index
      %get3A_2644 = arith.constant 0 : index
      %get3A_2645 = tpu.vector_load %arg9[%get3A_2643, %get3A_2644] {strides = array<i32>} : memref<64x64xf32, #tpu.memory_space<vmem>>, vector<1x16xf32>,
      %get3A_2646 = vector.shape_cast %get3A_2645 : vector<1x16xf32> to vector<16xf32>
      %add3A_2647 = arith.addf %mul3A_2640, %get3A_2646 : vector<16xf32>
      %swap3A_2648 = arith.constant 20 : i32
      %swap3A_2649 = arith.index_cast %swap3A_2648 : i32 to index
      %swap3A_2650 = arith.constant 0 : index
      %swap3A_2651 = tpu.vector_load %arg8[%swap3A_2649, %swap3A_2650] {strides = array<i32>} : memref<32x64xf32, #tpu.memory_space<vmem>>, vector<1x16xf32>,
      %swap3A_2652 = vector.shape_cast %swap3A_2651 : vector<1x16xf32> to vector<16xf32>
      %swap3A_2653 = vector.shape_cast %add3A_2647 : vector<16xf32> to vector<1x16xf32>
      tpu.vector_store %arg8[%swap3A_2649, %swap3A_2650], %swap3A_2653 {strides = array<i32>} : memref<32x64xf32, #tpu.memory_space<vmem>>, vector<1x16xf32>,
      %get3A_2654 = arith.constant 20 : i32
      %get3A_2655 = arith.index_cast %get3A_2654 : i32 to index
      %get3A_2656 = arith.constant 16 : index
      %get3A_2657 = tpu.vector_load %arg7[%get3A_2655, %get3A_2656] {strides = array<i32>} : memref<32x64xf32, #tpu.memory_space<vmem>>, vector<1x16xf32>,
      %get3A_2658 = vector.shape_cast %get3A_2657 : vector<1x16xf32> to vector<16xf32>
      %mul3A_2659 = arith.constant 8.000000e+00 : f32
      %mul3A_2660 = vector.broadcast %mul3A_2659 : f32 to vector<16xf32>
      %mul3A_2661 = arith.mulf %get3A_2658, %mul3A_2660 : vector<16xf32>
      %add3A_2662 = arith.constant 20 : i32
      %add3A_2663 = arith.addi %mul3A_42, %add3A_2662 : i32
      %get3A_2664 = arith.index_cast %add3A_2663 : i32 to index
      %get3A_2665 = arith.constant 16 : index
      %get3A_2666 = tpu.vector_load %arg9[%get3A_2664, %get3A_2665] {strides = array<i32>} : memref<64x64xf32, #tpu.memory_space<vmem>>, vector<1x16xf32>,
      %get3A_2667 = vector.shape_cast %get3A_2666 : vector<1x16xf32> to vector<16xf32>
      %add3A_2668 = arith.addf %mul3A_2661, %get3A_2667 : vector<16xf32>
      %swap3A_2669 = arith.constant 20 : i32
      %swap3A_2670 = arith.index_cast %swap3A_2669 : i32 to index
      %swap3A_2671 = arith.constant 16 : index
      %swap3A_2672 = tpu.vector_load %arg8[%swap3A_2670, %swap3A_2671] {strides = array<i32>} : memref<32x64xf32, #tpu.memory_space<vmem>>, vector<1x16xf32>,
      %swap3A_2673 = vector.shape_cast %swap3A_2672 : vector<1x16xf32> to vector<16xf32>
      %swap3A_2674 = vector.shape_cast %add3A_2668 : vector<16xf32> to vector<1x16xf32>
      tpu.vector_store %arg8[%swap3A_2670, %swap3A_2671], %swap3A_2674 {strides = array<i32>} : memref<32x64xf32, #tpu.memory_space<vmem>>, vector<1x16xf32>,
      %get3A_2675 = arith.constant 20 : i32
      %get3A_2676 = arith.index_cast %get3A_2675 : i32 to index
      %get3A_2677 = arith.constant 32 : index
      %get3A_2678 = tpu.vector_load %arg7[%get3A_2676, %get3A_2677] {strides = array<i32>} : memref<32x64xf32, #tpu.memory_space<vmem>>, vector<1x16xf32>,
      %get3A_2679 = vector.shape_cast %get3A_2678 : vector<1x16xf32> to vector<16xf32>
      %mul3A_2680 = arith.constant 8.000000e+00 : f32
      %mul3A_2681 = vector.broadcast %mul3A_2680 : f32 to vector<16xf32>
      %mul3A_2682 = arith.mulf %get3A_2679, %mul3A_2681 : vector<16xf32>
      %add3A_2683 = arith.constant 20 : i32
      %add3A_2684 = arith.addi %mul3A_42, %add3A_2683 : i32
      %get3A_2685 = arith.index_cast %add3A_2684 : i32 to index
      %get3A_2686 = arith.constant 32 : index
      %get3A_2687 = tpu.vector_load %arg9[%get3A_2685, %get3A_2686] {strides = array<i32>} : memref<64x64xf32, #tpu.memory_space<vmem>>, vector<1x16xf32>,
      %get3A_2688 = vector.shape_cast %get3A_2687 : vector<1x16xf32> to vector<16xf32>
      %add3A_2689 = arith.addf %mul3A_2682, %get3A_2688 : vector<16xf32>
      %swap3A_2690 = arith.constant 20 : i32
      %swap3A_2691 = arith.index_cast %swap3A_2690 : i32 to index
      %swap3A_2692 = arith.constant 32 : index
      %swap3A_2693 = tpu.vector_load %arg8[%swap3A_2691, %swap3A_2692] {strides = array<i32>} : memref<32x64xf32, #tpu.memory_space<vmem>>, vector<1x16xf32>,
      %swap3A_2694 = vector.shape_cast %swap3A_2693 : vector<1x16xf32> to vector<16xf32>
      %swap3A_2695 = vector.shape_cast %add3A_2689 : vector<16xf32> to vector<1x16xf32>
      tpu.vector_store %arg8[%swap3A_2691, %swap3A_2692], %swap3A_2695 {strides = array<i32>} : memref<32x64xf32, #tpu.memory_space<vmem>>, vector<1x16xf32>,
      %get3A_2696 = arith.constant 20 : i32
      %get3A_2697 = arith.index_cast %get3A_2696 : i32 to index
      %get3A_2698 = arith.constant 48 : index
      %get3A_2699 = tpu.vector_load %arg7[%get3A_2697, %get3A_2698] {strides = array<i32>} : memref<32x64xf32, #tpu.memory_space<vmem>>, vector<1x16xf32>,
      %get3A_2700 = vector.shape_cast %get3A_2699 : vector<1x16xf32> to vector<16xf32>
      %mul3A_2701 = arith.constant 8.000000e+00 : f32
      %mul3A_2702 = vector.broadcast %mul3A_2701 : f32 to vector<16xf32>
      %mul3A_2703 = arith.mulf %get3A_2700, %mul3A_2702 : vector<16xf32>
      %add3A_2704 = arith.constant 20 : i32
      %add3A_2705 = arith.addi %mul3A_42, %add3A_2704 : i32
      %get3A_2706 = arith.index_cast %add3A_2705 : i32 to index
      %get3A_2707 = arith.constant 48 : index
      %get3A_2708 = tpu.vector_load %arg9[%get3A_2706, %get3A_2707] {strides = array<i32>} : memref<64x64xf32, #tpu.memory_space<vmem>>, vector<1x16xf32>,
      %get3A_2709 = vector.shape_cast %get3A_2708 : vector<1x16xf32> to vector<16xf32>
      %add3A_2710 = arith.addf %mul3A_2703, %get3A_2709 : vector<16xf32>
      %swap3A_2711 = arith.constant 20 : i32
      %swap3A_2712 = arith.index_cast %swap3A_2711 : i32 to index
      %swap3A_2713 = arith.constant 48 : index
      %swap3A_2714 = tpu.vector_load %arg8[%swap3A_2712, %swap3A_2713] {strides = array<i32>} : memref<32x64xf32, #tpu.memory_space<vmem>>, vector<1x16xf32>,
      %swap3A_2715 = vector.shape_cast %swap3A_2714 : vector<1x16xf32> to vector<16xf32>
      %swap3A_2716 = vector.shape_cast %add3A_2710 : vector<16xf32> to vector<1x16xf32>
      tpu.vector_store %arg8[%swap3A_2712, %swap3A_2713], %swap3A_2716 {strides = array<i32>} : memref<32x64xf32, #tpu.memory_space<vmem>>, vector<1x16xf32>,
      %get3A_2717 = arith.constant 21 : i32
      %get3A_2718 = arith.index_cast %get3A_2717 : i32 to index
      %get3A_2719 = arith.constant 0 : index
      %get3A_2720 = tpu.vector_load %arg7[%get3A_2718, %get3A_2719] {strides = array<i32>} : memref<32x64xf32, #tpu.memory_space<vmem>>, vector<1x16xf32>,
      %get3A_2721 = vector.shape_cast %get3A_2720 : vector<1x16xf32> to vector<16xf32>
      %mul3A_2722 = arith.constant 8.000000e+00 : f32
      %mul3A_2723 = vector.broadcast %mul3A_2722 : f32 to vector<16xf32>
      %mul3A_2724 = arith.mulf %get3A_2721, %mul3A_2723 : vector<16xf32>
      %add3A_2725 = arith.constant 21 : i32
      %add3A_2726 = arith.addi %mul3A_42, %add3A_2725 : i32
      %get3A_2727 = arith.index_cast %add3A_2726 : i32 to index
      %get3A_2728 = arith.constant 0 : index
      %get3A_2729 = tpu.vector_load %arg9[%get3A_2727, %get3A_2728] {strides = array<i32>} : memref<64x64xf32, #tpu.memory_space<vmem>>, vector<1x16xf32>,
      %get3A_2730 = vector.shape_cast %get3A_2729 : vector<1x16xf32> to vector<16xf32>
      %add3A_2731 = arith.addf %mul3A_2724, %get3A_2730 : vector<16xf32>
      %swap3A_2732 = arith.constant 21 : i32
      %swap3A_2733 = arith.index_cast %swap3A_2732 : i32 to index
      %swap3A_2734 = arith.constant 0 : index
      %swap3A_2735 = tpu.vector_load %arg8[%swap3A_2733, %swap3A_2734] {strides = array<i32>} : memref<32x64xf32, #tpu.memory_space<vmem>>, vector<1x16xf32>,
      %swap3A_2736 = vector.shape_cast %swap3A_2735 : vector<1x16xf32> to vector<16xf32>
      %swap3A_2737 = vector.shape_cast %add3A_2731 : vector<16xf32> to vector<1x16xf32>
      tpu.vector_store %arg8[%swap3A_2733, %swap3A_2734], %swap3A_2737 {strides = array<i32>} : memref<32x64xf32, #tpu.memory_space<vmem>>, vector<1x16xf32>,
      %get3A_2738 = arith.constant 21 : i32
      %get3A_2739 = arith.index_cast %get3A_2738 : i32 to index
      %get3A_2740 = arith.constant 16 : index
      %get3A_2741 = tpu.vector_load %arg7[%get3A_2739, %get3A_2740] {strides = array<i32>} : memref<32x64xf32, #tpu.memory_space<vmem>>, vector<1x16xf32>,
      %get3A_2742 = vector.shape_cast %get3A_2741 : vector<1x16xf32> to vector<16xf32>
      %mul3A_2743 = arith.constant 8.000000e+00 : f32
      %mul3A_2744 = vector.broadcast %mul3A_2743 : f32 to vector<16xf32>
      %mul3A_2745 = arith.mulf %get3A_2742, %mul3A_2744 : vector<16xf32>
      %add3A_2746 = arith.constant 21 : i32
      %add3A_2747 = arith.addi %mul3A_42, %add3A_2746 : i32
      %get3A_2748 = arith.index_cast %add3A_2747 : i32 to index
      %get3A_2749 = arith.constant 16 : index
      %get3A_2750 = tpu.vector_load %arg9[%get3A_2748, %get3A_2749] {strides = array<i32>} : memref<64x64xf32, #tpu.memory_space<vmem>>, vector<1x16xf32>,
      %get3A_2751 = vector.shape_cast %get3A_2750 : vector<1x16xf32> to vector<16xf32>
      %add3A_2752 = arith.addf %mul3A_2745, %get3A_2751 : vector<16xf32>
      %swap3A_2753 = arith.constant 21 : i32
      %swap3A_2754 = arith.index_cast %swap3A_2753 : i32 to index
      %swap3A_2755 = arith.constant 16 : index
      %swap3A_2756 = tpu.vector_load %arg8[%swap3A_2754, %swap3A_2755] {strides = array<i32>} : memref<32x64xf32, #tpu.memory_space<vmem>>, vector<1x16xf32>,
      %swap3A_2757 = vector.shape_cast %swap3A_2756 : vector<1x16xf32> to vector<16xf32>
      %swap3A_2758 = vector.shape_cast %add3A_2752 : vector<16xf32> to vector<1x16xf32>
      tpu.vector_store %arg8[%swap3A_2754, %swap3A_2755], %swap3A_2758 {strides = array<i32>} : memref<32x64xf32, #tpu.memory_space<vmem>>, vector<1x16xf32>,
      %get3A_2759 = arith.constant 21 : i32
      %get3A_2760 = arith.index_cast %get3A_2759 : i32 to index
      %get3A_2761 = arith.constant 32 : index
      %get3A_2762 = tpu.vector_load %arg7[%get3A_2760, %get3A_2761] {strides = array<i32>} : memref<32x64xf32, #tpu.memory_space<vmem>>, vector<1x16xf32>,
      %get3A_2763 = vector.shape_cast %get3A_2762 : vector<1x16xf32> to vector<16xf32>
      %mul3A_2764 = arith.constant 8.000000e+00 : f32
      %mul3A_2765 = vector.broadcast %mul3A_2764 : f32 to vector<16xf32>
      %mul3A_2766 = arith.mulf %get3A_2763, %mul3A_2765 : vector<16xf32>
      %add3A_2767 = arith.constant 21 : i32
      %add3A_2768 = arith.addi %mul3A_42, %add3A_2767 : i32
      %get3A_2769 = arith.index_cast %add3A_2768 : i32 to index
      %get3A_2770 = arith.constant 32 : index
      %get3A_2771 = tpu.vector_load %arg9[%get3A_2769, %get3A_2770] {strides = array<i32>} : memref<64x64xf32, #tpu.memory_space<vmem>>, vector<1x16xf32>,
      %get3A_2772 = vector.shape_cast %get3A_2771 : vector<1x16xf32> to vector<16xf32>
      %add3A_2773 = arith.addf %mul3A_2766, %get3A_2772 : vector<16xf32>
      %swap3A_2774 = arith.constant 21 : i32
      %swap3A_2775 = arith.index_cast %swap3A_2774 : i32 to index
      %swap3A_2776 = arith.constant 32 : index
      %swap3A_2777 = tpu.vector_load %arg8[%swap3A_2775, %swap3A_2776] {strides = array<i32>} : memref<32x64xf32, #tpu.memory_space<vmem>>, vector<1x16xf32>,
      %swap3A_2778 = vector.shape_cast %swap3A_2777 : vector<1x16xf32> to vector<16xf32>
      %swap3A_2779 = vector.shape_cast %add3A_2773 : vector<16xf32> to vector<1x16xf32>
      tpu.vector_store %arg8[%swap3A_2775, %swap3A_2776], %swap3A_2779 {strides = array<i32>} : memref<32x64xf32, #tpu.memory_space<vmem>>, vector<1x16xf32>,
      %get3A_2780 = arith.constant 21 : i32
      %get3A_2781 = arith.index_cast %get3A_2780 : i32 to index
      %get3A_2782 = arith.constant 48 : index
      %get3A_2783 = tpu.vector_load %arg7[%get3A_2781, %get3A_2782] {strides = array<i32>} : memref<32x64xf32, #tpu.memory_space<vmem>>, vector<1x16xf32>,
      %get3A_2784 = vector.shape_cast %get3A_2783 : vector<1x16xf32> to vector<16xf32>
      %mul3A_2785 = arith.constant 8.000000e+00 : f32
      %mul3A_2786 = vector.broadcast %mul3A_2785 : f32 to vector<16xf32>
      %mul3A_2787 = arith.mulf %get3A_2784, %mul3A_2786 : vector<16xf32>
      %add3A_2788 = arith.constant 21 : i32
      %add3A_2789 = arith.addi %mul3A_42, %add3A_2788 : i32
      %get3A_2790 = arith.index_cast %add3A_2789 : i32 to index
      %get3A_2791 = arith.constant 48 : index
      %get3A_2792 = tpu.vector_load %arg9[%get3A_2790, %get3A_2791] {strides = array<i32>} : memref<64x64xf32, #tpu.memory_space<vmem>>, vector<1x16xf32>,
      %get3A_2793 = vector.shape_cast %get3A_2792 : vector<1x16xf32> to vector<16xf32>
      %add3A_2794 = arith.addf %mul3A_2787, %get3A_2793 : vector<16xf32>
      %swap3A_2795 = arith.constant 21 : i32
      %swap3A_2796 = arith.index_cast %swap3A_2795 : i32 to index
      %swap3A_2797 = arith.constant 48 : index
      %swap3A_2798 = tpu.vector_load %arg8[%swap3A_2796, %swap3A_2797] {strides = array<i32>} : memref<32x64xf32, #tpu.memory_space<vmem>>, vector<1x16xf32>,
      %swap3A_2799 = vector.shape_cast %swap3A_2798 : vector<1x16xf32> to vector<16xf32>
      %swap3A_2800 = vector.shape_cast %add3A_2794 : vector<16xf32> to vector<1x16xf32>
      tpu.vector_store %arg8[%swap3A_2796, %swap3A_2797], %swap3A_2800 {strides = array<i32>} : memref<32x64xf32, #tpu.memory_space<vmem>>, vector<1x16xf32>,
      %get3A_2801 = arith.constant 22 : i32
      %get3A_2802 = arith.index_cast %get3A_2801 : i32 to index
      %get3A_2803 = arith.constant 0 : index
      %get3A_2804 = tpu.vector_load %arg7[%get3A_2802, %get3A_2803] {strides = array<i32>} : memref<32x64xf32, #tpu.memory_space<vmem>>, vector<1x16xf32>,
      %get3A_2805 = vector.shape_cast %get3A_2804 : vector<1x16xf32> to vector<16xf32>
      %mul3A_2806 = arith.constant 8.000000e+00 : f32
      %mul3A_2807 = vector.broadcast %mul3A_2806 : f32 to vector<16xf32>
      %mul3A_2808 = arith.mulf %get3A_2805, %mul3A_2807 : vector<16xf32>
      %add3A_2809 = arith.constant 22 : i32
      %add3A_2810 = arith.addi %mul3A_42, %add3A_2809 : i32
      %get3A_2811 = arith.index_cast %add3A_2810 : i32 to index
      %get3A_2812 = arith.constant 0 : index
      %get3A_2813 = tpu.vector_load %arg9[%get3A_2811, %get3A_2812] {strides = array<i32>} : memref<64x64xf32, #tpu.memory_space<vmem>>, vector<1x16xf32>,
      %get3A_2814 = vector.shape_cast %get3A_2813 : vector<1x16xf32> to vector<16xf32>
      %add3A_2815 = arith.addf %mul3A_2808, %get3A_2814 : vector<16xf32>
      %swap3A_2816 = arith.constant 22 : i32
      %swap3A_2817 = arith.index_cast %swap3A_2816 : i32 to index
      %swap3A_2818 = arith.constant 0 : index
      %swap3A_2819 = tpu.vector_load %arg8[%swap3A_2817, %swap3A_2818] {strides = array<i32>} : memref<32x64xf32, #tpu.memory_space<vmem>>, vector<1x16xf32>,
      %swap3A_2820 = vector.shape_cast %swap3A_2819 : vector<1x16xf32> to vector<16xf32>
      %swap3A_2821 = vector.shape_cast %add3A_2815 : vector<16xf32> to vector<1x16xf32>
      tpu.vector_store %arg8[%swap3A_2817, %swap3A_2818], %swap3A_2821 {strides = array<i32>} : memref<32x64xf32, #tpu.memory_space<vmem>>, vector<1x16xf32>,
      %get3A_2822 = arith.constant 22 : i32
      %get3A_2823 = arith.index_cast %get3A_2822 : i32 to index
      %get3A_2824 = arith.constant 16 : index
      %get3A_2825 = tpu.vector_load %arg7[%get3A_2823, %get3A_2824] {strides = array<i32>} : memref<32x64xf32, #tpu.memory_space<vmem>>, vector<1x16xf32>,
      %get3A_2826 = vector.shape_cast %get3A_2825 : vector<1x16xf32> to vector<16xf32>
      %mul3A_2827 = arith.constant 8.000000e+00 : f32
      %mul3A_2828 = vector.broadcast %mul3A_2827 : f32 to vector<16xf32>
      %mul3A_2829 = arith.mulf %get3A_2826, %mul3A_2828 : vector<16xf32>
      %add3A_2830 = arith.constant 22 : i32
      %add3A_2831 = arith.addi %mul3A_42, %add3A_2830 : i32
      %get3A_2832 = arith.index_cast %add3A_2831 : i32 to index
      %get3A_2833 = arith.constant 16 : index
      %get3A_2834 = tpu.vector_load %arg9[%get3A_2832, %get3A_2833] {strides = array<i32>} : memref<64x64xf32, #tpu.memory_space<vmem>>, vector<1x16xf32>,
      %get3A_2835 = vector.shape_cast %get3A_2834 : vector<1x16xf32> to vector<16xf32>
      %add3A_2836 = arith.addf %mul3A_2829, %get3A_2835 : vector<16xf32>
      %swap3A_2837 = arith.constant 22 : i32
      %swap3A_2838 = arith.index_cast %swap3A_2837 : i32 to index
      %swap3A_2839 = arith.constant 16 : index
      %swap3A_2840 = tpu.vector_load %arg8[%swap3A_2838, %swap3A_2839] {strides = array<i32>} : memref<32x64xf32, #tpu.memory_space<vmem>>, vector<1x16xf32>,
      %swap3A_2841 = vector.shape_cast %swap3A_2840 : vector<1x16xf32> to vector<16xf32>
      %swap3A_2842 = vector.shape_cast %add3A_2836 : vector<16xf32> to vector<1x16xf32>
      tpu.vector_store %arg8[%swap3A_2838, %swap3A_2839], %swap3A_2842 {strides = array<i32>} : memref<32x64xf32, #tpu.memory_space<vmem>>, vector<1x16xf32>,
      %get3A_2843 = arith.constant 22 : i32
      %get3A_2844 = arith.index_cast %get3A_2843 : i32 to index
      %get3A_2845 = arith.constant 32 : index
      %get3A_2846 = tpu.vector_load %arg7[%get3A_2844, %get3A_2845] {strides = array<i32>} : memref<32x64xf32, #tpu.memory_space<vmem>>, vector<1x16xf32>,
      %get3A_2847 = vector.shape_cast %get3A_2846 : vector<1x16xf32> to vector<16xf32>
      %mul3A_2848 = arith.constant 8.000000e+00 : f32
      %mul3A_2849 = vector.broadcast %mul3A_2848 : f32 to vector<16xf32>
      %mul3A_2850 = arith.mulf %get3A_2847, %mul3A_2849 : vector<16xf32>
      %add3A_2851 = arith.constant 22 : i32
      %add3A_2852 = arith.addi %mul3A_42, %add3A_2851 : i32
      %get3A_2853 = arith.index_cast %add3A_2852 : i32 to index
      %get3A_2854 = arith.constant 32 : index
      %get3A_2855 = tpu.vector_load %arg9[%get3A_2853, %get3A_2854] {strides = array<i32>} : memref<64x64xf32, #tpu.memory_space<vmem>>, vector<1x16xf32>,
      %get3A_2856 = vector.shape_cast %get3A_2855 : vector<1x16xf32> to vector<16xf32>
      %add3A_2857 = arith.addf %mul3A_2850, %get3A_2856 : vector<16xf32>
      %swap3A_2858 = arith.constant 22 : i32
      %swap3A_2859 = arith.index_cast %swap3A_2858 : i32 to index
      %swap3A_2860 = arith.constant 32 : index
      %swap3A_2861 = tpu.vector_load %arg8[%swap3A_2859, %swap3A_2860] {strides = array<i32>} : memref<32x64xf32, #tpu.memory_space<vmem>>, vector<1x16xf32>,
      %swap3A_2862 = vector.shape_cast %swap3A_2861 : vector<1x16xf32> to vector<16xf32>
      %swap3A_2863 = vector.shape_cast %add3A_2857 : vector<16xf32> to vector<1x16xf32>
      tpu.vector_store %arg8[%swap3A_2859, %swap3A_2860], %swap3A_2863 {strides = array<i32>} : memref<32x64xf32, #tpu.memory_space<vmem>>, vector<1x16xf32>,
      %get3A_2864 = arith.constant 22 : i32
      %get3A_2865 = arith.index_cast %get3A_2864 : i32 to index
      %get3A_2866 = arith.constant 48 : index
      %get3A_2867 = tpu.vector_load %arg7[%get3A_2865, %get3A_2866] {strides = array<i32>} : memref<32x64xf32, #tpu.memory_space<vmem>>, vector<1x16xf32>,
      %get3A_2868 = vector.shape_cast %get3A_2867 : vector<1x16xf32> to vector<16xf32>
      %mul3A_2869 = arith.constant 8.000000e+00 : f32
      %mul3A_2870 = vector.broadcast %mul3A_2869 : f32 to vector<16xf32>
      %mul3A_2871 = arith.mulf %get3A_2868, %mul3A_2870 : vector<16xf32>
      %add3A_2872 = arith.constant 22 : i32
      %add3A_2873 = arith.addi %mul3A_42, %add3A_2872 : i32
      %get3A_2874 = arith.index_cast %add3A_2873 : i32 to index
      %get3A_2875 = arith.constant 48 : index
      %get3A_2876 = tpu.vector_load %arg9[%get3A_2874, %get3A_2875] {strides = array<i32>} : memref<64x64xf32, #tpu.memory_space<vmem>>, vector<1x16xf32>,
      %get3A_2877 = vector.shape_cast %get3A_2876 : vector<1x16xf32> to vector<16xf32>
      %add3A_2878 = arith.addf %mul3A_2871, %get3A_2877 : vector<16xf32>
      %swap3A_2879 = arith.constant 22 : i32
      %swap3A_2880 = arith.index_cast %swap3A_2879 : i32 to index
      %swap3A_2881 = arith.constant 48 : index
      %swap3A_2882 = tpu.vector_load %arg8[%swap3A_2880, %swap3A_2881] {strides = array<i32>} : memref<32x64xf32, #tpu.memory_space<vmem>>, vector<1x16xf32>,
      %swap3A_2883 = vector.shape_cast %swap3A_2882 : vector<1x16xf32> to vector<16xf32>
      %swap3A_2884 = vector.shape_cast %add3A_2878 : vector<16xf32> to vector<1x16xf32>
      tpu.vector_store %arg8[%swap3A_2880, %swap3A_2881], %swap3A_2884 {strides = array<i32>} : memref<32x64xf32, #tpu.memory_space<vmem>>, vector<1x16xf32>,
      %get3A_2885 = arith.constant 23 : i32
      %get3A_2886 = arith.index_cast %get3A_2885 : i32 to index
      %get3A_2887 = arith.constant 0 : index
      %get3A_2888 = tpu.vector_load %arg7[%get3A_2886, %get3A_2887] {strides = array<i32>} : memref<32x64xf32, #tpu.memory_space<vmem>>, vector<1x16xf32>,
      %get3A_2889 = vector.shape_cast %get3A_2888 : vector<1x16xf32> to vector<16xf32>
      %mul3A_2890 = arith.constant 8.000000e+00 : f32
      %mul3A_2891 = vector.broadcast %mul3A_2890 : f32 to vector<16xf32>
      %mul3A_2892 = arith.mulf %get3A_2889, %mul3A_2891 : vector<16xf32>
      %add3A_2893 = arith.constant 23 : i32
      %add3A_2894 = arith.addi %mul3A_42, %add3A_2893 : i32
      %get3A_2895 = arith.index_cast %add3A_2894 : i32 to index
      %get3A_2896 = arith.constant 0 : index
      %get3A_2897 = tpu.vector_load %arg9[%get3A_2895, %get3A_2896] {strides = array<i32>} : memref<64x64xf32, #tpu.memory_space<vmem>>, vector<1x16xf32>,
      %get3A_2898 = vector.shape_cast %get3A_2897 : vector<1x16xf32> to vector<16xf32>
      %add3A_2899 = arith.addf %mul3A_2892, %get3A_2898 : vector<16xf32>
      %swap3A_2900 = arith.constant 23 : i32
      %swap3A_2901 = arith.index_cast %swap3A_2900 : i32 to index
      %swap3A_2902 = arith.constant 0 : index
      %swap3A_2903 = tpu.vector_load %arg8[%swap3A_2901, %swap3A_2902] {strides = array<i32>} : memref<32x64xf32, #tpu.memory_space<vmem>>, vector<1x16xf32>,
      %swap3A_2904 = vector.shape_cast %swap3A_2903 : vector<1x16xf32> to vector<16xf32>
      %swap3A_2905 = vector.shape_cast %add3A_2899 : vector<16xf32> to vector<1x16xf32>
      tpu.vector_store %arg8[%swap3A_2901, %swap3A_2902], %swap3A_2905 {strides = array<i32>} : memref<32x64xf32, #tpu.memory_space<vmem>>, vector<1x16xf32>,
      %get3A_2906 = arith.constant 23 : i32
      %get3A_2907 = arith.index_cast %get3A_2906 : i32 to index
      %get3A_2908 = arith.constant 16 : index
      %get3A_2909 = tpu.vector_load %arg7[%get3A_2907, %get3A_2908] {strides = array<i32>} : memref<32x64xf32, #tpu.memory_space<vmem>>, vector<1x16xf32>,
      %get3A_2910 = vector.shape_cast %get3A_2909 : vector<1x16xf32> to vector<16xf32>
      %mul3A_2911 = arith.constant 8.000000e+00 : f32
      %mul3A_2912 = vector.broadcast %mul3A_2911 : f32 to vector<16xf32>
      %mul3A_2913 = arith.mulf %get3A_2910, %mul3A_2912 : vector<16xf32>
      %add3A_2914 = arith.constant 23 : i32
      %add3A_2915 = arith.addi %mul3A_42, %add3A_2914 : i32
      %get3A_2916 = arith.index_cast %add3A_2915 : i32 to index
      %get3A_2917 = arith.constant 16 : index
      %get3A_2918 = tpu.vector_load %arg9[%get3A_2916, %get3A_2917] {strides = array<i32>} : memref<64x64xf32, #tpu.memory_space<vmem>>, vector<1x16xf32>,
      %get3A_2919 = vector.shape_cast %get3A_2918 : vector<1x16xf32> to vector<16xf32>
      %add3A_2920 = arith.addf %mul3A_2913, %get3A_2919 : vector<16xf32>
      %swap3A_2921 = arith.constant 23 : i32
      %swap3A_2922 = arith.index_cast %swap3A_2921 : i32 to index
      %swap3A_2923 = arith.constant 16 : index
      %swap3A_2924 = tpu.vector_load %arg8[%swap3A_2922, %swap3A_2923] {strides = array<i32>} : memref<32x64xf32, #tpu.memory_space<vmem>>, vector<1x16xf32>,
      %swap3A_2925 = vector.shape_cast %swap3A_2924 : vector<1x16xf32> to vector<16xf32>
      %swap3A_2926 = vector.shape_cast %add3A_2920 : vector<16xf32> to vector<1x16xf32>
      tpu.vector_store %arg8[%swap3A_2922, %swap3A_2923], %swap3A_2926 {strides = array<i32>} : memref<32x64xf32, #tpu.memory_space<vmem>>, vector<1x16xf32>,
      %get3A_2927 = arith.constant 23 : i32
      %get3A_2928 = arith.index_cast %get3A_2927 : i32 to index
      %get3A_2929 = arith.constant 32 : index
      %get3A_2930 = tpu.vector_load %arg7[%get3A_2928, %get3A_2929] {strides = array<i32>} : memref<32x64xf32, #tpu.memory_space<vmem>>, vector<1x16xf32>,
      %get3A_2931 = vector.shape_cast %get3A_2930 : vector<1x16xf32> to vector<16xf32>
      %mul3A_2932 = arith.constant 8.000000e+00 : f32
      %mul3A_2933 = vector.broadcast %mul3A_2932 : f32 to vector<16xf32>
      %mul3A_2934 = arith.mulf %get3A_2931, %mul3A_2933 : vector<16xf32>
      %add3A_2935 = arith.constant 23 : i32
      %add3A_2936 = arith.addi %mul3A_42, %add3A_2935 : i32
      %get3A_2937 = arith.index_cast %add3A_2936 : i32 to index
      %get3A_2938 = arith.constant 32 : index
      %get3A_2939 = tpu.vector_load %arg9[%get3A_2937, %get3A_2938] {strides = array<i32>} : memref<64x64xf32, #tpu.memory_space<vmem>>, vector<1x16xf32>,
      %get3A_2940 = vector.shape_cast %get3A_2939 : vector<1x16xf32> to vector<16xf32>
      %add3A_2941 = arith.addf %mul3A_2934, %get3A_2940 : vector<16xf32>
      %swap3A_2942 = arith.constant 23 : i32
      %swap3A_2943 = arith.index_cast %swap3A_2942 : i32 to index
      %swap3A_2944 = arith.constant 32 : index
      %swap3A_2945 = tpu.vector_load %arg8[%swap3A_2943, %swap3A_2944] {strides = array<i32>} : memref<32x64xf32, #tpu.memory_space<vmem>>, vector<1x16xf32>,
      %swap3A_2946 = vector.shape_cast %swap3A_2945 : vector<1x16xf32> to vector<16xf32>
      %swap3A_2947 = vector.shape_cast %add3A_2941 : vector<16xf32> to vector<1x16xf32>
      tpu.vector_store %arg8[%swap3A_2943, %swap3A_2944], %swap3A_2947 {strides = array<i32>} : memref<32x64xf32, #tpu.memory_space<vmem>>, vector<1x16xf32>,
      %get3A_2948 = arith.constant 23 : i32
      %get3A_2949 = arith.index_cast %get3A_2948 : i32 to index
      %get3A_2950 = arith.constant 48 : index
      %get3A_2951 = tpu.vector_load %arg7[%get3A_2949, %get3A_2950] {strides = array<i32>} : memref<32x64xf32, #tpu.memory_space<vmem>>, vector<1x16xf32>,
      %get3A_2952 = vector.shape_cast %get3A_2951 : vector<1x16xf32> to vector<16xf32>
      %mul3A_2953 = arith.constant 8.000000e+00 : f32
      %mul3A_2954 = vector.broadcast %mul3A_2953 : f32 to vector<16xf32>
      %mul3A_2955 = arith.mulf %get3A_2952, %mul3A_2954 : vector<16xf32>
      %add3A_2956 = arith.constant 23 : i32
      %add3A_2957 = arith.addi %mul3A_42, %add3A_2956 : i32
      %get3A_2958 = arith.index_cast %add3A_2957 : i32 to index
      %get3A_2959 = arith.constant 48 : index
      %get3A_2960 = tpu.vector_load %arg9[%get3A_2958, %get3A_2959] {strides = array<i32>} : memref<64x64xf32, #tpu.memory_space<vmem>>, vector<1x16xf32>,
      %get3A_2961 = vector.shape_cast %get3A_2960 : vector<1x16xf32> to vector<16xf32>
      %add3A_2962 = arith.addf %mul3A_2955, %get3A_2961 : vector<16xf32>
      %swap3A_2963 = arith.constant 23 : i32
      %swap3A_2964 = arith.index_cast %swap3A_2963 : i32 to index
      %swap3A_2965 = arith.constant 48 : index
      %swap3A_2966 = tpu.vector_load %arg8[%swap3A_2964, %swap3A_2965] {strides = array<i32>} : memref<32x64xf32, #tpu.memory_space<vmem>>, vector<1x16xf32>,
      %swap3A_2967 = vector.shape_cast %swap3A_2966 : vector<1x16xf32> to vector<16xf32>
      %swap3A_2968 = vector.shape_cast %add3A_2962 : vector<16xf32> to vector<1x16xf32>
      tpu.vector_store %arg8[%swap3A_2964, %swap3A_2965], %swap3A_2968 {strides = array<i32>} : memref<32x64xf32, #tpu.memory_space<vmem>>, vector<1x16xf32>,
      %get3A_2969 = arith.constant 24 : i32
      %get3A_2970 = arith.index_cast %get3A_2969 : i32 to index
      %get3A_2971 = arith.constant 0 : index
      %get3A_2972 = tpu.vector_load %arg7[%get3A_2970, %get3A_2971] {strides = array<i32>} : memref<32x64xf32, #tpu.memory_space<vmem>>, vector<1x16xf32>,
      %get3A_2973 = vector.shape_cast %get3A_2972 : vector<1x16xf32> to vector<16xf32>
      %mul3A_2974 = arith.constant 8.000000e+00 : f32
      %mul3A_2975 = vector.broadcast %mul3A_2974 : f32 to vector<16xf32>
      %mul3A_2976 = arith.mulf %get3A_2973, %mul3A_2975 : vector<16xf32>
      %add3A_2977 = arith.constant 24 : i32
      %add3A_2978 = arith.addi %mul3A_42, %add3A_2977 : i32
      %get3A_2979 = arith.index_cast %add3A_2978 : i32 to index
      %get3A_2980 = arith.constant 0 : index
      %get3A_2981 = tpu.vector_load %arg9[%get3A_2979, %get3A_2980] {strides = array<i32>} : memref<64x64xf32, #tpu.memory_space<vmem>>, vector<1x16xf32>,
      %get3A_2982 = vector.shape_cast %get3A_2981 : vector<1x16xf32> to vector<16xf32>
      %add3A_2983 = arith.addf %mul3A_2976, %get3A_2982 : vector<16xf32>
      %swap3A_2984 = arith.constant 24 : i32
      %swap3A_2985 = arith.index_cast %swap3A_2984 : i32 to index
      %swap3A_2986 = arith.constant 0 : index
      %swap3A_2987 = tpu.vector_load %arg8[%swap3A_2985, %swap3A_2986] {strides = array<i32>} : memref<32x64xf32, #tpu.memory_space<vmem>>, vector<1x16xf32>,
      %swap3A_2988 = vector.shape_cast %swap3A_2987 : vector<1x16xf32> to vector<16xf32>
      %swap3A_2989 = vector.shape_cast %add3A_2983 : vector<16xf32> to vector<1x16xf32>
      tpu.vector_store %arg8[%swap3A_2985, %swap3A_2986], %swap3A_2989 {strides = array<i32>} : memref<32x64xf32, #tpu.memory_space<vmem>>, vector<1x16xf32>,
      %get3A_2990 = arith.constant 24 : i32
      %get3A_2991 = arith.index_cast %get3A_2990 : i32 to index
      %get3A_2992 = arith.constant 16 : index
      %get3A_2993 = tpu.vector_load %arg7[%get3A_2991, %get3A_2992] {strides = array<i32>} : memref<32x64xf32, #tpu.memory_space<vmem>>, vector<1x16xf32>,
      %get3A_2994 = vector.shape_cast %get3A_2993 : vector<1x16xf32> to vector<16xf32>
      %mul3A_2995 = arith.constant 8.000000e+00 : f32
      %mul3A_2996 = vector.broadcast %mul3A_2995 : f32 to vector<16xf32>
      %mul3A_2997 = arith.mulf %get3A_2994, %mul3A_2996 : vector<16xf32>
      %add3A_2998 = arith.constant 24 : i32
      %add3A_2999 = arith.addi %mul3A_42, %add3A_2998 : i32
      %get3A_3000 = arith.index_cast %add3A_2999 : i32 to index
      %get3A_3001 = arith.constant 16 : index
      %get3A_3002 = tpu.vector_load %arg9[%get3A_3000, %get3A_3001] {strides = array<i32>} : memref<64x64xf32, #tpu.memory_space<vmem>>, vector<1x16xf32>,
      %get3A_3003 = vector.shape_cast %get3A_3002 : vector<1x16xf32> to vector<16xf32>
      %add3A_3004 = arith.addf %mul3A_2997, %get3A_3003 : vector<16xf32>
      %swap3A_3005 = arith.constant 24 : i32
      %swap3A_3006 = arith.index_cast %swap3A_3005 : i32 to index
      %swap3A_3007 = arith.constant 16 : index
      %swap3A_3008 = tpu.vector_load %arg8[%swap3A_3006, %swap3A_3007] {strides = array<i32>} : memref<32x64xf32, #tpu.memory_space<vmem>>, vector<1x16xf32>,
      %swap3A_3009 = vector.shape_cast %swap3A_3008 : vector<1x16xf32> to vector<16xf32>
      %swap3A_3010 = vector.shape_cast %add3A_3004 : vector<16xf32> to vector<1x16xf32>
      tpu.vector_store %arg8[%swap3A_3006, %swap3A_3007], %swap3A_3010 {strides = array<i32>} : memref<32x64xf32, #tpu.memory_space<vmem>>, vector<1x16xf32>,
      %get3A_3011 = arith.constant 24 : i32
      %get3A_3012 = arith.index_cast %get3A_3011 : i32 to index
      %get3A_3013 = arith.constant 32 : index
      %get3A_3014 = tpu.vector_load %arg7[%get3A_3012, %get3A_3013] {strides = array<i32>} : memref<32x64xf32, #tpu.memory_space<vmem>>, vector<1x16xf32>,
      %get3A_3015 = vector.shape_cast %get3A_3014 : vector<1x16xf32> to vector<16xf32>
      %mul3A_3016 = arith.constant 8.000000e+00 : f32
      %mul3A_3017 = vector.broadcast %mul3A_3016 : f32 to vector<16xf32>
      %mul3A_3018 = arith.mulf %get3A_3015, %mul3A_3017 : vector<16xf32>
      %add3A_3019 = arith.constant 24 : i32
      %add3A_3020 = arith.addi %mul3A_42, %add3A_3019 : i32
      %get3A_3021 = arith.index_cast %add3A_3020 : i32 to index
      %get3A_3022 = arith.constant 32 : index
      %get3A_3023 = tpu.vector_load %arg9[%get3A_3021, %get3A_3022] {strides = array<i32>} : memref<64x64xf32, #tpu.memory_space<vmem>>, vector<1x16xf32>,
      %get3A_3024 = vector.shape_cast %get3A_3023 : vector<1x16xf32> to vector<16xf32>
      %add3A_3025 = arith.addf %mul3A_3018, %get3A_3024 : vector<16xf32>
      %swap3A_3026 = arith.constant 24 : i32
      %swap3A_3027 = arith.index_cast %swap3A_3026 : i32 to index
      %swap3A_3028 = arith.constant 32 : index
      %swap3A_3029 = tpu.vector_load %arg8[%swap3A_3027, %swap3A_3028] {strides = array<i32>} : memref<32x64xf32, #tpu.memory_space<vmem>>, vector<1x16xf32>,
      %swap3A_3030 = vector.shape_cast %swap3A_3029 : vector<1x16xf32> to vector<16xf32>
      %swap3A_3031 = vector.shape_cast %add3A_3025 : vector<16xf32> to vector<1x16xf32>
      tpu.vector_store %arg8[%swap3A_3027, %swap3A_3028], %swap3A_3031 {strides = array<i32>} : memref<32x64xf32, #tpu.memory_space<vmem>>, vector<1x16xf32>,
      %get3A_3032 = arith.constant 24 : i32
      %get3A_3033 = arith.index_cast %get3A_3032 : i32 to index
      %get3A_3034 = arith.constant 48 : index
      %get3A_3035 = tpu.vector_load %arg7[%get3A_3033, %get3A_3034] {strides = array<i32>} : memref<32x64xf32, #tpu.memory_space<vmem>>, vector<1x16xf32>,
      %get3A_3036 = vector.shape_cast %get3A_3035 : vector<1x16xf32> to vector<16xf32>
      %mul3A_3037 = arith.constant 8.000000e+00 : f32
      %mul3A_3038 = vector.broadcast %mul3A_3037 : f32 to vector<16xf32>
      %mul3A_3039 = arith.mulf %get3A_3036, %mul3A_3038 : vector<16xf32>
      %add3A_3040 = arith.constant 24 : i32
      %add3A_3041 = arith.addi %mul3A_42, %add3A_3040 : i32
      %get3A_3042 = arith.index_cast %add3A_3041 : i32 to index
      %get3A_3043 = arith.constant 48 : index
      %get3A_3044 = tpu.vector_load %arg9[%get3A_3042, %get3A_3043] {strides = array<i32>} : memref<64x64xf32, #tpu.memory_space<vmem>>, vector<1x16xf32>,
      %get3A_3045 = vector.shape_cast %get3A_3044 : vector<1x16xf32> to vector<16xf32>
      %add3A_3046 = arith.addf %mul3A_3039, %get3A_3045 : vector<16xf32>
      %swap3A_3047 = arith.constant 24 : i32
      %swap3A_3048 = arith.index_cast %swap3A_3047 : i32 to index
      %swap3A_3049 = arith.constant 48 : index
      %swap3A_3050 = tpu.vector_load %arg8[%swap3A_3048, %swap3A_3049] {strides = array<i32>} : memref<32x64xf32, #tpu.memory_space<vmem>>, vector<1x16xf32>,
      %swap3A_3051 = vector.shape_cast %swap3A_3050 : vector<1x16xf32> to vector<16xf32>
      %swap3A_3052 = vector.shape_cast %add3A_3046 : vector<16xf32> to vector<1x16xf32>
      tpu.vector_store %arg8[%swap3A_3048, %swap3A_3049], %swap3A_3052 {strides = array<i32>} : memref<32x64xf32, #tpu.memory_space<vmem>>, vector<1x16xf32>,
      %get3A_3053 = arith.constant 25 : i32
      %get3A_3054 = arith.index_cast %get3A_3053 : i32 to index
      %get3A_3055 = arith.constant 0 : index
      %get3A_3056 = tpu.vector_load %arg7[%get3A_3054, %get3A_3055] {strides = array<i32>} : memref<32x64xf32, #tpu.memory_space<vmem>>, vector<1x16xf32>,
      %get3A_3057 = vector.shape_cast %get3A_3056 : vector<1x16xf32> to vector<16xf32>
      %mul3A_3058 = arith.constant 8.000000e+00 : f32
      %mul3A_3059 = vector.broadcast %mul3A_3058 : f32 to vector<16xf32>
      %mul3A_3060 = arith.mulf %get3A_3057, %mul3A_3059 : vector<16xf32>
      %add3A_3061 = arith.constant 25 : i32
      %add3A_3062 = arith.addi %mul3A_42, %add3A_3061 : i32
      %get3A_3063 = arith.index_cast %add3A_3062 : i32 to index
      %get3A_3064 = arith.constant 0 : index
      %get3A_3065 = tpu.vector_load %arg9[%get3A_3063, %get3A_3064] {strides = array<i32>} : memref<64x64xf32, #tpu.memory_space<vmem>>, vector<1x16xf32>,
      %get3A_3066 = vector.shape_cast %get3A_3065 : vector<1x16xf32> to vector<16xf32>
      %add3A_3067 = arith.addf %mul3A_3060, %get3A_3066 : vector<16xf32>
      %swap3A_3068 = arith.constant 25 : i32
      %swap3A_3069 = arith.index_cast %swap3A_3068 : i32 to index
      %swap3A_3070 = arith.constant 0 : index
      %swap3A_3071 = tpu.vector_load %arg8[%swap3A_3069, %swap3A_3070] {strides = array<i32>} : memref<32x64xf32, #tpu.memory_space<vmem>>, vector<1x16xf32>,
      %swap3A_3072 = vector.shape_cast %swap3A_3071 : vector<1x16xf32> to vector<16xf32>
      %swap3A_3073 = vector.shape_cast %add3A_3067 : vector<16xf32> to vector<1x16xf32>
      tpu.vector_store %arg8[%swap3A_3069, %swap3A_3070], %swap3A_3073 {strides = array<i32>} : memref<32x64xf32, #tpu.memory_space<vmem>>, vector<1x16xf32>,
      %get3A_3074 = arith.constant 25 : i32
      %get3A_3075 = arith.index_cast %get3A_3074 : i32 to index
      %get3A_3076 = arith.constant 16 : index
      %get3A_3077 = tpu.vector_load %arg7[%get3A_3075, %get3A_3076] {strides = array<i32>} : memref<32x64xf32, #tpu.memory_space<vmem>>, vector<1x16xf32>,
      %get3A_3078 = vector.shape_cast %get3A_3077 : vector<1x16xf32> to vector<16xf32>
      %mul3A_3079 = arith.constant 8.000000e+00 : f32
      %mul3A_3080 = vector.broadcast %mul3A_3079 : f32 to vector<16xf32>
      %mul3A_3081 = arith.mulf %get3A_3078, %mul3A_3080 : vector<16xf32>
      %add3A_3082 = arith.constant 25 : i32
      %add3A_3083 = arith.addi %mul3A_42, %add3A_3082 : i32
      %get3A_3084 = arith.index_cast %add3A_3083 : i32 to index
      %get3A_3085 = arith.constant 16 : index
      %get3A_3086 = tpu.vector_load %arg9[%get3A_3084, %get3A_3085] {strides = array<i32>} : memref<64x64xf32, #tpu.memory_space<vmem>>, vector<1x16xf32>,
      %get3A_3087 = vector.shape_cast %get3A_3086 : vector<1x16xf32> to vector<16xf32>
      %add3A_3088 = arith.addf %mul3A_3081, %get3A_3087 : vector<16xf32>
      %swap3A_3089 = arith.constant 25 : i32
      %swap3A_3090 = arith.index_cast %swap3A_3089 : i32 to index
      %swap3A_3091 = arith.constant 16 : index
      %swap3A_3092 = tpu.vector_load %arg8[%swap3A_3090, %swap3A_3091] {strides = array<i32>} : memref<32x64xf32, #tpu.memory_space<vmem>>, vector<1x16xf32>,
      %swap3A_3093 = vector.shape_cast %swap3A_3092 : vector<1x16xf32> to vector<16xf32>
      %swap3A_3094 = vector.shape_cast %add3A_3088 : vector<16xf32> to vector<1x16xf32>
      tpu.vector_store %arg8[%swap3A_3090, %swap3A_3091], %swap3A_3094 {strides = array<i32>} : memref<32x64xf32, #tpu.memory_space<vmem>>, vector<1x16xf32>,
      %get3A_3095 = arith.constant 25 : i32
      %get3A_3096 = arith.index_cast %get3A_3095 : i32 to index
      %get3A_3097 = arith.constant 32 : index
      %get3A_3098 = tpu.vector_load %arg7[%get3A_3096, %get3A_3097] {strides = array<i32>} : memref<32x64xf32, #tpu.memory_space<vmem>>, vector<1x16xf32>,
      %get3A_3099 = vector.shape_cast %get3A_3098 : vector<1x16xf32> to vector<16xf32>
      %mul3A_3100 = arith.constant 8.000000e+00 : f32
      %mul3A_3101 = vector.broadcast %mul3A_3100 : f32 to vector<16xf32>
      %mul3A_3102 = arith.mulf %get3A_3099, %mul3A_3101 : vector<16xf32>
      %add3A_3103 = arith.constant 25 : i32
      %add3A_3104 = arith.addi %mul3A_42, %add3A_3103 : i32
      %get3A_3105 = arith.index_cast %add3A_3104 : i32 to index
      %get3A_3106 = arith.constant 32 : index
      %get3A_3107 = tpu.vector_load %arg9[%get3A_3105, %get3A_3106] {strides = array<i32>} : memref<64x64xf32, #tpu.memory_space<vmem>>, vector<1x16xf32>,
      %get3A_3108 = vector.shape_cast %get3A_3107 : vector<1x16xf32> to vector<16xf32>
      %add3A_3109 = arith.addf %mul3A_3102, %get3A_3108 : vector<16xf32>
      %swap3A_3110 = arith.constant 25 : i32
      %swap3A_3111 = arith.index_cast %swap3A_3110 : i32 to index
      %swap3A_3112 = arith.constant 32 : index
      %swap3A_3113 = tpu.vector_load %arg8[%swap3A_3111, %swap3A_3112] {strides = array<i32>} : memref<32x64xf32, #tpu.memory_space<vmem>>, vector<1x16xf32>,
      %swap3A_3114 = vector.shape_cast %swap3A_3113 : vector<1x16xf32> to vector<16xf32>
      %swap3A_3115 = vector.shape_cast %add3A_3109 : vector<16xf32> to vector<1x16xf32>
      tpu.vector_store %arg8[%swap3A_3111, %swap3A_3112], %swap3A_3115 {strides = array<i32>} : memref<32x64xf32, #tpu.memory_space<vmem>>, vector<1x16xf32>,
      %get3A_3116 = arith.constant 25 : i32
      %get3A_3117 = arith.index_cast %get3A_3116 : i32 to index
      %get3A_3118 = arith.constant 48 : index
      %get3A_3119 = tpu.vector_load %arg7[%get3A_3117, %get3A_3118] {strides = array<i32>} : memref<32x64xf32, #tpu.memory_space<vmem>>, vector<1x16xf32>,
      %get3A_3120 = vector.shape_cast %get3A_3119 : vector<1x16xf32> to vector<16xf32>
      %mul3A_3121 = arith.constant 8.000000e+00 : f32
      %mul3A_3122 = vector.broadcast %mul3A_3121 : f32 to vector<16xf32>
      %mul3A_3123 = arith.mulf %get3A_3120, %mul3A_3122 : vector<16xf32>
      %add3A_3124 = arith.constant 25 : i32
      %add3A_3125 = arith.addi %mul3A_42, %add3A_3124 : i32
      %get3A_3126 = arith.index_cast %add3A_3125 : i32 to index
      %get3A_3127 = arith.constant 48 : index
      %get3A_3128 = tpu.vector_load %arg9[%get3A_3126, %get3A_3127] {strides = array<i32>} : memref<64x64xf32, #tpu.memory_space<vmem>>, vector<1x16xf32>,
      %get3A_3129 = vector.shape_cast %get3A_3128 : vector<1x16xf32> to vector<16xf32>
      %add3A_3130 = arith.addf %mul3A_3123, %get3A_3129 : vector<16xf32>
      %swap3A_3131 = arith.constant 25 : i32
      %swap3A_3132 = arith.index_cast %swap3A_3131 : i32 to index
      %swap3A_3133 = arith.constant 48 : index
      %swap3A_3134 = tpu.vector_load %arg8[%swap3A_3132, %swap3A_3133] {strides = array<i32>} : memref<32x64xf32, #tpu.memory_space<vmem>>, vector<1x16xf32>,
      %swap3A_3135 = vector.shape_cast %swap3A_3134 : vector<1x16xf32> to vector<16xf32>
      %swap3A_3136 = vector.shape_cast %add3A_3130 : vector<16xf32> to vector<1x16xf32>
      tpu.vector_store %arg8[%swap3A_3132, %swap3A_3133], %swap3A_3136 {strides = array<i32>} : memref<32x64xf32, #tpu.memory_space<vmem>>, vector<1x16xf32>,
      %get3A_3137 = arith.constant 26 : i32
      %get3A_3138 = arith.index_cast %get3A_3137 : i32 to index
      %get3A_3139 = arith.constant 0 : index
      %get3A_3140 = tpu.vector_load %arg7[%get3A_3138, %get3A_3139] {strides = array<i32>} : memref<32x64xf32, #tpu.memory_space<vmem>>, vector<1x16xf32>,
      %get3A_3141 = vector.shape_cast %get3A_3140 : vector<1x16xf32> to vector<16xf32>
      %mul3A_3142 = arith.constant 8.000000e+00 : f32
      %mul3A_3143 = vector.broadcast %mul3A_3142 : f32 to vector<16xf32>
      %mul3A_3144 = arith.mulf %get3A_3141, %mul3A_3143 : vector<16xf32>
      %add3A_3145 = arith.constant 26 : i32
      %add3A_3146 = arith.addi %mul3A_42, %add3A_3145 : i32
      %get3A_3147 = arith.index_cast %add3A_3146 : i32 to index
      %get3A_3148 = arith.constant 0 : index
      %get3A_3149 = tpu.vector_load %arg9[%get3A_3147, %get3A_3148] {strides = array<i32>} : memref<64x64xf32, #tpu.memory_space<vmem>>, vector<1x16xf32>,
      %get3A_3150 = vector.shape_cast %get3A_3149 : vector<1x16xf32> to vector<16xf32>
      %add3A_3151 = arith.addf %mul3A_3144, %get3A_3150 : vector<16xf32>
      %swap3A_3152 = arith.constant 26 : i32
      %swap3A_3153 = arith.index_cast %swap3A_3152 : i32 to index
      %swap3A_3154 = arith.constant 0 : index
      %swap3A_3155 = tpu.vector_load %arg8[%swap3A_3153, %swap3A_3154] {strides = array<i32>} : memref<32x64xf32, #tpu.memory_space<vmem>>, vector<1x16xf32>,
      %swap3A_3156 = vector.shape_cast %swap3A_3155 : vector<1x16xf32> to vector<16xf32>
      %swap3A_3157 = vector.shape_cast %add3A_3151 : vector<16xf32> to vector<1x16xf32>
      tpu.vector_store %arg8[%swap3A_3153, %swap3A_3154], %swap3A_3157 {strides = array<i32>} : memref<32x64xf32, #tpu.memory_space<vmem>>, vector<1x16xf32>,
      %get3A_3158 = arith.constant 26 : i32
      %get3A_3159 = arith.index_cast %get3A_3158 : i32 to index
      %get3A_3160 = arith.constant 16 : index
      %get3A_3161 = tpu.vector_load %arg7[%get3A_3159, %get3A_3160] {strides = array<i32>} : memref<32x64xf32, #tpu.memory_space<vmem>>, vector<1x16xf32>,
      %get3A_3162 = vector.shape_cast %get3A_3161 : vector<1x16xf32> to vector<16xf32>
      %mul3A_3163 = arith.constant 8.000000e+00 : f32
      %mul3A_3164 = vector.broadcast %mul3A_3163 : f32 to vector<16xf32>
      %mul3A_3165 = arith.mulf %get3A_3162, %mul3A_3164 : vector<16xf32>
      %add3A_3166 = arith.constant 26 : i32
      %add3A_3167 = arith.addi %mul3A_42, %add3A_3166 : i32
      %get3A_3168 = arith.index_cast %add3A_3167 : i32 to index
      %get3A_3169 = arith.constant 16 : index
      %get3A_3170 = tpu.vector_load %arg9[%get3A_3168, %get3A_3169] {strides = array<i32>} : memref<64x64xf32, #tpu.memory_space<vmem>>, vector<1x16xf32>,
      %get3A_3171 = vector.shape_cast %get3A_3170 : vector<1x16xf32> to vector<16xf32>
      %add3A_3172 = arith.addf %mul3A_3165, %get3A_3171 : vector<16xf32>
      %swap3A_3173 = arith.constant 26 : i32
      %swap3A_3174 = arith.index_cast %swap3A_3173 : i32 to index
      %swap3A_3175 = arith.constant 16 : index
      %swap3A_3176 = tpu.vector_load %arg8[%swap3A_3174, %swap3A_3175] {strides = array<i32>} : memref<32x64xf32, #tpu.memory_space<vmem>>, vector<1x16xf32>,
      %swap3A_3177 = vector.shape_cast %swap3A_3176 : vector<1x16xf32> to vector<16xf32>
      %swap3A_3178 = vector.shape_cast %add3A_3172 : vector<16xf32> to vector<1x16xf32>
      tpu.vector_store %arg8[%swap3A_3174, %swap3A_3175], %swap3A_3178 {strides = array<i32>} : memref<32x64xf32, #tpu.memory_space<vmem>>, vector<1x16xf32>,
      %get3A_3179 = arith.constant 26 : i32
      %get3A_3180 = arith.index_cast %get3A_3179 : i32 to index
      %get3A_3181 = arith.constant 32 : index
      %get3A_3182 = tpu.vector_load %arg7[%get3A_3180, %get3A_3181] {strides = array<i32>} : memref<32x64xf32, #tpu.memory_space<vmem>>, vector<1x16xf32>,
      %get3A_3183 = vector.shape_cast %get3A_3182 : vector<1x16xf32> to vector<16xf32>
      %mul3A_3184 = arith.constant 8.000000e+00 : f32
      %mul3A_3185 = vector.broadcast %mul3A_3184 : f32 to vector<16xf32>
      %mul3A_3186 = arith.mulf %get3A_3183, %mul3A_3185 : vector<16xf32>
      %add3A_3187 = arith.constant 26 : i32
      %add3A_3188 = arith.addi %mul3A_42, %add3A_3187 : i32
      %get3A_3189 = arith.index_cast %add3A_3188 : i32 to index
      %get3A_3190 = arith.constant 32 : index
      %get3A_3191 = tpu.vector_load %arg9[%get3A_3189, %get3A_3190] {strides = array<i32>} : memref<64x64xf32, #tpu.memory_space<vmem>>, vector<1x16xf32>,
      %get3A_3192 = vector.shape_cast %get3A_3191 : vector<1x16xf32> to vector<16xf32>
      %add3A_3193 = arith.addf %mul3A_3186, %get3A_3192 : vector<16xf32>
      %swap3A_3194 = arith.constant 26 : i32
      %swap3A_3195 = arith.index_cast %swap3A_3194 : i32 to index
      %swap3A_3196 = arith.constant 32 : index
      %swap3A_3197 = tpu.vector_load %arg8[%swap3A_3195, %swap3A_3196] {strides = array<i32>} : memref<32x64xf32, #tpu.memory_space<vmem>>, vector<1x16xf32>,
      %swap3A_3198 = vector.shape_cast %swap3A_3197 : vector<1x16xf32> to vector<16xf32>
      %swap3A_3199 = vector.shape_cast %add3A_3193 : vector<16xf32> to vector<1x16xf32>
      tpu.vector_store %arg8[%swap3A_3195, %swap3A_3196], %swap3A_3199 {strides = array<i32>} : memref<32x64xf32, #tpu.memory_space<vmem>>, vector<1x16xf32>,
      %get3A_3200 = arith.constant 26 : i32
      %get3A_3201 = arith.index_cast %get3A_3200 : i32 to index
      %get3A_3202 = arith.constant 48 : index
      %get3A_3203 = tpu.vector_load %arg7[%get3A_3201, %get3A_3202] {strides = array<i32>} : memref<32x64xf32, #tpu.memory_space<vmem>>, vector<1x16xf32>,
      %get3A_3204 = vector.shape_cast %get3A_3203 : vector<1x16xf32> to vector<16xf32>
      %mul3A_3205 = arith.constant 8.000000e+00 : f32
      %mul3A_3206 = vector.broadcast %mul3A_3205 : f32 to vector<16xf32>
      %mul3A_3207 = arith.mulf %get3A_3204, %mul3A_3206 : vector<16xf32>
      %add3A_3208 = arith.constant 26 : i32
      %add3A_3209 = arith.addi %mul3A_42, %add3A_3208 : i32
      %get3A_3210 = arith.index_cast %add3A_3209 : i32 to index
      %get3A_3211 = arith.constant 48 : index
      %get3A_3212 = tpu.vector_load %arg9[%get3A_3210, %get3A_3211] {strides = array<i32>} : memref<64x64xf32, #tpu.memory_space<vmem>>, vector<1x16xf32>,
      %get3A_3213 = vector.shape_cast %get3A_3212 : vector<1x16xf32> to vector<16xf32>
      %add3A_3214 = arith.addf %mul3A_3207, %get3A_3213 : vector<16xf32>
      %swap3A_3215 = arith.constant 26 : i32
      %swap3A_3216 = arith.index_cast %swap3A_3215 : i32 to index
      %swap3A_3217 = arith.constant 48 : index
      %swap3A_3218 = tpu.vector_load %arg8[%swap3A_3216, %swap3A_3217] {strides = array<i32>} : memref<32x64xf32, #tpu.memory_space<vmem>>, vector<1x16xf32>,
      %swap3A_3219 = vector.shape_cast %swap3A_3218 : vector<1x16xf32> to vector<16xf32>
      %swap3A_3220 = vector.shape_cast %add3A_3214 : vector<16xf32> to vector<1x16xf32>
      tpu.vector_store %arg8[%swap3A_3216, %swap3A_3217], %swap3A_3220 {strides = array<i32>} : memref<32x64xf32, #tpu.memory_space<vmem>>, vector<1x16xf32>,
      %get3A_3221 = arith.constant 27 : i32
      %get3A_3222 = arith.index_cast %get3A_3221 : i32 to index
      %get3A_3223 = arith.constant 0 : index
      %get3A_3224 = tpu.vector_load %arg7[%get3A_3222, %get3A_3223] {strides = array<i32>} : memref<32x64xf32, #tpu.memory_space<vmem>>, vector<1x16xf32>,
      %get3A_3225 = vector.shape_cast %get3A_3224 : vector<1x16xf32> to vector<16xf32>
      %mul3A_3226 = arith.constant 8.000000e+00 : f32
      %mul3A_3227 = vector.broadcast %mul3A_3226 : f32 to vector<16xf32>
      %mul3A_3228 = arith.mulf %get3A_3225, %mul3A_3227 : vector<16xf32>
      %add3A_3229 = arith.constant 27 : i32
      %add3A_3230 = arith.addi %mul3A_42, %add3A_3229 : i32
      %get3A_3231 = arith.index_cast %add3A_3230 : i32 to index
      %get3A_3232 = arith.constant 0 : index
      %get3A_3233 = tpu.vector_load %arg9[%get3A_3231, %get3A_3232] {strides = array<i32>} : memref<64x64xf32, #tpu.memory_space<vmem>>, vector<1x16xf32>,
      %get3A_3234 = vector.shape_cast %get3A_3233 : vector<1x16xf32> to vector<16xf32>
      %add3A_3235 = arith.addf %mul3A_3228, %get3A_3234 : vector<16xf32>
      %swap3A_3236 = arith.constant 27 : i32
      %swap3A_3237 = arith.index_cast %swap3A_3236 : i32 to index
      %swap3A_3238 = arith.constant 0 : index
      %swap3A_3239 = tpu.vector_load %arg8[%swap3A_3237, %swap3A_3238] {strides = array<i32>} : memref<32x64xf32, #tpu.memory_space<vmem>>, vector<1x16xf32>,
      %swap3A_3240 = vector.shape_cast %swap3A_3239 : vector<1x16xf32> to vector<16xf32>
      %swap3A_3241 = vector.shape_cast %add3A_3235 : vector<16xf32> to vector<1x16xf32>
      tpu.vector_store %arg8[%swap3A_3237, %swap3A_3238], %swap3A_3241 {strides = array<i32>} : memref<32x64xf32, #tpu.memory_space<vmem>>, vector<1x16xf32>,
      %get3A_3242 = arith.constant 27 : i32
      %get3A_3243 = arith.index_cast %get3A_3242 : i32 to index
      %get3A_3244 = arith.constant 16 : index
      %get3A_3245 = tpu.vector_load %arg7[%get3A_3243, %get3A_3244] {strides = array<i32>} : memref<32x64xf32, #tpu.memory_space<vmem>>, vector<1x16xf32>,
      %get3A_3246 = vector.shape_cast %get3A_3245 : vector<1x16xf32> to vector<16xf32>
      %mul3A_3247 = arith.constant 8.000000e+00 : f32
      %mul3A_3248 = vector.broadcast %mul3A_3247 : f32 to vector<16xf32>
      %mul3A_3249 = arith.mulf %get3A_3246, %mul3A_3248 : vector<16xf32>
      %add3A_3250 = arith.constant 27 : i32
      %add3A_3251 = arith.addi %mul3A_42, %add3A_3250 : i32
      %get3A_3252 = arith.index_cast %add3A_3251 : i32 to index
      %get3A_3253 = arith.constant 16 : index
      %get3A_3254 = tpu.vector_load %arg9[%get3A_3252, %get3A_3253] {strides = array<i32>} : memref<64x64xf32, #tpu.memory_space<vmem>>, vector<1x16xf32>,
      %get3A_3255 = vector.shape_cast %get3A_3254 : vector<1x16xf32> to vector<16xf32>
      %add3A_3256 = arith.addf %mul3A_3249, %get3A_3255 : vector<16xf32>
      %swap3A_3257 = arith.constant 27 : i32
      %swap3A_3258 = arith.index_cast %swap3A_3257 : i32 to index
      %swap3A_3259 = arith.constant 16 : index
      %swap3A_3260 = tpu.vector_load %arg8[%swap3A_3258, %swap3A_3259] {strides = array<i32>} : memref<32x64xf32, #tpu.memory_space<vmem>>, vector<1x16xf32>,
      %swap3A_3261 = vector.shape_cast %swap3A_3260 : vector<1x16xf32> to vector<16xf32>
      %swap3A_3262 = vector.shape_cast %add3A_3256 : vector<16xf32> to vector<1x16xf32>
      tpu.vector_store %arg8[%swap3A_3258, %swap3A_3259], %swap3A_3262 {strides = array<i32>} : memref<32x64xf32, #tpu.memory_space<vmem>>, vector<1x16xf32>,
      %get3A_3263 = arith.constant 27 : i32
      %get3A_3264 = arith.index_cast %get3A_3263 : i32 to index
      %get3A_3265 = arith.constant 32 : index
      %get3A_3266 = tpu.vector_load %arg7[%get3A_3264, %get3A_3265] {strides = array<i32>} : memref<32x64xf32, #tpu.memory_space<vmem>>, vector<1x16xf32>,
      %get3A_3267 = vector.shape_cast %get3A_3266 : vector<1x16xf32> to vector<16xf32>
      %mul3A_3268 = arith.constant 8.000000e+00 : f32
      %mul3A_3269 = vector.broadcast %mul3A_3268 : f32 to vector<16xf32>
      %mul3A_3270 = arith.mulf %get3A_3267, %mul3A_3269 : vector<16xf32>
      %add3A_3271 = arith.constant 27 : i32
      %add3A_3272 = arith.addi %mul3A_42, %add3A_3271 : i32
      %get3A_3273 = arith.index_cast %add3A_3272 : i32 to index
      %get3A_3274 = arith.constant 32 : index
      %get3A_3275 = tpu.vector_load %arg9[%get3A_3273, %get3A_3274] {strides = array<i32>} : memref<64x64xf32, #tpu.memory_space<vmem>>, vector<1x16xf32>,
      %get3A_3276 = vector.shape_cast %get3A_3275 : vector<1x16xf32> to vector<16xf32>
      %add3A_3277 = arith.addf %mul3A_3270, %get3A_3276 : vector<16xf32>
      %swap3A_3278 = arith.constant 27 : i32
      %swap3A_3279 = arith.index_cast %swap3A_3278 : i32 to index
      %swap3A_3280 = arith.constant 32 : index
      %swap3A_3281 = tpu.vector_load %arg8[%swap3A_3279, %swap3A_3280] {strides = array<i32>} : memref<32x64xf32, #tpu.memory_space<vmem>>, vector<1x16xf32>,
      %swap3A_3282 = vector.shape_cast %swap3A_3281 : vector<1x16xf32> to vector<16xf32>
      %swap3A_3283 = vector.shape_cast %add3A_3277 : vector<16xf32> to vector<1x16xf32>
      tpu.vector_store %arg8[%swap3A_3279, %swap3A_3280], %swap3A_3283 {strides = array<i32>} : memref<32x64xf32, #tpu.memory_space<vmem>>, vector<1x16xf32>,
      %get3A_3284 = arith.constant 27 : i32
      %get3A_3285 = arith.index_cast %get3A_3284 : i32 to index
      %get3A_3286 = arith.constant 48 : index
      %get3A_3287 = tpu.vector_load %arg7[%get3A_3285, %get3A_3286] {strides = array<i32>} : memref<32x64xf32, #tpu.memory_space<vmem>>, vector<1x16xf32>,
      %get3A_3288 = vector.shape_cast %get3A_3287 : vector<1x16xf32> to vector<16xf32>
      %mul3A_3289 = arith.constant 8.000000e+00 : f32
      %mul3A_3290 = vector.broadcast %mul3A_3289 : f32 to vector<16xf32>
      %mul3A_3291 = arith.mulf %get3A_3288, %mul3A_3290 : vector<16xf32>
      %add3A_3292 = arith.constant 27 : i32
      %add3A_3293 = arith.addi %mul3A_42, %add3A_3292 : i32
      %get3A_3294 = arith.index_cast %add3A_3293 : i32 to index
      %get3A_3295 = arith.constant 48 : index
      %get3A_3296 = tpu.vector_load %arg9[%get3A_3294, %get3A_3295] {strides = array<i32>} : memref<64x64xf32, #tpu.memory_space<vmem>>, vector<1x16xf32>,
      %get3A_3297 = vector.shape_cast %get3A_3296 : vector<1x16xf32> to vector<16xf32>
      %add3A_3298 = arith.addf %mul3A_3291, %get3A_3297 : vector<16xf32>
      %swap3A_3299 = arith.constant 27 : i32
      %swap3A_3300 = arith.index_cast %swap3A_3299 : i32 to index
      %swap3A_3301 = arith.constant 48 : index
      %swap3A_3302 = tpu.vector_load %arg8[%swap3A_3300, %swap3A_3301] {strides = array<i32>} : memref<32x64xf32, #tpu.memory_space<vmem>>, vector<1x16xf32>,
      %swap3A_3303 = vector.shape_cast %swap3A_3302 : vector<1x16xf32> to vector<16xf32>
      %swap3A_3304 = vector.shape_cast %add3A_3298 : vector<16xf32> to vector<1x16xf32>
      tpu.vector_store %arg8[%swap3A_3300, %swap3A_3301], %swap3A_3304 {strides = array<i32>} : memref<32x64xf32, #tpu.memory_space<vmem>>, vector<1x16xf32>,
      %get3A_3305 = arith.constant 28 : i32
      %get3A_3306 = arith.index_cast %get3A_3305 : i32 to index
      %get3A_3307 = arith.constant 0 : index
      %get3A_3308 = tpu.vector_load %arg7[%get3A_3306, %get3A_3307] {strides = array<i32>} : memref<32x64xf32, #tpu.memory_space<vmem>>, vector<1x16xf32>,
      %get3A_3309 = vector.shape_cast %get3A_3308 : vector<1x16xf32> to vector<16xf32>
      %mul3A_3310 = arith.constant 8.000000e+00 : f32
      %mul3A_3311 = vector.broadcast %mul3A_3310 : f32 to vector<16xf32>
      %mul3A_3312 = arith.mulf %get3A_3309, %mul3A_3311 : vector<16xf32>
      %add3A_3313 = arith.constant 28 : i32
      %add3A_3314 = arith.addi %mul3A_42, %add3A_3313 : i32
      %get3A_3315 = arith.index_cast %add3A_3314 : i32 to index
      %get3A_3316 = arith.constant 0 : index
      %get3A_3317 = tpu.vector_load %arg9[%get3A_3315, %get3A_3316] {strides = array<i32>} : memref<64x64xf32, #tpu.memory_space<vmem>>, vector<1x16xf32>,
      %get3A_3318 = vector.shape_cast %get3A_3317 : vector<1x16xf32> to vector<16xf32>
      %add3A_3319 = arith.addf %mul3A_3312, %get3A_3318 : vector<16xf32>
      %swap3A_3320 = arith.constant 28 : i32
      %swap3A_3321 = arith.index_cast %swap3A_3320 : i32 to index
      %swap3A_3322 = arith.constant 0 : index
      %swap3A_3323 = tpu.vector_load %arg8[%swap3A_3321, %swap3A_3322] {strides = array<i32>} : memref<32x64xf32, #tpu.memory_space<vmem>>, vector<1x16xf32>,
      %swap3A_3324 = vector.shape_cast %swap3A_3323 : vector<1x16xf32> to vector<16xf32>
      %swap3A_3325 = vector.shape_cast %add3A_3319 : vector<16xf32> to vector<1x16xf32>
      tpu.vector_store %arg8[%swap3A_3321, %swap3A_3322], %swap3A_3325 {strides = array<i32>} : memref<32x64xf32, #tpu.memory_space<vmem>>, vector<1x16xf32>,
      %get3A_3326 = arith.constant 28 : i32
      %get3A_3327 = arith.index_cast %get3A_3326 : i32 to index
      %get3A_3328 = arith.constant 16 : index
      %get3A_3329 = tpu.vector_load %arg7[%get3A_3327, %get3A_3328] {strides = array<i32>} : memref<32x64xf32, #tpu.memory_space<vmem>>, vector<1x16xf32>,
      %get3A_3330 = vector.shape_cast %get3A_3329 : vector<1x16xf32> to vector<16xf32>
      %mul3A_3331 = arith.constant 8.000000e+00 : f32
      %mul3A_3332 = vector.broadcast %mul3A_3331 : f32 to vector<16xf32>
      %mul3A_3333 = arith.mulf %get3A_3330, %mul3A_3332 : vector<16xf32>
      %add3A_3334 = arith.constant 28 : i32
      %add3A_3335 = arith.addi %mul3A_42, %add3A_3334 : i32
      %get3A_3336 = arith.index_cast %add3A_3335 : i32 to index
      %get3A_3337 = arith.constant 16 : index
      %get3A_3338 = tpu.vector_load %arg9[%get3A_3336, %get3A_3337] {strides = array<i32>} : memref<64x64xf32, #tpu.memory_space<vmem>>, vector<1x16xf32>,
      %get3A_3339 = vector.shape_cast %get3A_3338 : vector<1x16xf32> to vector<16xf32>
      %add3A_3340 = arith.addf %mul3A_3333, %get3A_3339 : vector<16xf32>
      %swap3A_3341 = arith.constant 28 : i32
      %swap3A_3342 = arith.index_cast %swap3A_3341 : i32 to index
      %swap3A_3343 = arith.constant 16 : index
      %swap3A_3344 = tpu.vector_load %arg8[%swap3A_3342, %swap3A_3343] {strides = array<i32>} : memref<32x64xf32, #tpu.memory_space<vmem>>, vector<1x16xf32>,
      %swap3A_3345 = vector.shape_cast %swap3A_3344 : vector<1x16xf32> to vector<16xf32>
      %swap3A_3346 = vector.shape_cast %add3A_3340 : vector<16xf32> to vector<1x16xf32>
      tpu.vector_store %arg8[%swap3A_3342, %swap3A_3343], %swap3A_3346 {strides = array<i32>} : memref<32x64xf32, #tpu.memory_space<vmem>>, vector<1x16xf32>,
      %get3A_3347 = arith.constant 28 : i32
      %get3A_3348 = arith.index_cast %get3A_3347 : i32 to index
      %get3A_3349 = arith.constant 32 : index
      %get3A_3350 = tpu.vector_load %arg7[%get3A_3348, %get3A_3349] {strides = array<i32>} : memref<32x64xf32, #tpu.memory_space<vmem>>, vector<1x16xf32>,
      %get3A_3351 = vector.shape_cast %get3A_3350 : vector<1x16xf32> to vector<16xf32>
      %mul3A_3352 = arith.constant 8.000000e+00 : f32
      %mul3A_3353 = vector.broadcast %mul3A_3352 : f32 to vector<16xf32>
      %mul3A_3354 = arith.mulf %get3A_3351, %mul3A_3353 : vector<16xf32>
      %add3A_3355 = arith.constant 28 : i32
      %add3A_3356 = arith.addi %mul3A_42, %add3A_3355 : i32
      %get3A_3357 = arith.index_cast %add3A_3356 : i32 to index
      %get3A_3358 = arith.constant 32 : index
      %get3A_3359 = tpu.vector_load %arg9[%get3A_3357, %get3A_3358] {strides = array<i32>} : memref<64x64xf32, #tpu.memory_space<vmem>>, vector<1x16xf32>,
      %get3A_3360 = vector.shape_cast %get3A_3359 : vector<1x16xf32> to vector<16xf32>
      %add3A_3361 = arith.addf %mul3A_3354, %get3A_3360 : vector<16xf32>
      %swap3A_3362 = arith.constant 28 : i32
      %swap3A_3363 = arith.index_cast %swap3A_3362 : i32 to index
      %swap3A_3364 = arith.constant 32 : index
      %swap3A_3365 = tpu.vector_load %arg8[%swap3A_3363, %swap3A_3364] {strides = array<i32>} : memref<32x64xf32, #tpu.memory_space<vmem>>, vector<1x16xf32>,
      %swap3A_3366 = vector.shape_cast %swap3A_3365 : vector<1x16xf32> to vector<16xf32>
      %swap3A_3367 = vector.shape_cast %add3A_3361 : vector<16xf32> to vector<1x16xf32>
      tpu.vector_store %arg8[%swap3A_3363, %swap3A_3364], %swap3A_3367 {strides = array<i32>} : memref<32x64xf32, #tpu.memory_space<vmem>>, vector<1x16xf32>,
      %get3A_3368 = arith.constant 28 : i32
      %get3A_3369 = arith.index_cast %get3A_3368 : i32 to index
      %get3A_3370 = arith.constant 48 : index
      %get3A_3371 = tpu.vector_load %arg7[%get3A_3369, %get3A_3370] {strides = array<i32>} : memref<32x64xf32, #tpu.memory_space<vmem>>, vector<1x16xf32>,
      %get3A_3372 = vector.shape_cast %get3A_3371 : vector<1x16xf32> to vector<16xf32>
      %mul3A_3373 = arith.constant 8.000000e+00 : f32
      %mul3A_3374 = vector.broadcast %mul3A_3373 : f32 to vector<16xf32>
      %mul3A_3375 = arith.mulf %get3A_3372, %mul3A_3374 : vector<16xf32>
      %add3A_3376 = arith.constant 28 : i32
      %add3A_3377 = arith.addi %mul3A_42, %add3A_3376 : i32
      %get3A_3378 = arith.index_cast %add3A_3377 : i32 to index
      %get3A_3379 = arith.constant 48 : index
      %get3A_3380 = tpu.vector_load %arg9[%get3A_3378, %get3A_3379] {strides = array<i32>} : memref<64x64xf32, #tpu.memory_space<vmem>>, vector<1x16xf32>,
      %get3A_3381 = vector.shape_cast %get3A_3380 : vector<1x16xf32> to vector<16xf32>
      %add3A_3382 = arith.addf %mul3A_3375, %get3A_3381 : vector<16xf32>
      %swap3A_3383 = arith.constant 28 : i32
      %swap3A_3384 = arith.index_cast %swap3A_3383 : i32 to index
      %swap3A_3385 = arith.constant 48 : index
      %swap3A_3386 = tpu.vector_load %arg8[%swap3A_3384, %swap3A_3385] {strides = array<i32>} : memref<32x64xf32, #tpu.memory_space<vmem>>, vector<1x16xf32>,
      %swap3A_3387 = vector.shape_cast %swap3A_3386 : vector<1x16xf32> to vector<16xf32>
      %swap3A_3388 = vector.shape_cast %add3A_3382 : vector<16xf32> to vector<1x16xf32>
      tpu.vector_store %arg8[%swap3A_3384, %swap3A_3385], %swap3A_3388 {strides = array<i32>} : memref<32x64xf32, #tpu.memory_space<vmem>>, vector<1x16xf32>,
      %get3A_3389 = arith.constant 29 : i32
      %get3A_3390 = arith.index_cast %get3A_3389 : i32 to index
      %get3A_3391 = arith.constant 0 : index
      %get3A_3392 = tpu.vector_load %arg7[%get3A_3390, %get3A_3391] {strides = array<i32>} : memref<32x64xf32, #tpu.memory_space<vmem>>, vector<1x16xf32>,
      %get3A_3393 = vector.shape_cast %get3A_3392 : vector<1x16xf32> to vector<16xf32>
      %mul3A_3394 = arith.constant 8.000000e+00 : f32
      %mul3A_3395 = vector.broadcast %mul3A_3394 : f32 to vector<16xf32>
      %mul3A_3396 = arith.mulf %get3A_3393, %mul3A_3395 : vector<16xf32>
      %add3A_3397 = arith.constant 29 : i32
      %add3A_3398 = arith.addi %mul3A_42, %add3A_3397 : i32
      %get3A_3399 = arith.index_cast %add3A_3398 : i32 to index
      %get3A_3400 = arith.constant 0 : index
      %get3A_3401 = tpu.vector_load %arg9[%get3A_3399, %get3A_3400] {strides = array<i32>} : memref<64x64xf32, #tpu.memory_space<vmem>>, vector<1x16xf32>,
      %get3A_3402 = vector.shape_cast %get3A_3401 : vector<1x16xf32> to vector<16xf32>
      %add3A_3403 = arith.addf %mul3A_3396, %get3A_3402 : vector<16xf32>
      %swap3A_3404 = arith.constant 29 : i32
      %swap3A_3405 = arith.index_cast %swap3A_3404 : i32 to index
      %swap3A_3406 = arith.constant 0 : index
      %swap3A_3407 = tpu.vector_load %arg8[%swap3A_3405, %swap3A_3406] {strides = array<i32>} : memref<32x64xf32, #tpu.memory_space<vmem>>, vector<1x16xf32>,
      %swap3A_3408 = vector.shape_cast %swap3A_3407 : vector<1x16xf32> to vector<16xf32>
      %swap3A_3409 = vector.shape_cast %add3A_3403 : vector<16xf32> to vector<1x16xf32>
      tpu.vector_store %arg8[%swap3A_3405, %swap3A_3406], %swap3A_3409 {strides = array<i32>} : memref<32x64xf32, #tpu.memory_space<vmem>>, vector<1x16xf32>,
      %get3A_3410 = arith.constant 29 : i32
      %get3A_3411 = arith.index_cast %get3A_3410 : i32 to index
      %get3A_3412 = arith.constant 16 : index
      %get3A_3413 = tpu.vector_load %arg7[%get3A_3411, %get3A_3412] {strides = array<i32>} : memref<32x64xf32, #tpu.memory_space<vmem>>, vector<1x16xf32>,
      %get3A_3414 = vector.shape_cast %get3A_3413 : vector<1x16xf32> to vector<16xf32>
      %mul3A_3415 = arith.constant 8.000000e+00 : f32
      %mul3A_3416 = vector.broadcast %mul3A_3415 : f32 to vector<16xf32>
      %mul3A_3417 = arith.mulf %get3A_3414, %mul3A_3416 : vector<16xf32>
      %add3A_3418 = arith.constant 29 : i32
      %add3A_3419 = arith.addi %mul3A_42, %add3A_3418 : i32
      %get3A_3420 = arith.index_cast %add3A_3419 : i32 to index
      %get3A_3421 = arith.constant 16 : index
      %get3A_3422 = tpu.vector_load %arg9[%get3A_3420, %get3A_3421] {strides = array<i32>} : memref<64x64xf32, #tpu.memory_space<vmem>>, vector<1x16xf32>,
      %get3A_3423 = vector.shape_cast %get3A_3422 : vector<1x16xf32> to vector<16xf32>
      %add3A_3424 = arith.addf %mul3A_3417, %get3A_3423 : vector<16xf32>
      %swap3A_3425 = arith.constant 29 : i32
      %swap3A_3426 = arith.index_cast %swap3A_3425 : i32 to index
      %swap3A_3427 = arith.constant 16 : index
      %swap3A_3428 = tpu.vector_load %arg8[%swap3A_3426, %swap3A_3427] {strides = array<i32>} : memref<32x64xf32, #tpu.memory_space<vmem>>, vector<1x16xf32>,
      %swap3A_3429 = vector.shape_cast %swap3A_3428 : vector<1x16xf32> to vector<16xf32>
      %swap3A_3430 = vector.shape_cast %add3A_3424 : vector<16xf32> to vector<1x16xf32>
      tpu.vector_store %arg8[%swap3A_3426, %swap3A_3427], %swap3A_3430 {strides = array<i32>} : memref<32x64xf32, #tpu.memory_space<vmem>>, vector<1x16xf32>,
      %get3A_3431 = arith.constant 29 : i32
      %get3A_3432 = arith.index_cast %get3A_3431 : i32 to index
      %get3A_3433 = arith.constant 32 : index
      %get3A_3434 = tpu.vector_load %arg7[%get3A_3432, %get3A_3433] {strides = array<i32>} : memref<32x64xf32, #tpu.memory_space<vmem>>, vector<1x16xf32>,
      %get3A_3435 = vector.shape_cast %get3A_3434 : vector<1x16xf32> to vector<16xf32>
      %mul3A_3436 = arith.constant 8.000000e+00 : f32
      %mul3A_3437 = vector.broadcast %mul3A_3436 : f32 to vector<16xf32>
      %mul3A_3438 = arith.mulf %get3A_3435, %mul3A_3437 : vector<16xf32>
      %add3A_3439 = arith.constant 29 : i32
      %add3A_3440 = arith.addi %mul3A_42, %add3A_3439 : i32
      %get3A_3441 = arith.index_cast %add3A_3440 : i32 to index
      %get3A_3442 = arith.constant 32 : index
      %get3A_3443 = tpu.vector_load %arg9[%get3A_3441, %get3A_3442] {strides = array<i32>} : memref<64x64xf32, #tpu.memory_space<vmem>>, vector<1x16xf32>,
      %get3A_3444 = vector.shape_cast %get3A_3443 : vector<1x16xf32> to vector<16xf32>
      %add3A_3445 = arith.addf %mul3A_3438, %get3A_3444 : vector<16xf32>
      %swap3A_3446 = arith.constant 29 : i32
      %swap3A_3447 = arith.index_cast %swap3A_3446 : i32 to index
      %swap3A_3448 = arith.constant 32 : index
      %swap3A_3449 = tpu.vector_load %arg8[%swap3A_3447, %swap3A_3448] {strides = array<i32>} : memref<32x64xf32, #tpu.memory_space<vmem>>, vector<1x16xf32>,
      %swap3A_3450 = vector.shape_cast %swap3A_3449 : vector<1x16xf32> to vector<16xf32>
      %swap3A_3451 = vector.shape_cast %add3A_3445 : vector<16xf32> to vector<1x16xf32>
      tpu.vector_store %arg8[%swap3A_3447, %swap3A_3448], %swap3A_3451 {strides = array<i32>} : memref<32x64xf32, #tpu.memory_space<vmem>>, vector<1x16xf32>,
      %get3A_3452 = arith.constant 29 : i32
      %get3A_3453 = arith.index_cast %get3A_3452 : i32 to index
      %get3A_3454 = arith.constant 48 : index
      %get3A_3455 = tpu.vector_load %arg7[%get3A_3453, %get3A_3454] {strides = array<i32>} : memref<32x64xf32, #tpu.memory_space<vmem>>, vector<1x16xf32>,
      %get3A_3456 = vector.shape_cast %get3A_3455 : vector<1x16xf32> to vector<16xf32>
      %mul3A_3457 = arith.constant 8.000000e+00 : f32
      %mul3A_3458 = vector.broadcast %mul3A_3457 : f32 to vector<16xf32>
      %mul3A_3459 = arith.mulf %get3A_3456, %mul3A_3458 : vector<16xf32>
      %add3A_3460 = arith.constant 29 : i32
      %add3A_3461 = arith.addi %mul3A_42, %add3A_3460 : i32
      %get3A_3462 = arith.index_cast %add3A_3461 : i32 to index
      %get3A_3463 = arith.constant 48 : index
      %get3A_3464 = tpu.vector_load %arg9[%get3A_3462, %get3A_3463] {strides = array<i32>} : memref<64x64xf32, #tpu.memory_space<vmem>>, vector<1x16xf32>,
      %get3A_3465 = vector.shape_cast %get3A_3464 : vector<1x16xf32> to vector<16xf32>
      %add3A_3466 = arith.addf %mul3A_3459, %get3A_3465 : vector<16xf32>
      %swap3A_3467 = arith.constant 29 : i32
      %swap3A_3468 = arith.index_cast %swap3A_3467 : i32 to index
      %swap3A_3469 = arith.constant 48 : index
      %swap3A_3470 = tpu.vector_load %arg8[%swap3A_3468, %swap3A_3469] {strides = array<i32>} : memref<32x64xf32, #tpu.memory_space<vmem>>, vector<1x16xf32>,
      %swap3A_3471 = vector.shape_cast %swap3A_3470 : vector<1x16xf32> to vector<16xf32>
      %swap3A_3472 = vector.shape_cast %add3A_3466 : vector<16xf32> to vector<1x16xf32>
      tpu.vector_store %arg8[%swap3A_3468, %swap3A_3469], %swap3A_3472 {strides = array<i32>} : memref<32x64xf32, #tpu.memory_space<vmem>>, vector<1x16xf32>,
      %get3A_3473 = arith.constant 30 : i32
      %get3A_3474 = arith.index_cast %get3A_3473 : i32 to index
      %get3A_3475 = arith.constant 0 : index
      %get3A_3476 = tpu.vector_load %arg7[%get3A_3474, %get3A_3475] {strides = array<i32>} : memref<32x64xf32, #tpu.memory_space<vmem>>, vector<1x16xf32>,
      %get3A_3477 = vector.shape_cast %get3A_3476 : vector<1x16xf32> to vector<16xf32>
      %mul3A_3478 = arith.constant 8.000000e+00 : f32
      %mul3A_3479 = vector.broadcast %mul3A_3478 : f32 to vector<16xf32>
      %mul3A_3480 = arith.mulf %get3A_3477, %mul3A_3479 : vector<16xf32>
      %add3A_3481 = arith.constant 30 : i32
      %add3A_3482 = arith.addi %mul3A_42, %add3A_3481 : i32
      %get3A_3483 = arith.index_cast %add3A_3482 : i32 to index
      %get3A_3484 = arith.constant 0 : index
      %get3A_3485 = tpu.vector_load %arg9[%get3A_3483, %get3A_3484] {strides = array<i32>} : memref<64x64xf32, #tpu.memory_space<vmem>>, vector<1x16xf32>,
      %get3A_3486 = vector.shape_cast %get3A_3485 : vector<1x16xf32> to vector<16xf32>
      %add3A_3487 = arith.addf %mul3A_3480, %get3A_3486 : vector<16xf32>
      %swap3A_3488 = arith.constant 30 : i32
      %swap3A_3489 = arith.index_cast %swap3A_3488 : i32 to index
      %swap3A_3490 = arith.constant 0 : index
      %swap3A_3491 = tpu.vector_load %arg8[%swap3A_3489, %swap3A_3490] {strides = array<i32>} : memref<32x64xf32, #tpu.memory_space<vmem>>, vector<1x16xf32>,
      %swap3A_3492 = vector.shape_cast %swap3A_3491 : vector<1x16xf32> to vector<16xf32>
      %swap3A_3493 = vector.shape_cast %add3A_3487 : vector<16xf32> to vector<1x16xf32>
      tpu.vector_store %arg8[%swap3A_3489, %swap3A_3490], %swap3A_3493 {strides = array<i32>} : memref<32x64xf32, #tpu.memory_space<vmem>>, vector<1x16xf32>,
      %get3A_3494 = arith.constant 30 : i32
      %get3A_3495 = arith.index_cast %get3A_3494 : i32 to index
      %get3A_3496 = arith.constant 16 : index
      %get3A_3497 = tpu.vector_load %arg7[%get3A_3495, %get3A_3496] {strides = array<i32>} : memref<32x64xf32, #tpu.memory_space<vmem>>, vector<1x16xf32>,
      %get3A_3498 = vector.shape_cast %get3A_3497 : vector<1x16xf32> to vector<16xf32>
      %mul3A_3499 = arith.constant 8.000000e+00 : f32
      %mul3A_3500 = vector.broadcast %mul3A_3499 : f32 to vector<16xf32>
      %mul3A_3501 = arith.mulf %get3A_3498, %mul3A_3500 : vector<16xf32>
      %add3A_3502 = arith.constant 30 : i32
      %add3A_3503 = arith.addi %mul3A_42, %add3A_3502 : i32
      %get3A_3504 = arith.index_cast %add3A_3503 : i32 to index
      %get3A_3505 = arith.constant 16 : index
      %get3A_3506 = tpu.vector_load %arg9[%get3A_3504, %get3A_3505] {strides = array<i32>} : memref<64x64xf32, #tpu.memory_space<vmem>>, vector<1x16xf32>,
      %get3A_3507 = vector.shape_cast %get3A_3506 : vector<1x16xf32> to vector<16xf32>
      %add3A_3508 = arith.addf %mul3A_3501, %get3A_3507 : vector<16xf32>
      %swap3A_3509 = arith.constant 30 : i32
      %swap3A_3510 = arith.index_cast %swap3A_3509 : i32 to index
      %swap3A_3511 = arith.constant 16 : index
      %swap3A_3512 = tpu.vector_load %arg8[%swap3A_3510, %swap3A_3511] {strides = array<i32>} : memref<32x64xf32, #tpu.memory_space<vmem>>, vector<1x16xf32>,
      %swap3A_3513 = vector.shape_cast %swap3A_3512 : vector<1x16xf32> to vector<16xf32>
      %swap3A_3514 = vector.shape_cast %add3A_3508 : vector<16xf32> to vector<1x16xf32>
      tpu.vector_store %arg8[%swap3A_3510, %swap3A_3511], %swap3A_3514 {strides = array<i32>} : memref<32x64xf32, #tpu.memory_space<vmem>>, vector<1x16xf32>,
      %get3A_3515 = arith.constant 30 : i32
      %get3A_3516 = arith.index_cast %get3A_3515 : i32 to index
      %get3A_3517 = arith.constant 32 : index
      %get3A_3518 = tpu.vector_load %arg7[%get3A_3516, %get3A_3517] {strides = array<i32>} : memref<32x64xf32, #tpu.memory_space<vmem>>, vector<1x16xf32>,
      %get3A_3519 = vector.shape_cast %get3A_3518 : vector<1x16xf32> to vector<16xf32>
      %mul3A_3520 = arith.constant 8.000000e+00 : f32
      %mul3A_3521 = vector.broadcast %mul3A_3520 : f32 to vector<16xf32>
      %mul3A_3522 = arith.mulf %get3A_3519, %mul3A_3521 : vector<16xf32>
      %add3A_3523 = arith.constant 30 : i32
      %add3A_3524 = arith.addi %mul3A_42, %add3A_3523 : i32
      %get3A_3525 = arith.index_cast %add3A_3524 : i32 to index
      %get3A_3526 = arith.constant 32 : index
      %get3A_3527 = tpu.vector_load %arg9[%get3A_3525, %get3A_3526] {strides = array<i32>} : memref<64x64xf32, #tpu.memory_space<vmem>>, vector<1x16xf32>,
      %get3A_3528 = vector.shape_cast %get3A_3527 : vector<1x16xf32> to vector<16xf32>
      %add3A_3529 = arith.addf %mul3A_3522, %get3A_3528 : vector<16xf32>
      %swap3A_3530 = arith.constant 30 : i32
      %swap3A_3531 = arith.index_cast %swap3A_3530 : i32 to index
      %swap3A_3532 = arith.constant 32 : index
      %swap3A_3533 = tpu.vector_load %arg8[%swap3A_3531, %swap3A_3532] {strides = array<i32>} : memref<32x64xf32, #tpu.memory_space<vmem>>, vector<1x16xf32>,
      %swap3A_3534 = vector.shape_cast %swap3A_3533 : vector<1x16xf32> to vector<16xf32>
      %swap3A_3535 = vector.shape_cast %add3A_3529 : vector<16xf32> to vector<1x16xf32>
      tpu.vector_store %arg8[%swap3A_3531, %swap3A_3532], %swap3A_3535 {strides = array<i32>} : memref<32x64xf32, #tpu.memory_space<vmem>>, vector<1x16xf32>,
      %get3A_3536 = arith.constant 30 : i32
      %get3A_3537 = arith.index_cast %get3A_3536 : i32 to index
      %get3A_3538 = arith.constant 48 : index
      %get3A_3539 = tpu.vector_load %arg7[%get3A_3537, %get3A_3538] {strides = array<i32>} : memref<32x64xf32, #tpu.memory_space<vmem>>, vector<1x16xf32>,
      %get3A_3540 = vector.shape_cast %get3A_3539 : vector<1x16xf32> to vector<16xf32>
      %mul3A_3541 = arith.constant 8.000000e+00 : f32
      %mul3A_3542 = vector.broadcast %mul3A_3541 : f32 to vector<16xf32>
      %mul3A_3543 = arith.mulf %get3A_3540, %mul3A_3542 : vector<16xf32>
      %add3A_3544 = arith.constant 30 : i32
      %add3A_3545 = arith.addi %mul3A_42, %add3A_3544 : i32
      %get3A_3546 = arith.index_cast %add3A_3545 : i32 to index
      %get3A_3547 = arith.constant 48 : index
      %get3A_3548 = tpu.vector_load %arg9[%get3A_3546, %get3A_3547] {strides = array<i32>} : memref<64x64xf32, #tpu.memory_space<vmem>>, vector<1x16xf32>,
      %get3A_3549 = vector.shape_cast %get3A_3548 : vector<1x16xf32> to vector<16xf32>
      %add3A_3550 = arith.addf %mul3A_3543, %get3A_3549 : vector<16xf32>
      %swap3A_3551 = arith.constant 30 : i32
      %swap3A_3552 = arith.index_cast %swap3A_3551 : i32 to index
      %swap3A_3553 = arith.constant 48 : index
      %swap3A_3554 = tpu.vector_load %arg8[%swap3A_3552, %swap3A_3553] {strides = array<i32>} : memref<32x64xf32, #tpu.memory_space<vmem>>, vector<1x16xf32>,
      %swap3A_3555 = vector.shape_cast %swap3A_3554 : vector<1x16xf32> to vector<16xf32>
      %swap3A_3556 = vector.shape_cast %add3A_3550 : vector<16xf32> to vector<1x16xf32>
      tpu.vector_store %arg8[%swap3A_3552, %swap3A_3553], %swap3A_3556 {strides = array<i32>} : memref<32x64xf32, #tpu.memory_space<vmem>>, vector<1x16xf32>,
      %get3A_3557 = arith.constant 31 : i32
      %get3A_3558 = arith.index_cast %get3A_3557 : i32 to index
      %get3A_3559 = arith.constant 0 : index
      %get3A_3560 = tpu.vector_load %arg7[%get3A_3558, %get3A_3559] {strides = array<i32>} : memref<32x64xf32, #tpu.memory_space<vmem>>, vector<1x16xf32>,
      %get3A_3561 = vector.shape_cast %get3A_3560 : vector<1x16xf32> to vector<16xf32>
      %mul3A_3562 = arith.constant 8.000000e+00 : f32
      %mul3A_3563 = vector.broadcast %mul3A_3562 : f32 to vector<16xf32>
      %mul3A_3564 = arith.mulf %get3A_3561, %mul3A_3563 : vector<16xf32>
      %add3A_3565 = arith.constant 31 : i32
      %add3A_3566 = arith.addi %mul3A_42, %add3A_3565 : i32
      %get3A_3567 = arith.index_cast %add3A_3566 : i32 to index
      %get3A_3568 = arith.constant 0 : index
      %get3A_3569 = tpu.vector_load %arg9[%get3A_3567, %get3A_3568] {strides = array<i32>} : memref<64x64xf32, #tpu.memory_space<vmem>>, vector<1x16xf32>,
      %get3A_3570 = vector.shape_cast %get3A_3569 : vector<1x16xf32> to vector<16xf32>
      %add3A_3571 = arith.addf %mul3A_3564, %get3A_3570 : vector<16xf32>
      %swap3A_3572 = arith.constant 31 : i32
      %swap3A_3573 = arith.index_cast %swap3A_3572 : i32 to index
      %swap3A_3574 = arith.constant 0 : index
      %swap3A_3575 = tpu.vector_load %arg8[%swap3A_3573, %swap3A_3574] {strides = array<i32>} : memref<32x64xf32, #tpu.memory_space<vmem>>, vector<1x16xf32>,
      %swap3A_3576 = vector.shape_cast %swap3A_3575 : vector<1x16xf32> to vector<16xf32>
      %swap3A_3577 = vector.shape_cast %add3A_3571 : vector<16xf32> to vector<1x16xf32>
      tpu.vector_store %arg8[%swap3A_3573, %swap3A_3574], %swap3A_3577 {strides = array<i32>} : memref<32x64xf32, #tpu.memory_space<vmem>>, vector<1x16xf32>,
      %get3A_3578 = arith.constant 31 : i32
      %get3A_3579 = arith.index_cast %get3A_3578 : i32 to index
      %get3A_3580 = arith.constant 16 : index
      %get3A_3581 = tpu.vector_load %arg7[%get3A_3579, %get3A_3580] {strides = array<i32>} : memref<32x64xf32, #tpu.memory_space<vmem>>, vector<1x16xf32>,
      %get3A_3582 = vector.shape_cast %get3A_3581 : vector<1x16xf32> to vector<16xf32>
      %mul3A_3583 = arith.constant 8.000000e+00 : f32
      %mul3A_3584 = vector.broadcast %mul3A_3583 : f32 to vector<16xf32>
      %mul3A_3585 = arith.mulf %get3A_3582, %mul3A_3584 : vector<16xf32>
      %add3A_3586 = arith.constant 31 : i32
      %add3A_3587 = arith.addi %mul3A_42, %add3A_3586 : i32
      %get3A_3588 = arith.index_cast %add3A_3587 : i32 to index
      %get3A_3589 = arith.constant 16 : index
      %get3A_3590 = tpu.vector_load %arg9[%get3A_3588, %get3A_3589] {strides = array<i32>} : memref<64x64xf32, #tpu.memory_space<vmem>>, vector<1x16xf32>,
      %get3A_3591 = vector.shape_cast %get3A_3590 : vector<1x16xf32> to vector<16xf32>
      %add3A_3592 = arith.addf %mul3A_3585, %get3A_3591 : vector<16xf32>
      %swap3A_3593 = arith.constant 31 : i32
      %swap3A_3594 = arith.index_cast %swap3A_3593 : i32 to index
      %swap3A_3595 = arith.constant 16 : index
      %swap3A_3596 = tpu.vector_load %arg8[%swap3A_3594, %swap3A_3595] {strides = array<i32>} : memref<32x64xf32, #tpu.memory_space<vmem>>, vector<1x16xf32>,
      %swap3A_3597 = vector.shape_cast %swap3A_3596 : vector<1x16xf32> to vector<16xf32>
      %swap3A_3598 = vector.shape_cast %add3A_3592 : vector<16xf32> to vector<1x16xf32>
      tpu.vector_store %arg8[%swap3A_3594, %swap3A_3595], %swap3A_3598 {strides = array<i32>} : memref<32x64xf32, #tpu.memory_space<vmem>>, vector<1x16xf32>,
      %get3A_3599 = arith.constant 31 : i32
      %get3A_3600 = arith.index_cast %get3A_3599 : i32 to index
      %get3A_3601 = arith.constant 32 : index
      %get3A_3602 = tpu.vector_load %arg7[%get3A_3600, %get3A_3601] {strides = array<i32>} : memref<32x64xf32, #tpu.memory_space<vmem>>, vector<1x16xf32>,
      %get3A_3603 = vector.shape_cast %get3A_3602 : vector<1x16xf32> to vector<16xf32>
      %mul3A_3604 = arith.constant 8.000000e+00 : f32
      %mul3A_3605 = vector.broadcast %mul3A_3604 : f32 to vector<16xf32>
      %mul3A_3606 = arith.mulf %get3A_3603, %mul3A_3605 : vector<16xf32>
      %add3A_3607 = arith.constant 31 : i32
      %add3A_3608 = arith.addi %mul3A_42, %add3A_3607 : i32
      %get3A_3609 = arith.index_cast %add3A_3608 : i32 to index
      %get3A_3610 = arith.constant 32 : index
      %get3A_3611 = tpu.vector_load %arg9[%get3A_3609, %get3A_3610] {strides = array<i32>} : memref<64x64xf32, #tpu.memory_space<vmem>>, vector<1x16xf32>,
      %get3A_3612 = vector.shape_cast %get3A_3611 : vector<1x16xf32> to vector<16xf32>
      %add3A_3613 = arith.addf %mul3A_3606, %get3A_3612 : vector<16xf32>
      %swap3A_3614 = arith.constant 31 : i32
      %swap3A_3615 = arith.index_cast %swap3A_3614 : i32 to index
      %swap3A_3616 = arith.constant 32 : index
      %swap3A_3617 = tpu.vector_load %arg8[%swap3A_3615, %swap3A_3616] {strides = array<i32>} : memref<32x64xf32, #tpu.memory_space<vmem>>, vector<1x16xf32>,
      %swap3A_3618 = vector.shape_cast %swap3A_3617 : vector<1x16xf32> to vector<16xf32>
      %swap3A_3619 = vector.shape_cast %add3A_3613 : vector<16xf32> to vector<1x16xf32>
      tpu.vector_store %arg8[%swap3A_3615, %swap3A_3616], %swap3A_3619 {strides = array<i32>} : memref<32x64xf32, #tpu.memory_space<vmem>>, vector<1x16xf32>,
      %get3A_3620 = arith.constant 31 : i32
      %get3A_3621 = arith.index_cast %get3A_3620 : i32 to index
      %get3A_3622 = arith.constant 48 : index
      %get3A_3623 = tpu.vector_load %arg7[%get3A_3621, %get3A_3622] {strides = array<i32>} : memref<32x64xf32, #tpu.memory_space<vmem>>, vector<1x16xf32>,
      %get3A_3624 = vector.shape_cast %get3A_3623 : vector<1x16xf32> to vector<16xf32>
      %mul3A_3625 = arith.constant 8.000000e+00 : f32
      %mul3A_3626 = vector.broadcast %mul3A_3625 : f32 to vector<16xf32>
      %mul3A_3627 = arith.mulf %get3A_3624, %mul3A_3626 : vector<16xf32>
      %add3A_3628 = arith.constant 31 : i32
      %add3A_3629 = arith.addi %mul3A_42, %add3A_3628 : i32
      %get3A_3630 = arith.index_cast %add3A_3629 : i32 to index
      %get3A_3631 = arith.constant 48 : index
      %get3A_3632 = tpu.vector_load %arg9[%get3A_3630, %get3A_3631] {strides = array<i32>} : memref<64x64xf32, #tpu.memory_space<vmem>>, vector<1x16xf32>,
      %get3A_3633 = vector.shape_cast %get3A_3632 : vector<1x16xf32> to vector<16xf32>
      %add3A_3634 = arith.addf %mul3A_3627, %get3A_3633 : vector<16xf32>
      %swap3A_3635 = arith.constant 31 : i32
      %swap3A_3636 = arith.index_cast %swap3A_3635 : i32 to index
      %swap3A_3637 = arith.constant 48 : index
      %swap3A_3638 = tpu.vector_load %arg8[%swap3A_3636, %swap3A_3637] {strides = array<i32>} : memref<32x64xf32, #tpu.memory_space<vmem>>, vector<1x16xf32>,
      %swap3A_3639 = vector.shape_cast %swap3A_3638 : vector<1x16xf32> to vector<16xf32>
      %swap3A_3640 = vector.shape_cast %add3A_3634 : vector<16xf32> to vector<1x16xf32>
      tpu.vector_store %arg8[%swap3A_3636, %swap3A_3637], %swap3A_3640 {strides = array<i32>} : memref<32x64xf32, #tpu.memory_space<vmem>>, vector<1x16xf32>,
      %add3A_3641 = arith.addi %multiple_of3A, %mul3A_42 : i32
      %dma_start3A_3642 = arith.constant 0 : i32
      %dma_start3A_3643 = tpu.memref_slice %arg5[%div3A_39, %add3A_3641, %dma_start3A_3642] : memref<16x2048x64xf32, #tpu.memory_space<hbm>> -> memref<1x32x64xf32, #tpu.memory_space<hbm>>
      %dma_start3A_3644 = tpu.memref_squeeze %dma_start3A_3643 : memref<1x32x64xf32, #tpu.memory_space<hbm>> -> memref<32x64xf32, #tpu.memory_space<hbm>>
      %dma_start3A_3645 = arith.constant 0 : i32
      %dma_start3A_3646 = tpu.memref_slice %arg5[%div3A_39, %add3A_3641, %dma_start3A_3645] : memref<16x2048x64xf32, #tpu.memory_space<hbm>> -> memref<1x32x64xf32, #tpu.memory_space<hbm>>
      %dma_start3A_3647 = tpu.memref_squeeze %dma_start3A_3646 : memref<1x32x64xf32, #tpu.memory_space<hbm>> -> memref<32x64xf32, #tpu.memory_space<hbm>>
      tpu.enqueue_dma source(%arg8 : memref<32x64xf32, #tpu.memory_space<vmem>>) target(%dma_start3A_3647 : memref<32x64xf32, #tpu.memory_space<hbm>>) target_semaphore(%arg12 : memref<!tpu.dma_semaphore, #tpu.memory_space<semaphore_mem>>)
      %dma_wait3A_3648 = arith.constant 0 : i32
      %dma_wait3A_3649 = tpu.memref_slice %arg5[%div3A_39, %add3A_3641, %dma_wait3A_3648] : memref<16x2048x64xf32, #tpu.memory_space<hbm>> -> memref<1x32x64xf32, #tpu.memory_space<hbm>>
      %dma_wait3A_3650 = tpu.memref_squeeze %dma_wait3A_3649 : memref<1x32x64xf32, #tpu.memory_space<hbm>> -> memref<32x64xf32, #tpu.memory_space<hbm>>
      %dma_wait3A_3651 = arith.constant 0 : i32
      %dma_wait3A_3652 = tpu.memref_slice %arg5[%div3A_39, %add3A_3641, %dma_wait3A_3651] : memref<16x2048x64xf32, #tpu.memory_space<hbm>> -> memref<1x32x64xf32, #tpu.memory_space<hbm>>
      %dma_wait3A_3653 = tpu.memref_squeeze %dma_wait3A_3652 : memref<1x32x64xf32, #tpu.memory_space<hbm>> -> memref<32x64xf32, #tpu.memory_space<hbm>>
      tpu.wait_dma2 semaphore(%arg12 : memref<!tpu.dma_semaphore, #tpu.memory_space<semaphore_mem>>) src(%arg8 : memref<32x64xf32, #tpu.memory_space<vmem>>) dst(%dma_wait3A_3653 : memref<32x64xf32, #tpu.memory_space<hbm>>)
    }
    %scan3A_37 = arith.constant 32 : i32
    return
  }
}

</mosaic_0001>

<sc_bundles>
// kernel: kernel.3.cloned.1.call-start
scs
__scs_entry_jumppad:
0x0: {  	(pc) =	sbr.rel $0x88, $3  }
0x1: {  	(tag) =	ssettag $0x0;
	lr =	simm.s32 $0x1  }
0x2: {  	[smem:$0x3F9F] =	sst lr;
	_ =	strace $0xD0000000  }
0x3: {  	_ = 	snop  }
0x4: {  	_ = 	snop  }
0x5: {  	_ = 	snop  }
0x6: {  	_ = 	snop  }
0x7: {  	_ = 	snop  }
__scs_overlays_trampoline_lowered:
0x8: {  	[smem:$0x3FAE] =	sst s0  }
0x9: {  	[smem:$0x3FAF] =	sst s1  }
0xa: {  	[smem:$0x3FB0] =	sst s2  }
0xb: {  	[smem:$0x3FB1] =	sst s3  }
0xc: {  	[smem:$0x3FB2] =	sst s4  }
0xd: {  	[smem:$0x3FB3] =	sst s5  }
0xe: {  	[smem:$0x3FB4] =	sst s6  }
0xf: {  	[smem:$0x3FB5] =	sst s7  }
0x10: {  	[smem:$0x3FB6] =	sst s8  }
0x11: {  	[smem:$0x3FB7] =	sst s9;
	s0 =	simm.s32 @!p0 $0x0  }
0x12: {  	s1 =	sld [smem:$0x3F9D];
	s0 =	simm.s32 @p0 $0x1  }
0x13: {  	[smem:$0x3FB8] =	sst s0;
	s0 =	simm.s32 @!p1 $0x0  }
0x14: {  	s2 =	sld [smem:$0x3F9C];
	s0 =	simm.s32 @p1 $0x1  }
0x15: {  	[smem:$0x3FB9] =	sst s0;
	s0 =	simm.s32 @!p2 $0x0  }
0x16: {  	s3 =	sld [smem:$0x3FDB];
	s0 =	simm.s32 @p2 $0x1  }
0x17: {  	s4 =	simm.s32 $0x1BF5;
	[smem:$0x3FBB] =	sst s0  }
0x18: {  	s0 =	sld [smem:$0x3F9E];
	_ =	swait.ge [sflag:s4], $0x0  }
0x19: {  	s7 =	sld [smem:$0x3F9F]  }
0x1a: {  	s8 =	sadd.s32 $0xFFFFE003, lr  }
0x1b: {  	s9 =	sadd.s32 $0xFFFFFEF7, lr;
	s5 =	simm.s32 $0xFFFFFFFF;
	p2 =	slt.u32 s8, $0xFFFFF086  }
0x1c: {  	p1 =	slt.u32 s9, $0xF7A;
	s5 =	simm.s32 @!p2 $0x0  }
0x1d: {  	s5 =	simm.s32 @p1 $0x1;
	p0 =	seq.s32 s7, s2  }
0x1e: {  	s7 =	smul.u32 @!p0 $0xF7A, s2;
	p2 =	seq.s32 @!p0 s5, $0x0  }
0x1f: {  	s9 =	smul.u32 $0xF7A, s1;
	s8 =	simm.s32 @!p0 $0x1BF5;
	p2 =	por !p2, p0  }
0x20: {  	[sflag:s8] =	ssyncset.s32 @!p0 $0xFFFFF086;
	s6 =	sadd.s32 @!p0 s3, s7;
	s7 =	simm.s32 @!p0 $0x108  }
0x21: {  	s3 =	sadd.s32 s3, s9;
	s6 =	sadd.s32 @!p0 $0x88, s6;
	s7 =	simm.s32 @p2 $0x1082  }
0x22: {  	[simem:s7], [sflag:s8] =	dma.local @!p0 [hbm:s6], $0xF7A  }
0x23: {  	s9 =	sor.u32 $0xD0000000, s2;
	s6 =	simm.s32 $0x108;
	_ =	swait.ge @!p0 [sflag:s8], $0x0  }
0x24: {  	s3 =	sadd.s32 $0x88, s3;
	s6 =	simm.s32 @!p1 $0x1082;
	[sflag:s4] =	ssyncset.s32 $0xFFFFF086  }
0x25: {  	[simem:s6], [sflag:s4] =	dma.local [hbm:s3], $0xF7A  }
0x26: {  	[smem:$0x3F9F] =	sst s1;
	(tag) =	ssettag s2;
	_ =	strace s9  }
0x27: {  	s1 =	sld [smem:$0x3FAF]  }
0x28: {  	s2 =	sld [smem:$0x3FB0]  }
0x29: {  	s4 =	sld [smem:$0x3FB2]  }
0x2a: {  	p0 =	seq.s32 s5, $0x0;
	s5 =	sld [smem:$0x3FB3]  }
0x2b: {  	s6 =	sld [smem:$0x3FB4]  }
0x2c: {  	s7 =	sld [smem:$0x3FB5]  }
0x2d: {  	s3 =	simm.s32 $0x108;
	s8 =	sld [smem:$0x3FB6]  }
0x2e: {  	s3 =	simm.s32 @!p0 $0x1082;
	s9 =	sld [smem:$0x3FB7]  }
0x2f: {  	lr =	sadd.s32 s0, s3;
	s0 =	sld [smem:$0x3FAE]  }
0x30: {  	s3 =	sld [smem:$0x3FB1]  }
0x31: {  	[smem:$0x3FBA] =	sst s10  }
0x32: {  	s10 =	sld [smem:$0x3FB8];
	_ =	sdelay $0x3  }
0x33: {  	p0 =	seq.s32 s10, $0x1;
	s10 =	sld [smem:$0x3FBA];
	_ =	sdelay $0x3  }
0x34: {  	[smem:$0x3FBA] =	sst s10  }
0x35: {  	s10 =	sld [smem:$0x3FB9];
	_ =	sdelay $0x3  }
0x36: {  	p1 =	seq.s32 s10, $0x1;
	s10 =	sld [smem:$0x3FBA];
	_ =	sdelay $0x3  }
0x37: {  	[smem:$0x3FBA] =	sst s10  }
0x38: {  	s10 =	sld [smem:$0x3FBB]  }
0x39: {  	_ = 	snop;
	(pc) =	sbr.ind lr, $3  }
0x3a: {  	_ = 	snop  }
0x3b: {  	_ = 	snop  }
0x3c: {  	p2 =	seq.s32 s10, $0x1;
	s10 =	sld [smem:$0x3FBA]  }
0x3d: {  	_ =	shalt  }
0x3e: {  	_ =	shalt  }
0x3f: {  	_ =	shalt  }
0x40: {  	_ =	shalt  }
0x41: {  	_ =	shalt  }
0x42: {  	_ =	shalt  }
0x43: {  	_ =	shalt  }
0x44: {  	_ =	shalt  }
0x45: {  	_ =	shalt  }
0x46: {  	_ =	shalt  }
0x47: {  	_ =	shalt  }
0x48: {  	_ =	shalt  }
0x49: {  	_ =	shalt  }
0x4a: {  	_ =	shalt  }
0x4b: {  	_ =	shalt  }
0x4c: {  	_ =	shalt  }
0x4d: {  	_ =	shalt  }
0x4e: {  	_ =	shalt  }
0x4f: {  	_ =	shalt  }
0x50: {  	_ =	shalt  }
0x51: {  	_ =	shalt  }
0x52: {  	_ =	shalt  }
0x53: {  	_ =	shalt  }
0x54: {  	_ =	shalt  }
0x55: {  	_ =	shalt  }
0x56: {  	_ =	shalt  }
0x57: {  	_ =	shalt  }
0x58: {  	_ =	shalt  }
0x59: {  	_ =	shalt  }
0x5a: {  	_ =	shalt  }
0x5b: {  	_ =	shalt  }
0x5c: {  	_ =	shalt  }
0x5d: {  	_ =	shalt  }
0x5e: {  	_ =	shalt  }
0x5f: {  	_ =	shalt  }
0x60: {  	_ =	shalt  }
0x61: {  	_ =	shalt  }
0x62: {  	_ =	shalt  }
0x63: {  	_ =	shalt  }
0x64: {  	_ =	shalt  }
0x65: {  	_ =	shalt  }
0x66: {  	_ =	shalt  }
0x67: {  	_ =	shalt  }
0x68: {  	_ =	shalt  }
0x69: {  	_ =	shalt  }
0x6a: {  	_ =	shalt  }
0x6b: {  	_ =	shalt  }
0x6c: {  	_ =	shalt  }
0x6d: {  	_ =	shalt  }
0x6e: {  	_ =	shalt  }
0x6f: {  	_ =	shalt  }
0x70: {  	_ =	shalt  }
0x71: {  	_ =	shalt  }
0x72: {  	_ =	shalt  }
0x73: {  	_ =	shalt  }
0x74: {  	_ =	shalt  }
0x75: {  	_ =	shalt  }
0x76: {  	_ =	shalt  }
0x77: {  	_ =	shalt  }
0x78: {  	_ =	shalt  }
0x79: {  	_ =	shalt  }
0x7a: {  	_ =	shalt  }
0x7b: {  	_ =	shalt  }
0x7c: {  	_ =	shalt  }
0x7d: {  	_ =	shalt  }
0x7e: {  	_ =	shalt  }
0x7f: {  	_ =	shalt  }
0x80: {  	_ =	shalt  }
0x81: {  	_ =	shalt  }
0x82: {  	_ =	shalt  }
0x83: {  	_ =	shalt  }
0x84: {  	_ =	shalt  }
0x85: {  	_ =	shalt  }
0x86: {  	_ =	shalt  }
0x87: {  	_ =	shalt  }
.Lfunc_end0:
.L_simem_size_0:
called_computation_lowered:
.L_overlay_start_0:
0x88: {  	s2 =	sld [smem:$0x3FD9]  }
0x89: {  	s3 =	sld [smem:$0x3FFE];
	_ =	sdelay $0x1  }
0x8a: {  	s1 =	srdreg.scid  }
0x8b: {  	s0 =	sand.u32 $0x1, s1  }
0x8c: {  	s17 =	sshll.u32 s0, $0xA;
	s2 =	sadd.s32 s3, s2  }
0x8d: {  	s2 =	sadd.s32 s2, s17  }
0x8e: {  	[smem:$0x3FC6] =	sst s2  }
0x8f: {  	_ = 	snop  }
0x90: {  	s2 =	sld [smem:$0x3FD0];
	(tm) =	ssettm $0x1  }
0x91: {  	s18 =	sld [smem:$0x3FFB];
	_ =	sdelay $0x3  }
0x92: {  	_ =	strace s18  }
0x93: {  	s3 =	sld [smem:$0x3FFC];
	_ =	sdelay $0x3  }
0x94: {  	_ =	strace s3  }
0x95: {  	s3 =	sld [smem:$0x3FFD];
	_ =	sdelay $0x3  }
0x96: {  	_ =	strace s3  }
0x97: {  	_ =	strace $0x8FFFFFFF  }
0x98: {  	s19 =	sld [smem:$0x3FDB];
	_ =	sdelay $0x1  }
0x99: {  	s4 =	simm.s32 $_scs_section_size  }
0x9a: {  	s5 =	simm.s32 $_size__tile_overlayer_lowered;
	s6 =	simm.s32 $_tile_overlayer_lowered  }
0x9b: {  	s22 =	simm.s32 $0x1BFF;
	s21 =	sshll.u32 s6, $0x1;
	s3 =	sadd.s32 s4, s19  }
0x9c: {  	s7 =	simm.s32 $0x0;
	s20 =	sshll.u32 s5, $0x1;
	s5 =	sadd.s32 s21, s3  }
0x9d: {  	[timem:s7], [sflag:s22] =	dma.local [hbm:s5], s20  }
0x9e: {  	_ =	swait.ge [sflag:s22], s20  }
0x9f: {  	s4 =	ssub.s32 $0x0, s20;
	[sflag:s22] =	ssyncset.done $0x0  }
0xa0: {  	[sflag:s22] =	ssyncadd.s32 s4;
	_ =	sdelay $0x1  }
0xa1: {  	s23 =	simm.s32 $0x1B8B  }
0xa2: {  	_ =	swait.ge [sflag:s23], $0x1  }
0xa3: {  	[sflag:s23] =	ssyncset.done $0x0  }
0xa4: {  	s25 =	simm.s32 $0x1B8E;
	s24 =	sld [smem:$0x3FFE];
	[sflag:s23] =	ssyncadd.s32 $0xFFFFFFFF  }
0xa5: {  	s26 =	simm.s32 $execute0_lowered;
	[smem:$0x3FD2] =	sst s25  }
0xa6: {  	s5 =	sshll.u32 s26, $0x1;
	_ =	strace $0x80000046;
	[dreg:$0x1] =	wrdreg $0xFFFFFFFF  }
0xa7: {  	s28 =	simm.s32 $_size_execute0_lowered;
	s3 =	sadd.s32 s3, s5;
	[dreg:$0x0] =	wrdreg $0x0  }
0xa8: {  	s5 =	sshll.u32 s28, $0x1;
	[dreg:$0x2] =	wrdreg s3  }
0xa9: {  	[dreg:$0x3] =	wrdreg s5  }
0xaa: {  	[dreg:$0x4] =	wrdreg $0xC0  }
0xab: {  	_ =	task [dreg:s7], $0x5FFFF  }
0xac: {  	[dreg:$0x1] =	wrdreg $0xFFFFFFFF  }
0xad: {  	[dreg:$0x0] =	wrdreg $0x60  }
0xae: {  	[dreg:$0x2] =	wrdreg s24  }
0xaf: {  	[dreg:$0x3] =	wrdreg s2  }
0xb0: {  	[dreg:$0x4] =	wrdreg $0x9  }
0xb1: {  	_ =	task.clear_ibuf [dreg:s7], $0x5FFFF;
	_ =	strace $0x90000046  }
0xb2: {  	s29 =	simm.s32 $0x9;
	_ =	strace $0x80000048  }
0xb3: {  	_ =	swait.ge [sflag:s29], $0x1  }
0xb4: {  	[sflag:s29] =	ssyncadd.s32 $0xFFFFFFFF  }
0xb5: {  	_ =	strace $0x90000048  }
0xb6: {  	_ =	sfence  }
0xb7: {  	s30 =	sld [smem:$0x0];
	_ =	sdelay $0x2  }
0xb8: {  	s31 =	sshll.u32 s1, $0xD;
	s1 =	sshrl.u32 s1, $0x2  }
0xb9: {  	s3 =	sand.u32 $0x4000, s31;
	s1 =	sadd.s32 s1, s30  }
0xba: {  	s0 =	sor.u32 s3, s0;
	s1 =	sshll.u32 s1, $0x11  }
0xbb: {  	s0 =	sor.u32 s1, s0  }
0xbc: {  	s0 =	sadd.s32 $0x8F2B, s0  }
0xbd: {  	[sflag:s0] =	ssyncadd.remote.s32 $0x1  }
0xbe: {  	_ =	sfence.sel $0xFFFF  }
0xbf: {  	[dreg:$0x0] =	wrdreg $0xFFFFFFFF;
	(pc) =	sbr.abs _section_cstart, $3  }
0xc0: {  	[dreg:$0x1] =	wrdreg $0xFFFFFFFF  }
0xc1: {  	_ =	task.clear_ibuf [dreg:s7], $0x2FFFF;
	_ =	strace $0x9FFFFFFF  }
0xc2: {  	(tm) =	ssettm $0x7FFFFFFF  }
0xc3: {  	_ =	shalt  }
tec
execute0_lowered:
.L_overlay_start_1:
0x0: {  	(tag) =	ssettag $0x1  }
0x1: {  	s3 =	rddreg [dreg:$0x0]  }
0x2: {  	s1 =	srdreg.scid;
	s5 =	rddreg [dreg:$0x1]  }
0x3: {  	s2 =	simm.s32 $0x0;
	s4 =	sand.u32 $0x1, s1;
	s1 =	rddreg [dreg:$0x2]  }
0x4: {  	s21 =	simm.s32 $0x400;
	[smem:$0x7FF] =	sst s2  }
0x5: {  	s22 =	simm.s32 $0x480;
	_ =	strace $0x80000047;
	[dreg:$0x4] =	wrdreg s21  }
0x6: {  	s23 =	simm.s32 $0x500;
	[dreg:$0x5] =	wrdreg s22  }
0x7: {  	s24 =	simm.s32 $0x580;
	[dreg:$0x6] =	wrdreg s23  }
0x8: {  	s25 =	simm.s32 $0x600;
	[dreg:$0x7] =	wrdreg s24  }
0x9: {  	s26 =	simm.s32 $0x680;
	[dreg:$0x8] =	wrdreg s25  }
0xa: {  	s28 =	simm.s32 $0x700;
	[dreg:$0x9] =	wrdreg s26  }
0xb: {  	s29 =	simm.s32 $0x780;
	[dreg:$0xa] =	wrdreg s28  }
0xc: {  	s30 =	simm.s32 $0x800;
	[dreg:$0xb] =	wrdreg s29  }
0xd: {  	s31 =	simm.s32 $0x880;
	[dreg:$0xc] =	wrdreg s30  }
0xe: {  	s9 =	simm.s32 $0x900;
	[dreg:$0xd] =	wrdreg s31  }
0xf: {  	s10 =	simm.s32 $0x980;
	[dreg:$0xe] =	wrdreg s9  }
0x10: {  	s11 =	simm.s32 $0xA00;
	[dreg:$0xf] =	wrdreg s10  }
0x11: {  	s12 =	simm.s32 $0xA80;
	[dreg:$0x10] =	wrdreg s11  }
0x12: {  	s13 =	simm.s32 $0xB00;
	[dreg:$0x11] =	wrdreg s12  }
0x13: {  	s14 =	simm.s32 $0xB80;
	[dreg:$0x12] =	wrdreg s13  }
0x14: {  	s15 =	simm.s32 $0xC00;
	[dreg:$0x13] =	wrdreg s14  }
0x15: {  	s16 =	simm.s32 $0xC80;
	[dreg:$0x14] =	wrdreg s15  }
0x16: {  	s17 =	simm.s32 $0xD00;
	[dreg:$0x15] =	wrdreg s16  }
0x17: {  	s0 =	stileid.u32;
	s18 =	simm.s32 $0xD80;
	[dreg:$0x16] =	wrdreg s17  }
0x18: {  	s19 =	simm.s32 $0xE00;
	s20 =	sshll.u32 s0, $0x1;
	[dreg:$0x17] =	wrdreg s18  }
0x19: {  	s7 =	sor.u32 s4, s20;
	[dreg:$0x18] =	wrdreg s19;
	s20 =	simm.s32 $0xE80  }
0x1a: {  	s21 =	simm.s32 $0xF00;
	[dreg:$0x19] =	wrdreg s20  }
0x1b: {  	s22 =	simm.s32 $0xF80;
	[dreg:$0x1a] =	wrdreg s21  }
0x1c: {  	s23 =	simm.s32 $0x1000;
	[dreg:$0x1b] =	wrdreg s22  }
0x1d: {  	s24 =	simm.s32 $0x1080;
	[dreg:$0x1c] =	wrdreg s23  }
0x1e: {  	s25 =	simm.s32 $0x1100;
	[dreg:$0x1d] =	wrdreg s24  }
0x1f: {  	s26 =	simm.s32 $0x1180;
	[dreg:$0x1e] =	wrdreg s25  }
0x20: {  	s28 =	simm.s32 $0x1200;
	[dreg:$0x1f] =	wrdreg s26  }
0x21: {  	s4 =	ssub.s32 $0x2, s4;
	s29 =	simm.s32 $0x1280;
	[smem:$0x7F9] =	sst s28  }
0x22: {  	s30 =	simm.s32 $0x1300;
	s31 =	simm.s32 $0x1380;
	[smem:$0x7FA] =	sst s29  }
0x23: {  	s10 =	simm.s32 $0x1400;
	s11 =	simm.s32 $0x0;
	[smem:$0x7FB] =	sst s30  }
0x24: {  	s6 =	sshll.u32 s7, $0xA;
	s7 =	sshll.u32 s7, $0x7;
	[smem:$0x7FC] =	sst s31  }
0x25: {  	s9 =	sshrl.u32 s4, $0x1;
	[smem:$0x7FD] =	sst s10;
	s10 =	simm.s32 $0x3  }
0x26: {  	s8 =	sadd.s32 s6, s3;
	s7 =	sadd.s32 s7, s3;
	s3 =	sadd.s32 $0x1600, s3  }
0x27: {  	s9 =	ssub.s32 s4, s9;
	s5 =	sadd.s32 s5, s6;
	s8 =	sadd.s32 $0xF43A00, s8  }
0x28: {  	s4 =	sadd.s32 $0x600, s7;
	s6 =	smax.u32 s9, $0x1;
	s7 =	simm.s32 $0x2400  }
0x29: {  	s9 =	simm.s32 $0x2;
	[dreg:$0x3] =	wrdreg s8;
	s8 =	simm.s32 $0x1  }
.LBB2_1:
0x2a: {  	[tilespmem:s2], [sflag:$0x1] =	stream.linear.gather [hbm4b:s4+s2], $0x400, $0x38;
	[tilespmem:$0x4400] =	vst v63  }
0x2b: {  	_ = 	snop  }
0x2c: {  	[tilespmem:s7], [sflag:$0x1] =	stream.linear.gather [hbm4b:s5+s2], $0x2000, $0x38;
	[tilespmem:$0x4400] =	vst v63  }
0x2d: {  	_ =	swait.ge [sflag:s8], $0x400  }
0x2e: {  	[sflag:s8] =	ssyncset.done $0x0  }
0x2f: {  	[sflag:s8] =	ssyncadd.s32 $0xFFFFFC00  }
0x30: {  	_ =	swait.ge [sflag:s8], $0x2000  }
0x31: {  	s12 =	simm.s32 $0x0;
	[sflag:s8] =	ssyncset.done $0x0  }
0x32: {  	s13 =	simm.s32 $0x0;
	s14 =	simm.s32 $0x0;
	[sflag:s8] =	ssyncadd.s32 $0xFFFFE000  }
.LBB2_2:
0x33: {  	s15 =	sand.u32 $0x3E0, s13  }
0x34: {  	v0 =	vld [tilespmem:s15+$0x0];
	_ =	sdelay $0x4  }
0x35: {  	v0 =	vshll.u32 v0, $0x4  }
0x36: {  	(v2sf) =	vpush v0, $0x0;
	_ =	sdelay $0x1  }
0x37: {  	(v2sf) =	vpush v0, $0x1;
	_ =	sdelay $0x1  }
0x38: {  	(v2sf) =	vpush v0, $0x2;
	_ =	sdelay $0x2  }
0x39: {  	(v2sf) =	vpush v0, $0x3;
	_ =	sdelay $0x7  }
0x3a: {  	s16 =	spop (v2sf);
	(v2sf) =	vpush v0, $0x4;
	_ =	sdelay $0x1  }
0x3b: {  	s23 =	spop (v2sf);
	(v2sf) =	vpush v0, $0x5;
	_ =	sdelay $0x1  }
0x3c: {  	s25 =	spop (v2sf);
	(v2sf) =	vpush v0, $0x6;
	_ =	sdelay $0x1  }
0x3d: {  	s16 =	sand.u32 $0x1FFFFFF0, s16  }
0x3e: {  	s17 =	rddreg [dreg:$0x4];
	s16 =	sadd.s32 s3, s16;
	s28 =	spop (v2sf);
	(v2sf) =	vpush v0, $0x7  }
0x3f: {  	[tilespmem:s17], [sflag:$0x2] =	stream.linear.gather [hbm4b:s16+s2], $0x80, $0x38;
	[tilespmem:$0x4400] =	vst v63  }
0x40: {  	s16 =	sand.u32 $0x1FFFFFF0, s23  }
0x41: {  	s24 =	rddreg [dreg:$0x5];
	s16 =	sadd.s32 s3, s16  }
0x42: {  	[tilespmem:s24], [sflag:$0x2] =	stream.linear.gather [hbm4b:s16+s2], $0x80, $0x38;
	[tilespmem:$0x4400] =	vst v63  }
0x43: {  	s16 =	sand.u32 $0x1FFFFFF0, s25  }
0x44: {  	s26 =	rddreg [dreg:$0x6];
	s16 =	sadd.s32 s3, s16  }
0x45: {  	[tilespmem:s26], [sflag:$0x2] =	stream.linear.gather [hbm4b:s16+s2], $0x80, $0x38;
	[tilespmem:$0x4400] =	vst v63  }
0x46: {  	s30 =	spop (v2sf);
	(v2sf) =	vpush v0, $0x8  }
0x47: {  	s16 =	sand.u32 $0x1FFFFFF0, s28  }
0x48: {  	s29 =	rddreg [dreg:$0x7];
	s16 =	sadd.s32 s3, s16;
	s17 =	spop (v2sf);
	(v2sf) =	vpush v0, $0x9  }
0x49: {  	[tilespmem:s29], [sflag:$0x2] =	stream.linear.gather [hbm4b:s16+s2], $0x80, $0x38;
	[tilespmem:$0x4400] =	vst v63  }
0x4a: {  	s16 =	sand.u32 $0x1FFFFFF0, s30;
	s19 =	spop (v2sf);
	(v2sf) =	vpush v0, $0xA  }
0x4b: {  	s31 =	rddreg [dreg:$0x8];
	s16 =	sadd.s32 s3, s16  }
0x4c: {  	[tilespmem:s31], [sflag:$0x2] =	stream.linear.gather [hbm4b:s16+s2], $0x80, $0x38;
	[tilespmem:$0x4400] =	vst v63  }
0x4d: {  	s21 =	spop (v2sf);
	(v2sf) =	vpush v0, $0xB  }
0x4e: {  	s16 =	sand.u32 $0x1FFFFFF0, s17  }
0x4f: {  	s18 =	rddreg [dreg:$0x9];
	s16 =	sadd.s32 s3, s16  }
0x50: {  	[tilespmem:s18], [sflag:$0x2] =	stream.linear.gather [hbm4b:s16+s2], $0x80, $0x38;
	[tilespmem:$0x4400] =	vst v63  }
0x51: {  	s16 =	sand.u32 $0x1FFFFFF0, s19  }
0x52: {  	s20 =	rddreg [dreg:$0xa];
	s16 =	sadd.s32 s3, s16  }
0x53: {  	[tilespmem:s20], [sflag:$0x2] =	stream.linear.gather [hbm4b:s16+s2], $0x80, $0x38;
	[tilespmem:$0x4400] =	vst v63  }
0x54: {  	s16 =	sand.u32 $0x1FFFFFF0, s21  }
0x55: {  	s22 =	rddreg [dreg:$0xb];
	s16 =	sadd.s32 s3, s16;
	s23 =	spop (v2sf);
	(v2sf) =	vpush v0, $0xC  }
0x56: {  	[tilespmem:s22], [sflag:$0x2] =	stream.linear.gather [hbm4b:s16+s2], $0x80, $0x38;
	[tilespmem:$0x4400] =	vst v63  }
0x57: {  	s25 =	spop (v2sf);
	(v2sf) =	vpush v0, $0xD  }
0x58: {  	s16 =	sand.u32 $0x1FFFFFF0, s23  }
0x59: {  	s24 =	rddreg [dreg:$0xc];
	s16 =	sadd.s32 s3, s16;
	s28 =	spop (v2sf)  }
0x5a: {  	(v2sf) =	vpush v0, $0xE;
	[tilespmem:s24], [sflag:$0x2] =	stream.linear.gather [hbm4b:s16+s2], $0x80, $0x38;
	[tilespmem:$0x4400] =	vst v63  }
0x5b: {  	s16 =	sand.u32 $0x1FFFFFF0, s25  }
0x5c: {  	s26 =	rddreg [dreg:$0xd];
	s30 =	spop (v2sf);
	s16 =	sadd.s32 s3, s16  }
0x5d: {  	(v2sf) =	vpush v0, $0xF;
	[tilespmem:s26], [sflag:$0x2] =	stream.linear.gather [hbm4b:s16+s2], $0x80, $0x38;
	[tilespmem:$0x4400] =	vst v63  }
0x5e: {  	s16 =	sand.u32 $0x1FFFFFF0, s28  }
0x5f: {  	s29 =	rddreg [dreg:$0xe];
	s16 =	sadd.s32 s3, s16  }
0x60: {  	[tilespmem:s29], [sflag:$0x2] =	stream.linear.gather [hbm4b:s16+s2], $0x80, $0x38;
	[tilespmem:$0x4400] =	vst v63  }
0x61: {  	s16 =	sand.u32 $0x1FFFFFF0, s30  }
0x62: {  	s31 =	rddreg [dreg:$0xf];
	s16 =	sadd.s32 s3, s16  }
0x63: {  	[tilespmem:s31], [sflag:$0x2] =	stream.linear.gather [hbm4b:s16+s2], $0x80, $0x38;
	[tilespmem:$0x4400] =	vst v63  }
0x64: {  	s17 =	spop (v2sf)  }
0x65: {  	s16 =	sand.u32 $0x1FFFFFF0, s17  }
0x66: {  	s18 =	rddreg [dreg:$0x10];
	s19 =	spop (v2sf);
	s16 =	sadd.s32 s3, s16  }
0x67: {  	[tilespmem:s18], [sflag:$0x2] =	stream.linear.gather [hbm4b:s16+s2], $0x80, $0x38;
	[tilespmem:$0x4400] =	vst v63  }
0x68: {  	s16 =	sand.u32 $0x1FFFFFF0, s19  }
0x69: {  	s20 =	rddreg [dreg:$0x11];
	s21 =	spop (v2sf);
	s16 =	sadd.s32 s3, s16  }
0x6a: {  	[tilespmem:s20], [sflag:$0x2] =	stream.linear.gather [hbm4b:s16+s2], $0x80, $0x38;
	[tilespmem:$0x4400] =	vst v63  }
0x6b: {  	s16 =	sand.u32 $0x1FFFFFF0, s21  }
0x6c: {  	s22 =	rddreg [dreg:$0x12];
	s23 =	spop (v2sf);
	s16 =	sadd.s32 s3, s16  }
0x6d: {  	[tilespmem:s22], [sflag:$0x2] =	stream.linear.gather [hbm4b:s16+s2], $0x80, $0x38;
	[tilespmem:$0x4400] =	vst v63  }
0x6e: {  	s16 =	sand.u32 $0x1FFFFFF0, s23  }
0x6f: {  	s24 =	rddreg [dreg:$0x13];
	s16 =	sadd.s32 s3, s16  }
0x70: {  	[tilespmem:s24], [sflag:$0x2] =	stream.linear.gather [hbm4b:s16+s2], $0x80, $0x38;
	[tilespmem:$0x4400] =	vst v63  }
0x71: {  	v55 =	vld [tilespmem:s15+$0x10];
	_ =	sdelay $0x4  }
0x72: {  	v0 =	vshll.u32 v55, $0x4  }
0x73: {  	(v2sf) =	vpush v0, $0x0;
	_ =	sdelay $0x3  }
0x74: {  	(v2sf) =	vpush v0, $0x1;
	_ =	sdelay $0x2  }
0x75: {  	(v2sf) =	vpush v0, $0x2;
	_ =	sdelay $0x2  }
0x76: {  	(v2sf) =	vpush v0, $0x3;
	_ =	sdelay $0x4  }
0x77: {  	s25 =	spop (v2sf);
	(v2sf) =	vpush v0, $0x4;
	_ =	sdelay $0x2  }
0x78: {  	s15 =	sand.u32 $0x1FFFFFF0, s25  }
0x79: {  	s26 =	rddreg [dreg:$0x14];
	s28 =	spop (v2sf);
	s15 =	sadd.s32 s3, s15  }
0x7a: {  	[tilespmem:s26], [sflag:$0x2] =	stream.linear.gather [hbm4b:s15+s2], $0x80, $0x38;
	[tilespmem:$0x4400] =	vst v63  }
0x7b: {  	s15 =	sand.u32 $0x1FFFFFF0, s28  }
0x7c: {  	s29 =	rddreg [dreg:$0x15];
	s30 =	spop (v2sf);
	s15 =	sadd.s32 s3, s15  }
0x7d: {  	[tilespmem:s29], [sflag:$0x2] =	stream.linear.gather [hbm4b:s15+s2], $0x80, $0x38;
	[tilespmem:$0x4400] =	vst v63  }
0x7e: {  	s15 =	sand.u32 $0x1FFFFFF0, s30  }
0x7f: {  	s31 =	rddreg [dreg:$0x16];
	s16 =	spop (v2sf);
	s15 =	sadd.s32 s3, s15  }
0x80: {  	[tilespmem:s31], [sflag:$0x2] =	stream.linear.gather [hbm4b:s15+s2], $0x80, $0x38;
	[tilespmem:$0x4400] =	vst v63  }
0x81: {  	s15 =	sand.u32 $0x1FFFFFF0, s16  }
0x82: {  	s17 =	rddreg [dreg:$0x17];
	s15 =	sadd.s32 s3, s15  }
0x83: {  	[tilespmem:s17], [sflag:$0x2] =	stream.linear.gather [hbm4b:s15+s2], $0x80, $0x38;
	[tilespmem:$0x4400] =	vst v63  }
0x84: {  	s15 =	spop (v2sf)  }
0x85: {  	(v2sf) =	vpush v0, $0x5;
	_ =	sdelay $0x1  }
0x86: {  	(v2sf) =	vpush v0, $0x6;
	_ =	sdelay $0x1  }
0x87: {  	(v2sf) =	vpush v0, $0x7;
	_ =	sdelay $0x4  }
0x88: {  	(v2sf) =	vpush v0, $0x8;
	_ =	sdelay $0x5  }
0x89: {  	s19 =	spop (v2sf);
	(v2sf) =	vpush v0, $0x9  }
0x8a: {  	s15 =	sand.u32 $0x1FFFFFF0, s15  }
0x8b: {  	s18 =	rddreg [dreg:$0x18];
	s15 =	sadd.s32 s3, s15;
	s21 =	spop (v2sf);
	(v2sf) =	vpush v0, $0xA  }
0x8c: {  	[tilespmem:s18], [sflag:$0x2] =	stream.linear.gather [hbm4b:s15+s2], $0x80, $0x38;
	[tilespmem:$0x4400] =	vst v63  }
0x8d: {  	s23 =	spop (v2sf);
	(v2sf) =	vpush v0, $0xB  }
0x8e: {  	s15 =	sand.u32 $0x1FFFFFF0, s19  }
0x8f: {  	s20 =	rddreg [dreg:$0x19];
	s15 =	sadd.s32 s3, s15  }
0x90: {  	[tilespmem:s20], [sflag:$0x2] =	stream.linear.gather [hbm4b:s15+s2], $0x80, $0x38;
	[tilespmem:$0x4400] =	vst v63  }
0x91: {  	s15 =	sand.u32 $0x1FFFFFF0, s21  }
0x92: {  	s22 =	rddreg [dreg:$0x1a];
	s25 =	spop (v2sf);
	s15 =	sadd.s32 s3, s15  }
0x93: {  	(v2sf) =	vpush v0, $0xC;
	[tilespmem:s22], [sflag:$0x2] =	stream.linear.gather [hbm4b:s15+s2], $0x80, $0x38;
	[tilespmem:$0x4400] =	vst v63  }
0x94: {  	s15 =	sand.u32 $0x1FFFFFF0, s23  }
0x95: {  	s24 =	rddreg [dreg:$0x1b];
	s15 =	sadd.s32 s3, s15  }
0x96: {  	[tilespmem:s24], [sflag:$0x2] =	stream.linear.gather [hbm4b:s15+s2], $0x80, $0x38;
	[tilespmem:$0x4400] =	vst v63  }
0x97: {  	s15 =	sand.u32 $0x1FFFFFF0, s25  }
0x98: {  	s26 =	rddreg [dreg:$0x1c];
	s15 =	sadd.s32 s3, s15;
	s28 =	spop (v2sf);
	(v2sf) =	vpush v0, $0xD  }
0x99: {  	[tilespmem:s26], [sflag:$0x2] =	stream.linear.gather [hbm4b:s15+s2], $0x80, $0x38;
	[tilespmem:$0x4400] =	vst v63  }
0x9a: {  	s30 =	spop (v2sf);
	(v2sf) =	vpush v0, $0xE  }
0x9b: {  	s15 =	sand.u32 $0x1FFFFFF0, s28  }
0x9c: {  	s29 =	rddreg [dreg:$0x1d];
	s15 =	sadd.s32 s3, s15;
	s17 =	spop (v2sf)  }
0x9d: {  	(v2sf) =	vpush v0, $0xF;
	[tilespmem:s29], [sflag:$0x2] =	stream.linear.gather [hbm4b:s15+s2], $0x80, $0x38;
	[tilespmem:$0x4400] =	vst v63  }
0x9e: {  	s15 =	sand.u32 $0x1FFFFFF0, s30  }
0x9f: {  	s31 =	rddreg [dreg:$0x1e];
	s15 =	sadd.s32 s3, s15  }
0xa0: {  	[tilespmem:s31], [sflag:$0x2] =	stream.linear.gather [hbm4b:s15+s2], $0x80, $0x38;
	[tilespmem:$0x4400] =	vst v63  }
0xa1: {  	s18 =	rddreg [dreg:$0x1f];
	s15 =	sand.u32 $0x1FFFFFF0, s17  }
0xa2: {  	s20 =	sld [smem:$0x7F9];
	s19 =	spop (v2sf);
	s15 =	sadd.s32 s3, s15  }
0xa3: {  	[tilespmem:s18], [sflag:$0x2] =	stream.linear.gather [hbm4b:s15+s2], $0x80, $0x38;
	[tilespmem:$0x4400] =	vst v63  }
0xa4: {  	s15 =	sand.u32 $0x1FFFFFF0, s19  }
0xa5: {  	s15 =	sadd.s32 s3, s15  }
0xa6: {  	[tilespmem:s20], [sflag:$0x2] =	stream.linear.gather [hbm4b:s15+s2], $0x80, $0x38;
	[tilespmem:$0x4400] =	vst v63  }
0xa7: {  	s22 =	sld [smem:$0x7FA];
	s21 =	spop (v2sf)  }
0xa8: {  	s15 =	sand.u32 $0x1FFFFFF0, s21  }
0xa9: {  	s24 =	sld [smem:$0x7FB];
	s23 =	spop (v2sf);
	s15 =	sadd.s32 s3, s15  }
0xaa: {  	[tilespmem:s22], [sflag:$0x2] =	stream.linear.gather [hbm4b:s15+s2], $0x80, $0x38;
	[tilespmem:$0x4400] =	vst v63  }
0xab: {  	s15 =	sand.u32 $0x1FFFFFF0, s23  }
0xac: {  	s26 =	sld [smem:$0x7FC];
	s25 =	spop (v2sf);
	s15 =	sadd.s32 s3, s15  }
0xad: {  	[tilespmem:s24], [sflag:$0x2] =	stream.linear.gather [hbm4b:s15+s2], $0x80, $0x38;
	[tilespmem:$0x4400] =	vst v63  }
0xae: {  	s15 =	sand.u32 $0x1FFFFFF0, s25  }
0xaf: {  	s15 =	sadd.s32 s3, s15  }
0xb0: {  	[tilespmem:s26], [sflag:$0x2] =	stream.linear.gather [hbm4b:s15+s2], $0x80, $0x38;
	[tilespmem:$0x4400] =	vst v63  }
0xb1: {  	_ =	swait.ge [sflag:s9], $0x80  }
0xb2: {  	[sflag:s9] =	ssyncset.done $0x0  }
0xb3: {  	[sflag:s9] =	ssyncadd.s32 $0xFFFFFF80  }
0xb4: {  	_ =	swait.ge [sflag:s9], $0x80  }
0xb5: {  	[sflag:s9] =	ssyncset.done $0x0  }
0xb6: {  	[sflag:s9] =	ssyncadd.s32 $0xFFFFFF80  }
0xb7: {  	_ =	swait.ge [sflag:s9], $0x80  }
0xb8: {  	[sflag:s9] =	ssyncset.done $0x0  }
0xb9: {  	[sflag:s9] =	ssyncadd.s32 $0xFFFFFF80  }
0xba: {  	_ =	swait.ge [sflag:s9], $0x80  }
0xbb: {  	[sflag:s9] =	ssyncset.done $0x0  }
0xbc: {  	[sflag:s9] =	ssyncadd.s32 $0xFFFFFF80  }
0xbd: {  	_ =	swait.ge [sflag:s9], $0x80  }
0xbe: {  	[sflag:s9] =	ssyncset.done $0x0  }
0xbf: {  	[sflag:s9] =	ssyncadd.s32 $0xFFFFFF80  }
0xc0: {  	_ =	swait.ge [sflag:s9], $0x80  }
0xc1: {  	[sflag:s9] =	ssyncset.done $0x0  }
0xc2: {  	[sflag:s9] =	ssyncadd.s32 $0xFFFFFF80  }
0xc3: {  	_ =	swait.ge [sflag:s9], $0x80  }
0xc4: {  	[sflag:s9] =	ssyncset.done $0x0  }
0xc5: {  	[sflag:s9] =	ssyncadd.s32 $0xFFFFFF80  }
0xc6: {  	_ =	swait.ge [sflag:s9], $0x80  }
0xc7: {  	[sflag:s9] =	ssyncset.done $0x0  }
0xc8: {  	[sflag:s9] =	ssyncadd.s32 $0xFFFFFF80  }
0xc9: {  	_ =	swait.ge [sflag:s9], $0x80  }
0xca: {  	[sflag:s9] =	ssyncset.done $0x0  }
0xcb: {  	[sflag:s9] =	ssyncadd.s32 $0xFFFFFF80  }
0xcc: {  	_ =	swait.ge [sflag:s9], $0x80  }
0xcd: {  	[sflag:s9] =	ssyncset.done $0x0  }
0xce: {  	[sflag:s9] =	ssyncadd.s32 $0xFFFFFF80  }
0xcf: {  	_ =	swait.ge [sflag:s9], $0x80  }
0xd0: {  	[sflag:s9] =	ssyncset.done $0x0  }
0xd1: {  	[sflag:s9] =	ssyncadd.s32 $0xFFFFFF80  }
0xd2: {  	_ =	swait.ge [sflag:s9], $0x80  }
0xd3: {  	[sflag:s9] =	ssyncset.done $0x0  }
0xd4: {  	[sflag:s9] =	ssyncadd.s32 $0xFFFFFF80  }
0xd5: {  	_ =	swait.ge [sflag:s9], $0x80  }
0xd6: {  	[sflag:s9] =	ssyncset.done $0x0  }
0xd7: {  	[sflag:s9] =	ssyncadd.s32 $0xFFFFFF80  }
0xd8: {  	_ =	swait.ge [sflag:s9], $0x80  }
0xd9: {  	[sflag:s9] =	ssyncset.done $0x0  }
0xda: {  	[sflag:s9] =	ssyncadd.s32 $0xFFFFFF80  }
0xdb: {  	_ =	swait.ge [sflag:s9], $0x80  }
0xdc: {  	[sflag:s9] =	ssyncset.done $0x0  }
0xdd: {  	[sflag:s9] =	ssyncadd.s32 $0xFFFFFF80  }
0xde: {  	_ =	swait.ge [sflag:s9], $0x80  }
0xdf: {  	[sflag:s9] =	ssyncset.done $0x0  }
0xe0: {  	[sflag:s9] =	ssyncadd.s32 $0xFFFFFF80  }
0xe1: {  	_ =	swait.ge [sflag:s9], $0x80  }
0xe2: {  	[sflag:s9] =	ssyncset.done $0x0  }
0xe3: {  	[sflag:s9] =	ssyncadd.s32 $0xFFFFFF80  }
0xe4: {  	_ =	swait.ge [sflag:s9], $0x80  }
0xe5: {  	[sflag:s9] =	ssyncset.done $0x0  }
0xe6: {  	[sflag:s9] =	ssyncadd.s32 $0xFFFFFF80  }
0xe7: {  	_ =	swait.ge [sflag:s9], $0x80  }
0xe8: {  	[sflag:s9] =	ssyncset.done $0x0  }
0xe9: {  	[sflag:s9] =	ssyncadd.s32 $0xFFFFFF80  }
0xea: {  	_ =	swait.ge [sflag:s9], $0x80  }
0xeb: {  	[sflag:s9] =	ssyncset.done $0x0  }
0xec: {  	[sflag:s9] =	ssyncadd.s32 $0xFFFFFF80  }
0xed: {  	_ =	swait.ge [sflag:s9], $0x80  }
0xee: {  	[sflag:s9] =	ssyncset.done $0x0  }
0xef: {  	[sflag:s9] =	ssyncadd.s32 $0xFFFFFF80  }
0xf0: {  	_ =	swait.ge [sflag:s9], $0x80  }
0xf1: {  	[sflag:s9] =	ssyncset.done $0x0  }
0xf2: {  	[sflag:s9] =	ssyncadd.s32 $0xFFFFFF80  }
0xf3: {  	_ =	swait.ge [sflag:s9], $0x80  }
0xf4: {  	[sflag:s9] =	ssyncset.done $0x0  }
0xf5: {  	[sflag:s9] =	ssyncadd.s32 $0xFFFFFF80  }
0xf6: {  	_ =	swait.ge [sflag:s9], $0x80  }
0xf7: {  	[sflag:s9] =	ssyncset.done $0x0  }
0xf8: {  	[sflag:s9] =	ssyncadd.s32 $0xFFFFFF80  }
0xf9: {  	_ =	swait.ge [sflag:s9], $0x80  }
0xfa: {  	[sflag:s9] =	ssyncset.done $0x0  }
0xfb: {  	[sflag:s9] =	ssyncadd.s32 $0xFFFFFF80  }
0xfc: {  	_ =	swait.ge [sflag:s9], $0x80  }
0xfd: {  	[sflag:s9] =	ssyncset.done $0x0  }
0xfe: {  	[sflag:s9] =	ssyncadd.s32 $0xFFFFFF80  }
0xff: {  	_ =	swait.ge [sflag:s9], $0x80  }
0x100: {  	[sflag:s9] =	ssyncset.done $0x0  }
0x101: {  	[sflag:s9] =	ssyncadd.s32 $0xFFFFFF80  }
0x102: {  	_ =	swait.ge [sflag:s9], $0x80  }
0x103: {  	[sflag:s9] =	ssyncset.done $0x0  }
0x104: {  	[sflag:s9] =	ssyncadd.s32 $0xFFFFFF80  }
0x105: {  	_ =	swait.ge [sflag:s9], $0x80  }
0x106: {  	[sflag:s9] =	ssyncset.done $0x0  }
0x107: {  	[sflag:s9] =	ssyncadd.s32 $0xFFFFFF80  }
0x108: {  	_ =	swait.ge [sflag:s9], $0x80  }
0x109: {  	[sflag:s9] =	ssyncset.done $0x0  }
0x10a: {  	[sflag:s9] =	ssyncadd.s32 $0xFFFFFF80  }
0x10b: {  	_ =	swait.ge [sflag:s9], $0x80  }
0x10c: {  	[sflag:s9] =	ssyncset.done $0x0  }
0x10d: {  	[sflag:s9] =	ssyncadd.s32 $0xFFFFFF80  }
0x10e: {  	_ =	swait.ge [sflag:s9], $0x80  }
0x10f: {  	[sflag:s9] =	ssyncset.done $0x0  }
0x110: {  	[sflag:s9] =	ssyncadd.s32 $0xFFFFFF80  }
0x111: {  	s28 =	sand.u32 $0x1, s14;
	v56 =	vld [tilespmem:$0x400]  }
0x112: {  	s29 =	sshll.u32 s28, $0xC  }
0x113: {  	v1 =	vld [tilespmem:s29+$0x2400];
	_ =	sdelay $0x2  }
0x114: {  	v0 =	vmul.f32 $8.000000000e+00, v56;
	_ =	sdelay $0x1  }
0x115: {  	v0 =	vadd.f32 v1, v0  }
0x116: {  	v57 =	vld [tilespmem:$0x410]  }
0x117: {  	[tilespmem:$0x1400] =	vst v0  }
0x118: {  	v0 =	vld [tilespmem:s29+$0x2410];
	_ =	sdelay $0x2  }
0x119: {  	v1 =	vmul.f32 $8.000000000e+00, v57;
	_ =	sdelay $0x1  }
0x11a: {  	v0 =	vadd.f32 v0, v1  }
0x11b: {  	v58 =	vld [tilespmem:$0x420]  }
0x11c: {  	[tilespmem:$0x1410] =	vst v0  }
0x11d: {  	v0 =	vld [tilespmem:s29+$0x2420];
	_ =	sdelay $0x2  }
0x11e: {  	v1 =	vmul.f32 $8.000000000e+00, v58;
	_ =	sdelay $0x1  }
0x11f: {  	v0 =	vadd.f32 v0, v1  }
0x120: {  	v59 =	vld [tilespmem:$0x430]  }
0x121: {  	[tilespmem:$0x1420] =	vst v0  }
0x122: {  	v0 =	vld [tilespmem:s29+$0x2430];
	_ =	sdelay $0x2  }
0x123: {  	v1 =	vmul.f32 $8.000000000e+00, v59;
	_ =	sdelay $0x1  }
0x124: {  	v0 =	vadd.f32 v0, v1  }
0x125: {  	v60 =	vld [tilespmem:$0x480]  }
0x126: {  	[tilespmem:$0x1430] =	vst v0  }
0x127: {  	v0 =	vld [tilespmem:s29+$0x2480];
	_ =	sdelay $0x2  }
0x128: {  	v1 =	vmul.f32 $8.000000000e+00, v60;
	_ =	sdelay $0x1  }
0x129: {  	v0 =	vadd.f32 v0, v1  }
0x12a: {  	v61 =	vld [tilespmem:$0x490]  }
0x12b: {  	[tilespmem:$0x1480] =	vst v0  }
0x12c: {  	v0 =	vld [tilespmem:s29+$0x2490];
	_ =	sdelay $0x2  }
0x12d: {  	v1 =	vmul.f32 $8.000000000e+00, v61;
	_ =	sdelay $0x1  }
0x12e: {  	v0 =	vadd.f32 v0, v1  }
0x12f: {  	v62 =	vld [tilespmem:$0x4A0]  }
0x130: {  	[tilespmem:$0x1490] =	vst v0  }
0x131: {  	v0 =	vld [tilespmem:s29+$0x24A0];
	_ =	sdelay $0x2  }
0x132: {  	v1 =	vmul.f32 $8.000000000e+00, v62;
	_ =	sdelay $0x1  }
0x133: {  	v0 =	vadd.f32 v0, v1  }
0x134: {  	v63 =	vld [tilespmem:$0x4B0]  }
0x135: {  	[tilespmem:$0x14A0] =	vst v0  }
0x136: {  	v0 =	vld [tilespmem:s29+$0x24B0];
	_ =	sdelay $0x2  }
0x137: {  	v1 =	vmul.f32 $8.000000000e+00, v63;
	_ =	sdelay $0x1  }
0x138: {  	v0 =	vadd.f32 v0, v1  }
0x139: {  	v4 =	vld [tilespmem:$0x500]  }
0x13a: {  	[tilespmem:$0x14B0] =	vst v0  }
0x13b: {  	v0 =	vld [tilespmem:s29+$0x2500];
	_ =	sdelay $0x2  }
0x13c: {  	v1 =	vmul.f32 $8.000000000e+00, v4;
	_ =	sdelay $0x1  }
0x13d: {  	v0 =	vadd.f32 v0, v1  }
0x13e: {  	v5 =	vld [tilespmem:$0x510]  }
0x13f: {  	[tilespmem:$0x1500] =	vst v0  }
0x140: {  	v0 =	vld [tilespmem:s29+$0x2510];
	_ =	sdelay $0x2  }
0x141: {  	v1 =	vmul.f32 $8.000000000e+00, v5;
	_ =	sdelay $0x1  }
0x142: {  	v0 =	vadd.f32 v0, v1  }
0x143: {  	v6 =	vld [tilespmem:$0x520]  }
0x144: {  	[tilespmem:$0x1510] =	vst v0  }
0x145: {  	v0 =	vld [tilespmem:s29+$0x2520];
	_ =	sdelay $0x2  }
0x146: {  	v1 =	vmul.f32 $8.000000000e+00, v6;
	_ =	sdelay $0x1  }
0x147: {  	v0 =	vadd.f32 v0, v1  }
0x148: {  	v7 =	vld [tilespmem:$0x530]  }
0x149: {  	[tilespmem:$0x1520] =	vst v0  }
0x14a: {  	v0 =	vld [tilespmem:s29+$0x2530];
	_ =	sdelay $0x2  }
0x14b: {  	v1 =	vmul.f32 $8.000000000e+00, v7;
	_ =	sdelay $0x1  }
0x14c: {  	v0 =	vadd.f32 v0, v1  }
0x14d: {  	v8 =	vld [tilespmem:$0x580]  }
0x14e: {  	[tilespmem:$0x1530] =	vst v0  }
0x14f: {  	v0 =	vld [tilespmem:s29+$0x2580];
	_ =	sdelay $0x2  }
0x150: {  	v1 =	vmul.f32 $8.000000000e+00, v8;
	_ =	sdelay $0x1  }
0x151: {  	v0 =	vadd.f32 v0, v1  }
0x152: {  	v9 =	vld [tilespmem:$0x590]  }
0x153: {  	[tilespmem:$0x1580] =	vst v0  }
0x154: {  	v0 =	vld [tilespmem:s29+$0x2590];
	_ =	sdelay $0x2  }
0x155: {  	v1 =	vmul.f32 $8.000000000e+00, v9;
	_ =	sdelay $0x1  }
0x156: {  	v0 =	vadd.f32 v0, v1  }
0x157: {  	v10 =	vld [tilespmem:$0x5A0]  }
0x158: {  	[tilespmem:$0x1590] =	vst v0  }
0x159: {  	v0 =	vld [tilespmem:s29+$0x25A0];
	_ =	sdelay $0x2  }
0x15a: {  	v1 =	vmul.f32 $8.000000000e+00, v10;
	_ =	sdelay $0x1  }
0x15b: {  	v0 =	vadd.f32 v0, v1  }
0x15c: {  	v11 =	vld [tilespmem:$0x5B0]  }
0x15d: {  	[tilespmem:$0x15A0] =	vst v0  }
0x15e: {  	v0 =	vld [tilespmem:s29+$0x25B0];
	_ =	sdelay $0x2  }
0x15f: {  	v1 =	vmul.f32 $8.000000000e+00, v11;
	_ =	sdelay $0x1  }
0x160: {  	v0 =	vadd.f32 v0, v1  }
0x161: {  	v12 =	vld [tilespmem:$0x600]  }
0x162: {  	[tilespmem:$0x15B0] =	vst v0  }
0x163: {  	v0 =	vld [tilespmem:s29+$0x2600];
	_ =	sdelay $0x2  }
0x164: {  	v1 =	vmul.f32 $8.000000000e+00, v12;
	_ =	sdelay $0x1  }
0x165: {  	v0 =	vadd.f32 v0, v1  }
0x166: {  	v13 =	vld [tilespmem:$0x610]  }
0x167: {  	[tilespmem:$0x1600] =	vst v0  }
0x168: {  	v0 =	vld [tilespmem:s29+$0x2610];
	_ =	sdelay $0x2  }
0x169: {  	v1 =	vmul.f32 $8.000000000e+00, v13;
	_ =	sdelay $0x1  }
0x16a: {  	v0 =	vadd.f32 v0, v1  }
0x16b: {  	v14 =	vld [tilespmem:$0x620]  }
0x16c: {  	[tilespmem:$0x1610] =	vst v0  }
0x16d: {  	v0 =	vld [tilespmem:s29+$0x2620];
	_ =	sdelay $0x2  }
0x16e: {  	v1 =	vmul.f32 $8.000000000e+00, v14;
	_ =	sdelay $0x1  }
0x16f: {  	v0 =	vadd.f32 v0, v1  }
0x170: {  	v15 =	vld [tilespmem:$0x630]  }
0x171: {  	[tilespmem:$0x1620] =	vst v0  }
0x172: {  	v0 =	vld [tilespmem:s29+$0x2630];
	_ =	sdelay $0x2  }
0x173: {  	v1 =	vmul.f32 $8.000000000e+00, v15;
	_ =	sdelay $0x1  }
0x174: {  	v0 =	vadd.f32 v0, v1  }
0x175: {  	v16 =	vld [tilespmem:$0x680]  }
0x176: {  	[tilespmem:$0x1630] =	vst v0  }
0x177: {  	v0 =	vld [tilespmem:s29+$0x2680];
	_ =	sdelay $0x2  }
0x178: {  	v1 =	vmul.f32 $8.000000000e+00, v16;
	_ =	sdelay $0x1  }
0x179: {  	v0 =	vadd.f32 v0, v1  }
0x17a: {  	v17 =	vld [tilespmem:$0x690]  }
0x17b: {  	[tilespmem:$0x1680] =	vst v0  }
0x17c: {  	v0 =	vld [tilespmem:s29+$0x2690];
	_ =	sdelay $0x2  }
0x17d: {  	v1 =	vmul.f32 $8.000000000e+00, v17;
	_ =	sdelay $0x1  }
0x17e: {  	v0 =	vadd.f32 v0, v1  }
0x17f: {  	v18 =	vld [tilespmem:$0x6A0]  }
0x180: {  	[tilespmem:$0x1690] =	vst v0  }
0x181: {  	v0 =	vld [tilespmem:s29+$0x26A0];
	_ =	sdelay $0x2  }
0x182: {  	v1 =	vmul.f32 $8.000000000e+00, v18;
	_ =	sdelay $0x1  }
0x183: {  	v0 =	vadd.f32 v0, v1  }
0x184: {  	v19 =	vld [tilespmem:$0x6B0]  }
0x185: {  	[tilespmem:$0x16A0] =	vst v0  }
0x186: {  	v0 =	vld [tilespmem:s29+$0x26B0];
	_ =	sdelay $0x2  }
0x187: {  	v1 =	vmul.f32 $8.000000000e+00, v19;
	_ =	sdelay $0x1  }
0x188: {  	v0 =	vadd.f32 v0, v1  }
0x189: {  	v20 =	vld [tilespmem:$0x700]  }
0x18a: {  	[tilespmem:$0x16B0] =	vst v0  }
0x18b: {  	v0 =	vld [tilespmem:s29+$0x2700];
	_ =	sdelay $0x2  }
0x18c: {  	v1 =	vmul.f32 $8.000000000e+00, v20;
	_ =	sdelay $0x1  }
0x18d: {  	v0 =	vadd.f32 v0, v1  }
0x18e: {  	v21 =	vld [tilespmem:$0x710]  }
0x18f: {  	[tilespmem:$0x1700] =	vst v0  }
0x190: {  	v0 =	vld [tilespmem:s29+$0x2710];
	_ =	sdelay $0x2  }
0x191: {  	v1 =	vmul.f32 $8.000000000e+00, v21;
	_ =	sdelay $0x1  }
0x192: {  	v0 =	vadd.f32 v0, v1  }
0x193: {  	v22 =	vld [tilespmem:$0x720]  }
0x194: {  	[tilespmem:$0x1710] =	vst v0  }
0x195: {  	v0 =	vld [tilespmem:s29+$0x2720];
	_ =	sdelay $0x2  }
0x196: {  	v1 =	vmul.f32 $8.000000000e+00, v22;
	_ =	sdelay $0x1  }
0x197: {  	v0 =	vadd.f32 v0, v1  }
0x198: {  	v23 =	vld [tilespmem:$0x730]  }
0x199: {  	[tilespmem:$0x1720] =	vst v0  }
0x19a: {  	v0 =	vld [tilespmem:s29+$0x2730];
	_ =	sdelay $0x2  }
0x19b: {  	v1 =	vmul.f32 $8.000000000e+00, v23;
	_ =	sdelay $0x1  }
0x19c: {  	v0 =	vadd.f32 v0, v1  }
0x19d: {  	v24 =	vld [tilespmem:$0x780]  }
0x19e: {  	[tilespmem:$0x1730] =	vst v0  }
0x19f: {  	v0 =	vld [tilespmem:s29+$0x2780];
	_ =	sdelay $0x2  }
0x1a0: {  	v1 =	vmul.f32 $8.000000000e+00, v24;
	_ =	sdelay $0x1  }
0x1a1: {  	v0 =	vadd.f32 v0, v1  }
0x1a2: {  	v25 =	vld [tilespmem:$0x790]  }
0x1a3: {  	[tilespmem:$0x1780] =	vst v0  }
0x1a4: {  	v0 =	vld [tilespmem:s29+$0x2790];
	_ =	sdelay $0x2  }
0x1a5: {  	v1 =	vmul.f32 $8.000000000e+00, v25;
	_ =	sdelay $0x1  }
0x1a6: {  	v0 =	vadd.f32 v0, v1  }
0x1a7: {  	v26 =	vld [tilespmem:$0x7A0]  }
0x1a8: {  	[tilespmem:$0x1790] =	vst v0  }
0x1a9: {  	v0 =	vld [tilespmem:s29+$0x27A0];
	_ =	sdelay $0x2  }
0x1aa: {  	v1 =	vmul.f32 $8.000000000e+00, v26;
	_ =	sdelay $0x1  }
0x1ab: {  	v0 =	vadd.f32 v0, v1  }
0x1ac: {  	v27 =	vld [tilespmem:$0x7B0]  }
0x1ad: {  	[tilespmem:$0x17A0] =	vst v0  }
0x1ae: {  	v0 =	vld [tilespmem:s29+$0x27B0];
	_ =	sdelay $0x2  }
0x1af: {  	v1 =	vmul.f32 $8.000000000e+00, v27;
	_ =	sdelay $0x1  }
0x1b0: {  	v0 =	vadd.f32 v0, v1  }
0x1b1: {  	v28 =	vld [tilespmem:$0x800]  }
0x1b2: {  	[tilespmem:$0x17B0] =	vst v0  }
0x1b3: {  	v0 =	vld [tilespmem:s29+$0x2800];
	_ =	sdelay $0x2  }
0x1b4: {  	v1 =	vmul.f32 $8.000000000e+00, v28;
	_ =	sdelay $0x1  }
0x1b5: {  	v0 =	vadd.f32 v0, v1  }
0x1b6: {  	v29 =	vld [tilespmem:$0x810]  }
0x1b7: {  	[tilespmem:$0x1800] =	vst v0  }
0x1b8: {  	v0 =	vld [tilespmem:s29+$0x2810];
	_ =	sdelay $0x2  }
0x1b9: {  	v1 =	vmul.f32 $8.000000000e+00, v29;
	_ =	sdelay $0x1  }
0x1ba: {  	v0 =	vadd.f32 v0, v1  }
0x1bb: {  	v30 =	vld [tilespmem:$0x820]  }
0x1bc: {  	[tilespmem:$0x1810] =	vst v0  }
0x1bd: {  	v0 =	vld [tilespmem:s29+$0x2820];
	_ =	sdelay $0x2  }
0x1be: {  	v1 =	vmul.f32 $8.000000000e+00, v30;
	_ =	sdelay $0x1  }
0x1bf: {  	v0 =	vadd.f32 v0, v1  }
0x1c0: {  	v31 =	vld [tilespmem:$0x830]  }
0x1c1: {  	[tilespmem:$0x1820] =	vst v0  }
0x1c2: {  	v0 =	vld [tilespmem:s29+$0x2830];
	_ =	sdelay $0x2  }
0x1c3: {  	v1 =	vmul.f32 $8.000000000e+00, v31;
	_ =	sdelay $0x1  }
0x1c4: {  	v0 =	vadd.f32 v0, v1  }
0x1c5: {  	v32 =	vld [tilespmem:$0x880]  }
0x1c6: {  	[tilespmem:$0x1830] =	vst v0  }
0x1c7: {  	v0 =	vld [tilespmem:s29+$0x2880];
	_ =	sdelay $0x2  }
0x1c8: {  	v1 =	vmul.f32 $8.000000000e+00, v32;
	_ =	sdelay $0x1  }
0x1c9: {  	v0 =	vadd.f32 v0, v1  }
0x1ca: {  	v33 =	vld [tilespmem:$0x890]  }
0x1cb: {  	[tilespmem:$0x1880] =	vst v0  }
0x1cc: {  	v0 =	vld [tilespmem:s29+$0x2890];
	_ =	sdelay $0x2  }
0x1cd: {  	v1 =	vmul.f32 $8.000000000e+00, v33;
	_ =	sdelay $0x1  }
0x1ce: {  	v0 =	vadd.f32 v0, v1  }
0x1cf: {  	v34 =	vld [tilespmem:$0x8A0]  }
0x1d0: {  	[tilespmem:$0x1890] =	vst v0  }
0x1d1: {  	v0 =	vld [tilespmem:s29+$0x28A0];
	_ =	sdelay $0x2  }
0x1d2: {  	v1 =	vmul.f32 $8.000000000e+00, v34;
	_ =	sdelay $0x1  }
0x1d3: {  	v0 =	vadd.f32 v0, v1  }
0x1d4: {  	v35 =	vld [tilespmem:$0x8B0]  }
0x1d5: {  	[tilespmem:$0x18A0] =	vst v0  }
0x1d6: {  	v0 =	vld [tilespmem:s29+$0x28B0];
	_ =	sdelay $0x2  }
0x1d7: {  	v1 =	vmul.f32 $8.000000000e+00, v35;
	_ =	sdelay $0x1  }
0x1d8: {  	v0 =	vadd.f32 v0, v1  }
0x1d9: {  	v36 =	vld [tilespmem:$0x900]  }
0x1da: {  	[tilespmem:$0x18B0] =	vst v0  }
0x1db: {  	v0 =	vld [tilespmem:s29+$0x2900];
	_ =	sdelay $0x2  }
0x1dc: {  	v1 =	vmul.f32 $8.000000000e+00, v36;
	_ =	sdelay $0x1  }
0x1dd: {  	v0 =	vadd.f32 v0, v1  }
0x1de: {  	v37 =	vld [tilespmem:$0x910]  }
0x1df: {  	[tilespmem:$0x1900] =	vst v0  }
0x1e0: {  	v0 =	vld [tilespmem:s29+$0x2910];
	_ =	sdelay $0x2  }
0x1e1: {  	v1 =	vmul.f32 $8.000000000e+00, v37;
	_ =	sdelay $0x1  }
0x1e2: {  	v0 =	vadd.f32 v0, v1  }
0x1e3: {  	v38 =	vld [tilespmem:$0x920]  }
0x1e4: {  	[tilespmem:$0x1910] =	vst v0  }
0x1e5: {  	v0 =	vld [tilespmem:s29+$0x2920];
	_ =	sdelay $0x2  }
0x1e6: {  	v1 =	vmul.f32 $8.000000000e+00, v38;
	_ =	sdelay $0x1  }
0x1e7: {  	v0 =	vadd.f32 v0, v1  }
0x1e8: {  	v39 =	vld [tilespmem:$0x930]  }
0x1e9: {  	[tilespmem:$0x1920] =	vst v0  }
0x1ea: {  	v0 =	vld [tilespmem:s29+$0x2930];
	_ =	sdelay $0x2  }
0x1eb: {  	v1 =	vmul.f32 $8.000000000e+00, v39;
	_ =	sdelay $0x1  }
0x1ec: {  	v0 =	vadd.f32 v0, v1  }
0x1ed: {  	v40 =	vld [tilespmem:$0x980]  }
0x1ee: {  	[tilespmem:$0x1930] =	vst v0  }
0x1ef: {  	v0 =	vld [tilespmem:s29+$0x2980];
	_ =	sdelay $0x2  }
0x1f0: {  	v1 =	vmul.f32 $8.000000000e+00, v40;
	_ =	sdelay $0x1  }
0x1f1: {  	v0 =	vadd.f32 v0, v1  }
0x1f2: {  	v41 =	vld [tilespmem:$0x990]  }
0x1f3: {  	[tilespmem:$0x1980] =	vst v0  }
0x1f4: {  	v0 =	vld [tilespmem:s29+$0x2990];
	_ =	sdelay $0x2  }
0x1f5: {  	v1 =	vmul.f32 $8.000000000e+00, v41;
	_ =	sdelay $0x1  }
0x1f6: {  	v0 =	vadd.f32 v0, v1  }
0x1f7: {  	v42 =	vld [tilespmem:$0x9A0]  }
0x1f8: {  	[tilespmem:$0x1990] =	vst v0  }
0x1f9: {  	v0 =	vld [tilespmem:s29+$0x29A0];
	_ =	sdelay $0x2  }
0x1fa: {  	v1 =	vmul.f32 $8.000000000e+00, v42;
	_ =	sdelay $0x1  }
0x1fb: {  	v0 =	vadd.f32 v0, v1  }
0x1fc: {  	v43 =	vld [tilespmem:$0x9B0]  }
0x1fd: {  	[tilespmem:$0x19A0] =	vst v0  }
0x1fe: {  	v0 =	vld [tilespmem:s29+$0x29B0];
	_ =	sdelay $0x2  }
0x1ff: {  	v1 =	vmul.f32 $8.000000000e+00, v43;
	_ =	sdelay $0x1  }
0x200: {  	v0 =	vadd.f32 v0, v1  }
0x201: {  	v44 =	vld [tilespmem:$0xA00]  }
0x202: {  	[tilespmem:$0x19B0] =	vst v0  }
0x203: {  	v0 =	vld [tilespmem:s29+$0x2A00];
	_ =	sdelay $0x2  }
0x204: {  	v1 =	vmul.f32 $8.000000000e+00, v44;
	_ =	sdelay $0x1  }
0x205: {  	v0 =	vadd.f32 v0, v1  }
0x206: {  	v45 =	vld [tilespmem:$0xA10]  }
0x207: {  	[tilespmem:$0x1A00] =	vst v0  }
0x208: {  	v0 =	vld [tilespmem:s29+$0x2A10];
	_ =	sdelay $0x2  }
0x209: {  	v1 =	vmul.f32 $8.000000000e+00, v45;
	_ =	sdelay $0x1  }
0x20a: {  	v0 =	vadd.f32 v0, v1  }
0x20b: {  	v46 =	vld [tilespmem:$0xA20]  }
0x20c: {  	[tilespmem:$0x1A10] =	vst v0  }
0x20d: {  	v0 =	vld [tilespmem:s29+$0x2A20];
	_ =	sdelay $0x2  }
0x20e: {  	v1 =	vmul.f32 $8.000000000e+00, v46;
	_ =	sdelay $0x1  }
0x20f: {  	v0 =	vadd.f32 v0, v1  }
0x210: {  	v47 =	vld [tilespmem:$0xA30]  }
0x211: {  	[tilespmem:$0x1A20] =	vst v0  }
0x212: {  	v0 =	vld [tilespmem:s29+$0x2A30];
	_ =	sdelay $0x2  }
0x213: {  	v1 =	vmul.f32 $8.000000000e+00, v47;
	_ =	sdelay $0x1  }
0x214: {  	v0 =	vadd.f32 v0, v1  }
0x215: {  	v48 =	vld [tilespmem:$0xA80]  }
0x216: {  	[tilespmem:$0x1A30] =	vst v0  }
0x217: {  	v0 =	vld [tilespmem:s29+$0x2A80];
	_ =	sdelay $0x2  }
0x218: {  	v1 =	vmul.f32 $8.000000000e+00, v48;
	_ =	sdelay $0x1  }
0x219: {  	v0 =	vadd.f32 v0, v1  }
0x21a: {  	v49 =	vld [tilespmem:$0xA90]  }
0x21b: {  	[tilespmem:$0x1A80] =	vst v0  }
0x21c: {  	v0 =	vld [tilespmem:s29+$0x2A90];
	_ =	sdelay $0x2  }
0x21d: {  	v1 =	vmul.f32 $8.000000000e+00, v49;
	_ =	sdelay $0x1  }
0x21e: {  	v0 =	vadd.f32 v0, v1  }
0x21f: {  	v50 =	vld [tilespmem:$0xAA0]  }
0x220: {  	[tilespmem:$0x1A90] =	vst v0  }
0x221: {  	v0 =	vld [tilespmem:s29+$0x2AA0];
	_ =	sdelay $0x2  }
0x222: {  	v1 =	vmul.f32 $8.000000000e+00, v50;
	_ =	sdelay $0x1  }
0x223: {  	v0 =	vadd.f32 v0, v1  }
0x224: {  	v51 =	vld [tilespmem:$0xAB0]  }
0x225: {  	[tilespmem:$0x1AA0] =	vst v0  }
0x226: {  	v0 =	vld [tilespmem:s29+$0x2AB0];
	_ =	sdelay $0x2  }
0x227: {  	v1 =	vmul.f32 $8.000000000e+00, v51;
	_ =	sdelay $0x1  }
0x228: {  	v0 =	vadd.f32 v0, v1  }
0x229: {  	v52 =	vld [tilespmem:$0xB00]  }
0x22a: {  	[tilespmem:$0x1AB0] =	vst v0  }
0x22b: {  	v0 =	vld [tilespmem:s29+$0x2B00];
	_ =	sdelay $0x2  }
0x22c: {  	v1 =	vmul.f32 $8.000000000e+00, v52;
	_ =	sdelay $0x1  }
0x22d: {  	v0 =	vadd.f32 v0, v1  }
0x22e: {  	v53 =	vld [tilespmem:$0xB10]  }
0x22f: {  	[tilespmem:$0x1B00] =	vst v0  }
0x230: {  	v0 =	vld [tilespmem:s29+$0x2B10];
	_ =	sdelay $0x2  }
0x231: {  	v1 =	vmul.f32 $8.000000000e+00, v53;
	_ =	sdelay $0x1  }
0x232: {  	v0 =	vadd.f32 v0, v1  }
0x233: {  	v54 =	vld [tilespmem:$0xB20]  }
0x234: {  	[tilespmem:$0x1B10] =	vst v0  }
0x235: {  	v0 =	vld [tilespmem:s29+$0x2B20];
	_ =	sdelay $0x2  }
0x236: {  	v1 =	vmul.f32 $8.000000000e+00, v54;
	_ =	sdelay $0x1  }
0x237: {  	v0 =	vadd.f32 v0, v1  }
0x238: {  	v55 =	vld [tilespmem:$0xB30]  }
0x239: {  	[tilespmem:$0x1B20] =	vst v0  }
0x23a: {  	v0 =	vld [tilespmem:s29+$0x2B30];
	_ =	sdelay $0x2  }
0x23b: {  	v1 =	vmul.f32 $8.000000000e+00, v55;
	_ =	sdelay $0x1  }
0x23c: {  	v0 =	vadd.f32 v0, v1  }
0x23d: {  	v56 =	vld [tilespmem:$0xB80]  }
0x23e: {  	[tilespmem:$0x1B30] =	vst v0  }
0x23f: {  	v0 =	vld [tilespmem:s29+$0x2B80];
	_ =	sdelay $0x2  }
0x240: {  	v1 =	vmul.f32 $8.000000000e+00, v56;
	_ =	sdelay $0x1  }
0x241: {  	v0 =	vadd.f32 v0, v1  }
0x242: {  	v57 =	vld [tilespmem:$0xB90]  }
0x243: {  	[tilespmem:$0x1B80] =	vst v0  }
0x244: {  	v0 =	vld [tilespmem:s29+$0x2B90];
	_ =	sdelay $0x2  }
0x245: {  	v1 =	vmul.f32 $8.000000000e+00, v57;
	_ =	sdelay $0x1  }
0x246: {  	v0 =	vadd.f32 v0, v1  }
0x247: {  	v58 =	vld [tilespmem:$0xBA0]  }
0x248: {  	[tilespmem:$0x1B90] =	vst v0  }
0x249: {  	v0 =	vld [tilespmem:s29+$0x2BA0];
	_ =	sdelay $0x2  }
0x24a: {  	v1 =	vmul.f32 $8.000000000e+00, v58;
	_ =	sdelay $0x1  }
0x24b: {  	v0 =	vadd.f32 v0, v1  }
0x24c: {  	v59 =	vld [tilespmem:$0xBB0]  }
0x24d: {  	[tilespmem:$0x1BA0] =	vst v0  }
0x24e: {  	v0 =	vld [tilespmem:s29+$0x2BB0];
	_ =	sdelay $0x2  }
0x24f: {  	v1 =	vmul.f32 $8.000000000e+00, v59;
	_ =	sdelay $0x1  }
0x250: {  	v0 =	vadd.f32 v0, v1  }
0x251: {  	v60 =	vld [tilespmem:$0xC00]  }
0x252: {  	[tilespmem:$0x1BB0] =	vst v0  }
0x253: {  	v0 =	vld [tilespmem:s29+$0x2C00];
	_ =	sdelay $0x2  }
0x254: {  	v1 =	vmul.f32 $8.000000000e+00, v60;
	_ =	sdelay $0x1  }
0x255: {  	v0 =	vadd.f32 v0, v1  }
0x256: {  	v61 =	vld [tilespmem:$0xC10]  }
0x257: {  	[tilespmem:$0x1C00] =	vst v0  }
0x258: {  	v0 =	vld [tilespmem:s29+$0x2C10];
	_ =	sdelay $0x2  }
0x259: {  	v1 =	vmul.f32 $8.000000000e+00, v61;
	_ =	sdelay $0x1  }
0x25a: {  	v0 =	vadd.f32 v0, v1  }
0x25b: {  	v62 =	vld [tilespmem:$0xC20]  }
0x25c: {  	[tilespmem:$0x1C10] =	vst v0  }
0x25d: {  	v0 =	vld [tilespmem:s29+$0x2C20];
	_ =	sdelay $0x2  }
0x25e: {  	v1 =	vmul.f32 $8.000000000e+00, v62;
	_ =	sdelay $0x1  }
0x25f: {  	v0 =	vadd.f32 v0, v1  }
0x260: {  	v63 =	vld [tilespmem:$0xC30]  }
0x261: {  	[tilespmem:$0x1C20] =	vst v0  }
0x262: {  	v0 =	vld [tilespmem:s29+$0x2C30];
	_ =	sdelay $0x2  }
0x263: {  	v1 =	vmul.f32 $8.000000000e+00, v63;
	_ =	sdelay $0x1  }
0x264: {  	v0 =	vadd.f32 v0, v1  }
0x265: {  	v4 =	vld [tilespmem:$0xC80]  }
0x266: {  	[tilespmem:$0x1C30] =	vst v0  }
0x267: {  	v0 =	vld [tilespmem:s29+$0x2C80];
	_ =	sdelay $0x2  }
0x268: {  	v1 =	vmul.f32 $8.000000000e+00, v4;
	_ =	sdelay $0x1  }
0x269: {  	v0 =	vadd.f32 v0, v1  }
0x26a: {  	v5 =	vld [tilespmem:$0xC90]  }
0x26b: {  	[tilespmem:$0x1C80] =	vst v0  }
0x26c: {  	v0 =	vld [tilespmem:s29+$0x2C90];
	_ =	sdelay $0x2  }
0x26d: {  	v1 =	vmul.f32 $8.000000000e+00, v5;
	_ =	sdelay $0x1  }
0x26e: {  	v0 =	vadd.f32 v0, v1  }
0x26f: {  	v6 =	vld [tilespmem:$0xCA0]  }
0x270: {  	[tilespmem:$0x1C90] =	vst v0  }
0x271: {  	v0 =	vld [tilespmem:s29+$0x2CA0];
	_ =	sdelay $0x2  }
0x272: {  	v1 =	vmul.f32 $8.000000000e+00, v6;
	_ =	sdelay $0x1  }
0x273: {  	v0 =	vadd.f32 v0, v1  }
0x274: {  	v7 =	vld [tilespmem:$0xCB0]  }
0x275: {  	[tilespmem:$0x1CA0] =	vst v0  }
0x276: {  	v0 =	vld [tilespmem:s29+$0x2CB0];
	_ =	sdelay $0x2  }
0x277: {  	v1 =	vmul.f32 $8.000000000e+00, v7;
	_ =	sdelay $0x1  }
0x278: {  	v0 =	vadd.f32 v0, v1  }
0x279: {  	v8 =	vld [tilespmem:$0xD00]  }
0x27a: {  	[tilespmem:$0x1CB0] =	vst v0  }
0x27b: {  	v0 =	vld [tilespmem:s29+$0x2D00];
	_ =	sdelay $0x2  }
0x27c: {  	v1 =	vmul.f32 $8.000000000e+00, v8;
	_ =	sdelay $0x1  }
0x27d: {  	v0 =	vadd.f32 v0, v1  }
0x27e: {  	v9 =	vld [tilespmem:$0xD10]  }
0x27f: {  	[tilespmem:$0x1D00] =	vst v0  }
0x280: {  	v0 =	vld [tilespmem:s29+$0x2D10];
	_ =	sdelay $0x2  }
0x281: {  	v1 =	vmul.f32 $8.000000000e+00, v9;
	_ =	sdelay $0x1  }
0x282: {  	v0 =	vadd.f32 v0, v1  }
0x283: {  	v10 =	vld [tilespmem:$0xD20]  }
0x284: {  	[tilespmem:$0x1D10] =	vst v0  }
0x285: {  	v0 =	vld [tilespmem:s29+$0x2D20];
	_ =	sdelay $0x2  }
0x286: {  	v1 =	vmul.f32 $8.000000000e+00, v10;
	_ =	sdelay $0x1  }
0x287: {  	v0 =	vadd.f32 v0, v1  }
0x288: {  	v11 =	vld [tilespmem:$0xD30]  }
0x289: {  	[tilespmem:$0x1D20] =	vst v0  }
0x28a: {  	v0 =	vld [tilespmem:s29+$0x2D30];
	_ =	sdelay $0x2  }
0x28b: {  	v1 =	vmul.f32 $8.000000000e+00, v11;
	_ =	sdelay $0x1  }
0x28c: {  	v0 =	vadd.f32 v0, v1  }
0x28d: {  	v12 =	vld [tilespmem:$0xD80]  }
0x28e: {  	[tilespmem:$0x1D30] =	vst v0  }
0x28f: {  	v0 =	vld [tilespmem:s29+$0x2D80];
	_ =	sdelay $0x2  }
0x290: {  	v1 =	vmul.f32 $8.000000000e+00, v12;
	_ =	sdelay $0x1  }
0x291: {  	v0 =	vadd.f32 v0, v1  }
0x292: {  	v13 =	vld [tilespmem:$0xD90]  }
0x293: {  	[tilespmem:$0x1D80] =	vst v0  }
0x294: {  	v0 =	vld [tilespmem:s29+$0x2D90];
	_ =	sdelay $0x2  }
0x295: {  	v1 =	vmul.f32 $8.000000000e+00, v13;
	_ =	sdelay $0x1  }
0x296: {  	v0 =	vadd.f32 v0, v1  }
0x297: {  	v14 =	vld [tilespmem:$0xDA0]  }
0x298: {  	[tilespmem:$0x1D90] =	vst v0  }
0x299: {  	v0 =	vld [tilespmem:s29+$0x2DA0];
	_ =	sdelay $0x2  }
0x29a: {  	v1 =	vmul.f32 $8.000000000e+00, v14;
	_ =	sdelay $0x1  }
0x29b: {  	v0 =	vadd.f32 v0, v1  }
0x29c: {  	v15 =	vld [tilespmem:$0xDB0]  }
0x29d: {  	[tilespmem:$0x1DA0] =	vst v0  }
0x29e: {  	v0 =	vld [tilespmem:s29+$0x2DB0];
	_ =	sdelay $0x2  }
0x29f: {  	v1 =	vmul.f32 $8.000000000e+00, v15;
	_ =	sdelay $0x1  }
0x2a0: {  	v0 =	vadd.f32 v0, v1  }
0x2a1: {  	v16 =	vld [tilespmem:$0xE00]  }
0x2a2: {  	[tilespmem:$0x1DB0] =	vst v0  }
0x2a3: {  	v0 =	vld [tilespmem:s29+$0x2E00];
	_ =	sdelay $0x2  }
0x2a4: {  	v1 =	vmul.f32 $8.000000000e+00, v16;
	_ =	sdelay $0x1  }
0x2a5: {  	v0 =	vadd.f32 v0, v1  }
0x2a6: {  	v17 =	vld [tilespmem:$0xE10]  }
0x2a7: {  	[tilespmem:$0x1E00] =	vst v0  }
0x2a8: {  	v0 =	vld [tilespmem:s29+$0x2E10];
	_ =	sdelay $0x2  }
0x2a9: {  	v1 =	vmul.f32 $8.000000000e+00, v17;
	_ =	sdelay $0x1  }
0x2aa: {  	v0 =	vadd.f32 v0, v1  }
0x2ab: {  	v18 =	vld [tilespmem:$0xE20]  }
0x2ac: {  	[tilespmem:$0x1E10] =	vst v0  }
0x2ad: {  	v0 =	vld [tilespmem:s29+$0x2E20];
	_ =	sdelay $0x2  }
0x2ae: {  	v1 =	vmul.f32 $8.000000000e+00, v18;
	_ =	sdelay $0x1  }
0x2af: {  	v0 =	vadd.f32 v0, v1  }
0x2b0: {  	v19 =	vld [tilespmem:$0xE30]  }
0x2b1: {  	[tilespmem:$0x1E20] =	vst v0  }
0x2b2: {  	v0 =	vld [tilespmem:s29+$0x2E30];
	_ =	sdelay $0x2  }
0x2b3: {  	v1 =	vmul.f32 $8.000000000e+00, v19;
	_ =	sdelay $0x1  }
0x2b4: {  	v0 =	vadd.f32 v0, v1  }
0x2b5: {  	v20 =	vld [tilespmem:$0xE80]  }
0x2b6: {  	[tilespmem:$0x1E30] =	vst v0  }
0x2b7: {  	v0 =	vld [tilespmem:s29+$0x2E80];
	_ =	sdelay $0x2  }
0x2b8: {  	v1 =	vmul.f32 $8.000000000e+00, v20;
	_ =	sdelay $0x1  }
0x2b9: {  	v0 =	vadd.f32 v0, v1  }
0x2ba: {  	v21 =	vld [tilespmem:$0xE90]  }
0x2bb: {  	[tilespmem:$0x1E80] =	vst v0  }
0x2bc: {  	v0 =	vld [tilespmem:s29+$0x2E90];
	_ =	sdelay $0x2  }
0x2bd: {  	v1 =	vmul.f32 $8.000000000e+00, v21;
	_ =	sdelay $0x1  }
0x2be: {  	v0 =	vadd.f32 v0, v1  }
0x2bf: {  	v22 =	vld [tilespmem:$0xEA0]  }
0x2c0: {  	[tilespmem:$0x1E90] =	vst v0  }
0x2c1: {  	v0 =	vld [tilespmem:s29+$0x2EA0];
	_ =	sdelay $0x2  }
0x2c2: {  	v1 =	vmul.f32 $8.000000000e+00, v22;
	_ =	sdelay $0x1  }
0x2c3: {  	v0 =	vadd.f32 v0, v1  }
0x2c4: {  	v23 =	vld [tilespmem:$0xEB0]  }
0x2c5: {  	[tilespmem:$0x1EA0] =	vst v0  }
0x2c6: {  	v0 =	vld [tilespmem:s29+$0x2EB0];
	_ =	sdelay $0x2  }
0x2c7: {  	v1 =	vmul.f32 $8.000000000e+00, v23;
	_ =	sdelay $0x1  }
0x2c8: {  	v0 =	vadd.f32 v0, v1  }
0x2c9: {  	v24 =	vld [tilespmem:$0xF00]  }
0x2ca: {  	[tilespmem:$0x1EB0] =	vst v0  }
0x2cb: {  	v0 =	vld [tilespmem:s29+$0x2F00];
	_ =	sdelay $0x2  }
0x2cc: {  	v1 =	vmul.f32 $8.000000000e+00, v24;
	_ =	sdelay $0x1  }
0x2cd: {  	v0 =	vadd.f32 v0, v1  }
0x2ce: {  	v25 =	vld [tilespmem:$0xF10]  }
0x2cf: {  	[tilespmem:$0x1F00] =	vst v0  }
0x2d0: {  	v0 =	vld [tilespmem:s29+$0x2F10];
	_ =	sdelay $0x2  }
0x2d1: {  	v1 =	vmul.f32 $8.000000000e+00, v25;
	_ =	sdelay $0x1  }
0x2d2: {  	v0 =	vadd.f32 v0, v1  }
0x2d3: {  	v26 =	vld [tilespmem:$0xF20]  }
0x2d4: {  	[tilespmem:$0x1F10] =	vst v0  }
0x2d5: {  	v0 =	vld [tilespmem:s29+$0x2F20];
	_ =	sdelay $0x2  }
0x2d6: {  	v1 =	vmul.f32 $8.000000000e+00, v26;
	_ =	sdelay $0x1  }
0x2d7: {  	v0 =	vadd.f32 v0, v1  }
0x2d8: {  	v27 =	vld [tilespmem:$0xF30]  }
0x2d9: {  	[tilespmem:$0x1F20] =	vst v0  }
0x2da: {  	v0 =	vld [tilespmem:s29+$0x2F30];
	_ =	sdelay $0x2  }
0x2db: {  	v1 =	vmul.f32 $8.000000000e+00, v27;
	_ =	sdelay $0x1  }
0x2dc: {  	v0 =	vadd.f32 v0, v1  }
0x2dd: {  	v28 =	vld [tilespmem:$0xF80]  }
0x2de: {  	[tilespmem:$0x1F30] =	vst v0  }
0x2df: {  	v0 =	vld [tilespmem:s29+$0x2F80];
	_ =	sdelay $0x2  }
0x2e0: {  	v1 =	vmul.f32 $8.000000000e+00, v28;
	_ =	sdelay $0x1  }
0x2e1: {  	v0 =	vadd.f32 v0, v1  }
0x2e2: {  	v29 =	vld [tilespmem:$0xF90]  }
0x2e3: {  	[tilespmem:$0x1F80] =	vst v0  }
0x2e4: {  	v0 =	vld [tilespmem:s29+$0x2F90];
	_ =	sdelay $0x2  }
0x2e5: {  	v1 =	vmul.f32 $8.000000000e+00, v29;
	_ =	sdelay $0x1  }
0x2e6: {  	v0 =	vadd.f32 v0, v1  }
0x2e7: {  	v30 =	vld [tilespmem:$0xFA0]  }
0x2e8: {  	[tilespmem:$0x1F90] =	vst v0  }
0x2e9: {  	v0 =	vld [tilespmem:s29+$0x2FA0];
	_ =	sdelay $0x2  }
0x2ea: {  	v1 =	vmul.f32 $8.000000000e+00, v30;
	_ =	sdelay $0x1  }
0x2eb: {  	v0 =	vadd.f32 v0, v1  }
0x2ec: {  	v31 =	vld [tilespmem:$0xFB0]  }
0x2ed: {  	[tilespmem:$0x1FA0] =	vst v0  }
0x2ee: {  	v0 =	vld [tilespmem:s29+$0x2FB0];
	_ =	sdelay $0x2  }
0x2ef: {  	v1 =	vmul.f32 $8.000000000e+00, v31;
	_ =	sdelay $0x1  }
0x2f0: {  	v0 =	vadd.f32 v0, v1  }
0x2f1: {  	v32 =	vld [tilespmem:$0x1000]  }
0x2f2: {  	[tilespmem:$0x1FB0] =	vst v0  }
0x2f3: {  	v0 =	vld [tilespmem:s29+$0x3000];
	_ =	sdelay $0x2  }
0x2f4: {  	v1 =	vmul.f32 $8.000000000e+00, v32;
	_ =	sdelay $0x1  }
0x2f5: {  	v0 =	vadd.f32 v0, v1  }
0x2f6: {  	v33 =	vld [tilespmem:$0x1010]  }
0x2f7: {  	[tilespmem:$0x2000] =	vst v0  }
0x2f8: {  	v0 =	vld [tilespmem:s29+$0x3010];
	_ =	sdelay $0x2  }
0x2f9: {  	v1 =	vmul.f32 $8.000000000e+00, v33;
	_ =	sdelay $0x1  }
0x2fa: {  	v0 =	vadd.f32 v0, v1  }
0x2fb: {  	v34 =	vld [tilespmem:$0x1020]  }
0x2fc: {  	[tilespmem:$0x2010] =	vst v0  }
0x2fd: {  	v0 =	vld [tilespmem:s29+$0x3020];
	_ =	sdelay $0x2  }
0x2fe: {  	v1 =	vmul.f32 $8.000000000e+00, v34;
	_ =	sdelay $0x1  }
0x2ff: {  	v0 =	vadd.f32 v0, v1  }
0x300: {  	v35 =	vld [tilespmem:$0x1030]  }
0x301: {  	[tilespmem:$0x2020] =	vst v0  }
0x302: {  	v0 =	vld [tilespmem:s29+$0x3030];
	_ =	sdelay $0x2  }
0x303: {  	v1 =	vmul.f32 $8.000000000e+00, v35;
	_ =	sdelay $0x1  }
0x304: {  	v0 =	vadd.f32 v0, v1  }
0x305: {  	v36 =	vld [tilespmem:$0x1080]  }
0x306: {  	[tilespmem:$0x2030] =	vst v0  }
0x307: {  	v0 =	vld [tilespmem:s29+$0x3080];
	_ =	sdelay $0x2  }
0x308: {  	v1 =	vmul.f32 $8.000000000e+00, v36;
	_ =	sdelay $0x1  }
0x309: {  	v0 =	vadd.f32 v0, v1  }
0x30a: {  	v37 =	vld [tilespmem:$0x1090]  }
0x30b: {  	[tilespmem:$0x2080] =	vst v0  }
0x30c: {  	v0 =	vld [tilespmem:s29+$0x3090];
	_ =	sdelay $0x2  }
0x30d: {  	v1 =	vmul.f32 $8.000000000e+00, v37;
	_ =	sdelay $0x1  }
0x30e: {  	v0 =	vadd.f32 v0, v1  }
0x30f: {  	v38 =	vld [tilespmem:$0x10A0]  }
0x310: {  	[tilespmem:$0x2090] =	vst v0  }
0x311: {  	v0 =	vld [tilespmem:s29+$0x30A0];
	_ =	sdelay $0x2  }
0x312: {  	v1 =	vmul.f32 $8.000000000e+00, v38;
	_ =	sdelay $0x1  }
0x313: {  	v0 =	vadd.f32 v0, v1  }
0x314: {  	v39 =	vld [tilespmem:$0x10B0]  }
0x315: {  	[tilespmem:$0x20A0] =	vst v0  }
0x316: {  	v0 =	vld [tilespmem:s29+$0x30B0];
	_ =	sdelay $0x2  }
0x317: {  	v1 =	vmul.f32 $8.000000000e+00, v39;
	_ =	sdelay $0x1  }
0x318: {  	v0 =	vadd.f32 v0, v1  }
0x319: {  	v40 =	vld [tilespmem:$0x1100]  }
0x31a: {  	[tilespmem:$0x20B0] =	vst v0  }
0x31b: {  	v0 =	vld [tilespmem:s29+$0x3100];
	_ =	sdelay $0x2  }
0x31c: {  	v1 =	vmul.f32 $8.000000000e+00, v40;
	_ =	sdelay $0x1  }
0x31d: {  	v0 =	vadd.f32 v0, v1  }
0x31e: {  	v41 =	vld [tilespmem:$0x1110]  }
0x31f: {  	[tilespmem:$0x2100] =	vst v0  }
0x320: {  	v0 =	vld [tilespmem:s29+$0x3110];
	_ =	sdelay $0x2  }
0x321: {  	v1 =	vmul.f32 $8.000000000e+00, v41;
	_ =	sdelay $0x1  }
0x322: {  	v0 =	vadd.f32 v0, v1  }
0x323: {  	v42 =	vld [tilespmem:$0x1120]  }
0x324: {  	[tilespmem:$0x2110] =	vst v0  }
0x325: {  	v0 =	vld [tilespmem:s29+$0x3120];
	_ =	sdelay $0x2  }
0x326: {  	v1 =	vmul.f32 $8.000000000e+00, v42;
	_ =	sdelay $0x1  }
0x327: {  	v0 =	vadd.f32 v0, v1  }
0x328: {  	v43 =	vld [tilespmem:$0x1130]  }
0x329: {  	[tilespmem:$0x2120] =	vst v0  }
0x32a: {  	v0 =	vld [tilespmem:s29+$0x3130];
	_ =	sdelay $0x2  }
0x32b: {  	v1 =	vmul.f32 $8.000000000e+00, v43;
	_ =	sdelay $0x1  }
0x32c: {  	v0 =	vadd.f32 v0, v1  }
0x32d: {  	v44 =	vld [tilespmem:$0x1180]  }
0x32e: {  	[tilespmem:$0x2130] =	vst v0  }
0x32f: {  	v0 =	vld [tilespmem:s29+$0x3180];
	_ =	sdelay $0x2  }
0x330: {  	v1 =	vmul.f32 $8.000000000e+00, v44;
	_ =	sdelay $0x1  }
0x331: {  	v0 =	vadd.f32 v0, v1  }
0x332: {  	v45 =	vld [tilespmem:$0x1190]  }
0x333: {  	[tilespmem:$0x2180] =	vst v0  }
0x334: {  	v0 =	vld [tilespmem:s29+$0x3190];
	_ =	sdelay $0x2  }
0x335: {  	v1 =	vmul.f32 $8.000000000e+00, v45;
	_ =	sdelay $0x1  }
0x336: {  	v0 =	vadd.f32 v0, v1  }
0x337: {  	v46 =	vld [tilespmem:$0x11A0]  }
0x338: {  	[tilespmem:$0x2190] =	vst v0  }
0x339: {  	v0 =	vld [tilespmem:s29+$0x31A0];
	_ =	sdelay $0x2  }
0x33a: {  	v1 =	vmul.f32 $8.000000000e+00, v46;
	_ =	sdelay $0x1  }
0x33b: {  	v0 =	vadd.f32 v0, v1  }
0x33c: {  	v47 =	vld [tilespmem:$0x11B0]  }
0x33d: {  	[tilespmem:$0x21A0] =	vst v0  }
0x33e: {  	v0 =	vld [tilespmem:s29+$0x31B0];
	_ =	sdelay $0x2  }
0x33f: {  	v1 =	vmul.f32 $8.000000000e+00, v47;
	_ =	sdelay $0x1  }
0x340: {  	v0 =	vadd.f32 v0, v1  }
0x341: {  	v48 =	vld [tilespmem:$0x1200]  }
0x342: {  	[tilespmem:$0x21B0] =	vst v0  }
0x343: {  	v0 =	vld [tilespmem:s29+$0x3200];
	_ =	sdelay $0x2  }
0x344: {  	v1 =	vmul.f32 $8.000000000e+00, v48;
	_ =	sdelay $0x1  }
0x345: {  	v0 =	vadd.f32 v0, v1  }
0x346: {  	v49 =	vld [tilespmem:$0x1210]  }
0x347: {  	[tilespmem:$0x2200] =	vst v0  }
0x348: {  	v0 =	vld [tilespmem:s29+$0x3210];
	_ =	sdelay $0x2  }
0x349: {  	v1 =	vmul.f32 $8.000000000e+00, v49;
	_ =	sdelay $0x1  }
0x34a: {  	v0 =	vadd.f32 v0, v1  }
0x34b: {  	v50 =	vld [tilespmem:$0x1220]  }
0x34c: {  	[tilespmem:$0x2210] =	vst v0  }
0x34d: {  	v0 =	vld [tilespmem:s29+$0x3220];
	_ =	sdelay $0x2  }
0x34e: {  	v1 =	vmul.f32 $8.000000000e+00, v50;
	_ =	sdelay $0x1  }
0x34f: {  	v0 =	vadd.f32 v0, v1  }
0x350: {  	v51 =	vld [tilespmem:$0x1230]  }
0x351: {  	[tilespmem:$0x2220] =	vst v0  }
0x352: {  	v0 =	vld [tilespmem:s29+$0x3230];
	_ =	sdelay $0x2  }
0x353: {  	v1 =	vmul.f32 $8.000000000e+00, v51;
	_ =	sdelay $0x1  }
0x354: {  	v0 =	vadd.f32 v0, v1  }
0x355: {  	v52 =	vld [tilespmem:$0x1280]  }
0x356: {  	[tilespmem:$0x2230] =	vst v0  }
0x357: {  	v0 =	vld [tilespmem:s29+$0x3280];
	_ =	sdelay $0x2  }
0x358: {  	v1 =	vmul.f32 $8.000000000e+00, v52;
	_ =	sdelay $0x1  }
0x359: {  	v0 =	vadd.f32 v0, v1  }
0x35a: {  	v53 =	vld [tilespmem:$0x1290]  }
0x35b: {  	[tilespmem:$0x2280] =	vst v0  }
0x35c: {  	v0 =	vld [tilespmem:s29+$0x3290];
	_ =	sdelay $0x2  }
0x35d: {  	v1 =	vmul.f32 $8.000000000e+00, v53;
	_ =	sdelay $0x1  }
0x35e: {  	v0 =	vadd.f32 v0, v1  }
0x35f: {  	v54 =	vld [tilespmem:$0x12A0]  }
0x360: {  	[tilespmem:$0x2290] =	vst v0  }
0x361: {  	v0 =	vld [tilespmem:s29+$0x32A0];
	_ =	sdelay $0x2  }
0x362: {  	v1 =	vmul.f32 $8.000000000e+00, v54;
	_ =	sdelay $0x1  }
0x363: {  	v0 =	vadd.f32 v0, v1  }
0x364: {  	v55 =	vld [tilespmem:$0x12B0]  }
0x365: {  	[tilespmem:$0x22A0] =	vst v0  }
0x366: {  	v0 =	vld [tilespmem:s29+$0x32B0];
	_ =	sdelay $0x2  }
0x367: {  	v1 =	vmul.f32 $8.000000000e+00, v55;
	_ =	sdelay $0x1  }
0x368: {  	v0 =	vadd.f32 v0, v1  }
0x369: {  	v56 =	vld [tilespmem:$0x1300]  }
0x36a: {  	[tilespmem:$0x22B0] =	vst v0  }
0x36b: {  	v0 =	vld [tilespmem:s29+$0x3300];
	_ =	sdelay $0x2  }
0x36c: {  	v1 =	vmul.f32 $8.000000000e+00, v56;
	_ =	sdelay $0x1  }
0x36d: {  	v0 =	vadd.f32 v0, v1  }
0x36e: {  	v57 =	vld [tilespmem:$0x1310]  }
0x36f: {  	[tilespmem:$0x2300] =	vst v0  }
0x370: {  	v0 =	vld [tilespmem:s29+$0x3310];
	_ =	sdelay $0x2  }
0x371: {  	v1 =	vmul.f32 $8.000000000e+00, v57;
	_ =	sdelay $0x1  }
0x372: {  	v0 =	vadd.f32 v0, v1  }
0x373: {  	v58 =	vld [tilespmem:$0x1320]  }
0x374: {  	[tilespmem:$0x2310] =	vst v0  }
0x375: {  	v0 =	vld [tilespmem:s29+$0x3320];
	_ =	sdelay $0x2  }
0x376: {  	v1 =	vmul.f32 $8.000000000e+00, v58;
	_ =	sdelay $0x1  }
0x377: {  	v0 =	vadd.f32 v0, v1  }
0x378: {  	v59 =	vld [tilespmem:$0x1330]  }
0x379: {  	[tilespmem:$0x2320] =	vst v0  }
0x37a: {  	v0 =	vld [tilespmem:s29+$0x3330];
	_ =	sdelay $0x2  }
0x37b: {  	v1 =	vmul.f32 $8.000000000e+00, v59;
	_ =	sdelay $0x1  }
0x37c: {  	v0 =	vadd.f32 v0, v1  }
0x37d: {  	v60 =	vld [tilespmem:$0x1380]  }
0x37e: {  	[tilespmem:$0x2330] =	vst v0  }
0x37f: {  	v0 =	vld [tilespmem:s29+$0x3380];
	_ =	sdelay $0x2  }
0x380: {  	v1 =	vmul.f32 $8.000000000e+00, v60;
	_ =	sdelay $0x1  }
0x381: {  	v0 =	vadd.f32 v0, v1  }
0x382: {  	v61 =	vld [tilespmem:$0x1390]  }
0x383: {  	[tilespmem:$0x2380] =	vst v0  }
0x384: {  	v0 =	vld [tilespmem:s29+$0x3390];
	_ =	sdelay $0x2  }
0x385: {  	v1 =	vmul.f32 $8.000000000e+00, v61;
	_ =	sdelay $0x1  }
0x386: {  	v0 =	vadd.f32 v0, v1  }
0x387: {  	v62 =	vld [tilespmem:$0x13A0]  }
0x388: {  	[tilespmem:$0x2390] =	vst v0  }
0x389: {  	v0 =	vld [tilespmem:s29+$0x33A0];
	_ =	sdelay $0x2  }
0x38a: {  	v1 =	vmul.f32 $8.000000000e+00, v62;
	_ =	sdelay $0x1  }
0x38b: {  	v0 =	vadd.f32 v0, v1  }
0x38c: {  	v63 =	vld [tilespmem:$0x13B0]  }
0x38d: {  	[tilespmem:$0x23A0] =	vst v0  }
0x38e: {  	v0 =	vld [tilespmem:s29+$0x33B0];
	_ =	sdelay $0x2  }
0x38f: {  	v1 =	vmul.f32 $8.000000000e+00, v63  }
0x390: {  	s30 =	rddreg [dreg:$0x3]  }
0x391: {  	s31 =	sand.u32 $0x78000, s12;
	s18 =	sld [smem:$0x7FD];
	v0 =	vadd.f32 v0, v1  }
0x392: {  	p0 =	sne.s32 s14, $0x1F;
	s15 =	sshll.u32 s28, $0x9;
	s16 =	sadd.s32 s31, s30  }
.Ltmp0:
0x393: {  	s15 =	sadd.s32 s15, s16;
	[tilespmem:$0x23B0] =	vst v0;
	(pc) =	sbr.rel @p0 .LBB2_2-.Ltmp0, $4  }
0x394: {  	[hbm4b:s15+s2] =	stream.linear.scatter [tilespmem:s18], [sflag:$0x3], $0x1000, $0x38;
	[tilespmem:$0x4400] =	vst v63  }
0x395: {  	_ =	swait.ge [sflag:s10], $0x1000  }
0x396: {  	s13 =	sadd.s32 $0x20, s13;
	[sflag:s10] =	ssyncset.done $0x0  }
0x397: {  	s14 =	sadd.s32 $0x1, s14;
	s12 =	sadd.s32 $0x4000, s12;
	[sflag:s10] =	ssyncadd.s32 $0xFFFFF000  }
0x398: {  	s11 =	sadd.s32 $0x1, s11  }
0x399: {  	p0 =	sne.s32 s11, s6  }
.Ltmp1:
0x39a: {  	_ = 	snop;
	(pc) =	sbr.rel @p0 .LBB2_1-.Ltmp1, $1  }
0x39b: {  	_ =	sdelay $0x3  }
0x39c: {  	_ =	sfence.sel $0x180000  }
0x39d: {  	[bflag:$0x0] =	sbarrier.arrive $0xFFFF  }
0x39e: {  	p0 =	sne.s32 s0, $0x0;
	_ =	strace $0x90000047  }
0x39f: {  	s0 =	sadd.s32 @!p0 $0x100000, s1;
	[bflag:$0x2] =	sbarrier.arrive $0xFFFF  }
0x3a0: {  	[sflag:s0] =	ssyncadd.tile.s32 @!p0 $0x1;
	_ =	shalt  }
.Lfunc_end2:
_tile_overlayer_lowered:
.L_overlay_start_2:
0x3a1: {  	(tag) =	ssettag $0x2  }
0x3a2: {  	s0 =	rddreg [dreg:$0x0];
	s2 =	stileid.u32  }
0x3a3: {  	s1 =	rddreg [dreg:$0x1];
	p0 =	sne.s32 s2, $0x0  }
0x3a4: {  	s3 =	rddreg [dreg:$0x2];
	[bflag:$0x3] =	sbarrier.arrive $0xFFFF;
	s2 =	simm.s32 @!p0 $0x1C04  }
0x3a5: {  	[timem:s3], [sflag:s2] =	dma.local @!p0 [hbm:s0], s1  }
0x3a6: {  	s0 =	simm.s32 @!p0 $0x4  }
0x3a7: {  	_ =	swait.ge @!p0 [sflag:s0], s1  }
0x3a8: {  	s1 =	ssub.s32 @!p0 $0x0, s1;
	[sflag:s0] =	ssyncset.done @!p0 $0x0  }
0x3a9: {  	[sflag:s0] =	ssyncadd.s32 @!p0 s1  }
0x3aa: {  	[bflag:$0x3] =	sbarrier.arrive $0xFFFF  }
0x3ab: {  	_ =	shalt  }

</sc_bundles>
